<compile_context>
chip_gen: v7x
topology: tpu7x:2x2x1
jax: 0.10.2.dev20260603
libtpu: 0.0.44.dev20260713+nightly
codegen_flags: <defaults>
</compile_context>

<pallas_src>
import functools

import jax
import jax.numpy as jnp
from jax import lax
from jax.experimental import pallas as pl
from jax.experimental.pallas import tpu as pltpu
from jax.experimental.pallas import tpu_sc as plsc

IN_DIM = 1024
HID = 256
E = 16
T = 4096
BT = 256
NBLK = T // BT
NITEM = NBLK + E - 1
NW = 32
CHUNK = T // NW


def _router_body(x_ref, wrt_ref, br_ref, eid_ref, hist_ref, fine_ref):
    logits = jnp.dot(x_ref[...], wrt_ref[...],
                     preferred_element_type=jnp.float32) + br_ref[...]
    mx = jnp.max(logits, axis=1, keepdims=True)
    idx = lax.broadcasted_iota(jnp.int32, logits.shape, 1)
    am = jnp.min(jnp.where(logits >= mx, idx, E), axis=1, keepdims=True)
    eid_ref[...] = am
    onehot = (am == idx).astype(jnp.int32)
    for k in range(onehot.shape[0] // CHUNK):
        hist_ref[0, pl.ds(k, 1), :] = jnp.sum(
            onehot[k * CHUNK:(k + 1) * CHUNK, :], axis=0, keepdims=True)
    for k in range(onehot.shape[0] // E):
        fine_ref[0, pl.ds(k, 1), :] = jnp.sum(
            onehot[k * E:(k + 1) * E, :], axis=0, keepdims=True)


def _router(xf, WrT, br2):
    bt = 512
    return pl.pallas_call(
        _router_body,
        grid=(T // bt,),
        in_specs=[
            pl.BlockSpec((bt, IN_DIM), lambda i: (i, 0)),
            pl.BlockSpec((IN_DIM, E), lambda i: (0, 0)),
            pl.BlockSpec((1, E), lambda i: (0, 0)),
        ],
        out_specs=[
            pl.BlockSpec((bt, 1), lambda i: (i, 0)),
            pl.BlockSpec((1, bt // CHUNK, E), lambda i: (i, 0, 0)),
            pl.BlockSpec((1, bt // E, E), lambda i: (i, 0, 0)),
        ],
        out_shape=[
            jax.ShapeDtypeStruct((T, 1), jnp.int32),
            jax.ShapeDtypeStruct((T // bt, bt // CHUNK, E), jnp.int32),
            jax.ShapeDtypeStruct((T // bt, bt // E, E), jnp.int32),
        ],
    )(xf, WrT, br2)


def _cumsum16(v, iota):
    c = v
    for s in (1, 2, 4, 8):
        sh = c.at[jnp.maximum(iota - s, 0)].get(mode="promise_in_bounds")
        c = c + jnp.where(iota >= s, sh, 0)
    return c


def _bcast_lane(vec, lane, anchor):
    return vec.at[anchor + lane].get(mode="promise_in_bounds")


@functools.cache
def _make_dispatch():
    info = plsc.get_sparse_core_info()
    nc = info.num_cores
    mesh = plsc.VectorSubcoreMesh(core_axis_name="c", subcore_axis_name="s")
    i32 = jnp.int32

    @functools.partial(
        pl.kernel,
        out_type=(
            jax.ShapeDtypeStruct((T,), i32),
            jax.ShapeDtypeStruct((2, E), i32),
        ),
        mesh=mesh,
        scratch_types=[
            pltpu.VMEM((CHUNK,), i32),
            pltpu.VMEM((NW, E), i32),
            pltpu.VMEM((CHUNK,), i32),
            pltpu.VMEM((CHUNK,), i32),
            pltpu.VMEM((2, E), i32),
            pltpu.SemaphoreType.DMA,
        ],
    )
    def dispatch(eid_hbm, hist_hbm, fine_hbm, pos_hbm,
                 ce_hbm, eid_v, hist_v, fine_v, pos_v, ce_v, sem):
        wid = lax.axis_index("s") * nc + lax.axis_index("c")
        base = wid * CHUNK
        pltpu.sync_copy(eid_hbm.at[pl.ds(base, CHUNK)], eid_v)
        pltpu.sync_copy(hist_hbm, hist_v)
        pltpu.sync_copy(fine_hbm.at[pl.ds(base, CHUNK)], fine_v)
        iota = lax.iota(i32, E)
        zeros = jnp.zeros((E,), i32)
        anchor = hist_v[0, :] ^ hist_v[0, :]
        widv = anchor + wid

        counts = jnp.zeros((E,), i32)
        before = jnp.zeros((E,), i32)
        for w in range(NW):
            row = hist_v[w, :]
            counts = counts + row
            before = before + jnp.where((anchor + w) < widv, row, zeros)
        excl = _cumsum16(counts, iota) - counts
        offset = excl + before

        shifts = [(jnp.maximum(iota - s, 0), (anchor + iota) >= s)
                  for s in range(1, E)]
        for v in range(CHUNK // E):
            ids = eid_v[pl.ds(E * v, E)]
            rank = jnp.zeros((E,), i32)
            for idx_s, mask_s in shifts:
                sh = ids.at[idx_s].get(mode="promise_in_bounds")
                rank = rank + jnp.where((sh == ids) & mask_s,
                                        anchor + 1, anchor)
            p = offset.at[ids].get(mode="promise_in_bounds") + rank
            pos_v[pl.ds(E * v, E)] = p
            offset = offset + fine_v[pl.ds(E * v, E)]

        pltpu.sync_copy(pos_v, pos_hbm.at[pl.ds(base, CHUNK)])

        @pl.when(wid == 0)
        def _():
            ce_v[0, :] = counts
            ce_v[1, :] = excl
            pltpu.sync_copy(ce_v, ce_hbm)

    return dispatch


@functools.cache
def _make_row_gather():
    info = plsc.get_sparse_core_info()
    nc = info.num_cores
    chunk = 64
    mesh = plsc.VectorSubcoreMesh(core_axis_name="c", subcore_axis_name="s")

    @functools.partial(
        pl.kernel,
        out_type=jax.ShapeDtypeStruct((T, IN_DIM), jnp.float32),
        mesh=mesh,
        scratch_types=[
            pltpu.VMEM((CHUNK,), jnp.int32),
            pltpu.VMEM((chunk, IN_DIM), jnp.float32),
            pltpu.SemaphoreType.DMA,
        ],
    )
    def gather_rows(src_hbm, idx_hbm, out_hbm, idx_v, rows_v, sem):
        wid = lax.axis_index("s") * nc + lax.axis_index("c")
        base = wid * CHUNK
        pltpu.sync_copy(idx_hbm.at[pl.ds(base, CHUNK)], idx_v)
        for k in range(CHUNK // chunk):
            pltpu.async_copy(
                src_hbm.at[idx_v.at[pl.ds(k * chunk, chunk)]], rows_v, sem
            ).wait()
            pltpu.sync_copy(rows_v, out_hbm.at[pl.ds(base + k * chunk, chunk)])

    return gather_rows


def _gather_rows(src, idx):
    return _make_row_gather()(src, idx)


@functools.cache
def _make_row_scatter():
    info = plsc.get_sparse_core_info()
    nc = info.num_cores
    chunk = 64
    mesh = plsc.VectorSubcoreMesh(core_axis_name="c", subcore_axis_name="s")

    @functools.partial(
        pl.kernel,
        out_type=jax.ShapeDtypeStruct((T, IN_DIM), jnp.float32),
        mesh=mesh,
        scratch_types=[
            pltpu.VMEM((CHUNK // chunk, chunk), jnp.int32),
            pltpu.VMEM((chunk, IN_DIM), jnp.float32),
            pltpu.SemaphoreType.DMA,
        ],
    )
    def scatter_rows(src_hbm, idx_hbm, out_hbm, idx_v, rows_v, sem):
        wid = lax.axis_index("s") * nc + lax.axis_index("c")
        base = wid * CHUNK
        for k in range(CHUNK // chunk):
            pltpu.sync_copy(idx_hbm.at[pl.ds(base + k * chunk, chunk)],
                            idx_v.at[k])
            pltpu.sync_copy(src_hbm.at[pl.ds(base + k * chunk, chunk)], rows_v)
            pltpu.async_copy(rows_v, out_hbm.at[idx_v.at[k]], sem).wait()

    return scatter_rows


def _scatter_rows(src, idx):
    return _make_row_scatter()(src, idx)


def _mlp_body(sched_ref, x_ref, w1_ref, b1_ref, w2_ref, b2_ref,
              out_ref):
    i = pl.program_id(0)
    b = sched_ref[0, i]
    e = sched_ref[1, i]
    valid = sched_ref[2, i]
    first = sched_ref[3, i]
    lo = sched_ref[4, i]
    hi = sched_ref[5, i]

    xb = x_ref[...].astype(jnp.bfloat16)
    h = jnp.dot(xb, w1_ref[0].astype(jnp.bfloat16),
                preferred_element_type=jnp.float32)
    h = h + b1_ref[pl.ds(e, 1), :]
    h = 0.5 * h * (1.0 + lax.erf(h * 0.7071067811865476))
    o = jnp.dot(h.astype(jnp.bfloat16), w2_ref[0].astype(jnp.bfloat16),
                preferred_element_type=jnp.float32)
    o = o + b2_ref[pl.ds(e, 1), :]
    grow = lax.broadcasted_iota(jnp.int32, (BT, 1), 0) + b * BT
    mask = (grow >= lo) & (grow < hi) & (valid != 0)
    contrib = jnp.where(mask, o, 0.0)

    @pl.when(first != 0)
    def _():
        out_ref[...] = x_ref[...] + contrib

    @pl.when(first == 0)
    def _():
        out_ref[...] = out_ref[...] + contrib


def _grouped_mlp(sched, x_sorted, W1, b1, W2, b2):
    grid_spec = pltpu.PrefetchScalarGridSpec(
        num_scalar_prefetch=1,
        grid=(NITEM,),
        in_specs=[
            pl.BlockSpec((BT, IN_DIM), lambda i, s: (s[0, i], 0)),
            pl.BlockSpec((1, IN_DIM, HID), lambda i, s: (s[1, i], 0, 0)),
            pl.BlockSpec((E, HID), lambda i, s: (0, 0)),
            pl.BlockSpec((1, HID, IN_DIM), lambda i, s: (s[1, i], 0, 0)),
            pl.BlockSpec((E, IN_DIM), lambda i, s: (0, 0)),
        ],
        out_specs=pl.BlockSpec((BT, IN_DIM), lambda i, s: (s[0, i], 0)),
    )
    return pl.pallas_call(
        _mlp_body,
        grid_spec=grid_spec,
        out_shape=jax.ShapeDtypeStruct((T, IN_DIM), jnp.float32),
    )(sched, x_sorted, W1, b1, W2, b2)


def kernel(x, Wr, br, W1, b1, W2, b2):
    token_shape = x.shape[:-1]
    xf = x.reshape(T, IN_DIM)

    eid2, hist3, fine3 = _router(xf, Wr.T, br.reshape(1, E))
    pos, ce = _make_dispatch()(
        eid2.reshape(T), hist3.reshape(NW, E), fine3.reshape(T))

    counts, starts = ce[0], ce[1]
    ends = starts + counts
    blo = jnp.arange(NBLK, dtype=jnp.int32)[:, None] * BT
    ov = ((starts[None, :] < blo + BT) & (ends[None, :] > blo)
          & (counts[None, :] > 0))
    (flat_idx,) = jnp.nonzero(ov.reshape(-1), size=NITEM,
                              fill_value=NBLK * E - 1)
    nvalid = jnp.sum(ov)
    b_i = (flat_idx // E).astype(jnp.int32)
    e_i = (flat_idx % E).astype(jnp.int32)
    valid = (jnp.arange(NITEM) < nvalid).astype(jnp.int32)
    is_first = jnp.concatenate(
        [jnp.ones((1,), jnp.int32),
         (b_i[1:] != b_i[:-1]).astype(jnp.int32)])
    lo_i = starts[e_i]
    hi_i = ends[e_i]
    sched = jnp.stack([b_i, e_i, valid, is_first, lo_i, hi_i])

    x_sorted = _scatter_rows(xf, pos)
    y_sorted = _grouped_mlp(sched, x_sorted, W1, b1, W2, b2)
    y = _gather_rows(y_sorted, pos)

    return y.reshape(*token_shape, IN_DIM)

# --- scband reference (transcript-rebuilt; emitter-appended) ---
"""Pipeline reference for scband-mo-e-74852690035269 (READ-ONLY COPY).

The authoritative reference and input builder live on the scoring server;
editing this copy changes nothing except your own understanding.
"""

import jax, jax.numpy as jnp
import numpy as np

IN_DIM = 1024
HID = 256
E = 16
TOPK = 1
TEMP = 1.0


def setup_inputs(seed: int = 0) -> dict:
    key = jax.random.key(seed)
    ks = jax.random.split(key, 8)
    x = jax.random.normal(ks[0], (2, 2048, IN_DIM), dtype=jnp.float32)
    s_in = 1.0 / np.sqrt(IN_DIM)
    s_hid = 1.0 / np.sqrt(HID)
    Wr = jax.random.uniform(ks[1], (E, IN_DIM), jnp.float32, -s_in, s_in)
    br = jax.random.uniform(ks[2], (E,), jnp.float32, -s_in, s_in)
    W1 = jax.random.uniform(ks[3], (E, IN_DIM, HID), jnp.float32, -s_in, s_in)
    b1 = jax.random.uniform(ks[4], (E, HID), jnp.float32, -s_in, s_in)
    W2 = jax.random.uniform(ks[5], (E, HID, IN_DIM), jnp.float32, -s_hid, s_hid)
    b2 = jax.random.uniform(ks[6], (E, IN_DIM), jnp.float32, -s_hid, s_hid)
    return {"x": x, "Wr": Wr, "br": br, "W1": W1, "b1": b1, "W2": W2, "b2": b2}


def reference(x, Wr, br, W1, b1, W2, b2):
    token_shape = x.shape[:-1]
    xf = x.reshape(-1, x.shape[-1])
    router_logits = (xf @ Wr.T + br) / TEMP
    router_probs = jax.nn.softmax(router_logits, axis=-1)
    topk_weight, topk_idx = jax.lax.top_k(router_probs, TOPK)
    topk_weight = topk_weight / jnp.maximum(topk_weight.sum(axis=-1, keepdims=True), 1e-9)
    # combine[t, e] = sum_k onehot(topk_idx[t,k]) * topk_weight[t,k]
    combine = jnp.sum(jax.nn.one_hot(topk_idx, E, dtype=xf.dtype) * topk_weight[..., None], axis=1)
    # dense-dispatch evaluation: mathematically identical to the masked index_add
    # (unselected experts get exactly zero combine weight)
    h = jax.nn.gelu(jnp.einsum('td,edh->teh', xf, W1) + b1[None, :, :], approximate=False)
    ye = jnp.einsum('teh,eho->teo', h, W2) + b2[None, :, :]
    y = jnp.einsum('te,teo->to', combine, ye)
    y = xf + y  # residual (in_dim == out_dim)
    return y.reshape(*token_shape, IN_DIM)

if __name__ == "__main__":
    import jax
    _d = setup_inputs()
    print(jax.jit(kernel)(*tuple(_d.values())))

</pallas_src>

<mosaic_0001>
#map = affine_map<(d0, d1) -> (0)>
#map1 = affine_map<(d0, d1) -> (0, 0)>
module attributes {stable_mosaic.version = 14 : i64} {
  func.func @dispatch(%arg0: i32, %arg1: i32, %arg2: memref<4096xi32, #tpu.memory_space<hbm>>, %arg3: memref<32x16xi32, #tpu.memory_space<hbm>>, %arg4: memref<4096xi32, #tpu.memory_space<hbm>>, %arg5: memref<4096xi32, #tpu.memory_space<hbm>>, %arg6: memref<2x16xi32, #tpu.memory_space<hbm>>, %arg7: memref<128xi32, #tpu.memory_space<vmem>>, %arg8: memref<32x16xi32, #tpu.memory_space<vmem>>, %arg9: memref<128xi32, #tpu.memory_space<vmem>>, %arg10: memref<128xi32, #tpu.memory_space<vmem>>, %arg11: memref<2x16xi32, #tpu.memory_space<vmem>>, %arg12: memref<!tpu.dma_semaphore, #tpu.memory_space<semaphore_mem>>) attributes {dimension_semantics = [#tpu.dimension_semantics<core_parallel>, #tpu.dimension_semantics<subcore_parallel>], iteration_bounds = array<i64: 2, 16>, scalar_prefetch = 0 : i64, scratch_operands = 6 : i64, tpu.core_type = #tpu.core_type<sc_vector_subcore>, window_params = [{transform_indices = #map}, {transform_indices = #map1}, {transform_indices = #map}, {transform_indices = #map}, {transform_indices = #map1}]} {
    %mul3A = arith.constant 2 : i32
    %mul3A_0 = arith.muli %arg1, %mul3A : i32
    %add3A = arith.addi %mul3A_0, %arg0 : i32
    %mul3A_1 = arith.constant 128 : i32
    %mul3A_2 = arith.muli %add3A, %mul3A_1 : i32
    "tpu.region"() ({
      %run_scoped3A = tpu.sem_alloc : memref<!tpu.dma_semaphore, #tpu.memory_space<semaphore_mem>>
      %dma_start3A = tpu.memref_slice %arg2[%mul3A_2] : memref<4096xi32, #tpu.memory_space<hbm>> -> memref<128xi32, #tpu.memory_space<hbm>>
      %dma_start3A_2872 = tpu.memref_slice %arg2[%mul3A_2] : memref<4096xi32, #tpu.memory_space<hbm>> -> memref<128xi32, #tpu.memory_space<hbm>>
      tpu.enqueue_dma source(%dma_start3A_2872 : memref<128xi32, #tpu.memory_space<hbm>>) target(%arg7 : memref<128xi32, #tpu.memory_space<vmem>>) target_semaphore(%run_scoped3A : memref<!tpu.dma_semaphore, #tpu.memory_space<semaphore_mem>>)
      %dma_wait3A = tpu.memref_slice %arg2[%mul3A_2] : memref<4096xi32, #tpu.memory_space<hbm>> -> memref<128xi32, #tpu.memory_space<hbm>>
      %dma_wait3A_2873 = tpu.memref_slice %arg2[%mul3A_2] : memref<4096xi32, #tpu.memory_space<hbm>> -> memref<128xi32, #tpu.memory_space<hbm>>
      tpu.wait_dma2 semaphore(%run_scoped3A : memref<!tpu.dma_semaphore, #tpu.memory_space<semaphore_mem>>) src(%dma_wait3A_2873 : memref<128xi32, #tpu.memory_space<hbm>>) dst(%arg7 : memref<128xi32, #tpu.memory_space<vmem>>)
      tpu.yield
    }) : () -> ()
    "tpu.region"() ({
      %run_scoped3A = tpu.sem_alloc : memref<!tpu.dma_semaphore, #tpu.memory_space<semaphore_mem>>
      tpu.enqueue_dma source(%arg3 : memref<32x16xi32, #tpu.memory_space<hbm>>) target(%arg8 : memref<32x16xi32, #tpu.memory_space<vmem>>) target_semaphore(%run_scoped3A : memref<!tpu.dma_semaphore, #tpu.memory_space<semaphore_mem>>)
      tpu.wait_dma2 semaphore(%run_scoped3A : memref<!tpu.dma_semaphore, #tpu.memory_space<semaphore_mem>>) src(%arg3 : memref<32x16xi32, #tpu.memory_space<hbm>>) dst(%arg8 : memref<32x16xi32, #tpu.memory_space<vmem>>)
      tpu.yield
    }) : () -> ()
    "tpu.region"() ({
      %run_scoped3A = tpu.sem_alloc : memref<!tpu.dma_semaphore, #tpu.memory_space<semaphore_mem>>
      %dma_start3A = tpu.memref_slice %arg4[%mul3A_2] : memref<4096xi32, #tpu.memory_space<hbm>> -> memref<128xi32, #tpu.memory_space<hbm>>
      %dma_start3A_2872 = tpu.memref_slice %arg4[%mul3A_2] : memref<4096xi32, #tpu.memory_space<hbm>> -> memref<128xi32, #tpu.memory_space<hbm>>
      tpu.enqueue_dma source(%dma_start3A_2872 : memref<128xi32, #tpu.memory_space<hbm>>) target(%arg9 : memref<128xi32, #tpu.memory_space<vmem>>) target_semaphore(%run_scoped3A : memref<!tpu.dma_semaphore, #tpu.memory_space<semaphore_mem>>)
      %dma_wait3A = tpu.memref_slice %arg4[%mul3A_2] : memref<4096xi32, #tpu.memory_space<hbm>> -> memref<128xi32, #tpu.memory_space<hbm>>
      %dma_wait3A_2873 = tpu.memref_slice %arg4[%mul3A_2] : memref<4096xi32, #tpu.memory_space<hbm>> -> memref<128xi32, #tpu.memory_space<hbm>>
      tpu.wait_dma2 semaphore(%run_scoped3A : memref<!tpu.dma_semaphore, #tpu.memory_space<semaphore_mem>>) src(%dma_wait3A_2873 : memref<128xi32, #tpu.memory_space<hbm>>) dst(%arg9 : memref<128xi32, #tpu.memory_space<vmem>>)
      tpu.yield
    }) : () -> ()
    %iota3A = tpu.iota {dimensions = array<i32: 0>} : vector<16xi32>
    %broadcast_in_dim3A = arith.constant 0 : i32
    %broadcast_in_dim3A_3 = vector.broadcast %broadcast_in_dim3A : i32 to vector<16xi32>
    %get3A = arith.constant 0 : i32
    %get3A_4 = arith.index_cast %get3A : i32 to index
    %get3A_5 = arith.constant 0 : index
    %get3A_6 = tpu.vector_load %arg8[%get3A_4, %get3A_5] {strides = array<i32>} : memref<32x16xi32, #tpu.memory_space<vmem>>, vector<1x16xi32>,
    %get3A_7 = vector.shape_cast %get3A_6 : vector<1x16xi32> to vector<16xi32>
    %get3A_8 = arith.constant 0 : i32
    %get3A_9 = arith.index_cast %get3A_8 : i32 to index
    %get3A_10 = arith.constant 0 : index
    %get3A_11 = tpu.vector_load %arg8[%get3A_9, %get3A_10] {strides = array<i32>} : memref<32x16xi32, #tpu.memory_space<vmem>>, vector<1x16xi32>,
    %get3A_12 = vector.shape_cast %get3A_11 : vector<1x16xi32> to vector<16xi32>
    %xor3A = arith.xori %get3A_7, %get3A_12 : vector<16xi32>
    %add3A_13 = vector.broadcast %add3A : i32 to vector<16xi32>
    %add3A_14 = arith.addi %xor3A, %add3A_13 : vector<16xi32>
    %broadcast_in_dim3A_15 = arith.constant 0 : i32
    %broadcast_in_dim3A_16 = vector.broadcast %broadcast_in_dim3A_15 : i32 to vector<16xi32>
    %broadcast_in_dim3A_17 = arith.constant 0 : i32
    %broadcast_in_dim3A_18 = vector.broadcast %broadcast_in_dim3A_17 : i32 to vector<16xi32>
    %get3A_19 = arith.constant 0 : i32
    %get3A_20 = arith.index_cast %get3A_19 : i32 to index
    %get3A_21 = arith.constant 0 : index
    %get3A_22 = tpu.vector_load %arg8[%get3A_20, %get3A_21] {strides = array<i32>} : memref<32x16xi32, #tpu.memory_space<vmem>>, vector<1x16xi32>,
    %get3A_23 = vector.shape_cast %get3A_22 : vector<1x16xi32> to vector<16xi32>
    %add3A_24 = arith.addi %broadcast_in_dim3A_16, %get3A_23 : vector<16xi32>
    %add3A_25 = arith.constant 0 : i32
    %add3A_26 = vector.broadcast %add3A_25 : i32 to vector<16xi32>
    %add3A_27 = arith.addi %xor3A, %add3A_26 : vector<16xi32>
    %lt3A = arith.cmpi slt, %add3A_27, %add3A_14 : vector<16xi32>
    %select_n3A = arith.select %lt3A, %get3A_23, %broadcast_in_dim3A_3 : vector<16xi1>, vector<16xi32>
    %add3A_28 = arith.addi %broadcast_in_dim3A_18, %select_n3A : vector<16xi32>
    %get3A_29 = arith.constant 1 : i32
    %get3A_30 = arith.index_cast %get3A_29 : i32 to index
    %get3A_31 = arith.constant 0 : index
    %get3A_32 = tpu.vector_load %arg8[%get3A_30, %get3A_31] {strides = array<i32>} : memref<32x16xi32, #tpu.memory_space<vmem>>, vector<1x16xi32>,
    %get3A_33 = vector.shape_cast %get3A_32 : vector<1x16xi32> to vector<16xi32>
    %add3A_34 = arith.addi %add3A_24, %get3A_33 : vector<16xi32>
    %add3A_35 = arith.constant 1 : i32
    %add3A_36 = vector.broadcast %add3A_35 : i32 to vector<16xi32>
    %add3A_37 = arith.addi %xor3A, %add3A_36 : vector<16xi32>
    %lt3A_38 = arith.cmpi slt, %add3A_37, %add3A_14 : vector<16xi32>
    %select_n3A_39 = arith.select %lt3A_38, %get3A_33, %broadcast_in_dim3A_3 : vector<16xi1>, vector<16xi32>
    %add3A_40 = arith.addi %add3A_28, %select_n3A_39 : vector<16xi32>
    %get3A_41 = arith.constant 2 : i32
    %get3A_42 = arith.index_cast %get3A_41 : i32 to index
    %get3A_43 = arith.constant 0 : index
    %get3A_44 = tpu.vector_load %arg8[%get3A_42, %get3A_43] {strides = array<i32>} : memref<32x16xi32, #tpu.memory_space<vmem>>, vector<1x16xi32>,
    %get3A_45 = vector.shape_cast %get3A_44 : vector<1x16xi32> to vector<16xi32>
    %add3A_46 = arith.addi %add3A_34, %get3A_45 : vector<16xi32>
    %add3A_47 = arith.constant 2 : i32
    %add3A_48 = vector.broadcast %add3A_47 : i32 to vector<16xi32>
    %add3A_49 = arith.addi %xor3A, %add3A_48 : vector<16xi32>
    %lt3A_50 = arith.cmpi slt, %add3A_49, %add3A_14 : vector<16xi32>
    %select_n3A_51 = arith.select %lt3A_50, %get3A_45, %broadcast_in_dim3A_3 : vector<16xi1>, vector<16xi32>
    %add3A_52 = arith.addi %add3A_40, %select_n3A_51 : vector<16xi32>
    %get3A_53 = arith.constant 3 : i32
    %get3A_54 = arith.index_cast %get3A_53 : i32 to index
    %get3A_55 = arith.constant 0 : index
    %get3A_56 = tpu.vector_load %arg8[%get3A_54, %get3A_55] {strides = array<i32>} : memref<32x16xi32, #tpu.memory_space<vmem>>, vector<1x16xi32>,
    %get3A_57 = vector.shape_cast %get3A_56 : vector<1x16xi32> to vector<16xi32>
    %add3A_58 = arith.addi %add3A_46, %get3A_57 : vector<16xi32>
    %add3A_59 = arith.constant 3 : i32
    %add3A_60 = vector.broadcast %add3A_59 : i32 to vector<16xi32>
    %add3A_61 = arith.addi %xor3A, %add3A_60 : vector<16xi32>
    %lt3A_62 = arith.cmpi slt, %add3A_61, %add3A_14 : vector<16xi32>
    %select_n3A_63 = arith.select %lt3A_62, %get3A_57, %broadcast_in_dim3A_3 : vector<16xi1>, vector<16xi32>
    %add3A_64 = arith.addi %add3A_52, %select_n3A_63 : vector<16xi32>
    %get3A_65 = arith.constant 4 : i32
    %get3A_66 = arith.index_cast %get3A_65 : i32 to index
    %get3A_67 = arith.constant 0 : index
    %get3A_68 = tpu.vector_load %arg8[%get3A_66, %get3A_67] {strides = array<i32>} : memref<32x16xi32, #tpu.memory_space<vmem>>, vector<1x16xi32>,
    %get3A_69 = vector.shape_cast %get3A_68 : vector<1x16xi32> to vector<16xi32>
    %add3A_70 = arith.addi %add3A_58, %get3A_69 : vector<16xi32>
    %add3A_71 = arith.constant 4 : i32
    %add3A_72 = vector.broadcast %add3A_71 : i32 to vector<16xi32>
    %add3A_73 = arith.addi %xor3A, %add3A_72 : vector<16xi32>
    %lt3A_74 = arith.cmpi slt, %add3A_73, %add3A_14 : vector<16xi32>
    %select_n3A_75 = arith.select %lt3A_74, %get3A_69, %broadcast_in_dim3A_3 : vector<16xi1>, vector<16xi32>
    %add3A_76 = arith.addi %add3A_64, %select_n3A_75 : vector<16xi32>
    %get3A_77 = arith.constant 5 : i32
    %get3A_78 = arith.index_cast %get3A_77 : i32 to index
    %get3A_79 = arith.constant 0 : index
    %get3A_80 = tpu.vector_load %arg8[%get3A_78, %get3A_79] {strides = array<i32>} : memref<32x16xi32, #tpu.memory_space<vmem>>, vector<1x16xi32>,
    %get3A_81 = vector.shape_cast %get3A_80 : vector<1x16xi32> to vector<16xi32>
    %add3A_82 = arith.addi %add3A_70, %get3A_81 : vector<16xi32>
    %add3A_83 = arith.constant 5 : i32
    %add3A_84 = vector.broadcast %add3A_83 : i32 to vector<16xi32>
    %add3A_85 = arith.addi %xor3A, %add3A_84 : vector<16xi32>
    %lt3A_86 = arith.cmpi slt, %add3A_85, %add3A_14 : vector<16xi32>
    %select_n3A_87 = arith.select %lt3A_86, %get3A_81, %broadcast_in_dim3A_3 : vector<16xi1>, vector<16xi32>
    %add3A_88 = arith.addi %add3A_76, %select_n3A_87 : vector<16xi32>
    %get3A_89 = arith.constant 6 : i32
    %get3A_90 = arith.index_cast %get3A_89 : i32 to index
    %get3A_91 = arith.constant 0 : index
    %get3A_92 = tpu.vector_load %arg8[%get3A_90, %get3A_91] {strides = array<i32>} : memref<32x16xi32, #tpu.memory_space<vmem>>, vector<1x16xi32>,
    %get3A_93 = vector.shape_cast %get3A_92 : vector<1x16xi32> to vector<16xi32>
    %add3A_94 = arith.addi %add3A_82, %get3A_93 : vector<16xi32>
    %add3A_95 = arith.constant 6 : i32
    %add3A_96 = vector.broadcast %add3A_95 : i32 to vector<16xi32>
    %add3A_97 = arith.addi %xor3A, %add3A_96 : vector<16xi32>
    %lt3A_98 = arith.cmpi slt, %add3A_97, %add3A_14 : vector<16xi32>
    %select_n3A_99 = arith.select %lt3A_98, %get3A_93, %broadcast_in_dim3A_3 : vector<16xi1>, vector<16xi32>
    %add3A_100 = arith.addi %add3A_88, %select_n3A_99 : vector<16xi32>
    %get3A_101 = arith.constant 7 : i32
    %get3A_102 = arith.index_cast %get3A_101 : i32 to index
    %get3A_103 = arith.constant 0 : index
    %get3A_104 = tpu.vector_load %arg8[%get3A_102, %get3A_103] {strides = array<i32>} : memref<32x16xi32, #tpu.memory_space<vmem>>, vector<1x16xi32>,
    %get3A_105 = vector.shape_cast %get3A_104 : vector<1x16xi32> to vector<16xi32>
    %add3A_106 = arith.addi %add3A_94, %get3A_105 : vector<16xi32>
    %add3A_107 = arith.constant 7 : i32
    %add3A_108 = vector.broadcast %add3A_107 : i32 to vector<16xi32>
    %add3A_109 = arith.addi %xor3A, %add3A_108 : vector<16xi32>
    %lt3A_110 = arith.cmpi slt, %add3A_109, %add3A_14 : vector<16xi32>
    %select_n3A_111 = arith.select %lt3A_110, %get3A_105, %broadcast_in_dim3A_3 : vector<16xi1>, vector<16xi32>
    %add3A_112 = arith.addi %add3A_100, %select_n3A_111 : vector<16xi32>
    %get3A_113 = arith.constant 8 : i32
    %get3A_114 = arith.index_cast %get3A_113 : i32 to index
    %get3A_115 = arith.constant 0 : index
    %get3A_116 = tpu.vector_load %arg8[%get3A_114, %get3A_115] {strides = array<i32>} : memref<32x16xi32, #tpu.memory_space<vmem>>, vector<1x16xi32>,
    %get3A_117 = vector.shape_cast %get3A_116 : vector<1x16xi32> to vector<16xi32>
    %add3A_118 = arith.addi %add3A_106, %get3A_117 : vector<16xi32>
    %add3A_119 = arith.constant 8 : i32
    %add3A_120 = vector.broadcast %add3A_119 : i32 to vector<16xi32>
    %add3A_121 = arith.addi %xor3A, %add3A_120 : vector<16xi32>
    %lt3A_122 = arith.cmpi slt, %add3A_121, %add3A_14 : vector<16xi32>
    %select_n3A_123 = arith.select %lt3A_122, %get3A_117, %broadcast_in_dim3A_3 : vector<16xi1>, vector<16xi32>
    %add3A_124 = arith.addi %add3A_112, %select_n3A_123 : vector<16xi32>
    %get3A_125 = arith.constant 9 : i32
    %get3A_126 = arith.index_cast %get3A_125 : i32 to index
    %get3A_127 = arith.constant 0 : index
    %get3A_128 = tpu.vector_load %arg8[%get3A_126, %get3A_127] {strides = array<i32>} : memref<32x16xi32, #tpu.memory_space<vmem>>, vector<1x16xi32>,
    %get3A_129 = vector.shape_cast %get3A_128 : vector<1x16xi32> to vector<16xi32>
    %add3A_130 = arith.addi %add3A_118, %get3A_129 : vector<16xi32>
    %add3A_131 = arith.constant 9 : i32
    %add3A_132 = vector.broadcast %add3A_131 : i32 to vector<16xi32>
    %add3A_133 = arith.addi %xor3A, %add3A_132 : vector<16xi32>
    %lt3A_134 = arith.cmpi slt, %add3A_133, %add3A_14 : vector<16xi32>
    %select_n3A_135 = arith.select %lt3A_134, %get3A_129, %broadcast_in_dim3A_3 : vector<16xi1>, vector<16xi32>
    %add3A_136 = arith.addi %add3A_124, %select_n3A_135 : vector<16xi32>
    %get3A_137 = arith.constant 10 : i32
    %get3A_138 = arith.index_cast %get3A_137 : i32 to index
    %get3A_139 = arith.constant 0 : index
    %get3A_140 = tpu.vector_load %arg8[%get3A_138, %get3A_139] {strides = array<i32>} : memref<32x16xi32, #tpu.memory_space<vmem>>, vector<1x16xi32>,
    %get3A_141 = vector.shape_cast %get3A_140 : vector<1x16xi32> to vector<16xi32>
    %add3A_142 = arith.addi %add3A_130, %get3A_141 : vector<16xi32>
    %add3A_143 = arith.constant 10 : i32
    %add3A_144 = vector.broadcast %add3A_143 : i32 to vector<16xi32>
    %add3A_145 = arith.addi %xor3A, %add3A_144 : vector<16xi32>
    %lt3A_146 = arith.cmpi slt, %add3A_145, %add3A_14 : vector<16xi32>
    %select_n3A_147 = arith.select %lt3A_146, %get3A_141, %broadcast_in_dim3A_3 : vector<16xi1>, vector<16xi32>
    %add3A_148 = arith.addi %add3A_136, %select_n3A_147 : vector<16xi32>
    %get3A_149 = arith.constant 11 : i32
    %get3A_150 = arith.index_cast %get3A_149 : i32 to index
    %get3A_151 = arith.constant 0 : index
    %get3A_152 = tpu.vector_load %arg8[%get3A_150, %get3A_151] {strides = array<i32>} : memref<32x16xi32, #tpu.memory_space<vmem>>, vector<1x16xi32>,
    %get3A_153 = vector.shape_cast %get3A_152 : vector<1x16xi32> to vector<16xi32>
    %add3A_154 = arith.addi %add3A_142, %get3A_153 : vector<16xi32>
    %add3A_155 = arith.constant 11 : i32
    %add3A_156 = vector.broadcast %add3A_155 : i32 to vector<16xi32>
    %add3A_157 = arith.addi %xor3A, %add3A_156 : vector<16xi32>
    %lt3A_158 = arith.cmpi slt, %add3A_157, %add3A_14 : vector<16xi32>
    %select_n3A_159 = arith.select %lt3A_158, %get3A_153, %broadcast_in_dim3A_3 : vector<16xi1>, vector<16xi32>
    %add3A_160 = arith.addi %add3A_148, %select_n3A_159 : vector<16xi32>
    %get3A_161 = arith.constant 12 : i32
    %get3A_162 = arith.index_cast %get3A_161 : i32 to index
    %get3A_163 = arith.constant 0 : index
    %get3A_164 = tpu.vector_load %arg8[%get3A_162, %get3A_163] {strides = array<i32>} : memref<32x16xi32, #tpu.memory_space<vmem>>, vector<1x16xi32>,
    %get3A_165 = vector.shape_cast %get3A_164 : vector<1x16xi32> to vector<16xi32>
    %add3A_166 = arith.addi %add3A_154, %get3A_165 : vector<16xi32>
    %add3A_167 = arith.constant 12 : i32
    %add3A_168 = vector.broadcast %add3A_167 : i32 to vector<16xi32>
    %add3A_169 = arith.addi %xor3A, %add3A_168 : vector<16xi32>
    %lt3A_170 = arith.cmpi slt, %add3A_169, %add3A_14 : vector<16xi32>
    %select_n3A_171 = arith.select %lt3A_170, %get3A_165, %broadcast_in_dim3A_3 : vector<16xi1>, vector<16xi32>
    %add3A_172 = arith.addi %add3A_160, %select_n3A_171 : vector<16xi32>
    %get3A_173 = arith.constant 13 : i32
    %get3A_174 = arith.index_cast %get3A_173 : i32 to index
    %get3A_175 = arith.constant 0 : index
    %get3A_176 = tpu.vector_load %arg8[%get3A_174, %get3A_175] {strides = array<i32>} : memref<32x16xi32, #tpu.memory_space<vmem>>, vector<1x16xi32>,
    %get3A_177 = vector.shape_cast %get3A_176 : vector<1x16xi32> to vector<16xi32>
    %add3A_178 = arith.addi %add3A_166, %get3A_177 : vector<16xi32>
    %add3A_179 = arith.constant 13 : i32
    %add3A_180 = vector.broadcast %add3A_179 : i32 to vector<16xi32>
    %add3A_181 = arith.addi %xor3A, %add3A_180 : vector<16xi32>
    %lt3A_182 = arith.cmpi slt, %add3A_181, %add3A_14 : vector<16xi32>
    %select_n3A_183 = arith.select %lt3A_182, %get3A_177, %broadcast_in_dim3A_3 : vector<16xi1>, vector<16xi32>
    %add3A_184 = arith.addi %add3A_172, %select_n3A_183 : vector<16xi32>
    %get3A_185 = arith.constant 14 : i32
    %get3A_186 = arith.index_cast %get3A_185 : i32 to index
    %get3A_187 = arith.constant 0 : index
    %get3A_188 = tpu.vector_load %arg8[%get3A_186, %get3A_187] {strides = array<i32>} : memref<32x16xi32, #tpu.memory_space<vmem>>, vector<1x16xi32>,
    %get3A_189 = vector.shape_cast %get3A_188 : vector<1x16xi32> to vector<16xi32>
    %add3A_190 = arith.addi %add3A_178, %get3A_189 : vector<16xi32>
    %add3A_191 = arith.constant 14 : i32
    %add3A_192 = vector.broadcast %add3A_191 : i32 to vector<16xi32>
    %add3A_193 = arith.addi %xor3A, %add3A_192 : vector<16xi32>
    %lt3A_194 = arith.cmpi slt, %add3A_193, %add3A_14 : vector<16xi32>
    %select_n3A_195 = arith.select %lt3A_194, %get3A_189, %broadcast_in_dim3A_3 : vector<16xi1>, vector<16xi32>
    %add3A_196 = arith.addi %add3A_184, %select_n3A_195 : vector<16xi32>
    %get3A_197 = arith.constant 15 : i32
    %get3A_198 = arith.index_cast %get3A_197 : i32 to index
    %get3A_199 = arith.constant 0 : index
    %get3A_200 = tpu.vector_load %arg8[%get3A_198, %get3A_199] {strides = array<i32>} : memref<32x16xi32, #tpu.memory_space<vmem>>, vector<1x16xi32>,
    %get3A_201 = vector.shape_cast %get3A_200 : vector<1x16xi32> to vector<16xi32>
    %add3A_202 = arith.addi %add3A_190, %get3A_201 : vector<16xi32>
    %add3A_203 = arith.constant 15 : i32
    %add3A_204 = vector.broadcast %add3A_203 : i32 to vector<16xi32>
    %add3A_205 = arith.addi %xor3A, %add3A_204 : vector<16xi32>
    %lt3A_206 = arith.cmpi slt, %add3A_205, %add3A_14 : vector<16xi32>
    %select_n3A_207 = arith.select %lt3A_206, %get3A_201, %broadcast_in_dim3A_3 : vector<16xi1>, vector<16xi32>
    %add3A_208 = arith.addi %add3A_196, %select_n3A_207 : vector<16xi32>
    %get3A_209 = arith.constant 16 : i32
    %get3A_210 = arith.index_cast %get3A_209 : i32 to index
    %get3A_211 = arith.constant 0 : index
    %get3A_212 = tpu.vector_load %arg8[%get3A_210, %get3A_211] {strides = array<i32>} : memref<32x16xi32, #tpu.memory_space<vmem>>, vector<1x16xi32>,
    %get3A_213 = vector.shape_cast %get3A_212 : vector<1x16xi32> to vector<16xi32>
    %add3A_214 = arith.addi %add3A_202, %get3A_213 : vector<16xi32>
    %add3A_215 = arith.constant 16 : i32
    %add3A_216 = vector.broadcast %add3A_215 : i32 to vector<16xi32>
    %add3A_217 = arith.addi %xor3A, %add3A_216 : vector<16xi32>
    %lt3A_218 = arith.cmpi slt, %add3A_217, %add3A_14 : vector<16xi32>
    %select_n3A_219 = arith.select %lt3A_218, %get3A_213, %broadcast_in_dim3A_3 : vector<16xi1>, vector<16xi32>
    %add3A_220 = arith.addi %add3A_208, %select_n3A_219 : vector<16xi32>
    %get3A_221 = arith.constant 17 : i32
    %get3A_222 = arith.index_cast %get3A_221 : i32 to index
    %get3A_223 = arith.constant 0 : index
    %get3A_224 = tpu.vector_load %arg8[%get3A_222, %get3A_223] {strides = array<i32>} : memref<32x16xi32, #tpu.memory_space<vmem>>, vector<1x16xi32>,
    %get3A_225 = vector.shape_cast %get3A_224 : vector<1x16xi32> to vector<16xi32>
    %add3A_226 = arith.addi %add3A_214, %get3A_225 : vector<16xi32>
    %add3A_227 = arith.constant 17 : i32
    %add3A_228 = vector.broadcast %add3A_227 : i32 to vector<16xi32>
    %add3A_229 = arith.addi %xor3A, %add3A_228 : vector<16xi32>
    %lt3A_230 = arith.cmpi slt, %add3A_229, %add3A_14 : vector<16xi32>
    %select_n3A_231 = arith.select %lt3A_230, %get3A_225, %broadcast_in_dim3A_3 : vector<16xi1>, vector<16xi32>
    %add3A_232 = arith.addi %add3A_220, %select_n3A_231 : vector<16xi32>
    %get3A_233 = arith.constant 18 : i32
    %get3A_234 = arith.index_cast %get3A_233 : i32 to index
    %get3A_235 = arith.constant 0 : index
    %get3A_236 = tpu.vector_load %arg8[%get3A_234, %get3A_235] {strides = array<i32>} : memref<32x16xi32, #tpu.memory_space<vmem>>, vector<1x16xi32>,
    %get3A_237 = vector.shape_cast %get3A_236 : vector<1x16xi32> to vector<16xi32>
    %add3A_238 = arith.addi %add3A_226, %get3A_237 : vector<16xi32>
    %add3A_239 = arith.constant 18 : i32
    %add3A_240 = vector.broadcast %add3A_239 : i32 to vector<16xi32>
    %add3A_241 = arith.addi %xor3A, %add3A_240 : vector<16xi32>
    %lt3A_242 = arith.cmpi slt, %add3A_241, %add3A_14 : vector<16xi32>
    %select_n3A_243 = arith.select %lt3A_242, %get3A_237, %broadcast_in_dim3A_3 : vector<16xi1>, vector<16xi32>
    %add3A_244 = arith.addi %add3A_232, %select_n3A_243 : vector<16xi32>
    %get3A_245 = arith.constant 19 : i32
    %get3A_246 = arith.index_cast %get3A_245 : i32 to index
    %get3A_247 = arith.constant 0 : index
    %get3A_248 = tpu.vector_load %arg8[%get3A_246, %get3A_247] {strides = array<i32>} : memref<32x16xi32, #tpu.memory_space<vmem>>, vector<1x16xi32>,
    %get3A_249 = vector.shape_cast %get3A_248 : vector<1x16xi32> to vector<16xi32>
    %add3A_250 = arith.addi %add3A_238, %get3A_249 : vector<16xi32>
    %add3A_251 = arith.constant 19 : i32
    %add3A_252 = vector.broadcast %add3A_251 : i32 to vector<16xi32>
    %add3A_253 = arith.addi %xor3A, %add3A_252 : vector<16xi32>
    %lt3A_254 = arith.cmpi slt, %add3A_253, %add3A_14 : vector<16xi32>
    %select_n3A_255 = arith.select %lt3A_254, %get3A_249, %broadcast_in_dim3A_3 : vector<16xi1>, vector<16xi32>
    %add3A_256 = arith.addi %add3A_244, %select_n3A_255 : vector<16xi32>
    %get3A_257 = arith.constant 20 : i32
    %get3A_258 = arith.index_cast %get3A_257 : i32 to index
    %get3A_259 = arith.constant 0 : index
    %get3A_260 = tpu.vector_load %arg8[%get3A_258, %get3A_259] {strides = array<i32>} : memref<32x16xi32, #tpu.memory_space<vmem>>, vector<1x16xi32>,
    %get3A_261 = vector.shape_cast %get3A_260 : vector<1x16xi32> to vector<16xi32>
    %add3A_262 = arith.addi %add3A_250, %get3A_261 : vector<16xi32>
    %add3A_263 = arith.constant 20 : i32
    %add3A_264 = vector.broadcast %add3A_263 : i32 to vector<16xi32>
    %add3A_265 = arith.addi %xor3A, %add3A_264 : vector<16xi32>
    %lt3A_266 = arith.cmpi slt, %add3A_265, %add3A_14 : vector<16xi32>
    %select_n3A_267 = arith.select %lt3A_266, %get3A_261, %broadcast_in_dim3A_3 : vector<16xi1>, vector<16xi32>
    %add3A_268 = arith.addi %add3A_256, %select_n3A_267 : vector<16xi32>
    %get3A_269 = arith.constant 21 : i32
    %get3A_270 = arith.index_cast %get3A_269 : i32 to index
    %get3A_271 = arith.constant 0 : index
    %get3A_272 = tpu.vector_load %arg8[%get3A_270, %get3A_271] {strides = array<i32>} : memref<32x16xi32, #tpu.memory_space<vmem>>, vector<1x16xi32>,
    %get3A_273 = vector.shape_cast %get3A_272 : vector<1x16xi32> to vector<16xi32>
    %add3A_274 = arith.addi %add3A_262, %get3A_273 : vector<16xi32>
    %add3A_275 = arith.constant 21 : i32
    %add3A_276 = vector.broadcast %add3A_275 : i32 to vector<16xi32>
    %add3A_277 = arith.addi %xor3A, %add3A_276 : vector<16xi32>
    %lt3A_278 = arith.cmpi slt, %add3A_277, %add3A_14 : vector<16xi32>
    %select_n3A_279 = arith.select %lt3A_278, %get3A_273, %broadcast_in_dim3A_3 : vector<16xi1>, vector<16xi32>
    %add3A_280 = arith.addi %add3A_268, %select_n3A_279 : vector<16xi32>
    %get3A_281 = arith.constant 22 : i32
    %get3A_282 = arith.index_cast %get3A_281 : i32 to index
    %get3A_283 = arith.constant 0 : index
    %get3A_284 = tpu.vector_load %arg8[%get3A_282, %get3A_283] {strides = array<i32>} : memref<32x16xi32, #tpu.memory_space<vmem>>, vector<1x16xi32>,
    %get3A_285 = vector.shape_cast %get3A_284 : vector<1x16xi32> to vector<16xi32>
    %add3A_286 = arith.addi %add3A_274, %get3A_285 : vector<16xi32>
    %add3A_287 = arith.constant 22 : i32
    %add3A_288 = vector.broadcast %add3A_287 : i32 to vector<16xi32>
    %add3A_289 = arith.addi %xor3A, %add3A_288 : vector<16xi32>
    %lt3A_290 = arith.cmpi slt, %add3A_289, %add3A_14 : vector<16xi32>
    %select_n3A_291 = arith.select %lt3A_290, %get3A_285, %broadcast_in_dim3A_3 : vector<16xi1>, vector<16xi32>
    %add3A_292 = arith.addi %add3A_280, %select_n3A_291 : vector<16xi32>
    %get3A_293 = arith.constant 23 : i32
    %get3A_294 = arith.index_cast %get3A_293 : i32 to index
    %get3A_295 = arith.constant 0 : index
    %get3A_296 = tpu.vector_load %arg8[%get3A_294, %get3A_295] {strides = array<i32>} : memref<32x16xi32, #tpu.memory_space<vmem>>, vector<1x16xi32>,
    %get3A_297 = vector.shape_cast %get3A_296 : vector<1x16xi32> to vector<16xi32>
    %add3A_298 = arith.addi %add3A_286, %get3A_297 : vector<16xi32>
    %add3A_299 = arith.constant 23 : i32
    %add3A_300 = vector.broadcast %add3A_299 : i32 to vector<16xi32>
    %add3A_301 = arith.addi %xor3A, %add3A_300 : vector<16xi32>
    %lt3A_302 = arith.cmpi slt, %add3A_301, %add3A_14 : vector<16xi32>
    %select_n3A_303 = arith.select %lt3A_302, %get3A_297, %broadcast_in_dim3A_3 : vector<16xi1>, vector<16xi32>
    %add3A_304 = arith.addi %add3A_292, %select_n3A_303 : vector<16xi32>
    %get3A_305 = arith.constant 24 : i32
    %get3A_306 = arith.index_cast %get3A_305 : i32 to index
    %get3A_307 = arith.constant 0 : index
    %get3A_308 = tpu.vector_load %arg8[%get3A_306, %get3A_307] {strides = array<i32>} : memref<32x16xi32, #tpu.memory_space<vmem>>, vector<1x16xi32>,
    %get3A_309 = vector.shape_cast %get3A_308 : vector<1x16xi32> to vector<16xi32>
    %add3A_310 = arith.addi %add3A_298, %get3A_309 : vector<16xi32>
    %add3A_311 = arith.constant 24 : i32
    %add3A_312 = vector.broadcast %add3A_311 : i32 to vector<16xi32>
    %add3A_313 = arith.addi %xor3A, %add3A_312 : vector<16xi32>
    %lt3A_314 = arith.cmpi slt, %add3A_313, %add3A_14 : vector<16xi32>
    %select_n3A_315 = arith.select %lt3A_314, %get3A_309, %broadcast_in_dim3A_3 : vector<16xi1>, vector<16xi32>
    %add3A_316 = arith.addi %add3A_304, %select_n3A_315 : vector<16xi32>
    %get3A_317 = arith.constant 25 : i32
    %get3A_318 = arith.index_cast %get3A_317 : i32 to index
    %get3A_319 = arith.constant 0 : index
    %get3A_320 = tpu.vector_load %arg8[%get3A_318, %get3A_319] {strides = array<i32>} : memref<32x16xi32, #tpu.memory_space<vmem>>, vector<1x16xi32>,
    %get3A_321 = vector.shape_cast %get3A_320 : vector<1x16xi32> to vector<16xi32>
    %add3A_322 = arith.addi %add3A_310, %get3A_321 : vector<16xi32>
    %add3A_323 = arith.constant 25 : i32
    %add3A_324 = vector.broadcast %add3A_323 : i32 to vector<16xi32>
    %add3A_325 = arith.addi %xor3A, %add3A_324 : vector<16xi32>
    %lt3A_326 = arith.cmpi slt, %add3A_325, %add3A_14 : vector<16xi32>
    %select_n3A_327 = arith.select %lt3A_326, %get3A_321, %broadcast_in_dim3A_3 : vector<16xi1>, vector<16xi32>
    %add3A_328 = arith.addi %add3A_316, %select_n3A_327 : vector<16xi32>
    %get3A_329 = arith.constant 26 : i32
    %get3A_330 = arith.index_cast %get3A_329 : i32 to index
    %get3A_331 = arith.constant 0 : index
    %get3A_332 = tpu.vector_load %arg8[%get3A_330, %get3A_331] {strides = array<i32>} : memref<32x16xi32, #tpu.memory_space<vmem>>, vector<1x16xi32>,
    %get3A_333 = vector.shape_cast %get3A_332 : vector<1x16xi32> to vector<16xi32>
    %add3A_334 = arith.addi %add3A_322, %get3A_333 : vector<16xi32>
    %add3A_335 = arith.constant 26 : i32
    %add3A_336 = vector.broadcast %add3A_335 : i32 to vector<16xi32>
    %add3A_337 = arith.addi %xor3A, %add3A_336 : vector<16xi32>
    %lt3A_338 = arith.cmpi slt, %add3A_337, %add3A_14 : vector<16xi32>
    %select_n3A_339 = arith.select %lt3A_338, %get3A_333, %broadcast_in_dim3A_3 : vector<16xi1>, vector<16xi32>
    %add3A_340 = arith.addi %add3A_328, %select_n3A_339 : vector<16xi32>
    %get3A_341 = arith.constant 27 : i32
    %get3A_342 = arith.index_cast %get3A_341 : i32 to index
    %get3A_343 = arith.constant 0 : index
    %get3A_344 = tpu.vector_load %arg8[%get3A_342, %get3A_343] {strides = array<i32>} : memref<32x16xi32, #tpu.memory_space<vmem>>, vector<1x16xi32>,
    %get3A_345 = vector.shape_cast %get3A_344 : vector<1x16xi32> to vector<16xi32>
    %add3A_346 = arith.addi %add3A_334, %get3A_345 : vector<16xi32>
    %add3A_347 = arith.constant 27 : i32
    %add3A_348 = vector.broadcast %add3A_347 : i32 to vector<16xi32>
    %add3A_349 = arith.addi %xor3A, %add3A_348 : vector<16xi32>
    %lt3A_350 = arith.cmpi slt, %add3A_349, %add3A_14 : vector<16xi32>
    %select_n3A_351 = arith.select %lt3A_350, %get3A_345, %broadcast_in_dim3A_3 : vector<16xi1>, vector<16xi32>
    %add3A_352 = arith.addi %add3A_340, %select_n3A_351 : vector<16xi32>
    %get3A_353 = arith.constant 28 : i32
    %get3A_354 = arith.index_cast %get3A_353 : i32 to index
    %get3A_355 = arith.constant 0 : index
    %get3A_356 = tpu.vector_load %arg8[%get3A_354, %get3A_355] {strides = array<i32>} : memref<32x16xi32, #tpu.memory_space<vmem>>, vector<1x16xi32>,
    %get3A_357 = vector.shape_cast %get3A_356 : vector<1x16xi32> to vector<16xi32>
    %add3A_358 = arith.addi %add3A_346, %get3A_357 : vector<16xi32>
    %add3A_359 = arith.constant 28 : i32
    %add3A_360 = vector.broadcast %add3A_359 : i32 to vector<16xi32>
    %add3A_361 = arith.addi %xor3A, %add3A_360 : vector<16xi32>
    %lt3A_362 = arith.cmpi slt, %add3A_361, %add3A_14 : vector<16xi32>
    %select_n3A_363 = arith.select %lt3A_362, %get3A_357, %broadcast_in_dim3A_3 : vector<16xi1>, vector<16xi32>
    %add3A_364 = arith.addi %add3A_352, %select_n3A_363 : vector<16xi32>
    %get3A_365 = arith.constant 29 : i32
    %get3A_366 = arith.index_cast %get3A_365 : i32 to index
    %get3A_367 = arith.constant 0 : index
    %get3A_368 = tpu.vector_load %arg8[%get3A_366, %get3A_367] {strides = array<i32>} : memref<32x16xi32, #tpu.memory_space<vmem>>, vector<1x16xi32>,
    %get3A_369 = vector.shape_cast %get3A_368 : vector<1x16xi32> to vector<16xi32>
    %add3A_370 = arith.addi %add3A_358, %get3A_369 : vector<16xi32>
    %add3A_371 = arith.constant 29 : i32
    %add3A_372 = vector.broadcast %add3A_371 : i32 to vector<16xi32>
    %add3A_373 = arith.addi %xor3A, %add3A_372 : vector<16xi32>
    %lt3A_374 = arith.cmpi slt, %add3A_373, %add3A_14 : vector<16xi32>
    %select_n3A_375 = arith.select %lt3A_374, %get3A_369, %broadcast_in_dim3A_3 : vector<16xi1>, vector<16xi32>
    %add3A_376 = arith.addi %add3A_364, %select_n3A_375 : vector<16xi32>
    %get3A_377 = arith.constant 30 : i32
    %get3A_378 = arith.index_cast %get3A_377 : i32 to index
    %get3A_379 = arith.constant 0 : index
    %get3A_380 = tpu.vector_load %arg8[%get3A_378, %get3A_379] {strides = array<i32>} : memref<32x16xi32, #tpu.memory_space<vmem>>, vector<1x16xi32>,
    %get3A_381 = vector.shape_cast %get3A_380 : vector<1x16xi32> to vector<16xi32>
    %add3A_382 = arith.addi %add3A_370, %get3A_381 : vector<16xi32>
    %add3A_383 = arith.constant 30 : i32
    %add3A_384 = vector.broadcast %add3A_383 : i32 to vector<16xi32>
    %add3A_385 = arith.addi %xor3A, %add3A_384 : vector<16xi32>
    %lt3A_386 = arith.cmpi slt, %add3A_385, %add3A_14 : vector<16xi32>
    %select_n3A_387 = arith.select %lt3A_386, %get3A_381, %broadcast_in_dim3A_3 : vector<16xi1>, vector<16xi32>
    %add3A_388 = arith.addi %add3A_376, %select_n3A_387 : vector<16xi32>
    %get3A_389 = arith.constant 31 : i32
    %get3A_390 = arith.index_cast %get3A_389 : i32 to index
    %get3A_391 = arith.constant 0 : index
    %get3A_392 = tpu.vector_load %arg8[%get3A_390, %get3A_391] {strides = array<i32>} : memref<32x16xi32, #tpu.memory_space<vmem>>, vector<1x16xi32>,
    %get3A_393 = vector.shape_cast %get3A_392 : vector<1x16xi32> to vector<16xi32>
    %add3A_394 = arith.addi %add3A_382, %get3A_393 : vector<16xi32>
    %add3A_395 = arith.constant 31 : i32
    %add3A_396 = vector.broadcast %add3A_395 : i32 to vector<16xi32>
    %add3A_397 = arith.addi %xor3A, %add3A_396 : vector<16xi32>
    %lt3A_398 = arith.cmpi slt, %add3A_397, %add3A_14 : vector<16xi32>
    %select_n3A_399 = arith.select %lt3A_398, %get3A_393, %broadcast_in_dim3A_3 : vector<16xi1>, vector<16xi32>
    %add3A_400 = arith.addi %add3A_388, %select_n3A_399 : vector<16xi32>
    %sub3A = arith.constant 1 : i32
    %sub3A_401 = vector.broadcast %sub3A : i32 to vector<16xi32>
    %sub3A_402 = arith.subi %iota3A, %sub3A_401 : vector<16xi32>
    %max3A = arith.constant 0 : i32
    %max3A_403 = vector.broadcast %max3A : i32 to vector<16xi32>
    %max3A_404 = arith.maxsi %sub3A_402, %max3A_403 : vector<16xi32>
    %lt3A_405 = arith.constant 0 : i32
    %lt3A_406 = vector.broadcast %lt3A_405 : i32 to vector<16xi32>
    %lt3A_407 = arith.cmpi slt, %max3A_404, %lt3A_406 : vector<16xi32>
    %add3A_408 = arith.constant 16 : i32
    %add3A_409 = vector.broadcast %add3A_408 : i32 to vector<16xi32>
    %add3A_410 = arith.addi %max3A_404, %add3A_409 : vector<16xi32>
    %select_n3A_411 = arith.select %lt3A_407, %add3A_410, %max3A_404 : vector<16xi1>, vector<16xi32>
    %broadcast_in_dim3A_412 = vector.shape_cast %select_n3A_411 : vector<16xi32> to vector<16x1xi32>
    %gather3A = vector.shape_cast %broadcast_in_dim3A_412 : vector<16x1xi32> to vector<16xi32>
    %gather3A_413 = tpu.dynamic_gather %add3A_394[%gather3A] in [0] : vector<16xi32>, vector<16xi32> -> vector<16xi32>
    %ge3A = arith.constant 1 : i32
    %ge3A_414 = vector.broadcast %ge3A : i32 to vector<16xi32>
    %ge3A_415 = arith.cmpi sge, %iota3A, %ge3A_414 : vector<16xi32>
    %jit3A = arith.constant 0 : i32
    %broadcast_in_dim3A_416 = vector.broadcast %jit3A : i32 to vector<16xi32>
    %select_n3A_417 = arith.select %ge3A_415, %gather3A_413, %broadcast_in_dim3A_416 : vector<16xi1>, vector<16xi32>
    %add3A_418 = arith.addi %add3A_394, %select_n3A_417 : vector<16xi32>
    %sub3A_419 = arith.constant 2 : i32
    %sub3A_420 = vector.broadcast %sub3A_419 : i32 to vector<16xi32>
    %sub3A_421 = arith.subi %iota3A, %sub3A_420 : vector<16xi32>
    %max3A_422 = arith.constant 0 : i32
    %max3A_423 = vector.broadcast %max3A_422 : i32 to vector<16xi32>
    %max3A_424 = arith.maxsi %sub3A_421, %max3A_423 : vector<16xi32>
    %lt3A_425 = arith.constant 0 : i32
    %lt3A_426 = vector.broadcast %lt3A_425 : i32 to vector<16xi32>
    %lt3A_427 = arith.cmpi slt, %max3A_424, %lt3A_426 : vector<16xi32>
    %add3A_428 = arith.constant 16 : i32
    %add3A_429 = vector.broadcast %add3A_428 : i32 to vector<16xi32>
    %add3A_430 = arith.addi %max3A_424, %add3A_429 : vector<16xi32>
    %select_n3A_431 = arith.select %lt3A_427, %add3A_430, %max3A_424 : vector<16xi1>, vector<16xi32>
    %broadcast_in_dim3A_432 = vector.shape_cast %select_n3A_431 : vector<16xi32> to vector<16x1xi32>
    %gather3A_433 = vector.shape_cast %broadcast_in_dim3A_432 : vector<16x1xi32> to vector<16xi32>
    %gather3A_434 = tpu.dynamic_gather %add3A_418[%gather3A_433] in [0] : vector<16xi32>, vector<16xi32> -> vector<16xi32>
    %ge3A_435 = arith.constant 2 : i32
    %ge3A_436 = vector.broadcast %ge3A_435 : i32 to vector<16xi32>
    %ge3A_437 = arith.cmpi sge, %iota3A, %ge3A_436 : vector<16xi32>
    %jit3A_438 = arith.constant 0 : i32
    %broadcast_in_dim3A_439 = vector.broadcast %jit3A_438 : i32 to vector<16xi32>
    %select_n3A_440 = arith.select %ge3A_437, %gather3A_434, %broadcast_in_dim3A_439 : vector<16xi1>, vector<16xi32>
    %add3A_441 = arith.addi %add3A_418, %select_n3A_440 : vector<16xi32>
    %sub3A_442 = arith.constant 4 : i32
    %sub3A_443 = vector.broadcast %sub3A_442 : i32 to vector<16xi32>
    %sub3A_444 = arith.subi %iota3A, %sub3A_443 : vector<16xi32>
    %max3A_445 = arith.constant 0 : i32
    %max3A_446 = vector.broadcast %max3A_445 : i32 to vector<16xi32>
    %max3A_447 = arith.maxsi %sub3A_444, %max3A_446 : vector<16xi32>
    %lt3A_448 = arith.constant 0 : i32
    %lt3A_449 = vector.broadcast %lt3A_448 : i32 to vector<16xi32>
    %lt3A_450 = arith.cmpi slt, %max3A_447, %lt3A_449 : vector<16xi32>
    %add3A_451 = arith.constant 16 : i32
    %add3A_452 = vector.broadcast %add3A_451 : i32 to vector<16xi32>
    %add3A_453 = arith.addi %max3A_447, %add3A_452 : vector<16xi32>
    %select_n3A_454 = arith.select %lt3A_450, %add3A_453, %max3A_447 : vector<16xi1>, vector<16xi32>
    %broadcast_in_dim3A_455 = vector.shape_cast %select_n3A_454 : vector<16xi32> to vector<16x1xi32>
    %gather3A_456 = vector.shape_cast %broadcast_in_dim3A_455 : vector<16x1xi32> to vector<16xi32>
    %gather3A_457 = tpu.dynamic_gather %add3A_441[%gather3A_456] in [0] : vector<16xi32>, vector<16xi32> -> vector<16xi32>
    %ge3A_458 = arith.constant 4 : i32
    %ge3A_459 = vector.broadcast %ge3A_458 : i32 to vector<16xi32>
    %ge3A_460 = arith.cmpi sge, %iota3A, %ge3A_459 : vector<16xi32>
    %jit3A_461 = arith.constant 0 : i32
    %broadcast_in_dim3A_462 = vector.broadcast %jit3A_461 : i32 to vector<16xi32>
    %select_n3A_463 = arith.select %ge3A_460, %gather3A_457, %broadcast_in_dim3A_462 : vector<16xi1>, vector<16xi32>
    %add3A_464 = arith.addi %add3A_441, %select_n3A_463 : vector<16xi32>
    %sub3A_465 = arith.constant 8 : i32
    %sub3A_466 = vector.broadcast %sub3A_465 : i32 to vector<16xi32>
    %sub3A_467 = arith.subi %iota3A, %sub3A_466 : vector<16xi32>
    %max3A_468 = arith.constant 0 : i32
    %max3A_469 = vector.broadcast %max3A_468 : i32 to vector<16xi32>
    %max3A_470 = arith.maxsi %sub3A_467, %max3A_469 : vector<16xi32>
    %lt3A_471 = arith.constant 0 : i32
    %lt3A_472 = vector.broadcast %lt3A_471 : i32 to vector<16xi32>
    %lt3A_473 = arith.cmpi slt, %max3A_470, %lt3A_472 : vector<16xi32>
    %add3A_474 = arith.constant 16 : i32
    %add3A_475 = vector.broadcast %add3A_474 : i32 to vector<16xi32>
    %add3A_476 = arith.addi %max3A_470, %add3A_475 : vector<16xi32>
    %select_n3A_477 = arith.select %lt3A_473, %add3A_476, %max3A_470 : vector<16xi1>, vector<16xi32>
    %broadcast_in_dim3A_478 = vector.shape_cast %select_n3A_477 : vector<16xi32> to vector<16x1xi32>
    %gather3A_479 = vector.shape_cast %broadcast_in_dim3A_478 : vector<16x1xi32> to vector<16xi32>
    %gather3A_480 = tpu.dynamic_gather %add3A_464[%gather3A_479] in [0] : vector<16xi32>, vector<16xi32> -> vector<16xi32>
    %ge3A_481 = arith.constant 8 : i32
    %ge3A_482 = vector.broadcast %ge3A_481 : i32 to vector<16xi32>
    %ge3A_483 = arith.cmpi sge, %iota3A, %ge3A_482 : vector<16xi32>
    %jit3A_484 = arith.constant 0 : i32
    %broadcast_in_dim3A_485 = vector.broadcast %jit3A_484 : i32 to vector<16xi32>
    %select_n3A_486 = arith.select %ge3A_483, %gather3A_480, %broadcast_in_dim3A_485 : vector<16xi1>, vector<16xi32>
    %add3A_487 = arith.addi %add3A_464, %select_n3A_486 : vector<16xi32>
    %sub3A_488 = arith.subi %add3A_487, %add3A_394 : vector<16xi32>
    %add3A_489 = arith.addi %sub3A_488, %add3A_400 : vector<16xi32>
    %sub3A_490 = arith.constant 1 : i32
    %sub3A_491 = vector.broadcast %sub3A_490 : i32 to vector<16xi32>
    %sub3A_492 = arith.subi %iota3A, %sub3A_491 : vector<16xi32>
    %max3A_493 = arith.constant 0 : i32
    %max3A_494 = vector.broadcast %max3A_493 : i32 to vector<16xi32>
    %max3A_495 = arith.maxsi %sub3A_492, %max3A_494 : vector<16xi32>
    %add3A_496 = arith.addi %xor3A, %iota3A : vector<16xi32>
    %ge3A_497 = arith.constant 1 : i32
    %ge3A_498 = vector.broadcast %ge3A_497 : i32 to vector<16xi32>
    %ge3A_499 = arith.cmpi sge, %add3A_496, %ge3A_498 : vector<16xi32>
    %sub3A_500 = arith.constant 2 : i32
    %sub3A_501 = vector.broadcast %sub3A_500 : i32 to vector<16xi32>
    %sub3A_502 = arith.subi %iota3A, %sub3A_501 : vector<16xi32>
    %max3A_503 = arith.constant 0 : i32
    %max3A_504 = vector.broadcast %max3A_503 : i32 to vector<16xi32>
    %max3A_505 = arith.maxsi %sub3A_502, %max3A_504 : vector<16xi32>
    %add3A_506 = arith.addi %xor3A, %iota3A : vector<16xi32>
    %ge3A_507 = arith.constant 2 : i32
    %ge3A_508 = vector.broadcast %ge3A_507 : i32 to vector<16xi32>
    %ge3A_509 = arith.cmpi sge, %add3A_506, %ge3A_508 : vector<16xi32>
    %sub3A_510 = arith.constant 3 : i32
    %sub3A_511 = vector.broadcast %sub3A_510 : i32 to vector<16xi32>
    %sub3A_512 = arith.subi %iota3A, %sub3A_511 : vector<16xi32>
    %max3A_513 = arith.constant 0 : i32
    %max3A_514 = vector.broadcast %max3A_513 : i32 to vector<16xi32>
    %max3A_515 = arith.maxsi %sub3A_512, %max3A_514 : vector<16xi32>
    %add3A_516 = arith.addi %xor3A, %iota3A : vector<16xi32>
    %ge3A_517 = arith.constant 3 : i32
    %ge3A_518 = vector.broadcast %ge3A_517 : i32 to vector<16xi32>
    %ge3A_519 = arith.cmpi sge, %add3A_516, %ge3A_518 : vector<16xi32>
    %sub3A_520 = arith.constant 4 : i32
    %sub3A_521 = vector.broadcast %sub3A_520 : i32 to vector<16xi32>
    %sub3A_522 = arith.subi %iota3A, %sub3A_521 : vector<16xi32>
    %max3A_523 = arith.constant 0 : i32
    %max3A_524 = vector.broadcast %max3A_523 : i32 to vector<16xi32>
    %max3A_525 = arith.maxsi %sub3A_522, %max3A_524 : vector<16xi32>
    %add3A_526 = arith.addi %xor3A, %iota3A : vector<16xi32>
    %ge3A_527 = arith.constant 4 : i32
    %ge3A_528 = vector.broadcast %ge3A_527 : i32 to vector<16xi32>
    %ge3A_529 = arith.cmpi sge, %add3A_526, %ge3A_528 : vector<16xi32>
    %sub3A_530 = arith.constant 5 : i32
    %sub3A_531 = vector.broadcast %sub3A_530 : i32 to vector<16xi32>
    %sub3A_532 = arith.subi %iota3A, %sub3A_531 : vector<16xi32>
    %max3A_533 = arith.constant 0 : i32
    %max3A_534 = vector.broadcast %max3A_533 : i32 to vector<16xi32>
    %max3A_535 = arith.maxsi %sub3A_532, %max3A_534 : vector<16xi32>
    %add3A_536 = arith.addi %xor3A, %iota3A : vector<16xi32>
    %ge3A_537 = arith.constant 5 : i32
    %ge3A_538 = vector.broadcast %ge3A_537 : i32 to vector<16xi32>
    %ge3A_539 = arith.cmpi sge, %add3A_536, %ge3A_538 : vector<16xi32>
    %sub3A_540 = arith.constant 6 : i32
    %sub3A_541 = vector.broadcast %sub3A_540 : i32 to vector<16xi32>
    %sub3A_542 = arith.subi %iota3A, %sub3A_541 : vector<16xi32>
    %max3A_543 = arith.constant 0 : i32
    %max3A_544 = vector.broadcast %max3A_543 : i32 to vector<16xi32>
    %max3A_545 = arith.maxsi %sub3A_542, %max3A_544 : vector<16xi32>
    %add3A_546 = arith.addi %xor3A, %iota3A : vector<16xi32>
    %ge3A_547 = arith.constant 6 : i32
    %ge3A_548 = vector.broadcast %ge3A_547 : i32 to vector<16xi32>
    %ge3A_549 = arith.cmpi sge, %add3A_546, %ge3A_548 : vector<16xi32>
    %sub3A_550 = arith.constant 7 : i32
    %sub3A_551 = vector.broadcast %sub3A_550 : i32 to vector<16xi32>
    %sub3A_552 = arith.subi %iota3A, %sub3A_551 : vector<16xi32>
    %max3A_553 = arith.constant 0 : i32
    %max3A_554 = vector.broadcast %max3A_553 : i32 to vector<16xi32>
    %max3A_555 = arith.maxsi %sub3A_552, %max3A_554 : vector<16xi32>
    %add3A_556 = arith.addi %xor3A, %iota3A : vector<16xi32>
    %ge3A_557 = arith.constant 7 : i32
    %ge3A_558 = vector.broadcast %ge3A_557 : i32 to vector<16xi32>
    %ge3A_559 = arith.cmpi sge, %add3A_556, %ge3A_558 : vector<16xi32>
    %sub3A_560 = arith.constant 8 : i32
    %sub3A_561 = vector.broadcast %sub3A_560 : i32 to vector<16xi32>
    %sub3A_562 = arith.subi %iota3A, %sub3A_561 : vector<16xi32>
    %max3A_563 = arith.constant 0 : i32
    %max3A_564 = vector.broadcast %max3A_563 : i32 to vector<16xi32>
    %max3A_565 = arith.maxsi %sub3A_562, %max3A_564 : vector<16xi32>
    %add3A_566 = arith.addi %xor3A, %iota3A : vector<16xi32>
    %ge3A_567 = arith.constant 8 : i32
    %ge3A_568 = vector.broadcast %ge3A_567 : i32 to vector<16xi32>
    %ge3A_569 = arith.cmpi sge, %add3A_566, %ge3A_568 : vector<16xi32>
    %sub3A_570 = arith.constant 9 : i32
    %sub3A_571 = vector.broadcast %sub3A_570 : i32 to vector<16xi32>
    %sub3A_572 = arith.subi %iota3A, %sub3A_571 : vector<16xi32>
    %max3A_573 = arith.constant 0 : i32
    %max3A_574 = vector.broadcast %max3A_573 : i32 to vector<16xi32>
    %max3A_575 = arith.maxsi %sub3A_572, %max3A_574 : vector<16xi32>
    %add3A_576 = arith.addi %xor3A, %iota3A : vector<16xi32>
    %ge3A_577 = arith.constant 9 : i32
    %ge3A_578 = vector.broadcast %ge3A_577 : i32 to vector<16xi32>
    %ge3A_579 = arith.cmpi sge, %add3A_576, %ge3A_578 : vector<16xi32>
    %sub3A_580 = arith.constant 10 : i32
    %sub3A_581 = vector.broadcast %sub3A_580 : i32 to vector<16xi32>
    %sub3A_582 = arith.subi %iota3A, %sub3A_581 : vector<16xi32>
    %max3A_583 = arith.constant 0 : i32
    %max3A_584 = vector.broadcast %max3A_583 : i32 to vector<16xi32>
    %max3A_585 = arith.maxsi %sub3A_582, %max3A_584 : vector<16xi32>
    %add3A_586 = arith.addi %xor3A, %iota3A : vector<16xi32>
    %ge3A_587 = arith.constant 10 : i32
    %ge3A_588 = vector.broadcast %ge3A_587 : i32 to vector<16xi32>
    %ge3A_589 = arith.cmpi sge, %add3A_586, %ge3A_588 : vector<16xi32>
    %sub3A_590 = arith.constant 11 : i32
    %sub3A_591 = vector.broadcast %sub3A_590 : i32 to vector<16xi32>
    %sub3A_592 = arith.subi %iota3A, %sub3A_591 : vector<16xi32>
    %max3A_593 = arith.constant 0 : i32
    %max3A_594 = vector.broadcast %max3A_593 : i32 to vector<16xi32>
    %max3A_595 = arith.maxsi %sub3A_592, %max3A_594 : vector<16xi32>
    %add3A_596 = arith.addi %xor3A, %iota3A : vector<16xi32>
    %ge3A_597 = arith.constant 11 : i32
    %ge3A_598 = vector.broadcast %ge3A_597 : i32 to vector<16xi32>
    %ge3A_599 = arith.cmpi sge, %add3A_596, %ge3A_598 : vector<16xi32>
    %sub3A_600 = arith.constant 12 : i32
    %sub3A_601 = vector.broadcast %sub3A_600 : i32 to vector<16xi32>
    %sub3A_602 = arith.subi %iota3A, %sub3A_601 : vector<16xi32>
    %max3A_603 = arith.constant 0 : i32
    %max3A_604 = vector.broadcast %max3A_603 : i32 to vector<16xi32>
    %max3A_605 = arith.maxsi %sub3A_602, %max3A_604 : vector<16xi32>
    %add3A_606 = arith.addi %xor3A, %iota3A : vector<16xi32>
    %ge3A_607 = arith.constant 12 : i32
    %ge3A_608 = vector.broadcast %ge3A_607 : i32 to vector<16xi32>
    %ge3A_609 = arith.cmpi sge, %add3A_606, %ge3A_608 : vector<16xi32>
    %sub3A_610 = arith.constant 13 : i32
    %sub3A_611 = vector.broadcast %sub3A_610 : i32 to vector<16xi32>
    %sub3A_612 = arith.subi %iota3A, %sub3A_611 : vector<16xi32>
    %max3A_613 = arith.constant 0 : i32
    %max3A_614 = vector.broadcast %max3A_613 : i32 to vector<16xi32>
    %max3A_615 = arith.maxsi %sub3A_612, %max3A_614 : vector<16xi32>
    %add3A_616 = arith.addi %xor3A, %iota3A : vector<16xi32>
    %ge3A_617 = arith.constant 13 : i32
    %ge3A_618 = vector.broadcast %ge3A_617 : i32 to vector<16xi32>
    %ge3A_619 = arith.cmpi sge, %add3A_616, %ge3A_618 : vector<16xi32>
    %sub3A_620 = arith.constant 14 : i32
    %sub3A_621 = vector.broadcast %sub3A_620 : i32 to vector<16xi32>
    %sub3A_622 = arith.subi %iota3A, %sub3A_621 : vector<16xi32>
    %max3A_623 = arith.constant 0 : i32
    %max3A_624 = vector.broadcast %max3A_623 : i32 to vector<16xi32>
    %max3A_625 = arith.maxsi %sub3A_622, %max3A_624 : vector<16xi32>
    %add3A_626 = arith.addi %xor3A, %iota3A : vector<16xi32>
    %ge3A_627 = arith.constant 14 : i32
    %ge3A_628 = vector.broadcast %ge3A_627 : i32 to vector<16xi32>
    %ge3A_629 = arith.cmpi sge, %add3A_626, %ge3A_628 : vector<16xi32>
    %sub3A_630 = arith.constant 15 : i32
    %sub3A_631 = vector.broadcast %sub3A_630 : i32 to vector<16xi32>
    %sub3A_632 = arith.subi %iota3A, %sub3A_631 : vector<16xi32>
    %max3A_633 = arith.constant 0 : i32
    %max3A_634 = vector.broadcast %max3A_633 : i32 to vector<16xi32>
    %max3A_635 = arith.maxsi %sub3A_632, %max3A_634 : vector<16xi32>
    %add3A_636 = arith.addi %xor3A, %iota3A : vector<16xi32>
    %ge3A_637 = arith.constant 15 : i32
    %ge3A_638 = vector.broadcast %ge3A_637 : i32 to vector<16xi32>
    %ge3A_639 = arith.cmpi sge, %add3A_636, %ge3A_638 : vector<16xi32>
    %get3A_640 = arith.constant 0 : index
    %get3A_641 = tpu.vector_load %arg7[%get3A_640] {strides = array<i32>} : memref<128xi32, #tpu.memory_space<vmem>>, vector<16xi32>,
    %get3A_642 = vector.shape_cast %get3A_641 : vector<16xi32> to vector<16xi32>
    %broadcast_in_dim3A_643 = arith.constant 0 : i32
    %broadcast_in_dim3A_644 = vector.broadcast %broadcast_in_dim3A_643 : i32 to vector<16xi32>
    %lt3A_645 = arith.constant 0 : i32
    %lt3A_646 = vector.broadcast %lt3A_645 : i32 to vector<16xi32>
    %lt3A_647 = arith.cmpi slt, %max3A_495, %lt3A_646 : vector<16xi32>
    %add3A_648 = arith.constant 16 : i32
    %add3A_649 = vector.broadcast %add3A_648 : i32 to vector<16xi32>
    %add3A_650 = arith.addi %max3A_495, %add3A_649 : vector<16xi32>
    %select_n3A_651 = arith.select %lt3A_647, %add3A_650, %max3A_495 : vector<16xi1>, vector<16xi32>
    %broadcast_in_dim3A_652 = vector.shape_cast %select_n3A_651 : vector<16xi32> to vector<16x1xi32>
    %gather3A_653 = vector.shape_cast %broadcast_in_dim3A_652 : vector<16x1xi32> to vector<16xi32>
    %gather3A_654 = tpu.dynamic_gather %get3A_642[%gather3A_653] in [0] : vector<16xi32>, vector<16xi32> -> vector<16xi32>
    %eq3A = arith.cmpi eq, %gather3A_654, %get3A_642 : vector<16xi32>
    %and3A = arith.andi %eq3A, %ge3A_499 : vector<16xi1>
    %add3A_655 = arith.constant 1 : i32
    %add3A_656 = vector.broadcast %add3A_655 : i32 to vector<16xi32>
    %add3A_657 = arith.addi %xor3A, %add3A_656 : vector<16xi32>
    %select_n3A_658 = arith.select %and3A, %add3A_657, %xor3A : vector<16xi1>, vector<16xi32>
    %add3A_659 = arith.addi %broadcast_in_dim3A_644, %select_n3A_658 : vector<16xi32>
    %lt3A_660 = arith.constant 0 : i32
    %lt3A_661 = vector.broadcast %lt3A_660 : i32 to vector<16xi32>
    %lt3A_662 = arith.cmpi slt, %max3A_505, %lt3A_661 : vector<16xi32>
    %add3A_663 = arith.constant 16 : i32
    %add3A_664 = vector.broadcast %add3A_663 : i32 to vector<16xi32>
    %add3A_665 = arith.addi %max3A_505, %add3A_664 : vector<16xi32>
    %select_n3A_666 = arith.select %lt3A_662, %add3A_665, %max3A_505 : vector<16xi1>, vector<16xi32>
    %broadcast_in_dim3A_667 = vector.shape_cast %select_n3A_666 : vector<16xi32> to vector<16x1xi32>
    %gather3A_668 = vector.shape_cast %broadcast_in_dim3A_667 : vector<16x1xi32> to vector<16xi32>
    %gather3A_669 = tpu.dynamic_gather %get3A_642[%gather3A_668] in [0] : vector<16xi32>, vector<16xi32> -> vector<16xi32>
    %eq3A_670 = arith.cmpi eq, %gather3A_669, %get3A_642 : vector<16xi32>
    %and3A_671 = arith.andi %eq3A_670, %ge3A_509 : vector<16xi1>
    %add3A_672 = arith.constant 1 : i32
    %add3A_673 = vector.broadcast %add3A_672 : i32 to vector<16xi32>
    %add3A_674 = arith.addi %xor3A, %add3A_673 : vector<16xi32>
    %select_n3A_675 = arith.select %and3A_671, %add3A_674, %xor3A : vector<16xi1>, vector<16xi32>
    %add3A_676 = arith.addi %add3A_659, %select_n3A_675 : vector<16xi32>
    %lt3A_677 = arith.constant 0 : i32
    %lt3A_678 = vector.broadcast %lt3A_677 : i32 to vector<16xi32>
    %lt3A_679 = arith.cmpi slt, %max3A_515, %lt3A_678 : vector<16xi32>
    %add3A_680 = arith.constant 16 : i32
    %add3A_681 = vector.broadcast %add3A_680 : i32 to vector<16xi32>
    %add3A_682 = arith.addi %max3A_515, %add3A_681 : vector<16xi32>
    %select_n3A_683 = arith.select %lt3A_679, %add3A_682, %max3A_515 : vector<16xi1>, vector<16xi32>
    %broadcast_in_dim3A_684 = vector.shape_cast %select_n3A_683 : vector<16xi32> to vector<16x1xi32>
    %gather3A_685 = vector.shape_cast %broadcast_in_dim3A_684 : vector<16x1xi32> to vector<16xi32>
    %gather3A_686 = tpu.dynamic_gather %get3A_642[%gather3A_685] in [0] : vector<16xi32>, vector<16xi32> -> vector<16xi32>
    %eq3A_687 = arith.cmpi eq, %gather3A_686, %get3A_642 : vector<16xi32>
    %and3A_688 = arith.andi %eq3A_687, %ge3A_519 : vector<16xi1>
    %add3A_689 = arith.constant 1 : i32
    %add3A_690 = vector.broadcast %add3A_689 : i32 to vector<16xi32>
    %add3A_691 = arith.addi %xor3A, %add3A_690 : vector<16xi32>
    %select_n3A_692 = arith.select %and3A_688, %add3A_691, %xor3A : vector<16xi1>, vector<16xi32>
    %add3A_693 = arith.addi %add3A_676, %select_n3A_692 : vector<16xi32>
    %lt3A_694 = arith.constant 0 : i32
    %lt3A_695 = vector.broadcast %lt3A_694 : i32 to vector<16xi32>
    %lt3A_696 = arith.cmpi slt, %max3A_525, %lt3A_695 : vector<16xi32>
    %add3A_697 = arith.constant 16 : i32
    %add3A_698 = vector.broadcast %add3A_697 : i32 to vector<16xi32>
    %add3A_699 = arith.addi %max3A_525, %add3A_698 : vector<16xi32>
    %select_n3A_700 = arith.select %lt3A_696, %add3A_699, %max3A_525 : vector<16xi1>, vector<16xi32>
    %broadcast_in_dim3A_701 = vector.shape_cast %select_n3A_700 : vector<16xi32> to vector<16x1xi32>
    %gather3A_702 = vector.shape_cast %broadcast_in_dim3A_701 : vector<16x1xi32> to vector<16xi32>
    %gather3A_703 = tpu.dynamic_gather %get3A_642[%gather3A_702] in [0] : vector<16xi32>, vector<16xi32> -> vector<16xi32>
    %eq3A_704 = arith.cmpi eq, %gather3A_703, %get3A_642 : vector<16xi32>
    %and3A_705 = arith.andi %eq3A_704, %ge3A_529 : vector<16xi1>
    %add3A_706 = arith.constant 1 : i32
    %add3A_707 = vector.broadcast %add3A_706 : i32 to vector<16xi32>
    %add3A_708 = arith.addi %xor3A, %add3A_707 : vector<16xi32>
    %select_n3A_709 = arith.select %and3A_705, %add3A_708, %xor3A : vector<16xi1>, vector<16xi32>
    %add3A_710 = arith.addi %add3A_693, %select_n3A_709 : vector<16xi32>
    %lt3A_711 = arith.constant 0 : i32
    %lt3A_712 = vector.broadcast %lt3A_711 : i32 to vector<16xi32>
    %lt3A_713 = arith.cmpi slt, %max3A_535, %lt3A_712 : vector<16xi32>
    %add3A_714 = arith.constant 16 : i32
    %add3A_715 = vector.broadcast %add3A_714 : i32 to vector<16xi32>
    %add3A_716 = arith.addi %max3A_535, %add3A_715 : vector<16xi32>
    %select_n3A_717 = arith.select %lt3A_713, %add3A_716, %max3A_535 : vector<16xi1>, vector<16xi32>
    %broadcast_in_dim3A_718 = vector.shape_cast %select_n3A_717 : vector<16xi32> to vector<16x1xi32>
    %gather3A_719 = vector.shape_cast %broadcast_in_dim3A_718 : vector<16x1xi32> to vector<16xi32>
    %gather3A_720 = tpu.dynamic_gather %get3A_642[%gather3A_719] in [0] : vector<16xi32>, vector<16xi32> -> vector<16xi32>
    %eq3A_721 = arith.cmpi eq, %gather3A_720, %get3A_642 : vector<16xi32>
    %and3A_722 = arith.andi %eq3A_721, %ge3A_539 : vector<16xi1>
    %add3A_723 = arith.constant 1 : i32
    %add3A_724 = vector.broadcast %add3A_723 : i32 to vector<16xi32>
    %add3A_725 = arith.addi %xor3A, %add3A_724 : vector<16xi32>
    %select_n3A_726 = arith.select %and3A_722, %add3A_725, %xor3A : vector<16xi1>, vector<16xi32>
    %add3A_727 = arith.addi %add3A_710, %select_n3A_726 : vector<16xi32>
    %lt3A_728 = arith.constant 0 : i32
    %lt3A_729 = vector.broadcast %lt3A_728 : i32 to vector<16xi32>
    %lt3A_730 = arith.cmpi slt, %max3A_545, %lt3A_729 : vector<16xi32>
    %add3A_731 = arith.constant 16 : i32
    %add3A_732 = vector.broadcast %add3A_731 : i32 to vector<16xi32>
    %add3A_733 = arith.addi %max3A_545, %add3A_732 : vector<16xi32>
    %select_n3A_734 = arith.select %lt3A_730, %add3A_733, %max3A_545 : vector<16xi1>, vector<16xi32>
    %broadcast_in_dim3A_735 = vector.shape_cast %select_n3A_734 : vector<16xi32> to vector<16x1xi32>
    %gather3A_736 = vector.shape_cast %broadcast_in_dim3A_735 : vector<16x1xi32> to vector<16xi32>
    %gather3A_737 = tpu.dynamic_gather %get3A_642[%gather3A_736] in [0] : vector<16xi32>, vector<16xi32> -> vector<16xi32>
    %eq3A_738 = arith.cmpi eq, %gather3A_737, %get3A_642 : vector<16xi32>
    %and3A_739 = arith.andi %eq3A_738, %ge3A_549 : vector<16xi1>
    %add3A_740 = arith.constant 1 : i32
    %add3A_741 = vector.broadcast %add3A_740 : i32 to vector<16xi32>
    %add3A_742 = arith.addi %xor3A, %add3A_741 : vector<16xi32>
    %select_n3A_743 = arith.select %and3A_739, %add3A_742, %xor3A : vector<16xi1>, vector<16xi32>
    %add3A_744 = arith.addi %add3A_727, %select_n3A_743 : vector<16xi32>
    %lt3A_745 = arith.constant 0 : i32
    %lt3A_746 = vector.broadcast %lt3A_745 : i32 to vector<16xi32>
    %lt3A_747 = arith.cmpi slt, %max3A_555, %lt3A_746 : vector<16xi32>
    %add3A_748 = arith.constant 16 : i32
    %add3A_749 = vector.broadcast %add3A_748 : i32 to vector<16xi32>
    %add3A_750 = arith.addi %max3A_555, %add3A_749 : vector<16xi32>
    %select_n3A_751 = arith.select %lt3A_747, %add3A_750, %max3A_555 : vector<16xi1>, vector<16xi32>
    %broadcast_in_dim3A_752 = vector.shape_cast %select_n3A_751 : vector<16xi32> to vector<16x1xi32>
    %gather3A_753 = vector.shape_cast %broadcast_in_dim3A_752 : vector<16x1xi32> to vector<16xi32>
    %gather3A_754 = tpu.dynamic_gather %get3A_642[%gather3A_753] in [0] : vector<16xi32>, vector<16xi32> -> vector<16xi32>
    %eq3A_755 = arith.cmpi eq, %gather3A_754, %get3A_642 : vector<16xi32>
    %and3A_756 = arith.andi %eq3A_755, %ge3A_559 : vector<16xi1>
    %add3A_757 = arith.constant 1 : i32
    %add3A_758 = vector.broadcast %add3A_757 : i32 to vector<16xi32>
    %add3A_759 = arith.addi %xor3A, %add3A_758 : vector<16xi32>
    %select_n3A_760 = arith.select %and3A_756, %add3A_759, %xor3A : vector<16xi1>, vector<16xi32>
    %add3A_761 = arith.addi %add3A_744, %select_n3A_760 : vector<16xi32>
    %lt3A_762 = arith.constant 0 : i32
    %lt3A_763 = vector.broadcast %lt3A_762 : i32 to vector<16xi32>
    %lt3A_764 = arith.cmpi slt, %max3A_565, %lt3A_763 : vector<16xi32>
    %add3A_765 = arith.constant 16 : i32
    %add3A_766 = vector.broadcast %add3A_765 : i32 to vector<16xi32>
    %add3A_767 = arith.addi %max3A_565, %add3A_766 : vector<16xi32>
    %select_n3A_768 = arith.select %lt3A_764, %add3A_767, %max3A_565 : vector<16xi1>, vector<16xi32>
    %broadcast_in_dim3A_769 = vector.shape_cast %select_n3A_768 : vector<16xi32> to vector<16x1xi32>
    %gather3A_770 = vector.shape_cast %broadcast_in_dim3A_769 : vector<16x1xi32> to vector<16xi32>
    %gather3A_771 = tpu.dynamic_gather %get3A_642[%gather3A_770] in [0] : vector<16xi32>, vector<16xi32> -> vector<16xi32>
    %eq3A_772 = arith.cmpi eq, %gather3A_771, %get3A_642 : vector<16xi32>
    %and3A_773 = arith.andi %eq3A_772, %ge3A_569 : vector<16xi1>
    %add3A_774 = arith.constant 1 : i32
    %add3A_775 = vector.broadcast %add3A_774 : i32 to vector<16xi32>
    %add3A_776 = arith.addi %xor3A, %add3A_775 : vector<16xi32>
    %select_n3A_777 = arith.select %and3A_773, %add3A_776, %xor3A : vector<16xi1>, vector<16xi32>
    %add3A_778 = arith.addi %add3A_761, %select_n3A_777 : vector<16xi32>
    %lt3A_779 = arith.constant 0 : i32
    %lt3A_780 = vector.broadcast %lt3A_779 : i32 to vector<16xi32>
    %lt3A_781 = arith.cmpi slt, %max3A_575, %lt3A_780 : vector<16xi32>
    %add3A_782 = arith.constant 16 : i32
    %add3A_783 = vector.broadcast %add3A_782 : i32 to vector<16xi32>
    %add3A_784 = arith.addi %max3A_575, %add3A_783 : vector<16xi32>
    %select_n3A_785 = arith.select %lt3A_781, %add3A_784, %max3A_575 : vector<16xi1>, vector<16xi32>
    %broadcast_in_dim3A_786 = vector.shape_cast %select_n3A_785 : vector<16xi32> to vector<16x1xi32>
    %gather3A_787 = vector.shape_cast %broadcast_in_dim3A_786 : vector<16x1xi32> to vector<16xi32>
    %gather3A_788 = tpu.dynamic_gather %get3A_642[%gather3A_787] in [0] : vector<16xi32>, vector<16xi32> -> vector<16xi32>
    %eq3A_789 = arith.cmpi eq, %gather3A_788, %get3A_642 : vector<16xi32>
    %and3A_790 = arith.andi %eq3A_789, %ge3A_579 : vector<16xi1>
    %add3A_791 = arith.constant 1 : i32
    %add3A_792 = vector.broadcast %add3A_791 : i32 to vector<16xi32>
    %add3A_793 = arith.addi %xor3A, %add3A_792 : vector<16xi32>
    %select_n3A_794 = arith.select %and3A_790, %add3A_793, %xor3A : vector<16xi1>, vector<16xi32>
    %add3A_795 = arith.addi %add3A_778, %select_n3A_794 : vector<16xi32>
    %lt3A_796 = arith.constant 0 : i32
    %lt3A_797 = vector.broadcast %lt3A_796 : i32 to vector<16xi32>
    %lt3A_798 = arith.cmpi slt, %max3A_585, %lt3A_797 : vector<16xi32>
    %add3A_799 = arith.constant 16 : i32
    %add3A_800 = vector.broadcast %add3A_799 : i32 to vector<16xi32>
    %add3A_801 = arith.addi %max3A_585, %add3A_800 : vector<16xi32>
    %select_n3A_802 = arith.select %lt3A_798, %add3A_801, %max3A_585 : vector<16xi1>, vector<16xi32>
    %broadcast_in_dim3A_803 = vector.shape_cast %select_n3A_802 : vector<16xi32> to vector<16x1xi32>
    %gather3A_804 = vector.shape_cast %broadcast_in_dim3A_803 : vector<16x1xi32> to vector<16xi32>
    %gather3A_805 = tpu.dynamic_gather %get3A_642[%gather3A_804] in [0] : vector<16xi32>, vector<16xi32> -> vector<16xi32>
    %eq3A_806 = arith.cmpi eq, %gather3A_805, %get3A_642 : vector<16xi32>
    %and3A_807 = arith.andi %eq3A_806, %ge3A_589 : vector<16xi1>
    %add3A_808 = arith.constant 1 : i32
    %add3A_809 = vector.broadcast %add3A_808 : i32 to vector<16xi32>
    %add3A_810 = arith.addi %xor3A, %add3A_809 : vector<16xi32>
    %select_n3A_811 = arith.select %and3A_807, %add3A_810, %xor3A : vector<16xi1>, vector<16xi32>
    %add3A_812 = arith.addi %add3A_795, %select_n3A_811 : vector<16xi32>
    %lt3A_813 = arith.constant 0 : i32
    %lt3A_814 = vector.broadcast %lt3A_813 : i32 to vector<16xi32>
    %lt3A_815 = arith.cmpi slt, %max3A_595, %lt3A_814 : vector<16xi32>
    %add3A_816 = arith.constant 16 : i32
    %add3A_817 = vector.broadcast %add3A_816 : i32 to vector<16xi32>
    %add3A_818 = arith.addi %max3A_595, %add3A_817 : vector<16xi32>
    %select_n3A_819 = arith.select %lt3A_815, %add3A_818, %max3A_595 : vector<16xi1>, vector<16xi32>
    %broadcast_in_dim3A_820 = vector.shape_cast %select_n3A_819 : vector<16xi32> to vector<16x1xi32>
    %gather3A_821 = vector.shape_cast %broadcast_in_dim3A_820 : vector<16x1xi32> to vector<16xi32>
    %gather3A_822 = tpu.dynamic_gather %get3A_642[%gather3A_821] in [0] : vector<16xi32>, vector<16xi32> -> vector<16xi32>
    %eq3A_823 = arith.cmpi eq, %gather3A_822, %get3A_642 : vector<16xi32>
    %and3A_824 = arith.andi %eq3A_823, %ge3A_599 : vector<16xi1>
    %add3A_825 = arith.constant 1 : i32
    %add3A_826 = vector.broadcast %add3A_825 : i32 to vector<16xi32>
    %add3A_827 = arith.addi %xor3A, %add3A_826 : vector<16xi32>
    %select_n3A_828 = arith.select %and3A_824, %add3A_827, %xor3A : vector<16xi1>, vector<16xi32>
    %add3A_829 = arith.addi %add3A_812, %select_n3A_828 : vector<16xi32>
    %lt3A_830 = arith.constant 0 : i32
    %lt3A_831 = vector.broadcast %lt3A_830 : i32 to vector<16xi32>
    %lt3A_832 = arith.cmpi slt, %max3A_605, %lt3A_831 : vector<16xi32>
    %add3A_833 = arith.constant 16 : i32
    %add3A_834 = vector.broadcast %add3A_833 : i32 to vector<16xi32>
    %add3A_835 = arith.addi %max3A_605, %add3A_834 : vector<16xi32>
    %select_n3A_836 = arith.select %lt3A_832, %add3A_835, %max3A_605 : vector<16xi1>, vector<16xi32>
    %broadcast_in_dim3A_837 = vector.shape_cast %select_n3A_836 : vector<16xi32> to vector<16x1xi32>
    %gather3A_838 = vector.shape_cast %broadcast_in_dim3A_837 : vector<16x1xi32> to vector<16xi32>
    %gather3A_839 = tpu.dynamic_gather %get3A_642[%gather3A_838] in [0] : vector<16xi32>, vector<16xi32> -> vector<16xi32>
    %eq3A_840 = arith.cmpi eq, %gather3A_839, %get3A_642 : vector<16xi32>
    %and3A_841 = arith.andi %eq3A_840, %ge3A_609 : vector<16xi1>
    %add3A_842 = arith.constant 1 : i32
    %add3A_843 = vector.broadcast %add3A_842 : i32 to vector<16xi32>
    %add3A_844 = arith.addi %xor3A, %add3A_843 : vector<16xi32>
    %select_n3A_845 = arith.select %and3A_841, %add3A_844, %xor3A : vector<16xi1>, vector<16xi32>
    %add3A_846 = arith.addi %add3A_829, %select_n3A_845 : vector<16xi32>
    %lt3A_847 = arith.constant 0 : i32
    %lt3A_848 = vector.broadcast %lt3A_847 : i32 to vector<16xi32>
    %lt3A_849 = arith.cmpi slt, %max3A_615, %lt3A_848 : vector<16xi32>
    %add3A_850 = arith.constant 16 : i32
    %add3A_851 = vector.broadcast %add3A_850 : i32 to vector<16xi32>
    %add3A_852 = arith.addi %max3A_615, %add3A_851 : vector<16xi32>
    %select_n3A_853 = arith.select %lt3A_849, %add3A_852, %max3A_615 : vector<16xi1>, vector<16xi32>
    %broadcast_in_dim3A_854 = vector.shape_cast %select_n3A_853 : vector<16xi32> to vector<16x1xi32>
    %gather3A_855 = vector.shape_cast %broadcast_in_dim3A_854 : vector<16x1xi32> to vector<16xi32>
    %gather3A_856 = tpu.dynamic_gather %get3A_642[%gather3A_855] in [0] : vector<16xi32>, vector<16xi32> -> vector<16xi32>
    %eq3A_857 = arith.cmpi eq, %gather3A_856, %get3A_642 : vector<16xi32>
    %and3A_858 = arith.andi %eq3A_857, %ge3A_619 : vector<16xi1>
    %add3A_859 = arith.constant 1 : i32
    %add3A_860 = vector.broadcast %add3A_859 : i32 to vector<16xi32>
    %add3A_861 = arith.addi %xor3A, %add3A_860 : vector<16xi32>
    %select_n3A_862 = arith.select %and3A_858, %add3A_861, %xor3A : vector<16xi1>, vector<16xi32>
    %add3A_863 = arith.addi %add3A_846, %select_n3A_862 : vector<16xi32>
    %lt3A_864 = arith.constant 0 : i32
    %lt3A_865 = vector.broadcast %lt3A_864 : i32 to vector<16xi32>
    %lt3A_866 = arith.cmpi slt, %max3A_625, %lt3A_865 : vector<16xi32>
    %add3A_867 = arith.constant 16 : i32
    %add3A_868 = vector.broadcast %add3A_867 : i32 to vector<16xi32>
    %add3A_869 = arith.addi %max3A_625, %add3A_868 : vector<16xi32>
    %select_n3A_870 = arith.select %lt3A_866, %add3A_869, %max3A_625 : vector<16xi1>, vector<16xi32>
    %broadcast_in_dim3A_871 = vector.shape_cast %select_n3A_870 : vector<16xi32> to vector<16x1xi32>
    %gather3A_872 = vector.shape_cast %broadcast_in_dim3A_871 : vector<16x1xi32> to vector<16xi32>
    %gather3A_873 = tpu.dynamic_gather %get3A_642[%gather3A_872] in [0] : vector<16xi32>, vector<16xi32> -> vector<16xi32>
    %eq3A_874 = arith.cmpi eq, %gather3A_873, %get3A_642 : vector<16xi32>
    %and3A_875 = arith.andi %eq3A_874, %ge3A_629 : vector<16xi1>
    %add3A_876 = arith.constant 1 : i32
    %add3A_877 = vector.broadcast %add3A_876 : i32 to vector<16xi32>
    %add3A_878 = arith.addi %xor3A, %add3A_877 : vector<16xi32>
    %select_n3A_879 = arith.select %and3A_875, %add3A_878, %xor3A : vector<16xi1>, vector<16xi32>
    %add3A_880 = arith.addi %add3A_863, %select_n3A_879 : vector<16xi32>
    %lt3A_881 = arith.constant 0 : i32
    %lt3A_882 = vector.broadcast %lt3A_881 : i32 to vector<16xi32>
    %lt3A_883 = arith.cmpi slt, %max3A_635, %lt3A_882 : vector<16xi32>
    %add3A_884 = arith.constant 16 : i32
    %add3A_885 = vector.broadcast %add3A_884 : i32 to vector<16xi32>
    %add3A_886 = arith.addi %max3A_635, %add3A_885 : vector<16xi32>
    %select_n3A_887 = arith.select %lt3A_883, %add3A_886, %max3A_635 : vector<16xi1>, vector<16xi32>
    %broadcast_in_dim3A_888 = vector.shape_cast %select_n3A_887 : vector<16xi32> to vector<16x1xi32>
    %gather3A_889 = vector.shape_cast %broadcast_in_dim3A_888 : vector<16x1xi32> to vector<16xi32>
    %gather3A_890 = tpu.dynamic_gather %get3A_642[%gather3A_889] in [0] : vector<16xi32>, vector<16xi32> -> vector<16xi32>
    %eq3A_891 = arith.cmpi eq, %gather3A_890, %get3A_642 : vector<16xi32>
    %and3A_892 = arith.andi %eq3A_891, %ge3A_639 : vector<16xi1>
    %add3A_893 = arith.constant 1 : i32
    %add3A_894 = vector.broadcast %add3A_893 : i32 to vector<16xi32>
    %add3A_895 = arith.addi %xor3A, %add3A_894 : vector<16xi32>
    %select_n3A_896 = arith.select %and3A_892, %add3A_895, %xor3A : vector<16xi1>, vector<16xi32>
    %add3A_897 = arith.addi %add3A_880, %select_n3A_896 : vector<16xi32>
    %lt3A_898 = arith.constant 0 : i32
    %lt3A_899 = vector.broadcast %lt3A_898 : i32 to vector<16xi32>
    %lt3A_900 = arith.cmpi slt, %get3A_642, %lt3A_899 : vector<16xi32>
    %add3A_901 = arith.constant 16 : i32
    %add3A_902 = vector.broadcast %add3A_901 : i32 to vector<16xi32>
    %add3A_903 = arith.addi %get3A_642, %add3A_902 : vector<16xi32>
    %select_n3A_904 = arith.select %lt3A_900, %add3A_903, %get3A_642 : vector<16xi1>, vector<16xi32>
    %broadcast_in_dim3A_905 = vector.shape_cast %select_n3A_904 : vector<16xi32> to vector<16x1xi32>
    %gather3A_906 = vector.shape_cast %broadcast_in_dim3A_905 : vector<16x1xi32> to vector<16xi32>
    %gather3A_907 = tpu.dynamic_gather %add3A_489[%gather3A_906] in [0] : vector<16xi32>, vector<16xi32> -> vector<16xi32>
    %add3A_908 = arith.addi %gather3A_907, %add3A_897 : vector<16xi32>
    %swap3A = arith.constant 0 : index
    %swap3A_909 = tpu.vector_load %arg10[%swap3A] {strides = array<i32>} : memref<128xi32, #tpu.memory_space<vmem>>, vector<16xi32>,
    %swap3A_910 = vector.shape_cast %swap3A_909 : vector<16xi32> to vector<16xi32>
    %swap3A_911 = vector.shape_cast %add3A_908 : vector<16xi32> to vector<16xi32>
    tpu.vector_store %arg10[%swap3A], %swap3A_911 {strides = array<i32>} : memref<128xi32, #tpu.memory_space<vmem>>, vector<16xi32>,
    %get3A_912 = arith.constant 0 : index
    %get3A_913 = tpu.vector_load %arg9[%get3A_912] {strides = array<i32>} : memref<128xi32, #tpu.memory_space<vmem>>, vector<16xi32>,
    %get3A_914 = vector.shape_cast %get3A_913 : vector<16xi32> to vector<16xi32>
    %add3A_915 = arith.addi %add3A_489, %get3A_914 : vector<16xi32>
    %get3A_916 = arith.constant 16 : index
    %get3A_917 = tpu.vector_load %arg7[%get3A_916] {strides = array<i32>} : memref<128xi32, #tpu.memory_space<vmem>>, vector<16xi32>,
    %get3A_918 = vector.shape_cast %get3A_917 : vector<16xi32> to vector<16xi32>
    %broadcast_in_dim3A_919 = arith.constant 0 : i32
    %broadcast_in_dim3A_920 = vector.broadcast %broadcast_in_dim3A_919 : i32 to vector<16xi32>
    %lt3A_921 = arith.constant 0 : i32
    %lt3A_922 = vector.broadcast %lt3A_921 : i32 to vector<16xi32>
    %lt3A_923 = arith.cmpi slt, %max3A_495, %lt3A_922 : vector<16xi32>
    %add3A_924 = arith.constant 16 : i32
    %add3A_925 = vector.broadcast %add3A_924 : i32 to vector<16xi32>
    %add3A_926 = arith.addi %max3A_495, %add3A_925 : vector<16xi32>
    %select_n3A_927 = arith.select %lt3A_923, %add3A_926, %max3A_495 : vector<16xi1>, vector<16xi32>
    %broadcast_in_dim3A_928 = vector.shape_cast %select_n3A_927 : vector<16xi32> to vector<16x1xi32>
    %gather3A_929 = vector.shape_cast %broadcast_in_dim3A_928 : vector<16x1xi32> to vector<16xi32>
    %gather3A_930 = tpu.dynamic_gather %get3A_918[%gather3A_929] in [0] : vector<16xi32>, vector<16xi32> -> vector<16xi32>
    %eq3A_931 = arith.cmpi eq, %gather3A_930, %get3A_918 : vector<16xi32>
    %and3A_932 = arith.andi %eq3A_931, %ge3A_499 : vector<16xi1>
    %add3A_933 = arith.constant 1 : i32
    %add3A_934 = vector.broadcast %add3A_933 : i32 to vector<16xi32>
    %add3A_935 = arith.addi %xor3A, %add3A_934 : vector<16xi32>
    %select_n3A_936 = arith.select %and3A_932, %add3A_935, %xor3A : vector<16xi1>, vector<16xi32>
    %add3A_937 = arith.addi %broadcast_in_dim3A_920, %select_n3A_936 : vector<16xi32>
    %lt3A_938 = arith.constant 0 : i32
    %lt3A_939 = vector.broadcast %lt3A_938 : i32 to vector<16xi32>
    %lt3A_940 = arith.cmpi slt, %max3A_505, %lt3A_939 : vector<16xi32>
    %add3A_941 = arith.constant 16 : i32
    %add3A_942 = vector.broadcast %add3A_941 : i32 to vector<16xi32>
    %add3A_943 = arith.addi %max3A_505, %add3A_942 : vector<16xi32>
    %select_n3A_944 = arith.select %lt3A_940, %add3A_943, %max3A_505 : vector<16xi1>, vector<16xi32>
    %broadcast_in_dim3A_945 = vector.shape_cast %select_n3A_944 : vector<16xi32> to vector<16x1xi32>
    %gather3A_946 = vector.shape_cast %broadcast_in_dim3A_945 : vector<16x1xi32> to vector<16xi32>
    %gather3A_947 = tpu.dynamic_gather %get3A_918[%gather3A_946] in [0] : vector<16xi32>, vector<16xi32> -> vector<16xi32>
    %eq3A_948 = arith.cmpi eq, %gather3A_947, %get3A_918 : vector<16xi32>
    %and3A_949 = arith.andi %eq3A_948, %ge3A_509 : vector<16xi1>
    %add3A_950 = arith.constant 1 : i32
    %add3A_951 = vector.broadcast %add3A_950 : i32 to vector<16xi32>
    %add3A_952 = arith.addi %xor3A, %add3A_951 : vector<16xi32>
    %select_n3A_953 = arith.select %and3A_949, %add3A_952, %xor3A : vector<16xi1>, vector<16xi32>
    %add3A_954 = arith.addi %add3A_937, %select_n3A_953 : vector<16xi32>
    %lt3A_955 = arith.constant 0 : i32
    %lt3A_956 = vector.broadcast %lt3A_955 : i32 to vector<16xi32>
    %lt3A_957 = arith.cmpi slt, %max3A_515, %lt3A_956 : vector<16xi32>
    %add3A_958 = arith.constant 16 : i32
    %add3A_959 = vector.broadcast %add3A_958 : i32 to vector<16xi32>
    %add3A_960 = arith.addi %max3A_515, %add3A_959 : vector<16xi32>
    %select_n3A_961 = arith.select %lt3A_957, %add3A_960, %max3A_515 : vector<16xi1>, vector<16xi32>
    %broadcast_in_dim3A_962 = vector.shape_cast %select_n3A_961 : vector<16xi32> to vector<16x1xi32>
    %gather3A_963 = vector.shape_cast %broadcast_in_dim3A_962 : vector<16x1xi32> to vector<16xi32>
    %gather3A_964 = tpu.dynamic_gather %get3A_918[%gather3A_963] in [0] : vector<16xi32>, vector<16xi32> -> vector<16xi32>
    %eq3A_965 = arith.cmpi eq, %gather3A_964, %get3A_918 : vector<16xi32>
    %and3A_966 = arith.andi %eq3A_965, %ge3A_519 : vector<16xi1>
    %add3A_967 = arith.constant 1 : i32
    %add3A_968 = vector.broadcast %add3A_967 : i32 to vector<16xi32>
    %add3A_969 = arith.addi %xor3A, %add3A_968 : vector<16xi32>
    %select_n3A_970 = arith.select %and3A_966, %add3A_969, %xor3A : vector<16xi1>, vector<16xi32>
    %add3A_971 = arith.addi %add3A_954, %select_n3A_970 : vector<16xi32>
    %lt3A_972 = arith.constant 0 : i32
    %lt3A_973 = vector.broadcast %lt3A_972 : i32 to vector<16xi32>
    %lt3A_974 = arith.cmpi slt, %max3A_525, %lt3A_973 : vector<16xi32>
    %add3A_975 = arith.constant 16 : i32
    %add3A_976 = vector.broadcast %add3A_975 : i32 to vector<16xi32>
    %add3A_977 = arith.addi %max3A_525, %add3A_976 : vector<16xi32>
    %select_n3A_978 = arith.select %lt3A_974, %add3A_977, %max3A_525 : vector<16xi1>, vector<16xi32>
    %broadcast_in_dim3A_979 = vector.shape_cast %select_n3A_978 : vector<16xi32> to vector<16x1xi32>
    %gather3A_980 = vector.shape_cast %broadcast_in_dim3A_979 : vector<16x1xi32> to vector<16xi32>
    %gather3A_981 = tpu.dynamic_gather %get3A_918[%gather3A_980] in [0] : vector<16xi32>, vector<16xi32> -> vector<16xi32>
    %eq3A_982 = arith.cmpi eq, %gather3A_981, %get3A_918 : vector<16xi32>
    %and3A_983 = arith.andi %eq3A_982, %ge3A_529 : vector<16xi1>
    %add3A_984 = arith.constant 1 : i32
    %add3A_985 = vector.broadcast %add3A_984 : i32 to vector<16xi32>
    %add3A_986 = arith.addi %xor3A, %add3A_985 : vector<16xi32>
    %select_n3A_987 = arith.select %and3A_983, %add3A_986, %xor3A : vector<16xi1>, vector<16xi32>
    %add3A_988 = arith.addi %add3A_971, %select_n3A_987 : vector<16xi32>
    %lt3A_989 = arith.constant 0 : i32
    %lt3A_990 = vector.broadcast %lt3A_989 : i32 to vector<16xi32>
    %lt3A_991 = arith.cmpi slt, %max3A_535, %lt3A_990 : vector<16xi32>
    %add3A_992 = arith.constant 16 : i32
    %add3A_993 = vector.broadcast %add3A_992 : i32 to vector<16xi32>
    %add3A_994 = arith.addi %max3A_535, %add3A_993 : vector<16xi32>
    %select_n3A_995 = arith.select %lt3A_991, %add3A_994, %max3A_535 : vector<16xi1>, vector<16xi32>
    %broadcast_in_dim3A_996 = vector.shape_cast %select_n3A_995 : vector<16xi32> to vector<16x1xi32>
    %gather3A_997 = vector.shape_cast %broadcast_in_dim3A_996 : vector<16x1xi32> to vector<16xi32>
    %gather3A_998 = tpu.dynamic_gather %get3A_918[%gather3A_997] in [0] : vector<16xi32>, vector<16xi32> -> vector<16xi32>
    %eq3A_999 = arith.cmpi eq, %gather3A_998, %get3A_918 : vector<16xi32>
    %and3A_1000 = arith.andi %eq3A_999, %ge3A_539 : vector<16xi1>
    %add3A_1001 = arith.constant 1 : i32
    %add3A_1002 = vector.broadcast %add3A_1001 : i32 to vector<16xi32>
    %add3A_1003 = arith.addi %xor3A, %add3A_1002 : vector<16xi32>
    %select_n3A_1004 = arith.select %and3A_1000, %add3A_1003, %xor3A : vector<16xi1>, vector<16xi32>
    %add3A_1005 = arith.addi %add3A_988, %select_n3A_1004 : vector<16xi32>
    %lt3A_1006 = arith.constant 0 : i32
    %lt3A_1007 = vector.broadcast %lt3A_1006 : i32 to vector<16xi32>
    %lt3A_1008 = arith.cmpi slt, %max3A_545, %lt3A_1007 : vector<16xi32>
    %add3A_1009 = arith.constant 16 : i32
    %add3A_1010 = vector.broadcast %add3A_1009 : i32 to vector<16xi32>
    %add3A_1011 = arith.addi %max3A_545, %add3A_1010 : vector<16xi32>
    %select_n3A_1012 = arith.select %lt3A_1008, %add3A_1011, %max3A_545 : vector<16xi1>, vector<16xi32>
    %broadcast_in_dim3A_1013 = vector.shape_cast %select_n3A_1012 : vector<16xi32> to vector<16x1xi32>
    %gather3A_1014 = vector.shape_cast %broadcast_in_dim3A_1013 : vector<16x1xi32> to vector<16xi32>
    %gather3A_1015 = tpu.dynamic_gather %get3A_918[%gather3A_1014] in [0] : vector<16xi32>, vector<16xi32> -> vector<16xi32>
    %eq3A_1016 = arith.cmpi eq, %gather3A_1015, %get3A_918 : vector<16xi32>
    %and3A_1017 = arith.andi %eq3A_1016, %ge3A_549 : vector<16xi1>
    %add3A_1018 = arith.constant 1 : i32
    %add3A_1019 = vector.broadcast %add3A_1018 : i32 to vector<16xi32>
    %add3A_1020 = arith.addi %xor3A, %add3A_1019 : vector<16xi32>
    %select_n3A_1021 = arith.select %and3A_1017, %add3A_1020, %xor3A : vector<16xi1>, vector<16xi32>
    %add3A_1022 = arith.addi %add3A_1005, %select_n3A_1021 : vector<16xi32>
    %lt3A_1023 = arith.constant 0 : i32
    %lt3A_1024 = vector.broadcast %lt3A_1023 : i32 to vector<16xi32>
    %lt3A_1025 = arith.cmpi slt, %max3A_555, %lt3A_1024 : vector<16xi32>
    %add3A_1026 = arith.constant 16 : i32
    %add3A_1027 = vector.broadcast %add3A_1026 : i32 to vector<16xi32>
    %add3A_1028 = arith.addi %max3A_555, %add3A_1027 : vector<16xi32>
    %select_n3A_1029 = arith.select %lt3A_1025, %add3A_1028, %max3A_555 : vector<16xi1>, vector<16xi32>
    %broadcast_in_dim3A_1030 = vector.shape_cast %select_n3A_1029 : vector<16xi32> to vector<16x1xi32>
    %gather3A_1031 = vector.shape_cast %broadcast_in_dim3A_1030 : vector<16x1xi32> to vector<16xi32>
    %gather3A_1032 = tpu.dynamic_gather %get3A_918[%gather3A_1031] in [0] : vector<16xi32>, vector<16xi32> -> vector<16xi32>
    %eq3A_1033 = arith.cmpi eq, %gather3A_1032, %get3A_918 : vector<16xi32>
    %and3A_1034 = arith.andi %eq3A_1033, %ge3A_559 : vector<16xi1>
    %add3A_1035 = arith.constant 1 : i32
    %add3A_1036 = vector.broadcast %add3A_1035 : i32 to vector<16xi32>
    %add3A_1037 = arith.addi %xor3A, %add3A_1036 : vector<16xi32>
    %select_n3A_1038 = arith.select %and3A_1034, %add3A_1037, %xor3A : vector<16xi1>, vector<16xi32>
    %add3A_1039 = arith.addi %add3A_1022, %select_n3A_1038 : vector<16xi32>
    %lt3A_1040 = arith.constant 0 : i32
    %lt3A_1041 = vector.broadcast %lt3A_1040 : i32 to vector<16xi32>
    %lt3A_1042 = arith.cmpi slt, %max3A_565, %lt3A_1041 : vector<16xi32>
    %add3A_1043 = arith.constant 16 : i32
    %add3A_1044 = vector.broadcast %add3A_1043 : i32 to vector<16xi32>
    %add3A_1045 = arith.addi %max3A_565, %add3A_1044 : vector<16xi32>
    %select_n3A_1046 = arith.select %lt3A_1042, %add3A_1045, %max3A_565 : vector<16xi1>, vector<16xi32>
    %broadcast_in_dim3A_1047 = vector.shape_cast %select_n3A_1046 : vector<16xi32> to vector<16x1xi32>
    %gather3A_1048 = vector.shape_cast %broadcast_in_dim3A_1047 : vector<16x1xi32> to vector<16xi32>
    %gather3A_1049 = tpu.dynamic_gather %get3A_918[%gather3A_1048] in [0] : vector<16xi32>, vector<16xi32> -> vector<16xi32>
    %eq3A_1050 = arith.cmpi eq, %gather3A_1049, %get3A_918 : vector<16xi32>
    %and3A_1051 = arith.andi %eq3A_1050, %ge3A_569 : vector<16xi1>
    %add3A_1052 = arith.constant 1 : i32
    %add3A_1053 = vector.broadcast %add3A_1052 : i32 to vector<16xi32>
    %add3A_1054 = arith.addi %xor3A, %add3A_1053 : vector<16xi32>
    %select_n3A_1055 = arith.select %and3A_1051, %add3A_1054, %xor3A : vector<16xi1>, vector<16xi32>
    %add3A_1056 = arith.addi %add3A_1039, %select_n3A_1055 : vector<16xi32>
    %lt3A_1057 = arith.constant 0 : i32
    %lt3A_1058 = vector.broadcast %lt3A_1057 : i32 to vector<16xi32>
    %lt3A_1059 = arith.cmpi slt, %max3A_575, %lt3A_1058 : vector<16xi32>
    %add3A_1060 = arith.constant 16 : i32
    %add3A_1061 = vector.broadcast %add3A_1060 : i32 to vector<16xi32>
    %add3A_1062 = arith.addi %max3A_575, %add3A_1061 : vector<16xi32>
    %select_n3A_1063 = arith.select %lt3A_1059, %add3A_1062, %max3A_575 : vector<16xi1>, vector<16xi32>
    %broadcast_in_dim3A_1064 = vector.shape_cast %select_n3A_1063 : vector<16xi32> to vector<16x1xi32>
    %gather3A_1065 = vector.shape_cast %broadcast_in_dim3A_1064 : vector<16x1xi32> to vector<16xi32>
    %gather3A_1066 = tpu.dynamic_gather %get3A_918[%gather3A_1065] in [0] : vector<16xi32>, vector<16xi32> -> vector<16xi32>
    %eq3A_1067 = arith.cmpi eq, %gather3A_1066, %get3A_918 : vector<16xi32>
    %and3A_1068 = arith.andi %eq3A_1067, %ge3A_579 : vector<16xi1>
    %add3A_1069 = arith.constant 1 : i32
    %add3A_1070 = vector.broadcast %add3A_1069 : i32 to vector<16xi32>
    %add3A_1071 = arith.addi %xor3A, %add3A_1070 : vector<16xi32>
    %select_n3A_1072 = arith.select %and3A_1068, %add3A_1071, %xor3A : vector<16xi1>, vector<16xi32>
    %add3A_1073 = arith.addi %add3A_1056, %select_n3A_1072 : vector<16xi32>
    %lt3A_1074 = arith.constant 0 : i32
    %lt3A_1075 = vector.broadcast %lt3A_1074 : i32 to vector<16xi32>
    %lt3A_1076 = arith.cmpi slt, %max3A_585, %lt3A_1075 : vector<16xi32>
    %add3A_1077 = arith.constant 16 : i32
    %add3A_1078 = vector.broadcast %add3A_1077 : i32 to vector<16xi32>
    %add3A_1079 = arith.addi %max3A_585, %add3A_1078 : vector<16xi32>
    %select_n3A_1080 = arith.select %lt3A_1076, %add3A_1079, %max3A_585 : vector<16xi1>, vector<16xi32>
    %broadcast_in_dim3A_1081 = vector.shape_cast %select_n3A_1080 : vector<16xi32> to vector<16x1xi32>
    %gather3A_1082 = vector.shape_cast %broadcast_in_dim3A_1081 : vector<16x1xi32> to vector<16xi32>
    %gather3A_1083 = tpu.dynamic_gather %get3A_918[%gather3A_1082] in [0] : vector<16xi32>, vector<16xi32> -> vector<16xi32>
    %eq3A_1084 = arith.cmpi eq, %gather3A_1083, %get3A_918 : vector<16xi32>
    %and3A_1085 = arith.andi %eq3A_1084, %ge3A_589 : vector<16xi1>
    %add3A_1086 = arith.constant 1 : i32
    %add3A_1087 = vector.broadcast %add3A_1086 : i32 to vector<16xi32>
    %add3A_1088 = arith.addi %xor3A, %add3A_1087 : vector<16xi32>
    %select_n3A_1089 = arith.select %and3A_1085, %add3A_1088, %xor3A : vector<16xi1>, vector<16xi32>
    %add3A_1090 = arith.addi %add3A_1073, %select_n3A_1089 : vector<16xi32>
    %lt3A_1091 = arith.constant 0 : i32
    %lt3A_1092 = vector.broadcast %lt3A_1091 : i32 to vector<16xi32>
    %lt3A_1093 = arith.cmpi slt, %max3A_595, %lt3A_1092 : vector<16xi32>
    %add3A_1094 = arith.constant 16 : i32
    %add3A_1095 = vector.broadcast %add3A_1094 : i32 to vector<16xi32>
    %add3A_1096 = arith.addi %max3A_595, %add3A_1095 : vector<16xi32>
    %select_n3A_1097 = arith.select %lt3A_1093, %add3A_1096, %max3A_595 : vector<16xi1>, vector<16xi32>
    %broadcast_in_dim3A_1098 = vector.shape_cast %select_n3A_1097 : vector<16xi32> to vector<16x1xi32>
    %gather3A_1099 = vector.shape_cast %broadcast_in_dim3A_1098 : vector<16x1xi32> to vector<16xi32>
    %gather3A_1100 = tpu.dynamic_gather %get3A_918[%gather3A_1099] in [0] : vector<16xi32>, vector<16xi32> -> vector<16xi32>
    %eq3A_1101 = arith.cmpi eq, %gather3A_1100, %get3A_918 : vector<16xi32>
    %and3A_1102 = arith.andi %eq3A_1101, %ge3A_599 : vector<16xi1>
    %add3A_1103 = arith.constant 1 : i32
    %add3A_1104 = vector.broadcast %add3A_1103 : i32 to vector<16xi32>
    %add3A_1105 = arith.addi %xor3A, %add3A_1104 : vector<16xi32>
    %select_n3A_1106 = arith.select %and3A_1102, %add3A_1105, %xor3A : vector<16xi1>, vector<16xi32>
    %add3A_1107 = arith.addi %add3A_1090, %select_n3A_1106 : vector<16xi32>
    %lt3A_1108 = arith.constant 0 : i32
    %lt3A_1109 = vector.broadcast %lt3A_1108 : i32 to vector<16xi32>
    %lt3A_1110 = arith.cmpi slt, %max3A_605, %lt3A_1109 : vector<16xi32>
    %add3A_1111 = arith.constant 16 : i32
    %add3A_1112 = vector.broadcast %add3A_1111 : i32 to vector<16xi32>
    %add3A_1113 = arith.addi %max3A_605, %add3A_1112 : vector<16xi32>
    %select_n3A_1114 = arith.select %lt3A_1110, %add3A_1113, %max3A_605 : vector<16xi1>, vector<16xi32>
    %broadcast_in_dim3A_1115 = vector.shape_cast %select_n3A_1114 : vector<16xi32> to vector<16x1xi32>
    %gather3A_1116 = vector.shape_cast %broadcast_in_dim3A_1115 : vector<16x1xi32> to vector<16xi32>
    %gather3A_1117 = tpu.dynamic_gather %get3A_918[%gather3A_1116] in [0] : vector<16xi32>, vector<16xi32> -> vector<16xi32>
    %eq3A_1118 = arith.cmpi eq, %gather3A_1117, %get3A_918 : vector<16xi32>
    %and3A_1119 = arith.andi %eq3A_1118, %ge3A_609 : vector<16xi1>
    %add3A_1120 = arith.constant 1 : i32
    %add3A_1121 = vector.broadcast %add3A_1120 : i32 to vector<16xi32>
    %add3A_1122 = arith.addi %xor3A, %add3A_1121 : vector<16xi32>
    %select_n3A_1123 = arith.select %and3A_1119, %add3A_1122, %xor3A : vector<16xi1>, vector<16xi32>
    %add3A_1124 = arith.addi %add3A_1107, %select_n3A_1123 : vector<16xi32>
    %lt3A_1125 = arith.constant 0 : i32
    %lt3A_1126 = vector.broadcast %lt3A_1125 : i32 to vector<16xi32>
    %lt3A_1127 = arith.cmpi slt, %max3A_615, %lt3A_1126 : vector<16xi32>
    %add3A_1128 = arith.constant 16 : i32
    %add3A_1129 = vector.broadcast %add3A_1128 : i32 to vector<16xi32>
    %add3A_1130 = arith.addi %max3A_615, %add3A_1129 : vector<16xi32>
    %select_n3A_1131 = arith.select %lt3A_1127, %add3A_1130, %max3A_615 : vector<16xi1>, vector<16xi32>
    %broadcast_in_dim3A_1132 = vector.shape_cast %select_n3A_1131 : vector<16xi32> to vector<16x1xi32>
    %gather3A_1133 = vector.shape_cast %broadcast_in_dim3A_1132 : vector<16x1xi32> to vector<16xi32>
    %gather3A_1134 = tpu.dynamic_gather %get3A_918[%gather3A_1133] in [0] : vector<16xi32>, vector<16xi32> -> vector<16xi32>
    %eq3A_1135 = arith.cmpi eq, %gather3A_1134, %get3A_918 : vector<16xi32>
    %and3A_1136 = arith.andi %eq3A_1135, %ge3A_619 : vector<16xi1>
    %add3A_1137 = arith.constant 1 : i32
    %add3A_1138 = vector.broadcast %add3A_1137 : i32 to vector<16xi32>
    %add3A_1139 = arith.addi %xor3A, %add3A_1138 : vector<16xi32>
    %select_n3A_1140 = arith.select %and3A_1136, %add3A_1139, %xor3A : vector<16xi1>, vector<16xi32>
    %add3A_1141 = arith.addi %add3A_1124, %select_n3A_1140 : vector<16xi32>
    %lt3A_1142 = arith.constant 0 : i32
    %lt3A_1143 = vector.broadcast %lt3A_1142 : i32 to vector<16xi32>
    %lt3A_1144 = arith.cmpi slt, %max3A_625, %lt3A_1143 : vector<16xi32>
    %add3A_1145 = arith.constant 16 : i32
    %add3A_1146 = vector.broadcast %add3A_1145 : i32 to vector<16xi32>
    %add3A_1147 = arith.addi %max3A_625, %add3A_1146 : vector<16xi32>
    %select_n3A_1148 = arith.select %lt3A_1144, %add3A_1147, %max3A_625 : vector<16xi1>, vector<16xi32>
    %broadcast_in_dim3A_1149 = vector.shape_cast %select_n3A_1148 : vector<16xi32> to vector<16x1xi32>
    %gather3A_1150 = vector.shape_cast %broadcast_in_dim3A_1149 : vector<16x1xi32> to vector<16xi32>
    %gather3A_1151 = tpu.dynamic_gather %get3A_918[%gather3A_1150] in [0] : vector<16xi32>, vector<16xi32> -> vector<16xi32>
    %eq3A_1152 = arith.cmpi eq, %gather3A_1151, %get3A_918 : vector<16xi32>
    %and3A_1153 = arith.andi %eq3A_1152, %ge3A_629 : vector<16xi1>
    %add3A_1154 = arith.constant 1 : i32
    %add3A_1155 = vector.broadcast %add3A_1154 : i32 to vector<16xi32>
    %add3A_1156 = arith.addi %xor3A, %add3A_1155 : vector<16xi32>
    %select_n3A_1157 = arith.select %and3A_1153, %add3A_1156, %xor3A : vector<16xi1>, vector<16xi32>
    %add3A_1158 = arith.addi %add3A_1141, %select_n3A_1157 : vector<16xi32>
    %lt3A_1159 = arith.constant 0 : i32
    %lt3A_1160 = vector.broadcast %lt3A_1159 : i32 to vector<16xi32>
    %lt3A_1161 = arith.cmpi slt, %max3A_635, %lt3A_1160 : vector<16xi32>
    %add3A_1162 = arith.constant 16 : i32
    %add3A_1163 = vector.broadcast %add3A_1162 : i32 to vector<16xi32>
    %add3A_1164 = arith.addi %max3A_635, %add3A_1163 : vector<16xi32>
    %select_n3A_1165 = arith.select %lt3A_1161, %add3A_1164, %max3A_635 : vector<16xi1>, vector<16xi32>
    %broadcast_in_dim3A_1166 = vector.shape_cast %select_n3A_1165 : vector<16xi32> to vector<16x1xi32>
    %gather3A_1167 = vector.shape_cast %broadcast_in_dim3A_1166 : vector<16x1xi32> to vector<16xi32>
    %gather3A_1168 = tpu.dynamic_gather %get3A_918[%gather3A_1167] in [0] : vector<16xi32>, vector<16xi32> -> vector<16xi32>
    %eq3A_1169 = arith.cmpi eq, %gather3A_1168, %get3A_918 : vector<16xi32>
    %and3A_1170 = arith.andi %eq3A_1169, %ge3A_639 : vector<16xi1>
    %add3A_1171 = arith.constant 1 : i32
    %add3A_1172 = vector.broadcast %add3A_1171 : i32 to vector<16xi32>
    %add3A_1173 = arith.addi %xor3A, %add3A_1172 : vector<16xi32>
    %select_n3A_1174 = arith.select %and3A_1170, %add3A_1173, %xor3A : vector<16xi1>, vector<16xi32>
    %add3A_1175 = arith.addi %add3A_1158, %select_n3A_1174 : vector<16xi32>
    %lt3A_1176 = arith.constant 0 : i32
    %lt3A_1177 = vector.broadcast %lt3A_1176 : i32 to vector<16xi32>
    %lt3A_1178 = arith.cmpi slt, %get3A_918, %lt3A_1177 : vector<16xi32>
    %add3A_1179 = arith.constant 16 : i32
    %add3A_1180 = vector.broadcast %add3A_1179 : i32 to vector<16xi32>
    %add3A_1181 = arith.addi %get3A_918, %add3A_1180 : vector<16xi32>
    %select_n3A_1182 = arith.select %lt3A_1178, %add3A_1181, %get3A_918 : vector<16xi1>, vector<16xi32>
    %broadcast_in_dim3A_1183 = vector.shape_cast %select_n3A_1182 : vector<16xi32> to vector<16x1xi32>
    %gather3A_1184 = vector.shape_cast %broadcast_in_dim3A_1183 : vector<16x1xi32> to vector<16xi32>
    %gather3A_1185 = tpu.dynamic_gather %add3A_915[%gather3A_1184] in [0] : vector<16xi32>, vector<16xi32> -> vector<16xi32>
    %add3A_1186 = arith.addi %gather3A_1185, %add3A_1175 : vector<16xi32>
    %swap3A_1187 = arith.constant 16 : index
    %swap3A_1188 = tpu.vector_load %arg10[%swap3A_1187] {strides = array<i32>} : memref<128xi32, #tpu.memory_space<vmem>>, vector<16xi32>,
    %swap3A_1189 = vector.shape_cast %swap3A_1188 : vector<16xi32> to vector<16xi32>
    %swap3A_1190 = vector.shape_cast %add3A_1186 : vector<16xi32> to vector<16xi32>
    tpu.vector_store %arg10[%swap3A_1187], %swap3A_1190 {strides = array<i32>} : memref<128xi32, #tpu.memory_space<vmem>>, vector<16xi32>,
    %get3A_1191 = arith.constant 16 : index
    %get3A_1192 = tpu.vector_load %arg9[%get3A_1191] {strides = array<i32>} : memref<128xi32, #tpu.memory_space<vmem>>, vector<16xi32>,
    %get3A_1193 = vector.shape_cast %get3A_1192 : vector<16xi32> to vector<16xi32>
    %add3A_1194 = arith.addi %add3A_915, %get3A_1193 : vector<16xi32>
    %get3A_1195 = arith.constant 32 : index
    %get3A_1196 = tpu.vector_load %arg7[%get3A_1195] {strides = array<i32>} : memref<128xi32, #tpu.memory_space<vmem>>, vector<16xi32>,
    %get3A_1197 = vector.shape_cast %get3A_1196 : vector<16xi32> to vector<16xi32>
    %broadcast_in_dim3A_1198 = arith.constant 0 : i32
    %broadcast_in_dim3A_1199 = vector.broadcast %broadcast_in_dim3A_1198 : i32 to vector<16xi32>
    %lt3A_1200 = arith.constant 0 : i32
    %lt3A_1201 = vector.broadcast %lt3A_1200 : i32 to vector<16xi32>
    %lt3A_1202 = arith.cmpi slt, %max3A_495, %lt3A_1201 : vector<16xi32>
    %add3A_1203 = arith.constant 16 : i32
    %add3A_1204 = vector.broadcast %add3A_1203 : i32 to vector<16xi32>
    %add3A_1205 = arith.addi %max3A_495, %add3A_1204 : vector<16xi32>
    %select_n3A_1206 = arith.select %lt3A_1202, %add3A_1205, %max3A_495 : vector<16xi1>, vector<16xi32>
    %broadcast_in_dim3A_1207 = vector.shape_cast %select_n3A_1206 : vector<16xi32> to vector<16x1xi32>
    %gather3A_1208 = vector.shape_cast %broadcast_in_dim3A_1207 : vector<16x1xi32> to vector<16xi32>
    %gather3A_1209 = tpu.dynamic_gather %get3A_1197[%gather3A_1208] in [0] : vector<16xi32>, vector<16xi32> -> vector<16xi32>
    %eq3A_1210 = arith.cmpi eq, %gather3A_1209, %get3A_1197 : vector<16xi32>
    %and3A_1211 = arith.andi %eq3A_1210, %ge3A_499 : vector<16xi1>
    %add3A_1212 = arith.constant 1 : i32
    %add3A_1213 = vector.broadcast %add3A_1212 : i32 to vector<16xi32>
    %add3A_1214 = arith.addi %xor3A, %add3A_1213 : vector<16xi32>
    %select_n3A_1215 = arith.select %and3A_1211, %add3A_1214, %xor3A : vector<16xi1>, vector<16xi32>
    %add3A_1216 = arith.addi %broadcast_in_dim3A_1199, %select_n3A_1215 : vector<16xi32>
    %lt3A_1217 = arith.constant 0 : i32
    %lt3A_1218 = vector.broadcast %lt3A_1217 : i32 to vector<16xi32>
    %lt3A_1219 = arith.cmpi slt, %max3A_505, %lt3A_1218 : vector<16xi32>
    %add3A_1220 = arith.constant 16 : i32
    %add3A_1221 = vector.broadcast %add3A_1220 : i32 to vector<16xi32>
    %add3A_1222 = arith.addi %max3A_505, %add3A_1221 : vector<16xi32>
    %select_n3A_1223 = arith.select %lt3A_1219, %add3A_1222, %max3A_505 : vector<16xi1>, vector<16xi32>
    %broadcast_in_dim3A_1224 = vector.shape_cast %select_n3A_1223 : vector<16xi32> to vector<16x1xi32>
    %gather3A_1225 = vector.shape_cast %broadcast_in_dim3A_1224 : vector<16x1xi32> to vector<16xi32>
    %gather3A_1226 = tpu.dynamic_gather %get3A_1197[%gather3A_1225] in [0] : vector<16xi32>, vector<16xi32> -> vector<16xi32>
    %eq3A_1227 = arith.cmpi eq, %gather3A_1226, %get3A_1197 : vector<16xi32>
    %and3A_1228 = arith.andi %eq3A_1227, %ge3A_509 : vector<16xi1>
    %add3A_1229 = arith.constant 1 : i32
    %add3A_1230 = vector.broadcast %add3A_1229 : i32 to vector<16xi32>
    %add3A_1231 = arith.addi %xor3A, %add3A_1230 : vector<16xi32>
    %select_n3A_1232 = arith.select %and3A_1228, %add3A_1231, %xor3A : vector<16xi1>, vector<16xi32>
    %add3A_1233 = arith.addi %add3A_1216, %select_n3A_1232 : vector<16xi32>
    %lt3A_1234 = arith.constant 0 : i32
    %lt3A_1235 = vector.broadcast %lt3A_1234 : i32 to vector<16xi32>
    %lt3A_1236 = arith.cmpi slt, %max3A_515, %lt3A_1235 : vector<16xi32>
    %add3A_1237 = arith.constant 16 : i32
    %add3A_1238 = vector.broadcast %add3A_1237 : i32 to vector<16xi32>
    %add3A_1239 = arith.addi %max3A_515, %add3A_1238 : vector<16xi32>
    %select_n3A_1240 = arith.select %lt3A_1236, %add3A_1239, %max3A_515 : vector<16xi1>, vector<16xi32>
    %broadcast_in_dim3A_1241 = vector.shape_cast %select_n3A_1240 : vector<16xi32> to vector<16x1xi32>
    %gather3A_1242 = vector.shape_cast %broadcast_in_dim3A_1241 : vector<16x1xi32> to vector<16xi32>
    %gather3A_1243 = tpu.dynamic_gather %get3A_1197[%gather3A_1242] in [0] : vector<16xi32>, vector<16xi32> -> vector<16xi32>
    %eq3A_1244 = arith.cmpi eq, %gather3A_1243, %get3A_1197 : vector<16xi32>
    %and3A_1245 = arith.andi %eq3A_1244, %ge3A_519 : vector<16xi1>
    %add3A_1246 = arith.constant 1 : i32
    %add3A_1247 = vector.broadcast %add3A_1246 : i32 to vector<16xi32>
    %add3A_1248 = arith.addi %xor3A, %add3A_1247 : vector<16xi32>
    %select_n3A_1249 = arith.select %and3A_1245, %add3A_1248, %xor3A : vector<16xi1>, vector<16xi32>
    %add3A_1250 = arith.addi %add3A_1233, %select_n3A_1249 : vector<16xi32>
    %lt3A_1251 = arith.constant 0 : i32
    %lt3A_1252 = vector.broadcast %lt3A_1251 : i32 to vector<16xi32>
    %lt3A_1253 = arith.cmpi slt, %max3A_525, %lt3A_1252 : vector<16xi32>
    %add3A_1254 = arith.constant 16 : i32
    %add3A_1255 = vector.broadcast %add3A_1254 : i32 to vector<16xi32>
    %add3A_1256 = arith.addi %max3A_525, %add3A_1255 : vector<16xi32>
    %select_n3A_1257 = arith.select %lt3A_1253, %add3A_1256, %max3A_525 : vector<16xi1>, vector<16xi32>
    %broadcast_in_dim3A_1258 = vector.shape_cast %select_n3A_1257 : vector<16xi32> to vector<16x1xi32>
    %gather3A_1259 = vector.shape_cast %broadcast_in_dim3A_1258 : vector<16x1xi32> to vector<16xi32>
    %gather3A_1260 = tpu.dynamic_gather %get3A_1197[%gather3A_1259] in [0] : vector<16xi32>, vector<16xi32> -> vector<16xi32>
    %eq3A_1261 = arith.cmpi eq, %gather3A_1260, %get3A_1197 : vector<16xi32>
    %and3A_1262 = arith.andi %eq3A_1261, %ge3A_529 : vector<16xi1>
    %add3A_1263 = arith.constant 1 : i32
    %add3A_1264 = vector.broadcast %add3A_1263 : i32 to vector<16xi32>
    %add3A_1265 = arith.addi %xor3A, %add3A_1264 : vector<16xi32>
    %select_n3A_1266 = arith.select %and3A_1262, %add3A_1265, %xor3A : vector<16xi1>, vector<16xi32>
    %add3A_1267 = arith.addi %add3A_1250, %select_n3A_1266 : vector<16xi32>
    %lt3A_1268 = arith.constant 0 : i32
    %lt3A_1269 = vector.broadcast %lt3A_1268 : i32 to vector<16xi32>
    %lt3A_1270 = arith.cmpi slt, %max3A_535, %lt3A_1269 : vector<16xi32>
    %add3A_1271 = arith.constant 16 : i32
    %add3A_1272 = vector.broadcast %add3A_1271 : i32 to vector<16xi32>
    %add3A_1273 = arith.addi %max3A_535, %add3A_1272 : vector<16xi32>
    %select_n3A_1274 = arith.select %lt3A_1270, %add3A_1273, %max3A_535 : vector<16xi1>, vector<16xi32>
    %broadcast_in_dim3A_1275 = vector.shape_cast %select_n3A_1274 : vector<16xi32> to vector<16x1xi32>
    %gather3A_1276 = vector.shape_cast %broadcast_in_dim3A_1275 : vector<16x1xi32> to vector<16xi32>
    %gather3A_1277 = tpu.dynamic_gather %get3A_1197[%gather3A_1276] in [0] : vector<16xi32>, vector<16xi32> -> vector<16xi32>
    %eq3A_1278 = arith.cmpi eq, %gather3A_1277, %get3A_1197 : vector<16xi32>
    %and3A_1279 = arith.andi %eq3A_1278, %ge3A_539 : vector<16xi1>
    %add3A_1280 = arith.constant 1 : i32
    %add3A_1281 = vector.broadcast %add3A_1280 : i32 to vector<16xi32>
    %add3A_1282 = arith.addi %xor3A, %add3A_1281 : vector<16xi32>
    %select_n3A_1283 = arith.select %and3A_1279, %add3A_1282, %xor3A : vector<16xi1>, vector<16xi32>
    %add3A_1284 = arith.addi %add3A_1267, %select_n3A_1283 : vector<16xi32>
    %lt3A_1285 = arith.constant 0 : i32
    %lt3A_1286 = vector.broadcast %lt3A_1285 : i32 to vector<16xi32>
    %lt3A_1287 = arith.cmpi slt, %max3A_545, %lt3A_1286 : vector<16xi32>
    %add3A_1288 = arith.constant 16 : i32
    %add3A_1289 = vector.broadcast %add3A_1288 : i32 to vector<16xi32>
    %add3A_1290 = arith.addi %max3A_545, %add3A_1289 : vector<16xi32>
    %select_n3A_1291 = arith.select %lt3A_1287, %add3A_1290, %max3A_545 : vector<16xi1>, vector<16xi32>
    %broadcast_in_dim3A_1292 = vector.shape_cast %select_n3A_1291 : vector<16xi32> to vector<16x1xi32>
    %gather3A_1293 = vector.shape_cast %broadcast_in_dim3A_1292 : vector<16x1xi32> to vector<16xi32>
    %gather3A_1294 = tpu.dynamic_gather %get3A_1197[%gather3A_1293] in [0] : vector<16xi32>, vector<16xi32> -> vector<16xi32>
    %eq3A_1295 = arith.cmpi eq, %gather3A_1294, %get3A_1197 : vector<16xi32>
    %and3A_1296 = arith.andi %eq3A_1295, %ge3A_549 : vector<16xi1>
    %add3A_1297 = arith.constant 1 : i32
    %add3A_1298 = vector.broadcast %add3A_1297 : i32 to vector<16xi32>
    %add3A_1299 = arith.addi %xor3A, %add3A_1298 : vector<16xi32>
    %select_n3A_1300 = arith.select %and3A_1296, %add3A_1299, %xor3A : vector<16xi1>, vector<16xi32>
    %add3A_1301 = arith.addi %add3A_1284, %select_n3A_1300 : vector<16xi32>
    %lt3A_1302 = arith.constant 0 : i32
    %lt3A_1303 = vector.broadcast %lt3A_1302 : i32 to vector<16xi32>
    %lt3A_1304 = arith.cmpi slt, %max3A_555, %lt3A_1303 : vector<16xi32>
    %add3A_1305 = arith.constant 16 : i32
    %add3A_1306 = vector.broadcast %add3A_1305 : i32 to vector<16xi32>
    %add3A_1307 = arith.addi %max3A_555, %add3A_1306 : vector<16xi32>
    %select_n3A_1308 = arith.select %lt3A_1304, %add3A_1307, %max3A_555 : vector<16xi1>, vector<16xi32>
    %broadcast_in_dim3A_1309 = vector.shape_cast %select_n3A_1308 : vector<16xi32> to vector<16x1xi32>
    %gather3A_1310 = vector.shape_cast %broadcast_in_dim3A_1309 : vector<16x1xi32> to vector<16xi32>
    %gather3A_1311 = tpu.dynamic_gather %get3A_1197[%gather3A_1310] in [0] : vector<16xi32>, vector<16xi32> -> vector<16xi32>
    %eq3A_1312 = arith.cmpi eq, %gather3A_1311, %get3A_1197 : vector<16xi32>
    %and3A_1313 = arith.andi %eq3A_1312, %ge3A_559 : vector<16xi1>
    %add3A_1314 = arith.constant 1 : i32
    %add3A_1315 = vector.broadcast %add3A_1314 : i32 to vector<16xi32>
    %add3A_1316 = arith.addi %xor3A, %add3A_1315 : vector<16xi32>
    %select_n3A_1317 = arith.select %and3A_1313, %add3A_1316, %xor3A : vector<16xi1>, vector<16xi32>
    %add3A_1318 = arith.addi %add3A_1301, %select_n3A_1317 : vector<16xi32>
    %lt3A_1319 = arith.constant 0 : i32
    %lt3A_1320 = vector.broadcast %lt3A_1319 : i32 to vector<16xi32>
    %lt3A_1321 = arith.cmpi slt, %max3A_565, %lt3A_1320 : vector<16xi32>
    %add3A_1322 = arith.constant 16 : i32
    %add3A_1323 = vector.broadcast %add3A_1322 : i32 to vector<16xi32>
    %add3A_1324 = arith.addi %max3A_565, %add3A_1323 : vector<16xi32>
    %select_n3A_1325 = arith.select %lt3A_1321, %add3A_1324, %max3A_565 : vector<16xi1>, vector<16xi32>
    %broadcast_in_dim3A_1326 = vector.shape_cast %select_n3A_1325 : vector<16xi32> to vector<16x1xi32>
    %gather3A_1327 = vector.shape_cast %broadcast_in_dim3A_1326 : vector<16x1xi32> to vector<16xi32>
    %gather3A_1328 = tpu.dynamic_gather %get3A_1197[%gather3A_1327] in [0] : vector<16xi32>, vector<16xi32> -> vector<16xi32>
    %eq3A_1329 = arith.cmpi eq, %gather3A_1328, %get3A_1197 : vector<16xi32>
    %and3A_1330 = arith.andi %eq3A_1329, %ge3A_569 : vector<16xi1>
    %add3A_1331 = arith.constant 1 : i32
    %add3A_1332 = vector.broadcast %add3A_1331 : i32 to vector<16xi32>
    %add3A_1333 = arith.addi %xor3A, %add3A_1332 : vector<16xi32>
    %select_n3A_1334 = arith.select %and3A_1330, %add3A_1333, %xor3A : vector<16xi1>, vector<16xi32>
    %add3A_1335 = arith.addi %add3A_1318, %select_n3A_1334 : vector<16xi32>
    %lt3A_1336 = arith.constant 0 : i32
    %lt3A_1337 = vector.broadcast %lt3A_1336 : i32 to vector<16xi32>
    %lt3A_1338 = arith.cmpi slt, %max3A_575, %lt3A_1337 : vector<16xi32>
    %add3A_1339 = arith.constant 16 : i32
    %add3A_1340 = vector.broadcast %add3A_1339 : i32 to vector<16xi32>
    %add3A_1341 = arith.addi %max3A_575, %add3A_1340 : vector<16xi32>
    %select_n3A_1342 = arith.select %lt3A_1338, %add3A_1341, %max3A_575 : vector<16xi1>, vector<16xi32>
    %broadcast_in_dim3A_1343 = vector.shape_cast %select_n3A_1342 : vector<16xi32> to vector<16x1xi32>
    %gather3A_1344 = vector.shape_cast %broadcast_in_dim3A_1343 : vector<16x1xi32> to vector<16xi32>
    %gather3A_1345 = tpu.dynamic_gather %get3A_1197[%gather3A_1344] in [0] : vector<16xi32>, vector<16xi32> -> vector<16xi32>
    %eq3A_1346 = arith.cmpi eq, %gather3A_1345, %get3A_1197 : vector<16xi32>
    %and3A_1347 = arith.andi %eq3A_1346, %ge3A_579 : vector<16xi1>
    %add3A_1348 = arith.constant 1 : i32
    %add3A_1349 = vector.broadcast %add3A_1348 : i32 to vector<16xi32>
    %add3A_1350 = arith.addi %xor3A, %add3A_1349 : vector<16xi32>
    %select_n3A_1351 = arith.select %and3A_1347, %add3A_1350, %xor3A : vector<16xi1>, vector<16xi32>
    %add3A_1352 = arith.addi %add3A_1335, %select_n3A_1351 : vector<16xi32>
    %lt3A_1353 = arith.constant 0 : i32
    %lt3A_1354 = vector.broadcast %lt3A_1353 : i32 to vector<16xi32>
    %lt3A_1355 = arith.cmpi slt, %max3A_585, %lt3A_1354 : vector<16xi32>
    %add3A_1356 = arith.constant 16 : i32
    %add3A_1357 = vector.broadcast %add3A_1356 : i32 to vector<16xi32>
    %add3A_1358 = arith.addi %max3A_585, %add3A_1357 : vector<16xi32>
    %select_n3A_1359 = arith.select %lt3A_1355, %add3A_1358, %max3A_585 : vector<16xi1>, vector<16xi32>
    %broadcast_in_dim3A_1360 = vector.shape_cast %select_n3A_1359 : vector<16xi32> to vector<16x1xi32>
    %gather3A_1361 = vector.shape_cast %broadcast_in_dim3A_1360 : vector<16x1xi32> to vector<16xi32>
    %gather3A_1362 = tpu.dynamic_gather %get3A_1197[%gather3A_1361] in [0] : vector<16xi32>, vector<16xi32> -> vector<16xi32>
    %eq3A_1363 = arith.cmpi eq, %gather3A_1362, %get3A_1197 : vector<16xi32>
    %and3A_1364 = arith.andi %eq3A_1363, %ge3A_589 : vector<16xi1>
    %add3A_1365 = arith.constant 1 : i32
    %add3A_1366 = vector.broadcast %add3A_1365 : i32 to vector<16xi32>
    %add3A_1367 = arith.addi %xor3A, %add3A_1366 : vector<16xi32>
    %select_n3A_1368 = arith.select %and3A_1364, %add3A_1367, %xor3A : vector<16xi1>, vector<16xi32>
    %add3A_1369 = arith.addi %add3A_1352, %select_n3A_1368 : vector<16xi32>
    %lt3A_1370 = arith.constant 0 : i32
    %lt3A_1371 = vector.broadcast %lt3A_1370 : i32 to vector<16xi32>
    %lt3A_1372 = arith.cmpi slt, %max3A_595, %lt3A_1371 : vector<16xi32>
    %add3A_1373 = arith.constant 16 : i32
    %add3A_1374 = vector.broadcast %add3A_1373 : i32 to vector<16xi32>
    %add3A_1375 = arith.addi %max3A_595, %add3A_1374 : vector<16xi32>
    %select_n3A_1376 = arith.select %lt3A_1372, %add3A_1375, %max3A_595 : vector<16xi1>, vector<16xi32>
    %broadcast_in_dim3A_1377 = vector.shape_cast %select_n3A_1376 : vector<16xi32> to vector<16x1xi32>
    %gather3A_1378 = vector.shape_cast %broadcast_in_dim3A_1377 : vector<16x1xi32> to vector<16xi32>
    %gather3A_1379 = tpu.dynamic_gather %get3A_1197[%gather3A_1378] in [0] : vector<16xi32>, vector<16xi32> -> vector<16xi32>
    %eq3A_1380 = arith.cmpi eq, %gather3A_1379, %get3A_1197 : vector<16xi32>
    %and3A_1381 = arith.andi %eq3A_1380, %ge3A_599 : vector<16xi1>
    %add3A_1382 = arith.constant 1 : i32
    %add3A_1383 = vector.broadcast %add3A_1382 : i32 to vector<16xi32>
    %add3A_1384 = arith.addi %xor3A, %add3A_1383 : vector<16xi32>
    %select_n3A_1385 = arith.select %and3A_1381, %add3A_1384, %xor3A : vector<16xi1>, vector<16xi32>
    %add3A_1386 = arith.addi %add3A_1369, %select_n3A_1385 : vector<16xi32>
    %lt3A_1387 = arith.constant 0 : i32
    %lt3A_1388 = vector.broadcast %lt3A_1387 : i32 to vector<16xi32>
    %lt3A_1389 = arith.cmpi slt, %max3A_605, %lt3A_1388 : vector<16xi32>
    %add3A_1390 = arith.constant 16 : i32
    %add3A_1391 = vector.broadcast %add3A_1390 : i32 to vector<16xi32>
    %add3A_1392 = arith.addi %max3A_605, %add3A_1391 : vector<16xi32>
    %select_n3A_1393 = arith.select %lt3A_1389, %add3A_1392, %max3A_605 : vector<16xi1>, vector<16xi32>
    %broadcast_in_dim3A_1394 = vector.shape_cast %select_n3A_1393 : vector<16xi32> to vector<16x1xi32>
    %gather3A_1395 = vector.shape_cast %broadcast_in_dim3A_1394 : vector<16x1xi32> to vector<16xi32>
    %gather3A_1396 = tpu.dynamic_gather %get3A_1197[%gather3A_1395] in [0] : vector<16xi32>, vector<16xi32> -> vector<16xi32>
    %eq3A_1397 = arith.cmpi eq, %gather3A_1396, %get3A_1197 : vector<16xi32>
    %and3A_1398 = arith.andi %eq3A_1397, %ge3A_609 : vector<16xi1>
    %add3A_1399 = arith.constant 1 : i32
    %add3A_1400 = vector.broadcast %add3A_1399 : i32 to vector<16xi32>
    %add3A_1401 = arith.addi %xor3A, %add3A_1400 : vector<16xi32>
    %select_n3A_1402 = arith.select %and3A_1398, %add3A_1401, %xor3A : vector<16xi1>, vector<16xi32>
    %add3A_1403 = arith.addi %add3A_1386, %select_n3A_1402 : vector<16xi32>
    %lt3A_1404 = arith.constant 0 : i32
    %lt3A_1405 = vector.broadcast %lt3A_1404 : i32 to vector<16xi32>
    %lt3A_1406 = arith.cmpi slt, %max3A_615, %lt3A_1405 : vector<16xi32>
    %add3A_1407 = arith.constant 16 : i32
    %add3A_1408 = vector.broadcast %add3A_1407 : i32 to vector<16xi32>
    %add3A_1409 = arith.addi %max3A_615, %add3A_1408 : vector<16xi32>
    %select_n3A_1410 = arith.select %lt3A_1406, %add3A_1409, %max3A_615 : vector<16xi1>, vector<16xi32>
    %broadcast_in_dim3A_1411 = vector.shape_cast %select_n3A_1410 : vector<16xi32> to vector<16x1xi32>
    %gather3A_1412 = vector.shape_cast %broadcast_in_dim3A_1411 : vector<16x1xi32> to vector<16xi32>
    %gather3A_1413 = tpu.dynamic_gather %get3A_1197[%gather3A_1412] in [0] : vector<16xi32>, vector<16xi32> -> vector<16xi32>
    %eq3A_1414 = arith.cmpi eq, %gather3A_1413, %get3A_1197 : vector<16xi32>
    %and3A_1415 = arith.andi %eq3A_1414, %ge3A_619 : vector<16xi1>
    %add3A_1416 = arith.constant 1 : i32
    %add3A_1417 = vector.broadcast %add3A_1416 : i32 to vector<16xi32>
    %add3A_1418 = arith.addi %xor3A, %add3A_1417 : vector<16xi32>
    %select_n3A_1419 = arith.select %and3A_1415, %add3A_1418, %xor3A : vector<16xi1>, vector<16xi32>
    %add3A_1420 = arith.addi %add3A_1403, %select_n3A_1419 : vector<16xi32>
    %lt3A_1421 = arith.constant 0 : i32
    %lt3A_1422 = vector.broadcast %lt3A_1421 : i32 to vector<16xi32>
    %lt3A_1423 = arith.cmpi slt, %max3A_625, %lt3A_1422 : vector<16xi32>
    %add3A_1424 = arith.constant 16 : i32
    %add3A_1425 = vector.broadcast %add3A_1424 : i32 to vector<16xi32>
    %add3A_1426 = arith.addi %max3A_625, %add3A_1425 : vector<16xi32>
    %select_n3A_1427 = arith.select %lt3A_1423, %add3A_1426, %max3A_625 : vector<16xi1>, vector<16xi32>
    %broadcast_in_dim3A_1428 = vector.shape_cast %select_n3A_1427 : vector<16xi32> to vector<16x1xi32>
    %gather3A_1429 = vector.shape_cast %broadcast_in_dim3A_1428 : vector<16x1xi32> to vector<16xi32>
    %gather3A_1430 = tpu.dynamic_gather %get3A_1197[%gather3A_1429] in [0] : vector<16xi32>, vector<16xi32> -> vector<16xi32>
    %eq3A_1431 = arith.cmpi eq, %gather3A_1430, %get3A_1197 : vector<16xi32>
    %and3A_1432 = arith.andi %eq3A_1431, %ge3A_629 : vector<16xi1>
    %add3A_1433 = arith.constant 1 : i32
    %add3A_1434 = vector.broadcast %add3A_1433 : i32 to vector<16xi32>
    %add3A_1435 = arith.addi %xor3A, %add3A_1434 : vector<16xi32>
    %select_n3A_1436 = arith.select %and3A_1432, %add3A_1435, %xor3A : vector<16xi1>, vector<16xi32>
    %add3A_1437 = arith.addi %add3A_1420, %select_n3A_1436 : vector<16xi32>
    %lt3A_1438 = arith.constant 0 : i32
    %lt3A_1439 = vector.broadcast %lt3A_1438 : i32 to vector<16xi32>
    %lt3A_1440 = arith.cmpi slt, %max3A_635, %lt3A_1439 : vector<16xi32>
    %add3A_1441 = arith.constant 16 : i32
    %add3A_1442 = vector.broadcast %add3A_1441 : i32 to vector<16xi32>
    %add3A_1443 = arith.addi %max3A_635, %add3A_1442 : vector<16xi32>
    %select_n3A_1444 = arith.select %lt3A_1440, %add3A_1443, %max3A_635 : vector<16xi1>, vector<16xi32>
    %broadcast_in_dim3A_1445 = vector.shape_cast %select_n3A_1444 : vector<16xi32> to vector<16x1xi32>
    %gather3A_1446 = vector.shape_cast %broadcast_in_dim3A_1445 : vector<16x1xi32> to vector<16xi32>
    %gather3A_1447 = tpu.dynamic_gather %get3A_1197[%gather3A_1446] in [0] : vector<16xi32>, vector<16xi32> -> vector<16xi32>
    %eq3A_1448 = arith.cmpi eq, %gather3A_1447, %get3A_1197 : vector<16xi32>
    %and3A_1449 = arith.andi %eq3A_1448, %ge3A_639 : vector<16xi1>
    %add3A_1450 = arith.constant 1 : i32
    %add3A_1451 = vector.broadcast %add3A_1450 : i32 to vector<16xi32>
    %add3A_1452 = arith.addi %xor3A, %add3A_1451 : vector<16xi32>
    %select_n3A_1453 = arith.select %and3A_1449, %add3A_1452, %xor3A : vector<16xi1>, vector<16xi32>
    %add3A_1454 = arith.addi %add3A_1437, %select_n3A_1453 : vector<16xi32>
    %lt3A_1455 = arith.constant 0 : i32
    %lt3A_1456 = vector.broadcast %lt3A_1455 : i32 to vector<16xi32>
    %lt3A_1457 = arith.cmpi slt, %get3A_1197, %lt3A_1456 : vector<16xi32>
    %add3A_1458 = arith.constant 16 : i32
    %add3A_1459 = vector.broadcast %add3A_1458 : i32 to vector<16xi32>
    %add3A_1460 = arith.addi %get3A_1197, %add3A_1459 : vector<16xi32>
    %select_n3A_1461 = arith.select %lt3A_1457, %add3A_1460, %get3A_1197 : vector<16xi1>, vector<16xi32>
    %broadcast_in_dim3A_1462 = vector.shape_cast %select_n3A_1461 : vector<16xi32> to vector<16x1xi32>
    %gather3A_1463 = vector.shape_cast %broadcast_in_dim3A_1462 : vector<16x1xi32> to vector<16xi32>
    %gather3A_1464 = tpu.dynamic_gather %add3A_1194[%gather3A_1463] in [0] : vector<16xi32>, vector<16xi32> -> vector<16xi32>
    %add3A_1465 = arith.addi %gather3A_1464, %add3A_1454 : vector<16xi32>
    %swap3A_1466 = arith.constant 32 : index
    %swap3A_1467 = tpu.vector_load %arg10[%swap3A_1466] {strides = array<i32>} : memref<128xi32, #tpu.memory_space<vmem>>, vector<16xi32>,
    %swap3A_1468 = vector.shape_cast %swap3A_1467 : vector<16xi32> to vector<16xi32>
    %swap3A_1469 = vector.shape_cast %add3A_1465 : vector<16xi32> to vector<16xi32>
    tpu.vector_store %arg10[%swap3A_1466], %swap3A_1469 {strides = array<i32>} : memref<128xi32, #tpu.memory_space<vmem>>, vector<16xi32>,
    %get3A_1470 = arith.constant 32 : index
    %get3A_1471 = tpu.vector_load %arg9[%get3A_1470] {strides = array<i32>} : memref<128xi32, #tpu.memory_space<vmem>>, vector<16xi32>,
    %get3A_1472 = vector.shape_cast %get3A_1471 : vector<16xi32> to vector<16xi32>
    %add3A_1473 = arith.addi %add3A_1194, %get3A_1472 : vector<16xi32>
    %get3A_1474 = arith.constant 48 : index
    %get3A_1475 = tpu.vector_load %arg7[%get3A_1474] {strides = array<i32>} : memref<128xi32, #tpu.memory_space<vmem>>, vector<16xi32>,
    %get3A_1476 = vector.shape_cast %get3A_1475 : vector<16xi32> to vector<16xi32>
    %broadcast_in_dim3A_1477 = arith.constant 0 : i32
    %broadcast_in_dim3A_1478 = vector.broadcast %broadcast_in_dim3A_1477 : i32 to vector<16xi32>
    %lt3A_1479 = arith.constant 0 : i32
    %lt3A_1480 = vector.broadcast %lt3A_1479 : i32 to vector<16xi32>
    %lt3A_1481 = arith.cmpi slt, %max3A_495, %lt3A_1480 : vector<16xi32>
    %add3A_1482 = arith.constant 16 : i32
    %add3A_1483 = vector.broadcast %add3A_1482 : i32 to vector<16xi32>
    %add3A_1484 = arith.addi %max3A_495, %add3A_1483 : vector<16xi32>
    %select_n3A_1485 = arith.select %lt3A_1481, %add3A_1484, %max3A_495 : vector<16xi1>, vector<16xi32>
    %broadcast_in_dim3A_1486 = vector.shape_cast %select_n3A_1485 : vector<16xi32> to vector<16x1xi32>
    %gather3A_1487 = vector.shape_cast %broadcast_in_dim3A_1486 : vector<16x1xi32> to vector<16xi32>
    %gather3A_1488 = tpu.dynamic_gather %get3A_1476[%gather3A_1487] in [0] : vector<16xi32>, vector<16xi32> -> vector<16xi32>
    %eq3A_1489 = arith.cmpi eq, %gather3A_1488, %get3A_1476 : vector<16xi32>
    %and3A_1490 = arith.andi %eq3A_1489, %ge3A_499 : vector<16xi1>
    %add3A_1491 = arith.constant 1 : i32
    %add3A_1492 = vector.broadcast %add3A_1491 : i32 to vector<16xi32>
    %add3A_1493 = arith.addi %xor3A, %add3A_1492 : vector<16xi32>
    %select_n3A_1494 = arith.select %and3A_1490, %add3A_1493, %xor3A : vector<16xi1>, vector<16xi32>
    %add3A_1495 = arith.addi %broadcast_in_dim3A_1478, %select_n3A_1494 : vector<16xi32>
    %lt3A_1496 = arith.constant 0 : i32
    %lt3A_1497 = vector.broadcast %lt3A_1496 : i32 to vector<16xi32>
    %lt3A_1498 = arith.cmpi slt, %max3A_505, %lt3A_1497 : vector<16xi32>
    %add3A_1499 = arith.constant 16 : i32
    %add3A_1500 = vector.broadcast %add3A_1499 : i32 to vector<16xi32>
    %add3A_1501 = arith.addi %max3A_505, %add3A_1500 : vector<16xi32>
    %select_n3A_1502 = arith.select %lt3A_1498, %add3A_1501, %max3A_505 : vector<16xi1>, vector<16xi32>
    %broadcast_in_dim3A_1503 = vector.shape_cast %select_n3A_1502 : vector<16xi32> to vector<16x1xi32>
    %gather3A_1504 = vector.shape_cast %broadcast_in_dim3A_1503 : vector<16x1xi32> to vector<16xi32>
    %gather3A_1505 = tpu.dynamic_gather %get3A_1476[%gather3A_1504] in [0] : vector<16xi32>, vector<16xi32> -> vector<16xi32>
    %eq3A_1506 = arith.cmpi eq, %gather3A_1505, %get3A_1476 : vector<16xi32>
    %and3A_1507 = arith.andi %eq3A_1506, %ge3A_509 : vector<16xi1>
    %add3A_1508 = arith.constant 1 : i32
    %add3A_1509 = vector.broadcast %add3A_1508 : i32 to vector<16xi32>
    %add3A_1510 = arith.addi %xor3A, %add3A_1509 : vector<16xi32>
    %select_n3A_1511 = arith.select %and3A_1507, %add3A_1510, %xor3A : vector<16xi1>, vector<16xi32>
    %add3A_1512 = arith.addi %add3A_1495, %select_n3A_1511 : vector<16xi32>
    %lt3A_1513 = arith.constant 0 : i32
    %lt3A_1514 = vector.broadcast %lt3A_1513 : i32 to vector<16xi32>
    %lt3A_1515 = arith.cmpi slt, %max3A_515, %lt3A_1514 : vector<16xi32>
    %add3A_1516 = arith.constant 16 : i32
    %add3A_1517 = vector.broadcast %add3A_1516 : i32 to vector<16xi32>
    %add3A_1518 = arith.addi %max3A_515, %add3A_1517 : vector<16xi32>
    %select_n3A_1519 = arith.select %lt3A_1515, %add3A_1518, %max3A_515 : vector<16xi1>, vector<16xi32>
    %broadcast_in_dim3A_1520 = vector.shape_cast %select_n3A_1519 : vector<16xi32> to vector<16x1xi32>
    %gather3A_1521 = vector.shape_cast %broadcast_in_dim3A_1520 : vector<16x1xi32> to vector<16xi32>
    %gather3A_1522 = tpu.dynamic_gather %get3A_1476[%gather3A_1521] in [0] : vector<16xi32>, vector<16xi32> -> vector<16xi32>
    %eq3A_1523 = arith.cmpi eq, %gather3A_1522, %get3A_1476 : vector<16xi32>
    %and3A_1524 = arith.andi %eq3A_1523, %ge3A_519 : vector<16xi1>
    %add3A_1525 = arith.constant 1 : i32
    %add3A_1526 = vector.broadcast %add3A_1525 : i32 to vector<16xi32>
    %add3A_1527 = arith.addi %xor3A, %add3A_1526 : vector<16xi32>
    %select_n3A_1528 = arith.select %and3A_1524, %add3A_1527, %xor3A : vector<16xi1>, vector<16xi32>
    %add3A_1529 = arith.addi %add3A_1512, %select_n3A_1528 : vector<16xi32>
    %lt3A_1530 = arith.constant 0 : i32
    %lt3A_1531 = vector.broadcast %lt3A_1530 : i32 to vector<16xi32>
    %lt3A_1532 = arith.cmpi slt, %max3A_525, %lt3A_1531 : vector<16xi32>
    %add3A_1533 = arith.constant 16 : i32
    %add3A_1534 = vector.broadcast %add3A_1533 : i32 to vector<16xi32>
    %add3A_1535 = arith.addi %max3A_525, %add3A_1534 : vector<16xi32>
    %select_n3A_1536 = arith.select %lt3A_1532, %add3A_1535, %max3A_525 : vector<16xi1>, vector<16xi32>
    %broadcast_in_dim3A_1537 = vector.shape_cast %select_n3A_1536 : vector<16xi32> to vector<16x1xi32>
    %gather3A_1538 = vector.shape_cast %broadcast_in_dim3A_1537 : vector<16x1xi32> to vector<16xi32>
    %gather3A_1539 = tpu.dynamic_gather %get3A_1476[%gather3A_1538] in [0] : vector<16xi32>, vector<16xi32> -> vector<16xi32>
    %eq3A_1540 = arith.cmpi eq, %gather3A_1539, %get3A_1476 : vector<16xi32>
    %and3A_1541 = arith.andi %eq3A_1540, %ge3A_529 : vector<16xi1>
    %add3A_1542 = arith.constant 1 : i32
    %add3A_1543 = vector.broadcast %add3A_1542 : i32 to vector<16xi32>
    %add3A_1544 = arith.addi %xor3A, %add3A_1543 : vector<16xi32>
    %select_n3A_1545 = arith.select %and3A_1541, %add3A_1544, %xor3A : vector<16xi1>, vector<16xi32>
    %add3A_1546 = arith.addi %add3A_1529, %select_n3A_1545 : vector<16xi32>
    %lt3A_1547 = arith.constant 0 : i32
    %lt3A_1548 = vector.broadcast %lt3A_1547 : i32 to vector<16xi32>
    %lt3A_1549 = arith.cmpi slt, %max3A_535, %lt3A_1548 : vector<16xi32>
    %add3A_1550 = arith.constant 16 : i32
    %add3A_1551 = vector.broadcast %add3A_1550 : i32 to vector<16xi32>
    %add3A_1552 = arith.addi %max3A_535, %add3A_1551 : vector<16xi32>
    %select_n3A_1553 = arith.select %lt3A_1549, %add3A_1552, %max3A_535 : vector<16xi1>, vector<16xi32>
    %broadcast_in_dim3A_1554 = vector.shape_cast %select_n3A_1553 : vector<16xi32> to vector<16x1xi32>
    %gather3A_1555 = vector.shape_cast %broadcast_in_dim3A_1554 : vector<16x1xi32> to vector<16xi32>
    %gather3A_1556 = tpu.dynamic_gather %get3A_1476[%gather3A_1555] in [0] : vector<16xi32>, vector<16xi32> -> vector<16xi32>
    %eq3A_1557 = arith.cmpi eq, %gather3A_1556, %get3A_1476 : vector<16xi32>
    %and3A_1558 = arith.andi %eq3A_1557, %ge3A_539 : vector<16xi1>
    %add3A_1559 = arith.constant 1 : i32
    %add3A_1560 = vector.broadcast %add3A_1559 : i32 to vector<16xi32>
    %add3A_1561 = arith.addi %xor3A, %add3A_1560 : vector<16xi32>
    %select_n3A_1562 = arith.select %and3A_1558, %add3A_1561, %xor3A : vector<16xi1>, vector<16xi32>
    %add3A_1563 = arith.addi %add3A_1546, %select_n3A_1562 : vector<16xi32>
    %lt3A_1564 = arith.constant 0 : i32
    %lt3A_1565 = vector.broadcast %lt3A_1564 : i32 to vector<16xi32>
    %lt3A_1566 = arith.cmpi slt, %max3A_545, %lt3A_1565 : vector<16xi32>
    %add3A_1567 = arith.constant 16 : i32
    %add3A_1568 = vector.broadcast %add3A_1567 : i32 to vector<16xi32>
    %add3A_1569 = arith.addi %max3A_545, %add3A_1568 : vector<16xi32>
    %select_n3A_1570 = arith.select %lt3A_1566, %add3A_1569, %max3A_545 : vector<16xi1>, vector<16xi32>
    %broadcast_in_dim3A_1571 = vector.shape_cast %select_n3A_1570 : vector<16xi32> to vector<16x1xi32>
    %gather3A_1572 = vector.shape_cast %broadcast_in_dim3A_1571 : vector<16x1xi32> to vector<16xi32>
    %gather3A_1573 = tpu.dynamic_gather %get3A_1476[%gather3A_1572] in [0] : vector<16xi32>, vector<16xi32> -> vector<16xi32>
    %eq3A_1574 = arith.cmpi eq, %gather3A_1573, %get3A_1476 : vector<16xi32>
    %and3A_1575 = arith.andi %eq3A_1574, %ge3A_549 : vector<16xi1>
    %add3A_1576 = arith.constant 1 : i32
    %add3A_1577 = vector.broadcast %add3A_1576 : i32 to vector<16xi32>
    %add3A_1578 = arith.addi %xor3A, %add3A_1577 : vector<16xi32>
    %select_n3A_1579 = arith.select %and3A_1575, %add3A_1578, %xor3A : vector<16xi1>, vector<16xi32>
    %add3A_1580 = arith.addi %add3A_1563, %select_n3A_1579 : vector<16xi32>
    %lt3A_1581 = arith.constant 0 : i32
    %lt3A_1582 = vector.broadcast %lt3A_1581 : i32 to vector<16xi32>
    %lt3A_1583 = arith.cmpi slt, %max3A_555, %lt3A_1582 : vector<16xi32>
    %add3A_1584 = arith.constant 16 : i32
    %add3A_1585 = vector.broadcast %add3A_1584 : i32 to vector<16xi32>
    %add3A_1586 = arith.addi %max3A_555, %add3A_1585 : vector<16xi32>
    %select_n3A_1587 = arith.select %lt3A_1583, %add3A_1586, %max3A_555 : vector<16xi1>, vector<16xi32>
    %broadcast_in_dim3A_1588 = vector.shape_cast %select_n3A_1587 : vector<16xi32> to vector<16x1xi32>
    %gather3A_1589 = vector.shape_cast %broadcast_in_dim3A_1588 : vector<16x1xi32> to vector<16xi32>
    %gather3A_1590 = tpu.dynamic_gather %get3A_1476[%gather3A_1589] in [0] : vector<16xi32>, vector<16xi32> -> vector<16xi32>
    %eq3A_1591 = arith.cmpi eq, %gather3A_1590, %get3A_1476 : vector<16xi32>
    %and3A_1592 = arith.andi %eq3A_1591, %ge3A_559 : vector<16xi1>
    %add3A_1593 = arith.constant 1 : i32
    %add3A_1594 = vector.broadcast %add3A_1593 : i32 to vector<16xi32>
    %add3A_1595 = arith.addi %xor3A, %add3A_1594 : vector<16xi32>
    %select_n3A_1596 = arith.select %and3A_1592, %add3A_1595, %xor3A : vector<16xi1>, vector<16xi32>
    %add3A_1597 = arith.addi %add3A_1580, %select_n3A_1596 : vector<16xi32>
    %lt3A_1598 = arith.constant 0 : i32
    %lt3A_1599 = vector.broadcast %lt3A_1598 : i32 to vector<16xi32>
    %lt3A_1600 = arith.cmpi slt, %max3A_565, %lt3A_1599 : vector<16xi32>
    %add3A_1601 = arith.constant 16 : i32
    %add3A_1602 = vector.broadcast %add3A_1601 : i32 to vector<16xi32>
    %add3A_1603 = arith.addi %max3A_565, %add3A_1602 : vector<16xi32>
    %select_n3A_1604 = arith.select %lt3A_1600, %add3A_1603, %max3A_565 : vector<16xi1>, vector<16xi32>
    %broadcast_in_dim3A_1605 = vector.shape_cast %select_n3A_1604 : vector<16xi32> to vector<16x1xi32>
    %gather3A_1606 = vector.shape_cast %broadcast_in_dim3A_1605 : vector<16x1xi32> to vector<16xi32>
    %gather3A_1607 = tpu.dynamic_gather %get3A_1476[%gather3A_1606] in [0] : vector<16xi32>, vector<16xi32> -> vector<16xi32>
    %eq3A_1608 = arith.cmpi eq, %gather3A_1607, %get3A_1476 : vector<16xi32>
    %and3A_1609 = arith.andi %eq3A_1608, %ge3A_569 : vector<16xi1>
    %add3A_1610 = arith.constant 1 : i32
    %add3A_1611 = vector.broadcast %add3A_1610 : i32 to vector<16xi32>
    %add3A_1612 = arith.addi %xor3A, %add3A_1611 : vector<16xi32>
    %select_n3A_1613 = arith.select %and3A_1609, %add3A_1612, %xor3A : vector<16xi1>, vector<16xi32>
    %add3A_1614 = arith.addi %add3A_1597, %select_n3A_1613 : vector<16xi32>
    %lt3A_1615 = arith.constant 0 : i32
    %lt3A_1616 = vector.broadcast %lt3A_1615 : i32 to vector<16xi32>
    %lt3A_1617 = arith.cmpi slt, %max3A_575, %lt3A_1616 : vector<16xi32>
    %add3A_1618 = arith.constant 16 : i32
    %add3A_1619 = vector.broadcast %add3A_1618 : i32 to vector<16xi32>
    %add3A_1620 = arith.addi %max3A_575, %add3A_1619 : vector<16xi32>
    %select_n3A_1621 = arith.select %lt3A_1617, %add3A_1620, %max3A_575 : vector<16xi1>, vector<16xi32>
    %broadcast_in_dim3A_1622 = vector.shape_cast %select_n3A_1621 : vector<16xi32> to vector<16x1xi32>
    %gather3A_1623 = vector.shape_cast %broadcast_in_dim3A_1622 : vector<16x1xi32> to vector<16xi32>
    %gather3A_1624 = tpu.dynamic_gather %get3A_1476[%gather3A_1623] in [0] : vector<16xi32>, vector<16xi32> -> vector<16xi32>
    %eq3A_1625 = arith.cmpi eq, %gather3A_1624, %get3A_1476 : vector<16xi32>
    %and3A_1626 = arith.andi %eq3A_1625, %ge3A_579 : vector<16xi1>
    %add3A_1627 = arith.constant 1 : i32
    %add3A_1628 = vector.broadcast %add3A_1627 : i32 to vector<16xi32>
    %add3A_1629 = arith.addi %xor3A, %add3A_1628 : vector<16xi32>
    %select_n3A_1630 = arith.select %and3A_1626, %add3A_1629, %xor3A : vector<16xi1>, vector<16xi32>
    %add3A_1631 = arith.addi %add3A_1614, %select_n3A_1630 : vector<16xi32>
    %lt3A_1632 = arith.constant 0 : i32
    %lt3A_1633 = vector.broadcast %lt3A_1632 : i32 to vector<16xi32>
    %lt3A_1634 = arith.cmpi slt, %max3A_585, %lt3A_1633 : vector<16xi32>
    %add3A_1635 = arith.constant 16 : i32
    %add3A_1636 = vector.broadcast %add3A_1635 : i32 to vector<16xi32>
    %add3A_1637 = arith.addi %max3A_585, %add3A_1636 : vector<16xi32>
    %select_n3A_1638 = arith.select %lt3A_1634, %add3A_1637, %max3A_585 : vector<16xi1>, vector<16xi32>
    %broadcast_in_dim3A_1639 = vector.shape_cast %select_n3A_1638 : vector<16xi32> to vector<16x1xi32>
    %gather3A_1640 = vector.shape_cast %broadcast_in_dim3A_1639 : vector<16x1xi32> to vector<16xi32>
    %gather3A_1641 = tpu.dynamic_gather %get3A_1476[%gather3A_1640] in [0] : vector<16xi32>, vector<16xi32> -> vector<16xi32>
    %eq3A_1642 = arith.cmpi eq, %gather3A_1641, %get3A_1476 : vector<16xi32>
    %and3A_1643 = arith.andi %eq3A_1642, %ge3A_589 : vector<16xi1>
    %add3A_1644 = arith.constant 1 : i32
    %add3A_1645 = vector.broadcast %add3A_1644 : i32 to vector<16xi32>
    %add3A_1646 = arith.addi %xor3A, %add3A_1645 : vector<16xi32>
    %select_n3A_1647 = arith.select %and3A_1643, %add3A_1646, %xor3A : vector<16xi1>, vector<16xi32>
    %add3A_1648 = arith.addi %add3A_1631, %select_n3A_1647 : vector<16xi32>
    %lt3A_1649 = arith.constant 0 : i32
    %lt3A_1650 = vector.broadcast %lt3A_1649 : i32 to vector<16xi32>
    %lt3A_1651 = arith.cmpi slt, %max3A_595, %lt3A_1650 : vector<16xi32>
    %add3A_1652 = arith.constant 16 : i32
    %add3A_1653 = vector.broadcast %add3A_1652 : i32 to vector<16xi32>
    %add3A_1654 = arith.addi %max3A_595, %add3A_1653 : vector<16xi32>
    %select_n3A_1655 = arith.select %lt3A_1651, %add3A_1654, %max3A_595 : vector<16xi1>, vector<16xi32>
    %broadcast_in_dim3A_1656 = vector.shape_cast %select_n3A_1655 : vector<16xi32> to vector<16x1xi32>
    %gather3A_1657 = vector.shape_cast %broadcast_in_dim3A_1656 : vector<16x1xi32> to vector<16xi32>
    %gather3A_1658 = tpu.dynamic_gather %get3A_1476[%gather3A_1657] in [0] : vector<16xi32>, vector<16xi32> -> vector<16xi32>
    %eq3A_1659 = arith.cmpi eq, %gather3A_1658, %get3A_1476 : vector<16xi32>
    %and3A_1660 = arith.andi %eq3A_1659, %ge3A_599 : vector<16xi1>
    %add3A_1661 = arith.constant 1 : i32
    %add3A_1662 = vector.broadcast %add3A_1661 : i32 to vector<16xi32>
    %add3A_1663 = arith.addi %xor3A, %add3A_1662 : vector<16xi32>
    %select_n3A_1664 = arith.select %and3A_1660, %add3A_1663, %xor3A : vector<16xi1>, vector<16xi32>
    %add3A_1665 = arith.addi %add3A_1648, %select_n3A_1664 : vector<16xi32>
    %lt3A_1666 = arith.constant 0 : i32
    %lt3A_1667 = vector.broadcast %lt3A_1666 : i32 to vector<16xi32>
    %lt3A_1668 = arith.cmpi slt, %max3A_605, %lt3A_1667 : vector<16xi32>
    %add3A_1669 = arith.constant 16 : i32
    %add3A_1670 = vector.broadcast %add3A_1669 : i32 to vector<16xi32>
    %add3A_1671 = arith.addi %max3A_605, %add3A_1670 : vector<16xi32>
    %select_n3A_1672 = arith.select %lt3A_1668, %add3A_1671, %max3A_605 : vector<16xi1>, vector<16xi32>
    %broadcast_in_dim3A_1673 = vector.shape_cast %select_n3A_1672 : vector<16xi32> to vector<16x1xi32>
    %gather3A_1674 = vector.shape_cast %broadcast_in_dim3A_1673 : vector<16x1xi32> to vector<16xi32>
    %gather3A_1675 = tpu.dynamic_gather %get3A_1476[%gather3A_1674] in [0] : vector<16xi32>, vector<16xi32> -> vector<16xi32>
    %eq3A_1676 = arith.cmpi eq, %gather3A_1675, %get3A_1476 : vector<16xi32>
    %and3A_1677 = arith.andi %eq3A_1676, %ge3A_609 : vector<16xi1>
    %add3A_1678 = arith.constant 1 : i32
    %add3A_1679 = vector.broadcast %add3A_1678 : i32 to vector<16xi32>
    %add3A_1680 = arith.addi %xor3A, %add3A_1679 : vector<16xi32>
    %select_n3A_1681 = arith.select %and3A_1677, %add3A_1680, %xor3A : vector<16xi1>, vector<16xi32>
    %add3A_1682 = arith.addi %add3A_1665, %select_n3A_1681 : vector<16xi32>
    %lt3A_1683 = arith.constant 0 : i32
    %lt3A_1684 = vector.broadcast %lt3A_1683 : i32 to vector<16xi32>
    %lt3A_1685 = arith.cmpi slt, %max3A_615, %lt3A_1684 : vector<16xi32>
    %add3A_1686 = arith.constant 16 : i32
    %add3A_1687 = vector.broadcast %add3A_1686 : i32 to vector<16xi32>
    %add3A_1688 = arith.addi %max3A_615, %add3A_1687 : vector<16xi32>
    %select_n3A_1689 = arith.select %lt3A_1685, %add3A_1688, %max3A_615 : vector<16xi1>, vector<16xi32>
    %broadcast_in_dim3A_1690 = vector.shape_cast %select_n3A_1689 : vector<16xi32> to vector<16x1xi32>
    %gather3A_1691 = vector.shape_cast %broadcast_in_dim3A_1690 : vector<16x1xi32> to vector<16xi32>
    %gather3A_1692 = tpu.dynamic_gather %get3A_1476[%gather3A_1691] in [0] : vector<16xi32>, vector<16xi32> -> vector<16xi32>
    %eq3A_1693 = arith.cmpi eq, %gather3A_1692, %get3A_1476 : vector<16xi32>
    %and3A_1694 = arith.andi %eq3A_1693, %ge3A_619 : vector<16xi1>
    %add3A_1695 = arith.constant 1 : i32
    %add3A_1696 = vector.broadcast %add3A_1695 : i32 to vector<16xi32>
    %add3A_1697 = arith.addi %xor3A, %add3A_1696 : vector<16xi32>
    %select_n3A_1698 = arith.select %and3A_1694, %add3A_1697, %xor3A : vector<16xi1>, vector<16xi32>
    %add3A_1699 = arith.addi %add3A_1682, %select_n3A_1698 : vector<16xi32>
    %lt3A_1700 = arith.constant 0 : i32
    %lt3A_1701 = vector.broadcast %lt3A_1700 : i32 to vector<16xi32>
    %lt3A_1702 = arith.cmpi slt, %max3A_625, %lt3A_1701 : vector<16xi32>
    %add3A_1703 = arith.constant 16 : i32
    %add3A_1704 = vector.broadcast %add3A_1703 : i32 to vector<16xi32>
    %add3A_1705 = arith.addi %max3A_625, %add3A_1704 : vector<16xi32>
    %select_n3A_1706 = arith.select %lt3A_1702, %add3A_1705, %max3A_625 : vector<16xi1>, vector<16xi32>
    %broadcast_in_dim3A_1707 = vector.shape_cast %select_n3A_1706 : vector<16xi32> to vector<16x1xi32>
    %gather3A_1708 = vector.shape_cast %broadcast_in_dim3A_1707 : vector<16x1xi32> to vector<16xi32>
    %gather3A_1709 = tpu.dynamic_gather %get3A_1476[%gather3A_1708] in [0] : vector<16xi32>, vector<16xi32> -> vector<16xi32>
    %eq3A_1710 = arith.cmpi eq, %gather3A_1709, %get3A_1476 : vector<16xi32>
    %and3A_1711 = arith.andi %eq3A_1710, %ge3A_629 : vector<16xi1>
    %add3A_1712 = arith.constant 1 : i32
    %add3A_1713 = vector.broadcast %add3A_1712 : i32 to vector<16xi32>
    %add3A_1714 = arith.addi %xor3A, %add3A_1713 : vector<16xi32>
    %select_n3A_1715 = arith.select %and3A_1711, %add3A_1714, %xor3A : vector<16xi1>, vector<16xi32>
    %add3A_1716 = arith.addi %add3A_1699, %select_n3A_1715 : vector<16xi32>
    %lt3A_1717 = arith.constant 0 : i32
    %lt3A_1718 = vector.broadcast %lt3A_1717 : i32 to vector<16xi32>
    %lt3A_1719 = arith.cmpi slt, %max3A_635, %lt3A_1718 : vector<16xi32>
    %add3A_1720 = arith.constant 16 : i32
    %add3A_1721 = vector.broadcast %add3A_1720 : i32 to vector<16xi32>
    %add3A_1722 = arith.addi %max3A_635, %add3A_1721 : vector<16xi32>
    %select_n3A_1723 = arith.select %lt3A_1719, %add3A_1722, %max3A_635 : vector<16xi1>, vector<16xi32>
    %broadcast_in_dim3A_1724 = vector.shape_cast %select_n3A_1723 : vector<16xi32> to vector<16x1xi32>
    %gather3A_1725 = vector.shape_cast %broadcast_in_dim3A_1724 : vector<16x1xi32> to vector<16xi32>
    %gather3A_1726 = tpu.dynamic_gather %get3A_1476[%gather3A_1725] in [0] : vector<16xi32>, vector<16xi32> -> vector<16xi32>
    %eq3A_1727 = arith.cmpi eq, %gather3A_1726, %get3A_1476 : vector<16xi32>
    %and3A_1728 = arith.andi %eq3A_1727, %ge3A_639 : vector<16xi1>
    %add3A_1729 = arith.constant 1 : i32
    %add3A_1730 = vector.broadcast %add3A_1729 : i32 to vector<16xi32>
    %add3A_1731 = arith.addi %xor3A, %add3A_1730 : vector<16xi32>
    %select_n3A_1732 = arith.select %and3A_1728, %add3A_1731, %xor3A : vector<16xi1>, vector<16xi32>
    %add3A_1733 = arith.addi %add3A_1716, %select_n3A_1732 : vector<16xi32>
    %lt3A_1734 = arith.constant 0 : i32
    %lt3A_1735 = vector.broadcast %lt3A_1734 : i32 to vector<16xi32>
    %lt3A_1736 = arith.cmpi slt, %get3A_1476, %lt3A_1735 : vector<16xi32>
    %add3A_1737 = arith.constant 16 : i32
    %add3A_1738 = vector.broadcast %add3A_1737 : i32 to vector<16xi32>
    %add3A_1739 = arith.addi %get3A_1476, %add3A_1738 : vector<16xi32>
    %select_n3A_1740 = arith.select %lt3A_1736, %add3A_1739, %get3A_1476 : vector<16xi1>, vector<16xi32>
    %broadcast_in_dim3A_1741 = vector.shape_cast %select_n3A_1740 : vector<16xi32> to vector<16x1xi32>
    %gather3A_1742 = vector.shape_cast %broadcast_in_dim3A_1741 : vector<16x1xi32> to vector<16xi32>
    %gather3A_1743 = tpu.dynamic_gather %add3A_1473[%gather3A_1742] in [0] : vector<16xi32>, vector<16xi32> -> vector<16xi32>
    %add3A_1744 = arith.addi %gather3A_1743, %add3A_1733 : vector<16xi32>
    %swap3A_1745 = arith.constant 48 : index
    %swap3A_1746 = tpu.vector_load %arg10[%swap3A_1745] {strides = array<i32>} : memref<128xi32, #tpu.memory_space<vmem>>, vector<16xi32>,
    %swap3A_1747 = vector.shape_cast %swap3A_1746 : vector<16xi32> to vector<16xi32>
    %swap3A_1748 = vector.shape_cast %add3A_1744 : vector<16xi32> to vector<16xi32>
    tpu.vector_store %arg10[%swap3A_1745], %swap3A_1748 {strides = array<i32>} : memref<128xi32, #tpu.memory_space<vmem>>, vector<16xi32>,
    %get3A_1749 = arith.constant 48 : index
    %get3A_1750 = tpu.vector_load %arg9[%get3A_1749] {strides = array<i32>} : memref<128xi32, #tpu.memory_space<vmem>>, vector<16xi32>,
    %get3A_1751 = vector.shape_cast %get3A_1750 : vector<16xi32> to vector<16xi32>
    %add3A_1752 = arith.addi %add3A_1473, %get3A_1751 : vector<16xi32>
    %get3A_1753 = arith.constant 64 : index
    %get3A_1754 = tpu.vector_load %arg7[%get3A_1753] {strides = array<i32>} : memref<128xi32, #tpu.memory_space<vmem>>, vector<16xi32>,
    %get3A_1755 = vector.shape_cast %get3A_1754 : vector<16xi32> to vector<16xi32>
    %broadcast_in_dim3A_1756 = arith.constant 0 : i32
    %broadcast_in_dim3A_1757 = vector.broadcast %broadcast_in_dim3A_1756 : i32 to vector<16xi32>
    %lt3A_1758 = arith.constant 0 : i32
    %lt3A_1759 = vector.broadcast %lt3A_1758 : i32 to vector<16xi32>
    %lt3A_1760 = arith.cmpi slt, %max3A_495, %lt3A_1759 : vector<16xi32>
    %add3A_1761 = arith.constant 16 : i32
    %add3A_1762 = vector.broadcast %add3A_1761 : i32 to vector<16xi32>
    %add3A_1763 = arith.addi %max3A_495, %add3A_1762 : vector<16xi32>
    %select_n3A_1764 = arith.select %lt3A_1760, %add3A_1763, %max3A_495 : vector<16xi1>, vector<16xi32>
    %broadcast_in_dim3A_1765 = vector.shape_cast %select_n3A_1764 : vector<16xi32> to vector<16x1xi32>
    %gather3A_1766 = vector.shape_cast %broadcast_in_dim3A_1765 : vector<16x1xi32> to vector<16xi32>
    %gather3A_1767 = tpu.dynamic_gather %get3A_1755[%gather3A_1766] in [0] : vector<16xi32>, vector<16xi32> -> vector<16xi32>
    %eq3A_1768 = arith.cmpi eq, %gather3A_1767, %get3A_1755 : vector<16xi32>
    %and3A_1769 = arith.andi %eq3A_1768, %ge3A_499 : vector<16xi1>
    %add3A_1770 = arith.constant 1 : i32
    %add3A_1771 = vector.broadcast %add3A_1770 : i32 to vector<16xi32>
    %add3A_1772 = arith.addi %xor3A, %add3A_1771 : vector<16xi32>
    %select_n3A_1773 = arith.select %and3A_1769, %add3A_1772, %xor3A : vector<16xi1>, vector<16xi32>
    %add3A_1774 = arith.addi %broadcast_in_dim3A_1757, %select_n3A_1773 : vector<16xi32>
    %lt3A_1775 = arith.constant 0 : i32
    %lt3A_1776 = vector.broadcast %lt3A_1775 : i32 to vector<16xi32>
    %lt3A_1777 = arith.cmpi slt, %max3A_505, %lt3A_1776 : vector<16xi32>
    %add3A_1778 = arith.constant 16 : i32
    %add3A_1779 = vector.broadcast %add3A_1778 : i32 to vector<16xi32>
    %add3A_1780 = arith.addi %max3A_505, %add3A_1779 : vector<16xi32>
    %select_n3A_1781 = arith.select %lt3A_1777, %add3A_1780, %max3A_505 : vector<16xi1>, vector<16xi32>
    %broadcast_in_dim3A_1782 = vector.shape_cast %select_n3A_1781 : vector<16xi32> to vector<16x1xi32>
    %gather3A_1783 = vector.shape_cast %broadcast_in_dim3A_1782 : vector<16x1xi32> to vector<16xi32>
    %gather3A_1784 = tpu.dynamic_gather %get3A_1755[%gather3A_1783] in [0] : vector<16xi32>, vector<16xi32> -> vector<16xi32>
    %eq3A_1785 = arith.cmpi eq, %gather3A_1784, %get3A_1755 : vector<16xi32>
    %and3A_1786 = arith.andi %eq3A_1785, %ge3A_509 : vector<16xi1>
    %add3A_1787 = arith.constant 1 : i32
    %add3A_1788 = vector.broadcast %add3A_1787 : i32 to vector<16xi32>
    %add3A_1789 = arith.addi %xor3A, %add3A_1788 : vector<16xi32>
    %select_n3A_1790 = arith.select %and3A_1786, %add3A_1789, %xor3A : vector<16xi1>, vector<16xi32>
    %add3A_1791 = arith.addi %add3A_1774, %select_n3A_1790 : vector<16xi32>
    %lt3A_1792 = arith.constant 0 : i32
    %lt3A_1793 = vector.broadcast %lt3A_1792 : i32 to vector<16xi32>
    %lt3A_1794 = arith.cmpi slt, %max3A_515, %lt3A_1793 : vector<16xi32>
    %add3A_1795 = arith.constant 16 : i32
    %add3A_1796 = vector.broadcast %add3A_1795 : i32 to vector<16xi32>
    %add3A_1797 = arith.addi %max3A_515, %add3A_1796 : vector<16xi32>
    %select_n3A_1798 = arith.select %lt3A_1794, %add3A_1797, %max3A_515 : vector<16xi1>, vector<16xi32>
    %broadcast_in_dim3A_1799 = vector.shape_cast %select_n3A_1798 : vector<16xi32> to vector<16x1xi32>
    %gather3A_1800 = vector.shape_cast %broadcast_in_dim3A_1799 : vector<16x1xi32> to vector<16xi32>
    %gather3A_1801 = tpu.dynamic_gather %get3A_1755[%gather3A_1800] in [0] : vector<16xi32>, vector<16xi32> -> vector<16xi32>
    %eq3A_1802 = arith.cmpi eq, %gather3A_1801, %get3A_1755 : vector<16xi32>
    %and3A_1803 = arith.andi %eq3A_1802, %ge3A_519 : vector<16xi1>
    %add3A_1804 = arith.constant 1 : i32
    %add3A_1805 = vector.broadcast %add3A_1804 : i32 to vector<16xi32>
    %add3A_1806 = arith.addi %xor3A, %add3A_1805 : vector<16xi32>
    %select_n3A_1807 = arith.select %and3A_1803, %add3A_1806, %xor3A : vector<16xi1>, vector<16xi32>
    %add3A_1808 = arith.addi %add3A_1791, %select_n3A_1807 : vector<16xi32>
    %lt3A_1809 = arith.constant 0 : i32
    %lt3A_1810 = vector.broadcast %lt3A_1809 : i32 to vector<16xi32>
    %lt3A_1811 = arith.cmpi slt, %max3A_525, %lt3A_1810 : vector<16xi32>
    %add3A_1812 = arith.constant 16 : i32
    %add3A_1813 = vector.broadcast %add3A_1812 : i32 to vector<16xi32>
    %add3A_1814 = arith.addi %max3A_525, %add3A_1813 : vector<16xi32>
    %select_n3A_1815 = arith.select %lt3A_1811, %add3A_1814, %max3A_525 : vector<16xi1>, vector<16xi32>
    %broadcast_in_dim3A_1816 = vector.shape_cast %select_n3A_1815 : vector<16xi32> to vector<16x1xi32>
    %gather3A_1817 = vector.shape_cast %broadcast_in_dim3A_1816 : vector<16x1xi32> to vector<16xi32>
    %gather3A_1818 = tpu.dynamic_gather %get3A_1755[%gather3A_1817] in [0] : vector<16xi32>, vector<16xi32> -> vector<16xi32>
    %eq3A_1819 = arith.cmpi eq, %gather3A_1818, %get3A_1755 : vector<16xi32>
    %and3A_1820 = arith.andi %eq3A_1819, %ge3A_529 : vector<16xi1>
    %add3A_1821 = arith.constant 1 : i32
    %add3A_1822 = vector.broadcast %add3A_1821 : i32 to vector<16xi32>
    %add3A_1823 = arith.addi %xor3A, %add3A_1822 : vector<16xi32>
    %select_n3A_1824 = arith.select %and3A_1820, %add3A_1823, %xor3A : vector<16xi1>, vector<16xi32>
    %add3A_1825 = arith.addi %add3A_1808, %select_n3A_1824 : vector<16xi32>
    %lt3A_1826 = arith.constant 0 : i32
    %lt3A_1827 = vector.broadcast %lt3A_1826 : i32 to vector<16xi32>
    %lt3A_1828 = arith.cmpi slt, %max3A_535, %lt3A_1827 : vector<16xi32>
    %add3A_1829 = arith.constant 16 : i32
    %add3A_1830 = vector.broadcast %add3A_1829 : i32 to vector<16xi32>
    %add3A_1831 = arith.addi %max3A_535, %add3A_1830 : vector<16xi32>
    %select_n3A_1832 = arith.select %lt3A_1828, %add3A_1831, %max3A_535 : vector<16xi1>, vector<16xi32>
    %broadcast_in_dim3A_1833 = vector.shape_cast %select_n3A_1832 : vector<16xi32> to vector<16x1xi32>
    %gather3A_1834 = vector.shape_cast %broadcast_in_dim3A_1833 : vector<16x1xi32> to vector<16xi32>
    %gather3A_1835 = tpu.dynamic_gather %get3A_1755[%gather3A_1834] in [0] : vector<16xi32>, vector<16xi32> -> vector<16xi32>
    %eq3A_1836 = arith.cmpi eq, %gather3A_1835, %get3A_1755 : vector<16xi32>
    %and3A_1837 = arith.andi %eq3A_1836, %ge3A_539 : vector<16xi1>
    %add3A_1838 = arith.constant 1 : i32
    %add3A_1839 = vector.broadcast %add3A_1838 : i32 to vector<16xi32>
    %add3A_1840 = arith.addi %xor3A, %add3A_1839 : vector<16xi32>
    %select_n3A_1841 = arith.select %and3A_1837, %add3A_1840, %xor3A : vector<16xi1>, vector<16xi32>
    %add3A_1842 = arith.addi %add3A_1825, %select_n3A_1841 : vector<16xi32>
    %lt3A_1843 = arith.constant 0 : i32
    %lt3A_1844 = vector.broadcast %lt3A_1843 : i32 to vector<16xi32>
    %lt3A_1845 = arith.cmpi slt, %max3A_545, %lt3A_1844 : vector<16xi32>
    %add3A_1846 = arith.constant 16 : i32
    %add3A_1847 = vector.broadcast %add3A_1846 : i32 to vector<16xi32>
    %add3A_1848 = arith.addi %max3A_545, %add3A_1847 : vector<16xi32>
    %select_n3A_1849 = arith.select %lt3A_1845, %add3A_1848, %max3A_545 : vector<16xi1>, vector<16xi32>
    %broadcast_in_dim3A_1850 = vector.shape_cast %select_n3A_1849 : vector<16xi32> to vector<16x1xi32>
    %gather3A_1851 = vector.shape_cast %broadcast_in_dim3A_1850 : vector<16x1xi32> to vector<16xi32>
    %gather3A_1852 = tpu.dynamic_gather %get3A_1755[%gather3A_1851] in [0] : vector<16xi32>, vector<16xi32> -> vector<16xi32>
    %eq3A_1853 = arith.cmpi eq, %gather3A_1852, %get3A_1755 : vector<16xi32>
    %and3A_1854 = arith.andi %eq3A_1853, %ge3A_549 : vector<16xi1>
    %add3A_1855 = arith.constant 1 : i32
    %add3A_1856 = vector.broadcast %add3A_1855 : i32 to vector<16xi32>
    %add3A_1857 = arith.addi %xor3A, %add3A_1856 : vector<16xi32>
    %select_n3A_1858 = arith.select %and3A_1854, %add3A_1857, %xor3A : vector<16xi1>, vector<16xi32>
    %add3A_1859 = arith.addi %add3A_1842, %select_n3A_1858 : vector<16xi32>
    %lt3A_1860 = arith.constant 0 : i32
    %lt3A_1861 = vector.broadcast %lt3A_1860 : i32 to vector<16xi32>
    %lt3A_1862 = arith.cmpi slt, %max3A_555, %lt3A_1861 : vector<16xi32>
    %add3A_1863 = arith.constant 16 : i32
    %add3A_1864 = vector.broadcast %add3A_1863 : i32 to vector<16xi32>
    %add3A_1865 = arith.addi %max3A_555, %add3A_1864 : vector<16xi32>
    %select_n3A_1866 = arith.select %lt3A_1862, %add3A_1865, %max3A_555 : vector<16xi1>, vector<16xi32>
    %broadcast_in_dim3A_1867 = vector.shape_cast %select_n3A_1866 : vector<16xi32> to vector<16x1xi32>
    %gather3A_1868 = vector.shape_cast %broadcast_in_dim3A_1867 : vector<16x1xi32> to vector<16xi32>
    %gather3A_1869 = tpu.dynamic_gather %get3A_1755[%gather3A_1868] in [0] : vector<16xi32>, vector<16xi32> -> vector<16xi32>
    %eq3A_1870 = arith.cmpi eq, %gather3A_1869, %get3A_1755 : vector<16xi32>
    %and3A_1871 = arith.andi %eq3A_1870, %ge3A_559 : vector<16xi1>
    %add3A_1872 = arith.constant 1 : i32
    %add3A_1873 = vector.broadcast %add3A_1872 : i32 to vector<16xi32>
    %add3A_1874 = arith.addi %xor3A, %add3A_1873 : vector<16xi32>
    %select_n3A_1875 = arith.select %and3A_1871, %add3A_1874, %xor3A : vector<16xi1>, vector<16xi32>
    %add3A_1876 = arith.addi %add3A_1859, %select_n3A_1875 : vector<16xi32>
    %lt3A_1877 = arith.constant 0 : i32
    %lt3A_1878 = vector.broadcast %lt3A_1877 : i32 to vector<16xi32>
    %lt3A_1879 = arith.cmpi slt, %max3A_565, %lt3A_1878 : vector<16xi32>
    %add3A_1880 = arith.constant 16 : i32
    %add3A_1881 = vector.broadcast %add3A_1880 : i32 to vector<16xi32>
    %add3A_1882 = arith.addi %max3A_565, %add3A_1881 : vector<16xi32>
    %select_n3A_1883 = arith.select %lt3A_1879, %add3A_1882, %max3A_565 : vector<16xi1>, vector<16xi32>
    %broadcast_in_dim3A_1884 = vector.shape_cast %select_n3A_1883 : vector<16xi32> to vector<16x1xi32>
    %gather3A_1885 = vector.shape_cast %broadcast_in_dim3A_1884 : vector<16x1xi32> to vector<16xi32>
    %gather3A_1886 = tpu.dynamic_gather %get3A_1755[%gather3A_1885] in [0] : vector<16xi32>, vector<16xi32> -> vector<16xi32>
    %eq3A_1887 = arith.cmpi eq, %gather3A_1886, %get3A_1755 : vector<16xi32>
    %and3A_1888 = arith.andi %eq3A_1887, %ge3A_569 : vector<16xi1>
    %add3A_1889 = arith.constant 1 : i32
    %add3A_1890 = vector.broadcast %add3A_1889 : i32 to vector<16xi32>
    %add3A_1891 = arith.addi %xor3A, %add3A_1890 : vector<16xi32>
    %select_n3A_1892 = arith.select %and3A_1888, %add3A_1891, %xor3A : vector<16xi1>, vector<16xi32>
    %add3A_1893 = arith.addi %add3A_1876, %select_n3A_1892 : vector<16xi32>
    %lt3A_1894 = arith.constant 0 : i32
    %lt3A_1895 = vector.broadcast %lt3A_1894 : i32 to vector<16xi32>
    %lt3A_1896 = arith.cmpi slt, %max3A_575, %lt3A_1895 : vector<16xi32>
    %add3A_1897 = arith.constant 16 : i32
    %add3A_1898 = vector.broadcast %add3A_1897 : i32 to vector<16xi32>
    %add3A_1899 = arith.addi %max3A_575, %add3A_1898 : vector<16xi32>
    %select_n3A_1900 = arith.select %lt3A_1896, %add3A_1899, %max3A_575 : vector<16xi1>, vector<16xi32>
    %broadcast_in_dim3A_1901 = vector.shape_cast %select_n3A_1900 : vector<16xi32> to vector<16x1xi32>
    %gather3A_1902 = vector.shape_cast %broadcast_in_dim3A_1901 : vector<16x1xi32> to vector<16xi32>
    %gather3A_1903 = tpu.dynamic_gather %get3A_1755[%gather3A_1902] in [0] : vector<16xi32>, vector<16xi32> -> vector<16xi32>
    %eq3A_1904 = arith.cmpi eq, %gather3A_1903, %get3A_1755 : vector<16xi32>
    %and3A_1905 = arith.andi %eq3A_1904, %ge3A_579 : vector<16xi1>
    %add3A_1906 = arith.constant 1 : i32
    %add3A_1907 = vector.broadcast %add3A_1906 : i32 to vector<16xi32>
    %add3A_1908 = arith.addi %xor3A, %add3A_1907 : vector<16xi32>
    %select_n3A_1909 = arith.select %and3A_1905, %add3A_1908, %xor3A : vector<16xi1>, vector<16xi32>
    %add3A_1910 = arith.addi %add3A_1893, %select_n3A_1909 : vector<16xi32>
    %lt3A_1911 = arith.constant 0 : i32
    %lt3A_1912 = vector.broadcast %lt3A_1911 : i32 to vector<16xi32>
    %lt3A_1913 = arith.cmpi slt, %max3A_585, %lt3A_1912 : vector<16xi32>
    %add3A_1914 = arith.constant 16 : i32
    %add3A_1915 = vector.broadcast %add3A_1914 : i32 to vector<16xi32>
    %add3A_1916 = arith.addi %max3A_585, %add3A_1915 : vector<16xi32>
    %select_n3A_1917 = arith.select %lt3A_1913, %add3A_1916, %max3A_585 : vector<16xi1>, vector<16xi32>
    %broadcast_in_dim3A_1918 = vector.shape_cast %select_n3A_1917 : vector<16xi32> to vector<16x1xi32>
    %gather3A_1919 = vector.shape_cast %broadcast_in_dim3A_1918 : vector<16x1xi32> to vector<16xi32>
    %gather3A_1920 = tpu.dynamic_gather %get3A_1755[%gather3A_1919] in [0] : vector<16xi32>, vector<16xi32> -> vector<16xi32>
    %eq3A_1921 = arith.cmpi eq, %gather3A_1920, %get3A_1755 : vector<16xi32>
    %and3A_1922 = arith.andi %eq3A_1921, %ge3A_589 : vector<16xi1>
    %add3A_1923 = arith.constant 1 : i32
    %add3A_1924 = vector.broadcast %add3A_1923 : i32 to vector<16xi32>
    %add3A_1925 = arith.addi %xor3A, %add3A_1924 : vector<16xi32>
    %select_n3A_1926 = arith.select %and3A_1922, %add3A_1925, %xor3A : vector<16xi1>, vector<16xi32>
    %add3A_1927 = arith.addi %add3A_1910, %select_n3A_1926 : vector<16xi32>
    %lt3A_1928 = arith.constant 0 : i32
    %lt3A_1929 = vector.broadcast %lt3A_1928 : i32 to vector<16xi32>
    %lt3A_1930 = arith.cmpi slt, %max3A_595, %lt3A_1929 : vector<16xi32>
    %add3A_1931 = arith.constant 16 : i32
    %add3A_1932 = vector.broadcast %add3A_1931 : i32 to vector<16xi32>
    %add3A_1933 = arith.addi %max3A_595, %add3A_1932 : vector<16xi32>
    %select_n3A_1934 = arith.select %lt3A_1930, %add3A_1933, %max3A_595 : vector<16xi1>, vector<16xi32>
    %broadcast_in_dim3A_1935 = vector.shape_cast %select_n3A_1934 : vector<16xi32> to vector<16x1xi32>
    %gather3A_1936 = vector.shape_cast %broadcast_in_dim3A_1935 : vector<16x1xi32> to vector<16xi32>
    %gather3A_1937 = tpu.dynamic_gather %get3A_1755[%gather3A_1936] in [0] : vector<16xi32>, vector<16xi32> -> vector<16xi32>
    %eq3A_1938 = arith.cmpi eq, %gather3A_1937, %get3A_1755 : vector<16xi32>
    %and3A_1939 = arith.andi %eq3A_1938, %ge3A_599 : vector<16xi1>
    %add3A_1940 = arith.constant 1 : i32
    %add3A_1941 = vector.broadcast %add3A_1940 : i32 to vector<16xi32>
    %add3A_1942 = arith.addi %xor3A, %add3A_1941 : vector<16xi32>
    %select_n3A_1943 = arith.select %and3A_1939, %add3A_1942, %xor3A : vector<16xi1>, vector<16xi32>
    %add3A_1944 = arith.addi %add3A_1927, %select_n3A_1943 : vector<16xi32>
    %lt3A_1945 = arith.constant 0 : i32
    %lt3A_1946 = vector.broadcast %lt3A_1945 : i32 to vector<16xi32>
    %lt3A_1947 = arith.cmpi slt, %max3A_605, %lt3A_1946 : vector<16xi32>
    %add3A_1948 = arith.constant 16 : i32
    %add3A_1949 = vector.broadcast %add3A_1948 : i32 to vector<16xi32>
    %add3A_1950 = arith.addi %max3A_605, %add3A_1949 : vector<16xi32>
    %select_n3A_1951 = arith.select %lt3A_1947, %add3A_1950, %max3A_605 : vector<16xi1>, vector<16xi32>
    %broadcast_in_dim3A_1952 = vector.shape_cast %select_n3A_1951 : vector<16xi32> to vector<16x1xi32>
    %gather3A_1953 = vector.shape_cast %broadcast_in_dim3A_1952 : vector<16x1xi32> to vector<16xi32>
    %gather3A_1954 = tpu.dynamic_gather %get3A_1755[%gather3A_1953] in [0] : vector<16xi32>, vector<16xi32> -> vector<16xi32>
    %eq3A_1955 = arith.cmpi eq, %gather3A_1954, %get3A_1755 : vector<16xi32>
    %and3A_1956 = arith.andi %eq3A_1955, %ge3A_609 : vector<16xi1>
    %add3A_1957 = arith.constant 1 : i32
    %add3A_1958 = vector.broadcast %add3A_1957 : i32 to vector<16xi32>
    %add3A_1959 = arith.addi %xor3A, %add3A_1958 : vector<16xi32>
    %select_n3A_1960 = arith.select %and3A_1956, %add3A_1959, %xor3A : vector<16xi1>, vector<16xi32>
    %add3A_1961 = arith.addi %add3A_1944, %select_n3A_1960 : vector<16xi32>
    %lt3A_1962 = arith.constant 0 : i32
    %lt3A_1963 = vector.broadcast %lt3A_1962 : i32 to vector<16xi32>
    %lt3A_1964 = arith.cmpi slt, %max3A_615, %lt3A_1963 : vector<16xi32>
    %add3A_1965 = arith.constant 16 : i32
    %add3A_1966 = vector.broadcast %add3A_1965 : i32 to vector<16xi32>
    %add3A_1967 = arith.addi %max3A_615, %add3A_1966 : vector<16xi32>
    %select_n3A_1968 = arith.select %lt3A_1964, %add3A_1967, %max3A_615 : vector<16xi1>, vector<16xi32>
    %broadcast_in_dim3A_1969 = vector.shape_cast %select_n3A_1968 : vector<16xi32> to vector<16x1xi32>
    %gather3A_1970 = vector.shape_cast %broadcast_in_dim3A_1969 : vector<16x1xi32> to vector<16xi32>
    %gather3A_1971 = tpu.dynamic_gather %get3A_1755[%gather3A_1970] in [0] : vector<16xi32>, vector<16xi32> -> vector<16xi32>
    %eq3A_1972 = arith.cmpi eq, %gather3A_1971, %get3A_1755 : vector<16xi32>
    %and3A_1973 = arith.andi %eq3A_1972, %ge3A_619 : vector<16xi1>
    %add3A_1974 = arith.constant 1 : i32
    %add3A_1975 = vector.broadcast %add3A_1974 : i32 to vector<16xi32>
    %add3A_1976 = arith.addi %xor3A, %add3A_1975 : vector<16xi32>
    %select_n3A_1977 = arith.select %and3A_1973, %add3A_1976, %xor3A : vector<16xi1>, vector<16xi32>
    %add3A_1978 = arith.addi %add3A_1961, %select_n3A_1977 : vector<16xi32>
    %lt3A_1979 = arith.constant 0 : i32
    %lt3A_1980 = vector.broadcast %lt3A_1979 : i32 to vector<16xi32>
    %lt3A_1981 = arith.cmpi slt, %max3A_625, %lt3A_1980 : vector<16xi32>
    %add3A_1982 = arith.constant 16 : i32
    %add3A_1983 = vector.broadcast %add3A_1982 : i32 to vector<16xi32>
    %add3A_1984 = arith.addi %max3A_625, %add3A_1983 : vector<16xi32>
    %select_n3A_1985 = arith.select %lt3A_1981, %add3A_1984, %max3A_625 : vector<16xi1>, vector<16xi32>
    %broadcast_in_dim3A_1986 = vector.shape_cast %select_n3A_1985 : vector<16xi32> to vector<16x1xi32>
    %gather3A_1987 = vector.shape_cast %broadcast_in_dim3A_1986 : vector<16x1xi32> to vector<16xi32>
    %gather3A_1988 = tpu.dynamic_gather %get3A_1755[%gather3A_1987] in [0] : vector<16xi32>, vector<16xi32> -> vector<16xi32>
    %eq3A_1989 = arith.cmpi eq, %gather3A_1988, %get3A_1755 : vector<16xi32>
    %and3A_1990 = arith.andi %eq3A_1989, %ge3A_629 : vector<16xi1>
    %add3A_1991 = arith.constant 1 : i32
    %add3A_1992 = vector.broadcast %add3A_1991 : i32 to vector<16xi32>
    %add3A_1993 = arith.addi %xor3A, %add3A_1992 : vector<16xi32>
    %select_n3A_1994 = arith.select %and3A_1990, %add3A_1993, %xor3A : vector<16xi1>, vector<16xi32>
    %add3A_1995 = arith.addi %add3A_1978, %select_n3A_1994 : vector<16xi32>
    %lt3A_1996 = arith.constant 0 : i32
    %lt3A_1997 = vector.broadcast %lt3A_1996 : i32 to vector<16xi32>
    %lt3A_1998 = arith.cmpi slt, %max3A_635, %lt3A_1997 : vector<16xi32>
    %add3A_1999 = arith.constant 16 : i32
    %add3A_2000 = vector.broadcast %add3A_1999 : i32 to vector<16xi32>
    %add3A_2001 = arith.addi %max3A_635, %add3A_2000 : vector<16xi32>
    %select_n3A_2002 = arith.select %lt3A_1998, %add3A_2001, %max3A_635 : vector<16xi1>, vector<16xi32>
    %broadcast_in_dim3A_2003 = vector.shape_cast %select_n3A_2002 : vector<16xi32> to vector<16x1xi32>
    %gather3A_2004 = vector.shape_cast %broadcast_in_dim3A_2003 : vector<16x1xi32> to vector<16xi32>
    %gather3A_2005 = tpu.dynamic_gather %get3A_1755[%gather3A_2004] in [0] : vector<16xi32>, vector<16xi32> -> vector<16xi32>
    %eq3A_2006 = arith.cmpi eq, %gather3A_2005, %get3A_1755 : vector<16xi32>
    %and3A_2007 = arith.andi %eq3A_2006, %ge3A_639 : vector<16xi1>
    %add3A_2008 = arith.constant 1 : i32
    %add3A_2009 = vector.broadcast %add3A_2008 : i32 to vector<16xi32>
    %add3A_2010 = arith.addi %xor3A, %add3A_2009 : vector<16xi32>
    %select_n3A_2011 = arith.select %and3A_2007, %add3A_2010, %xor3A : vector<16xi1>, vector<16xi32>
    %add3A_2012 = arith.addi %add3A_1995, %select_n3A_2011 : vector<16xi32>
    %lt3A_2013 = arith.constant 0 : i32
    %lt3A_2014 = vector.broadcast %lt3A_2013 : i32 to vector<16xi32>
    %lt3A_2015 = arith.cmpi slt, %get3A_1755, %lt3A_2014 : vector<16xi32>
    %add3A_2016 = arith.constant 16 : i32
    %add3A_2017 = vector.broadcast %add3A_2016 : i32 to vector<16xi32>
    %add3A_2018 = arith.addi %get3A_1755, %add3A_2017 : vector<16xi32>
    %select_n3A_2019 = arith.select %lt3A_2015, %add3A_2018, %get3A_1755 : vector<16xi1>, vector<16xi32>
    %broadcast_in_dim3A_2020 = vector.shape_cast %select_n3A_2019 : vector<16xi32> to vector<16x1xi32>
    %gather3A_2021 = vector.shape_cast %broadcast_in_dim3A_2020 : vector<16x1xi32> to vector<16xi32>
    %gather3A_2022 = tpu.dynamic_gather %add3A_1752[%gather3A_2021] in [0] : vector<16xi32>, vector<16xi32> -> vector<16xi32>
    %add3A_2023 = arith.addi %gather3A_2022, %add3A_2012 : vector<16xi32>
    %swap3A_2024 = arith.constant 64 : index
    %swap3A_2025 = tpu.vector_load %arg10[%swap3A_2024] {strides = array<i32>} : memref<128xi32, #tpu.memory_space<vmem>>, vector<16xi32>,
    %swap3A_2026 = vector.shape_cast %swap3A_2025 : vector<16xi32> to vector<16xi32>
    %swap3A_2027 = vector.shape_cast %add3A_2023 : vector<16xi32> to vector<16xi32>
    tpu.vector_store %arg10[%swap3A_2024], %swap3A_2027 {strides = array<i32>} : memref<128xi32, #tpu.memory_space<vmem>>, vector<16xi32>,
    %get3A_2028 = arith.constant 64 : index
    %get3A_2029 = tpu.vector_load %arg9[%get3A_2028] {strides = array<i32>} : memref<128xi32, #tpu.memory_space<vmem>>, vector<16xi32>,
    %get3A_2030 = vector.shape_cast %get3A_2029 : vector<16xi32> to vector<16xi32>
    %add3A_2031 = arith.addi %add3A_1752, %get3A_2030 : vector<16xi32>
    %get3A_2032 = arith.constant 80 : index
    %get3A_2033 = tpu.vector_load %arg7[%get3A_2032] {strides = array<i32>} : memref<128xi32, #tpu.memory_space<vmem>>, vector<16xi32>,
    %get3A_2034 = vector.shape_cast %get3A_2033 : vector<16xi32> to vector<16xi32>
    %broadcast_in_dim3A_2035 = arith.constant 0 : i32
    %broadcast_in_dim3A_2036 = vector.broadcast %broadcast_in_dim3A_2035 : i32 to vector<16xi32>
    %lt3A_2037 = arith.constant 0 : i32
    %lt3A_2038 = vector.broadcast %lt3A_2037 : i32 to vector<16xi32>
    %lt3A_2039 = arith.cmpi slt, %max3A_495, %lt3A_2038 : vector<16xi32>
    %add3A_2040 = arith.constant 16 : i32
    %add3A_2041 = vector.broadcast %add3A_2040 : i32 to vector<16xi32>
    %add3A_2042 = arith.addi %max3A_495, %add3A_2041 : vector<16xi32>
    %select_n3A_2043 = arith.select %lt3A_2039, %add3A_2042, %max3A_495 : vector<16xi1>, vector<16xi32>
    %broadcast_in_dim3A_2044 = vector.shape_cast %select_n3A_2043 : vector<16xi32> to vector<16x1xi32>
    %gather3A_2045 = vector.shape_cast %broadcast_in_dim3A_2044 : vector<16x1xi32> to vector<16xi32>
    %gather3A_2046 = tpu.dynamic_gather %get3A_2034[%gather3A_2045] in [0] : vector<16xi32>, vector<16xi32> -> vector<16xi32>
    %eq3A_2047 = arith.cmpi eq, %gather3A_2046, %get3A_2034 : vector<16xi32>
    %and3A_2048 = arith.andi %eq3A_2047, %ge3A_499 : vector<16xi1>
    %add3A_2049 = arith.constant 1 : i32
    %add3A_2050 = vector.broadcast %add3A_2049 : i32 to vector<16xi32>
    %add3A_2051 = arith.addi %xor3A, %add3A_2050 : vector<16xi32>
    %select_n3A_2052 = arith.select %and3A_2048, %add3A_2051, %xor3A : vector<16xi1>, vector<16xi32>
    %add3A_2053 = arith.addi %broadcast_in_dim3A_2036, %select_n3A_2052 : vector<16xi32>
    %lt3A_2054 = arith.constant 0 : i32
    %lt3A_2055 = vector.broadcast %lt3A_2054 : i32 to vector<16xi32>
    %lt3A_2056 = arith.cmpi slt, %max3A_505, %lt3A_2055 : vector<16xi32>
    %add3A_2057 = arith.constant 16 : i32
    %add3A_2058 = vector.broadcast %add3A_2057 : i32 to vector<16xi32>
    %add3A_2059 = arith.addi %max3A_505, %add3A_2058 : vector<16xi32>
    %select_n3A_2060 = arith.select %lt3A_2056, %add3A_2059, %max3A_505 : vector<16xi1>, vector<16xi32>
    %broadcast_in_dim3A_2061 = vector.shape_cast %select_n3A_2060 : vector<16xi32> to vector<16x1xi32>
    %gather3A_2062 = vector.shape_cast %broadcast_in_dim3A_2061 : vector<16x1xi32> to vector<16xi32>
    %gather3A_2063 = tpu.dynamic_gather %get3A_2034[%gather3A_2062] in [0] : vector<16xi32>, vector<16xi32> -> vector<16xi32>
    %eq3A_2064 = arith.cmpi eq, %gather3A_2063, %get3A_2034 : vector<16xi32>
    %and3A_2065 = arith.andi %eq3A_2064, %ge3A_509 : vector<16xi1>
    %add3A_2066 = arith.constant 1 : i32
    %add3A_2067 = vector.broadcast %add3A_2066 : i32 to vector<16xi32>
    %add3A_2068 = arith.addi %xor3A, %add3A_2067 : vector<16xi32>
    %select_n3A_2069 = arith.select %and3A_2065, %add3A_2068, %xor3A : vector<16xi1>, vector<16xi32>
    %add3A_2070 = arith.addi %add3A_2053, %select_n3A_2069 : vector<16xi32>
    %lt3A_2071 = arith.constant 0 : i32
    %lt3A_2072 = vector.broadcast %lt3A_2071 : i32 to vector<16xi32>
    %lt3A_2073 = arith.cmpi slt, %max3A_515, %lt3A_2072 : vector<16xi32>
    %add3A_2074 = arith.constant 16 : i32
    %add3A_2075 = vector.broadcast %add3A_2074 : i32 to vector<16xi32>
    %add3A_2076 = arith.addi %max3A_515, %add3A_2075 : vector<16xi32>
    %select_n3A_2077 = arith.select %lt3A_2073, %add3A_2076, %max3A_515 : vector<16xi1>, vector<16xi32>
    %broadcast_in_dim3A_2078 = vector.shape_cast %select_n3A_2077 : vector<16xi32> to vector<16x1xi32>
    %gather3A_2079 = vector.shape_cast %broadcast_in_dim3A_2078 : vector<16x1xi32> to vector<16xi32>
    %gather3A_2080 = tpu.dynamic_gather %get3A_2034[%gather3A_2079] in [0] : vector<16xi32>, vector<16xi32> -> vector<16xi32>
    %eq3A_2081 = arith.cmpi eq, %gather3A_2080, %get3A_2034 : vector<16xi32>
    %and3A_2082 = arith.andi %eq3A_2081, %ge3A_519 : vector<16xi1>
    %add3A_2083 = arith.constant 1 : i32
    %add3A_2084 = vector.broadcast %add3A_2083 : i32 to vector<16xi32>
    %add3A_2085 = arith.addi %xor3A, %add3A_2084 : vector<16xi32>
    %select_n3A_2086 = arith.select %and3A_2082, %add3A_2085, %xor3A : vector<16xi1>, vector<16xi32>
    %add3A_2087 = arith.addi %add3A_2070, %select_n3A_2086 : vector<16xi32>
    %lt3A_2088 = arith.constant 0 : i32
    %lt3A_2089 = vector.broadcast %lt3A_2088 : i32 to vector<16xi32>
    %lt3A_2090 = arith.cmpi slt, %max3A_525, %lt3A_2089 : vector<16xi32>
    %add3A_2091 = arith.constant 16 : i32
    %add3A_2092 = vector.broadcast %add3A_2091 : i32 to vector<16xi32>
    %add3A_2093 = arith.addi %max3A_525, %add3A_2092 : vector<16xi32>
    %select_n3A_2094 = arith.select %lt3A_2090, %add3A_2093, %max3A_525 : vector<16xi1>, vector<16xi32>
    %broadcast_in_dim3A_2095 = vector.shape_cast %select_n3A_2094 : vector<16xi32> to vector<16x1xi32>
    %gather3A_2096 = vector.shape_cast %broadcast_in_dim3A_2095 : vector<16x1xi32> to vector<16xi32>
    %gather3A_2097 = tpu.dynamic_gather %get3A_2034[%gather3A_2096] in [0] : vector<16xi32>, vector<16xi32> -> vector<16xi32>
    %eq3A_2098 = arith.cmpi eq, %gather3A_2097, %get3A_2034 : vector<16xi32>
    %and3A_2099 = arith.andi %eq3A_2098, %ge3A_529 : vector<16xi1>
    %add3A_2100 = arith.constant 1 : i32
    %add3A_2101 = vector.broadcast %add3A_2100 : i32 to vector<16xi32>
    %add3A_2102 = arith.addi %xor3A, %add3A_2101 : vector<16xi32>
    %select_n3A_2103 = arith.select %and3A_2099, %add3A_2102, %xor3A : vector<16xi1>, vector<16xi32>
    %add3A_2104 = arith.addi %add3A_2087, %select_n3A_2103 : vector<16xi32>
    %lt3A_2105 = arith.constant 0 : i32
    %lt3A_2106 = vector.broadcast %lt3A_2105 : i32 to vector<16xi32>
    %lt3A_2107 = arith.cmpi slt, %max3A_535, %lt3A_2106 : vector<16xi32>
    %add3A_2108 = arith.constant 16 : i32
    %add3A_2109 = vector.broadcast %add3A_2108 : i32 to vector<16xi32>
    %add3A_2110 = arith.addi %max3A_535, %add3A_2109 : vector<16xi32>
    %select_n3A_2111 = arith.select %lt3A_2107, %add3A_2110, %max3A_535 : vector<16xi1>, vector<16xi32>
    %broadcast_in_dim3A_2112 = vector.shape_cast %select_n3A_2111 : vector<16xi32> to vector<16x1xi32>
    %gather3A_2113 = vector.shape_cast %broadcast_in_dim3A_2112 : vector<16x1xi32> to vector<16xi32>
    %gather3A_2114 = tpu.dynamic_gather %get3A_2034[%gather3A_2113] in [0] : vector<16xi32>, vector<16xi32> -> vector<16xi32>
    %eq3A_2115 = arith.cmpi eq, %gather3A_2114, %get3A_2034 : vector<16xi32>
    %and3A_2116 = arith.andi %eq3A_2115, %ge3A_539 : vector<16xi1>
    %add3A_2117 = arith.constant 1 : i32
    %add3A_2118 = vector.broadcast %add3A_2117 : i32 to vector<16xi32>
    %add3A_2119 = arith.addi %xor3A, %add3A_2118 : vector<16xi32>
    %select_n3A_2120 = arith.select %and3A_2116, %add3A_2119, %xor3A : vector<16xi1>, vector<16xi32>
    %add3A_2121 = arith.addi %add3A_2104, %select_n3A_2120 : vector<16xi32>
    %lt3A_2122 = arith.constant 0 : i32
    %lt3A_2123 = vector.broadcast %lt3A_2122 : i32 to vector<16xi32>
    %lt3A_2124 = arith.cmpi slt, %max3A_545, %lt3A_2123 : vector<16xi32>
    %add3A_2125 = arith.constant 16 : i32
    %add3A_2126 = vector.broadcast %add3A_2125 : i32 to vector<16xi32>
    %add3A_2127 = arith.addi %max3A_545, %add3A_2126 : vector<16xi32>
    %select_n3A_2128 = arith.select %lt3A_2124, %add3A_2127, %max3A_545 : vector<16xi1>, vector<16xi32>
    %broadcast_in_dim3A_2129 = vector.shape_cast %select_n3A_2128 : vector<16xi32> to vector<16x1xi32>
    %gather3A_2130 = vector.shape_cast %broadcast_in_dim3A_2129 : vector<16x1xi32> to vector<16xi32>
    %gather3A_2131 = tpu.dynamic_gather %get3A_2034[%gather3A_2130] in [0] : vector<16xi32>, vector<16xi32> -> vector<16xi32>
    %eq3A_2132 = arith.cmpi eq, %gather3A_2131, %get3A_2034 : vector<16xi32>
    %and3A_2133 = arith.andi %eq3A_2132, %ge3A_549 : vector<16xi1>
    %add3A_2134 = arith.constant 1 : i32
    %add3A_2135 = vector.broadcast %add3A_2134 : i32 to vector<16xi32>
    %add3A_2136 = arith.addi %xor3A, %add3A_2135 : vector<16xi32>
    %select_n3A_2137 = arith.select %and3A_2133, %add3A_2136, %xor3A : vector<16xi1>, vector<16xi32>
    %add3A_2138 = arith.addi %add3A_2121, %select_n3A_2137 : vector<16xi32>
    %lt3A_2139 = arith.constant 0 : i32
    %lt3A_2140 = vector.broadcast %lt3A_2139 : i32 to vector<16xi32>
    %lt3A_2141 = arith.cmpi slt, %max3A_555, %lt3A_2140 : vector<16xi32>
    %add3A_2142 = arith.constant 16 : i32
    %add3A_2143 = vector.broadcast %add3A_2142 : i32 to vector<16xi32>
    %add3A_2144 = arith.addi %max3A_555, %add3A_2143 : vector<16xi32>
    %select_n3A_2145 = arith.select %lt3A_2141, %add3A_2144, %max3A_555 : vector<16xi1>, vector<16xi32>
    %broadcast_in_dim3A_2146 = vector.shape_cast %select_n3A_2145 : vector<16xi32> to vector<16x1xi32>
    %gather3A_2147 = vector.shape_cast %broadcast_in_dim3A_2146 : vector<16x1xi32> to vector<16xi32>
    %gather3A_2148 = tpu.dynamic_gather %get3A_2034[%gather3A_2147] in [0] : vector<16xi32>, vector<16xi32> -> vector<16xi32>
    %eq3A_2149 = arith.cmpi eq, %gather3A_2148, %get3A_2034 : vector<16xi32>
    %and3A_2150 = arith.andi %eq3A_2149, %ge3A_559 : vector<16xi1>
    %add3A_2151 = arith.constant 1 : i32
    %add3A_2152 = vector.broadcast %add3A_2151 : i32 to vector<16xi32>
    %add3A_2153 = arith.addi %xor3A, %add3A_2152 : vector<16xi32>
    %select_n3A_2154 = arith.select %and3A_2150, %add3A_2153, %xor3A : vector<16xi1>, vector<16xi32>
    %add3A_2155 = arith.addi %add3A_2138, %select_n3A_2154 : vector<16xi32>
    %lt3A_2156 = arith.constant 0 : i32
    %lt3A_2157 = vector.broadcast %lt3A_2156 : i32 to vector<16xi32>
    %lt3A_2158 = arith.cmpi slt, %max3A_565, %lt3A_2157 : vector<16xi32>
    %add3A_2159 = arith.constant 16 : i32
    %add3A_2160 = vector.broadcast %add3A_2159 : i32 to vector<16xi32>
    %add3A_2161 = arith.addi %max3A_565, %add3A_2160 : vector<16xi32>
    %select_n3A_2162 = arith.select %lt3A_2158, %add3A_2161, %max3A_565 : vector<16xi1>, vector<16xi32>
    %broadcast_in_dim3A_2163 = vector.shape_cast %select_n3A_2162 : vector<16xi32> to vector<16x1xi32>
    %gather3A_2164 = vector.shape_cast %broadcast_in_dim3A_2163 : vector<16x1xi32> to vector<16xi32>
    %gather3A_2165 = tpu.dynamic_gather %get3A_2034[%gather3A_2164] in [0] : vector<16xi32>, vector<16xi32> -> vector<16xi32>
    %eq3A_2166 = arith.cmpi eq, %gather3A_2165, %get3A_2034 : vector<16xi32>
    %and3A_2167 = arith.andi %eq3A_2166, %ge3A_569 : vector<16xi1>
    %add3A_2168 = arith.constant 1 : i32
    %add3A_2169 = vector.broadcast %add3A_2168 : i32 to vector<16xi32>
    %add3A_2170 = arith.addi %xor3A, %add3A_2169 : vector<16xi32>
    %select_n3A_2171 = arith.select %and3A_2167, %add3A_2170, %xor3A : vector<16xi1>, vector<16xi32>
    %add3A_2172 = arith.addi %add3A_2155, %select_n3A_2171 : vector<16xi32>
    %lt3A_2173 = arith.constant 0 : i32
    %lt3A_2174 = vector.broadcast %lt3A_2173 : i32 to vector<16xi32>
    %lt3A_2175 = arith.cmpi slt, %max3A_575, %lt3A_2174 : vector<16xi32>
    %add3A_2176 = arith.constant 16 : i32
    %add3A_2177 = vector.broadcast %add3A_2176 : i32 to vector<16xi32>
    %add3A_2178 = arith.addi %max3A_575, %add3A_2177 : vector<16xi32>
    %select_n3A_2179 = arith.select %lt3A_2175, %add3A_2178, %max3A_575 : vector<16xi1>, vector<16xi32>
    %broadcast_in_dim3A_2180 = vector.shape_cast %select_n3A_2179 : vector<16xi32> to vector<16x1xi32>
    %gather3A_2181 = vector.shape_cast %broadcast_in_dim3A_2180 : vector<16x1xi32> to vector<16xi32>
    %gather3A_2182 = tpu.dynamic_gather %get3A_2034[%gather3A_2181] in [0] : vector<16xi32>, vector<16xi32> -> vector<16xi32>
    %eq3A_2183 = arith.cmpi eq, %gather3A_2182, %get3A_2034 : vector<16xi32>
    %and3A_2184 = arith.andi %eq3A_2183, %ge3A_579 : vector<16xi1>
    %add3A_2185 = arith.constant 1 : i32
    %add3A_2186 = vector.broadcast %add3A_2185 : i32 to vector<16xi32>
    %add3A_2187 = arith.addi %xor3A, %add3A_2186 : vector<16xi32>
    %select_n3A_2188 = arith.select %and3A_2184, %add3A_2187, %xor3A : vector<16xi1>, vector<16xi32>
    %add3A_2189 = arith.addi %add3A_2172, %select_n3A_2188 : vector<16xi32>
    %lt3A_2190 = arith.constant 0 : i32
    %lt3A_2191 = vector.broadcast %lt3A_2190 : i32 to vector<16xi32>
    %lt3A_2192 = arith.cmpi slt, %max3A_585, %lt3A_2191 : vector<16xi32>
    %add3A_2193 = arith.constant 16 : i32
    %add3A_2194 = vector.broadcast %add3A_2193 : i32 to vector<16xi32>
    %add3A_2195 = arith.addi %max3A_585, %add3A_2194 : vector<16xi32>
    %select_n3A_2196 = arith.select %lt3A_2192, %add3A_2195, %max3A_585 : vector<16xi1>, vector<16xi32>
    %broadcast_in_dim3A_2197 = vector.shape_cast %select_n3A_2196 : vector<16xi32> to vector<16x1xi32>
    %gather3A_2198 = vector.shape_cast %broadcast_in_dim3A_2197 : vector<16x1xi32> to vector<16xi32>
    %gather3A_2199 = tpu.dynamic_gather %get3A_2034[%gather3A_2198] in [0] : vector<16xi32>, vector<16xi32> -> vector<16xi32>
    %eq3A_2200 = arith.cmpi eq, %gather3A_2199, %get3A_2034 : vector<16xi32>
    %and3A_2201 = arith.andi %eq3A_2200, %ge3A_589 : vector<16xi1>
    %add3A_2202 = arith.constant 1 : i32
    %add3A_2203 = vector.broadcast %add3A_2202 : i32 to vector<16xi32>
    %add3A_2204 = arith.addi %xor3A, %add3A_2203 : vector<16xi32>
    %select_n3A_2205 = arith.select %and3A_2201, %add3A_2204, %xor3A : vector<16xi1>, vector<16xi32>
    %add3A_2206 = arith.addi %add3A_2189, %select_n3A_2205 : vector<16xi32>
    %lt3A_2207 = arith.constant 0 : i32
    %lt3A_2208 = vector.broadcast %lt3A_2207 : i32 to vector<16xi32>
    %lt3A_2209 = arith.cmpi slt, %max3A_595, %lt3A_2208 : vector<16xi32>
    %add3A_2210 = arith.constant 16 : i32
    %add3A_2211 = vector.broadcast %add3A_2210 : i32 to vector<16xi32>
    %add3A_2212 = arith.addi %max3A_595, %add3A_2211 : vector<16xi32>
    %select_n3A_2213 = arith.select %lt3A_2209, %add3A_2212, %max3A_595 : vector<16xi1>, vector<16xi32>
    %broadcast_in_dim3A_2214 = vector.shape_cast %select_n3A_2213 : vector<16xi32> to vector<16x1xi32>
    %gather3A_2215 = vector.shape_cast %broadcast_in_dim3A_2214 : vector<16x1xi32> to vector<16xi32>
    %gather3A_2216 = tpu.dynamic_gather %get3A_2034[%gather3A_2215] in [0] : vector<16xi32>, vector<16xi32> -> vector<16xi32>
    %eq3A_2217 = arith.cmpi eq, %gather3A_2216, %get3A_2034 : vector<16xi32>
    %and3A_2218 = arith.andi %eq3A_2217, %ge3A_599 : vector<16xi1>
    %add3A_2219 = arith.constant 1 : i32
    %add3A_2220 = vector.broadcast %add3A_2219 : i32 to vector<16xi32>
    %add3A_2221 = arith.addi %xor3A, %add3A_2220 : vector<16xi32>
    %select_n3A_2222 = arith.select %and3A_2218, %add3A_2221, %xor3A : vector<16xi1>, vector<16xi32>
    %add3A_2223 = arith.addi %add3A_2206, %select_n3A_2222 : vector<16xi32>
    %lt3A_2224 = arith.constant 0 : i32
    %lt3A_2225 = vector.broadcast %lt3A_2224 : i32 to vector<16xi32>
    %lt3A_2226 = arith.cmpi slt, %max3A_605, %lt3A_2225 : vector<16xi32>
    %add3A_2227 = arith.constant 16 : i32
    %add3A_2228 = vector.broadcast %add3A_2227 : i32 to vector<16xi32>
    %add3A_2229 = arith.addi %max3A_605, %add3A_2228 : vector<16xi32>
    %select_n3A_2230 = arith.select %lt3A_2226, %add3A_2229, %max3A_605 : vector<16xi1>, vector<16xi32>
    %broadcast_in_dim3A_2231 = vector.shape_cast %select_n3A_2230 : vector<16xi32> to vector<16x1xi32>
    %gather3A_2232 = vector.shape_cast %broadcast_in_dim3A_2231 : vector<16x1xi32> to vector<16xi32>
    %gather3A_2233 = tpu.dynamic_gather %get3A_2034[%gather3A_2232] in [0] : vector<16xi32>, vector<16xi32> -> vector<16xi32>
    %eq3A_2234 = arith.cmpi eq, %gather3A_2233, %get3A_2034 : vector<16xi32>
    %and3A_2235 = arith.andi %eq3A_2234, %ge3A_609 : vector<16xi1>
    %add3A_2236 = arith.constant 1 : i32
    %add3A_2237 = vector.broadcast %add3A_2236 : i32 to vector<16xi32>
    %add3A_2238 = arith.addi %xor3A, %add3A_2237 : vector<16xi32>
    %select_n3A_2239 = arith.select %and3A_2235, %add3A_2238, %xor3A : vector<16xi1>, vector<16xi32>
    %add3A_2240 = arith.addi %add3A_2223, %select_n3A_2239 : vector<16xi32>
    %lt3A_2241 = arith.constant 0 : i32
    %lt3A_2242 = vector.broadcast %lt3A_2241 : i32 to vector<16xi32>
    %lt3A_2243 = arith.cmpi slt, %max3A_615, %lt3A_2242 : vector<16xi32>
    %add3A_2244 = arith.constant 16 : i32
    %add3A_2245 = vector.broadcast %add3A_2244 : i32 to vector<16xi32>
    %add3A_2246 = arith.addi %max3A_615, %add3A_2245 : vector<16xi32>
    %select_n3A_2247 = arith.select %lt3A_2243, %add3A_2246, %max3A_615 : vector<16xi1>, vector<16xi32>
    %broadcast_in_dim3A_2248 = vector.shape_cast %select_n3A_2247 : vector<16xi32> to vector<16x1xi32>
    %gather3A_2249 = vector.shape_cast %broadcast_in_dim3A_2248 : vector<16x1xi32> to vector<16xi32>
    %gather3A_2250 = tpu.dynamic_gather %get3A_2034[%gather3A_2249] in [0] : vector<16xi32>, vector<16xi32> -> vector<16xi32>
    %eq3A_2251 = arith.cmpi eq, %gather3A_2250, %get3A_2034 : vector<16xi32>
    %and3A_2252 = arith.andi %eq3A_2251, %ge3A_619 : vector<16xi1>
    %add3A_2253 = arith.constant 1 : i32
    %add3A_2254 = vector.broadcast %add3A_2253 : i32 to vector<16xi32>
    %add3A_2255 = arith.addi %xor3A, %add3A_2254 : vector<16xi32>
    %select_n3A_2256 = arith.select %and3A_2252, %add3A_2255, %xor3A : vector<16xi1>, vector<16xi32>
    %add3A_2257 = arith.addi %add3A_2240, %select_n3A_2256 : vector<16xi32>
    %lt3A_2258 = arith.constant 0 : i32
    %lt3A_2259 = vector.broadcast %lt3A_2258 : i32 to vector<16xi32>
    %lt3A_2260 = arith.cmpi slt, %max3A_625, %lt3A_2259 : vector<16xi32>
    %add3A_2261 = arith.constant 16 : i32
    %add3A_2262 = vector.broadcast %add3A_2261 : i32 to vector<16xi32>
    %add3A_2263 = arith.addi %max3A_625, %add3A_2262 : vector<16xi32>
    %select_n3A_2264 = arith.select %lt3A_2260, %add3A_2263, %max3A_625 : vector<16xi1>, vector<16xi32>
    %broadcast_in_dim3A_2265 = vector.shape_cast %select_n3A_2264 : vector<16xi32> to vector<16x1xi32>
    %gather3A_2266 = vector.shape_cast %broadcast_in_dim3A_2265 : vector<16x1xi32> to vector<16xi32>
    %gather3A_2267 = tpu.dynamic_gather %get3A_2034[%gather3A_2266] in [0] : vector<16xi32>, vector<16xi32> -> vector<16xi32>
    %eq3A_2268 = arith.cmpi eq, %gather3A_2267, %get3A_2034 : vector<16xi32>
    %and3A_2269 = arith.andi %eq3A_2268, %ge3A_629 : vector<16xi1>
    %add3A_2270 = arith.constant 1 : i32
    %add3A_2271 = vector.broadcast %add3A_2270 : i32 to vector<16xi32>
    %add3A_2272 = arith.addi %xor3A, %add3A_2271 : vector<16xi32>
    %select_n3A_2273 = arith.select %and3A_2269, %add3A_2272, %xor3A : vector<16xi1>, vector<16xi32>
    %add3A_2274 = arith.addi %add3A_2257, %select_n3A_2273 : vector<16xi32>
    %lt3A_2275 = arith.constant 0 : i32
    %lt3A_2276 = vector.broadcast %lt3A_2275 : i32 to vector<16xi32>
    %lt3A_2277 = arith.cmpi slt, %max3A_635, %lt3A_2276 : vector<16xi32>
    %add3A_2278 = arith.constant 16 : i32
    %add3A_2279 = vector.broadcast %add3A_2278 : i32 to vector<16xi32>
    %add3A_2280 = arith.addi %max3A_635, %add3A_2279 : vector<16xi32>
    %select_n3A_2281 = arith.select %lt3A_2277, %add3A_2280, %max3A_635 : vector<16xi1>, vector<16xi32>
    %broadcast_in_dim3A_2282 = vector.shape_cast %select_n3A_2281 : vector<16xi32> to vector<16x1xi32>
    %gather3A_2283 = vector.shape_cast %broadcast_in_dim3A_2282 : vector<16x1xi32> to vector<16xi32>
    %gather3A_2284 = tpu.dynamic_gather %get3A_2034[%gather3A_2283] in [0] : vector<16xi32>, vector<16xi32> -> vector<16xi32>
    %eq3A_2285 = arith.cmpi eq, %gather3A_2284, %get3A_2034 : vector<16xi32>
    %and3A_2286 = arith.andi %eq3A_2285, %ge3A_639 : vector<16xi1>
    %add3A_2287 = arith.constant 1 : i32
    %add3A_2288 = vector.broadcast %add3A_2287 : i32 to vector<16xi32>
    %add3A_2289 = arith.addi %xor3A, %add3A_2288 : vector<16xi32>
    %select_n3A_2290 = arith.select %and3A_2286, %add3A_2289, %xor3A : vector<16xi1>, vector<16xi32>
    %add3A_2291 = arith.addi %add3A_2274, %select_n3A_2290 : vector<16xi32>
    %lt3A_2292 = arith.constant 0 : i32
    %lt3A_2293 = vector.broadcast %lt3A_2292 : i32 to vector<16xi32>
    %lt3A_2294 = arith.cmpi slt, %get3A_2034, %lt3A_2293 : vector<16xi32>
    %add3A_2295 = arith.constant 16 : i32
    %add3A_2296 = vector.broadcast %add3A_2295 : i32 to vector<16xi32>
    %add3A_2297 = arith.addi %get3A_2034, %add3A_2296 : vector<16xi32>
    %select_n3A_2298 = arith.select %lt3A_2294, %add3A_2297, %get3A_2034 : vector<16xi1>, vector<16xi32>
    %broadcast_in_dim3A_2299 = vector.shape_cast %select_n3A_2298 : vector<16xi32> to vector<16x1xi32>
    %gather3A_2300 = vector.shape_cast %broadcast_in_dim3A_2299 : vector<16x1xi32> to vector<16xi32>
    %gather3A_2301 = tpu.dynamic_gather %add3A_2031[%gather3A_2300] in [0] : vector<16xi32>, vector<16xi32> -> vector<16xi32>
    %add3A_2302 = arith.addi %gather3A_2301, %add3A_2291 : vector<16xi32>
    %swap3A_2303 = arith.constant 80 : index
    %swap3A_2304 = tpu.vector_load %arg10[%swap3A_2303] {strides = array<i32>} : memref<128xi32, #tpu.memory_space<vmem>>, vector<16xi32>,
    %swap3A_2305 = vector.shape_cast %swap3A_2304 : vector<16xi32> to vector<16xi32>
    %swap3A_2306 = vector.shape_cast %add3A_2302 : vector<16xi32> to vector<16xi32>
    tpu.vector_store %arg10[%swap3A_2303], %swap3A_2306 {strides = array<i32>} : memref<128xi32, #tpu.memory_space<vmem>>, vector<16xi32>,
    %get3A_2307 = arith.constant 80 : index
    %get3A_2308 = tpu.vector_load %arg9[%get3A_2307] {strides = array<i32>} : memref<128xi32, #tpu.memory_space<vmem>>, vector<16xi32>,
    %get3A_2309 = vector.shape_cast %get3A_2308 : vector<16xi32> to vector<16xi32>
    %add3A_2310 = arith.addi %add3A_2031, %get3A_2309 : vector<16xi32>
    %get3A_2311 = arith.constant 96 : index
    %get3A_2312 = tpu.vector_load %arg7[%get3A_2311] {strides = array<i32>} : memref<128xi32, #tpu.memory_space<vmem>>, vector<16xi32>,
    %get3A_2313 = vector.shape_cast %get3A_2312 : vector<16xi32> to vector<16xi32>
    %broadcast_in_dim3A_2314 = arith.constant 0 : i32
    %broadcast_in_dim3A_2315 = vector.broadcast %broadcast_in_dim3A_2314 : i32 to vector<16xi32>
    %lt3A_2316 = arith.constant 0 : i32
    %lt3A_2317 = vector.broadcast %lt3A_2316 : i32 to vector<16xi32>
    %lt3A_2318 = arith.cmpi slt, %max3A_495, %lt3A_2317 : vector<16xi32>
    %add3A_2319 = arith.constant 16 : i32
    %add3A_2320 = vector.broadcast %add3A_2319 : i32 to vector<16xi32>
    %add3A_2321 = arith.addi %max3A_495, %add3A_2320 : vector<16xi32>
    %select_n3A_2322 = arith.select %lt3A_2318, %add3A_2321, %max3A_495 : vector<16xi1>, vector<16xi32>
    %broadcast_in_dim3A_2323 = vector.shape_cast %select_n3A_2322 : vector<16xi32> to vector<16x1xi32>
    %gather3A_2324 = vector.shape_cast %broadcast_in_dim3A_2323 : vector<16x1xi32> to vector<16xi32>
    %gather3A_2325 = tpu.dynamic_gather %get3A_2313[%gather3A_2324] in [0] : vector<16xi32>, vector<16xi32> -> vector<16xi32>
    %eq3A_2326 = arith.cmpi eq, %gather3A_2325, %get3A_2313 : vector<16xi32>
    %and3A_2327 = arith.andi %eq3A_2326, %ge3A_499 : vector<16xi1>
    %add3A_2328 = arith.constant 1 : i32
    %add3A_2329 = vector.broadcast %add3A_2328 : i32 to vector<16xi32>
    %add3A_2330 = arith.addi %xor3A, %add3A_2329 : vector<16xi32>
    %select_n3A_2331 = arith.select %and3A_2327, %add3A_2330, %xor3A : vector<16xi1>, vector<16xi32>
    %add3A_2332 = arith.addi %broadcast_in_dim3A_2315, %select_n3A_2331 : vector<16xi32>
    %lt3A_2333 = arith.constant 0 : i32
    %lt3A_2334 = vector.broadcast %lt3A_2333 : i32 to vector<16xi32>
    %lt3A_2335 = arith.cmpi slt, %max3A_505, %lt3A_2334 : vector<16xi32>
    %add3A_2336 = arith.constant 16 : i32
    %add3A_2337 = vector.broadcast %add3A_2336 : i32 to vector<16xi32>
    %add3A_2338 = arith.addi %max3A_505, %add3A_2337 : vector<16xi32>
    %select_n3A_2339 = arith.select %lt3A_2335, %add3A_2338, %max3A_505 : vector<16xi1>, vector<16xi32>
    %broadcast_in_dim3A_2340 = vector.shape_cast %select_n3A_2339 : vector<16xi32> to vector<16x1xi32>
    %gather3A_2341 = vector.shape_cast %broadcast_in_dim3A_2340 : vector<16x1xi32> to vector<16xi32>
    %gather3A_2342 = tpu.dynamic_gather %get3A_2313[%gather3A_2341] in [0] : vector<16xi32>, vector<16xi32> -> vector<16xi32>
    %eq3A_2343 = arith.cmpi eq, %gather3A_2342, %get3A_2313 : vector<16xi32>
    %and3A_2344 = arith.andi %eq3A_2343, %ge3A_509 : vector<16xi1>
    %add3A_2345 = arith.constant 1 : i32
    %add3A_2346 = vector.broadcast %add3A_2345 : i32 to vector<16xi32>
    %add3A_2347 = arith.addi %xor3A, %add3A_2346 : vector<16xi32>
    %select_n3A_2348 = arith.select %and3A_2344, %add3A_2347, %xor3A : vector<16xi1>, vector<16xi32>
    %add3A_2349 = arith.addi %add3A_2332, %select_n3A_2348 : vector<16xi32>
    %lt3A_2350 = arith.constant 0 : i32
    %lt3A_2351 = vector.broadcast %lt3A_2350 : i32 to vector<16xi32>
    %lt3A_2352 = arith.cmpi slt, %max3A_515, %lt3A_2351 : vector<16xi32>
    %add3A_2353 = arith.constant 16 : i32
    %add3A_2354 = vector.broadcast %add3A_2353 : i32 to vector<16xi32>
    %add3A_2355 = arith.addi %max3A_515, %add3A_2354 : vector<16xi32>
    %select_n3A_2356 = arith.select %lt3A_2352, %add3A_2355, %max3A_515 : vector<16xi1>, vector<16xi32>
    %broadcast_in_dim3A_2357 = vector.shape_cast %select_n3A_2356 : vector<16xi32> to vector<16x1xi32>
    %gather3A_2358 = vector.shape_cast %broadcast_in_dim3A_2357 : vector<16x1xi32> to vector<16xi32>
    %gather3A_2359 = tpu.dynamic_gather %get3A_2313[%gather3A_2358] in [0] : vector<16xi32>, vector<16xi32> -> vector<16xi32>
    %eq3A_2360 = arith.cmpi eq, %gather3A_2359, %get3A_2313 : vector<16xi32>
    %and3A_2361 = arith.andi %eq3A_2360, %ge3A_519 : vector<16xi1>
    %add3A_2362 = arith.constant 1 : i32
    %add3A_2363 = vector.broadcast %add3A_2362 : i32 to vector<16xi32>
    %add3A_2364 = arith.addi %xor3A, %add3A_2363 : vector<16xi32>
    %select_n3A_2365 = arith.select %and3A_2361, %add3A_2364, %xor3A : vector<16xi1>, vector<16xi32>
    %add3A_2366 = arith.addi %add3A_2349, %select_n3A_2365 : vector<16xi32>
    %lt3A_2367 = arith.constant 0 : i32
    %lt3A_2368 = vector.broadcast %lt3A_2367 : i32 to vector<16xi32>
    %lt3A_2369 = arith.cmpi slt, %max3A_525, %lt3A_2368 : vector<16xi32>
    %add3A_2370 = arith.constant 16 : i32
    %add3A_2371 = vector.broadcast %add3A_2370 : i32 to vector<16xi32>
    %add3A_2372 = arith.addi %max3A_525, %add3A_2371 : vector<16xi32>
    %select_n3A_2373 = arith.select %lt3A_2369, %add3A_2372, %max3A_525 : vector<16xi1>, vector<16xi32>
    %broadcast_in_dim3A_2374 = vector.shape_cast %select_n3A_2373 : vector<16xi32> to vector<16x1xi32>
    %gather3A_2375 = vector.shape_cast %broadcast_in_dim3A_2374 : vector<16x1xi32> to vector<16xi32>
    %gather3A_2376 = tpu.dynamic_gather %get3A_2313[%gather3A_2375] in [0] : vector<16xi32>, vector<16xi32> -> vector<16xi32>
    %eq3A_2377 = arith.cmpi eq, %gather3A_2376, %get3A_2313 : vector<16xi32>
    %and3A_2378 = arith.andi %eq3A_2377, %ge3A_529 : vector<16xi1>
    %add3A_2379 = arith.constant 1 : i32
    %add3A_2380 = vector.broadcast %add3A_2379 : i32 to vector<16xi32>
    %add3A_2381 = arith.addi %xor3A, %add3A_2380 : vector<16xi32>
    %select_n3A_2382 = arith.select %and3A_2378, %add3A_2381, %xor3A : vector<16xi1>, vector<16xi32>
    %add3A_2383 = arith.addi %add3A_2366, %select_n3A_2382 : vector<16xi32>
    %lt3A_2384 = arith.constant 0 : i32
    %lt3A_2385 = vector.broadcast %lt3A_2384 : i32 to vector<16xi32>
    %lt3A_2386 = arith.cmpi slt, %max3A_535, %lt3A_2385 : vector<16xi32>
    %add3A_2387 = arith.constant 16 : i32
    %add3A_2388 = vector.broadcast %add3A_2387 : i32 to vector<16xi32>
    %add3A_2389 = arith.addi %max3A_535, %add3A_2388 : vector<16xi32>
    %select_n3A_2390 = arith.select %lt3A_2386, %add3A_2389, %max3A_535 : vector<16xi1>, vector<16xi32>
    %broadcast_in_dim3A_2391 = vector.shape_cast %select_n3A_2390 : vector<16xi32> to vector<16x1xi32>
    %gather3A_2392 = vector.shape_cast %broadcast_in_dim3A_2391 : vector<16x1xi32> to vector<16xi32>
    %gather3A_2393 = tpu.dynamic_gather %get3A_2313[%gather3A_2392] in [0] : vector<16xi32>, vector<16xi32> -> vector<16xi32>
    %eq3A_2394 = arith.cmpi eq, %gather3A_2393, %get3A_2313 : vector<16xi32>
    %and3A_2395 = arith.andi %eq3A_2394, %ge3A_539 : vector<16xi1>
    %add3A_2396 = arith.constant 1 : i32
    %add3A_2397 = vector.broadcast %add3A_2396 : i32 to vector<16xi32>
    %add3A_2398 = arith.addi %xor3A, %add3A_2397 : vector<16xi32>
    %select_n3A_2399 = arith.select %and3A_2395, %add3A_2398, %xor3A : vector<16xi1>, vector<16xi32>
    %add3A_2400 = arith.addi %add3A_2383, %select_n3A_2399 : vector<16xi32>
    %lt3A_2401 = arith.constant 0 : i32
    %lt3A_2402 = vector.broadcast %lt3A_2401 : i32 to vector<16xi32>
    %lt3A_2403 = arith.cmpi slt, %max3A_545, %lt3A_2402 : vector<16xi32>
    %add3A_2404 = arith.constant 16 : i32
    %add3A_2405 = vector.broadcast %add3A_2404 : i32 to vector<16xi32>
    %add3A_2406 = arith.addi %max3A_545, %add3A_2405 : vector<16xi32>
    %select_n3A_2407 = arith.select %lt3A_2403, %add3A_2406, %max3A_545 : vector<16xi1>, vector<16xi32>
    %broadcast_in_dim3A_2408 = vector.shape_cast %select_n3A_2407 : vector<16xi32> to vector<16x1xi32>
    %gather3A_2409 = vector.shape_cast %broadcast_in_dim3A_2408 : vector<16x1xi32> to vector<16xi32>
    %gather3A_2410 = tpu.dynamic_gather %get3A_2313[%gather3A_2409] in [0] : vector<16xi32>, vector<16xi32> -> vector<16xi32>
    %eq3A_2411 = arith.cmpi eq, %gather3A_2410, %get3A_2313 : vector<16xi32>
    %and3A_2412 = arith.andi %eq3A_2411, %ge3A_549 : vector<16xi1>
    %add3A_2413 = arith.constant 1 : i32
    %add3A_2414 = vector.broadcast %add3A_2413 : i32 to vector<16xi32>
    %add3A_2415 = arith.addi %xor3A, %add3A_2414 : vector<16xi32>
    %select_n3A_2416 = arith.select %and3A_2412, %add3A_2415, %xor3A : vector<16xi1>, vector<16xi32>
    %add3A_2417 = arith.addi %add3A_2400, %select_n3A_2416 : vector<16xi32>
    %lt3A_2418 = arith.constant 0 : i32
    %lt3A_2419 = vector.broadcast %lt3A_2418 : i32 to vector<16xi32>
    %lt3A_2420 = arith.cmpi slt, %max3A_555, %lt3A_2419 : vector<16xi32>
    %add3A_2421 = arith.constant 16 : i32
    %add3A_2422 = vector.broadcast %add3A_2421 : i32 to vector<16xi32>
    %add3A_2423 = arith.addi %max3A_555, %add3A_2422 : vector<16xi32>
    %select_n3A_2424 = arith.select %lt3A_2420, %add3A_2423, %max3A_555 : vector<16xi1>, vector<16xi32>
    %broadcast_in_dim3A_2425 = vector.shape_cast %select_n3A_2424 : vector<16xi32> to vector<16x1xi32>
    %gather3A_2426 = vector.shape_cast %broadcast_in_dim3A_2425 : vector<16x1xi32> to vector<16xi32>
    %gather3A_2427 = tpu.dynamic_gather %get3A_2313[%gather3A_2426] in [0] : vector<16xi32>, vector<16xi32> -> vector<16xi32>
    %eq3A_2428 = arith.cmpi eq, %gather3A_2427, %get3A_2313 : vector<16xi32>
    %and3A_2429 = arith.andi %eq3A_2428, %ge3A_559 : vector<16xi1>
    %add3A_2430 = arith.constant 1 : i32
    %add3A_2431 = vector.broadcast %add3A_2430 : i32 to vector<16xi32>
    %add3A_2432 = arith.addi %xor3A, %add3A_2431 : vector<16xi32>
    %select_n3A_2433 = arith.select %and3A_2429, %add3A_2432, %xor3A : vector<16xi1>, vector<16xi32>
    %add3A_2434 = arith.addi %add3A_2417, %select_n3A_2433 : vector<16xi32>
    %lt3A_2435 = arith.constant 0 : i32
    %lt3A_2436 = vector.broadcast %lt3A_2435 : i32 to vector<16xi32>
    %lt3A_2437 = arith.cmpi slt, %max3A_565, %lt3A_2436 : vector<16xi32>
    %add3A_2438 = arith.constant 16 : i32
    %add3A_2439 = vector.broadcast %add3A_2438 : i32 to vector<16xi32>
    %add3A_2440 = arith.addi %max3A_565, %add3A_2439 : vector<16xi32>
    %select_n3A_2441 = arith.select %lt3A_2437, %add3A_2440, %max3A_565 : vector<16xi1>, vector<16xi32>
    %broadcast_in_dim3A_2442 = vector.shape_cast %select_n3A_2441 : vector<16xi32> to vector<16x1xi32>
    %gather3A_2443 = vector.shape_cast %broadcast_in_dim3A_2442 : vector<16x1xi32> to vector<16xi32>
    %gather3A_2444 = tpu.dynamic_gather %get3A_2313[%gather3A_2443] in [0] : vector<16xi32>, vector<16xi32> -> vector<16xi32>
    %eq3A_2445 = arith.cmpi eq, %gather3A_2444, %get3A_2313 : vector<16xi32>
    %and3A_2446 = arith.andi %eq3A_2445, %ge3A_569 : vector<16xi1>
    %add3A_2447 = arith.constant 1 : i32
    %add3A_2448 = vector.broadcast %add3A_2447 : i32 to vector<16xi32>
    %add3A_2449 = arith.addi %xor3A, %add3A_2448 : vector<16xi32>
    %select_n3A_2450 = arith.select %and3A_2446, %add3A_2449, %xor3A : vector<16xi1>, vector<16xi32>
    %add3A_2451 = arith.addi %add3A_2434, %select_n3A_2450 : vector<16xi32>
    %lt3A_2452 = arith.constant 0 : i32
    %lt3A_2453 = vector.broadcast %lt3A_2452 : i32 to vector<16xi32>
    %lt3A_2454 = arith.cmpi slt, %max3A_575, %lt3A_2453 : vector<16xi32>
    %add3A_2455 = arith.constant 16 : i32
    %add3A_2456 = vector.broadcast %add3A_2455 : i32 to vector<16xi32>
    %add3A_2457 = arith.addi %max3A_575, %add3A_2456 : vector<16xi32>
    %select_n3A_2458 = arith.select %lt3A_2454, %add3A_2457, %max3A_575 : vector<16xi1>, vector<16xi32>
    %broadcast_in_dim3A_2459 = vector.shape_cast %select_n3A_2458 : vector<16xi32> to vector<16x1xi32>
    %gather3A_2460 = vector.shape_cast %broadcast_in_dim3A_2459 : vector<16x1xi32> to vector<16xi32>
    %gather3A_2461 = tpu.dynamic_gather %get3A_2313[%gather3A_2460] in [0] : vector<16xi32>, vector<16xi32> -> vector<16xi32>
    %eq3A_2462 = arith.cmpi eq, %gather3A_2461, %get3A_2313 : vector<16xi32>
    %and3A_2463 = arith.andi %eq3A_2462, %ge3A_579 : vector<16xi1>
    %add3A_2464 = arith.constant 1 : i32
    %add3A_2465 = vector.broadcast %add3A_2464 : i32 to vector<16xi32>
    %add3A_2466 = arith.addi %xor3A, %add3A_2465 : vector<16xi32>
    %select_n3A_2467 = arith.select %and3A_2463, %add3A_2466, %xor3A : vector<16xi1>, vector<16xi32>
    %add3A_2468 = arith.addi %add3A_2451, %select_n3A_2467 : vector<16xi32>
    %lt3A_2469 = arith.constant 0 : i32
    %lt3A_2470 = vector.broadcast %lt3A_2469 : i32 to vector<16xi32>
    %lt3A_2471 = arith.cmpi slt, %max3A_585, %lt3A_2470 : vector<16xi32>
    %add3A_2472 = arith.constant 16 : i32
    %add3A_2473 = vector.broadcast %add3A_2472 : i32 to vector<16xi32>
    %add3A_2474 = arith.addi %max3A_585, %add3A_2473 : vector<16xi32>
    %select_n3A_2475 = arith.select %lt3A_2471, %add3A_2474, %max3A_585 : vector<16xi1>, vector<16xi32>
    %broadcast_in_dim3A_2476 = vector.shape_cast %select_n3A_2475 : vector<16xi32> to vector<16x1xi32>
    %gather3A_2477 = vector.shape_cast %broadcast_in_dim3A_2476 : vector<16x1xi32> to vector<16xi32>
    %gather3A_2478 = tpu.dynamic_gather %get3A_2313[%gather3A_2477] in [0] : vector<16xi32>, vector<16xi32> -> vector<16xi32>
    %eq3A_2479 = arith.cmpi eq, %gather3A_2478, %get3A_2313 : vector<16xi32>
    %and3A_2480 = arith.andi %eq3A_2479, %ge3A_589 : vector<16xi1>
    %add3A_2481 = arith.constant 1 : i32
    %add3A_2482 = vector.broadcast %add3A_2481 : i32 to vector<16xi32>
    %add3A_2483 = arith.addi %xor3A, %add3A_2482 : vector<16xi32>
    %select_n3A_2484 = arith.select %and3A_2480, %add3A_2483, %xor3A : vector<16xi1>, vector<16xi32>
    %add3A_2485 = arith.addi %add3A_2468, %select_n3A_2484 : vector<16xi32>
    %lt3A_2486 = arith.constant 0 : i32
    %lt3A_2487 = vector.broadcast %lt3A_2486 : i32 to vector<16xi32>
    %lt3A_2488 = arith.cmpi slt, %max3A_595, %lt3A_2487 : vector<16xi32>
    %add3A_2489 = arith.constant 16 : i32
    %add3A_2490 = vector.broadcast %add3A_2489 : i32 to vector<16xi32>
    %add3A_2491 = arith.addi %max3A_595, %add3A_2490 : vector<16xi32>
    %select_n3A_2492 = arith.select %lt3A_2488, %add3A_2491, %max3A_595 : vector<16xi1>, vector<16xi32>
    %broadcast_in_dim3A_2493 = vector.shape_cast %select_n3A_2492 : vector<16xi32> to vector<16x1xi32>
    %gather3A_2494 = vector.shape_cast %broadcast_in_dim3A_2493 : vector<16x1xi32> to vector<16xi32>
    %gather3A_2495 = tpu.dynamic_gather %get3A_2313[%gather3A_2494] in [0] : vector<16xi32>, vector<16xi32> -> vector<16xi32>
    %eq3A_2496 = arith.cmpi eq, %gather3A_2495, %get3A_2313 : vector<16xi32>
    %and3A_2497 = arith.andi %eq3A_2496, %ge3A_599 : vector<16xi1>
    %add3A_2498 = arith.constant 1 : i32
    %add3A_2499 = vector.broadcast %add3A_2498 : i32 to vector<16xi32>
    %add3A_2500 = arith.addi %xor3A, %add3A_2499 : vector<16xi32>
    %select_n3A_2501 = arith.select %and3A_2497, %add3A_2500, %xor3A : vector<16xi1>, vector<16xi32>
    %add3A_2502 = arith.addi %add3A_2485, %select_n3A_2501 : vector<16xi32>
    %lt3A_2503 = arith.constant 0 : i32
    %lt3A_2504 = vector.broadcast %lt3A_2503 : i32 to vector<16xi32>
    %lt3A_2505 = arith.cmpi slt, %max3A_605, %lt3A_2504 : vector<16xi32>
    %add3A_2506 = arith.constant 16 : i32
    %add3A_2507 = vector.broadcast %add3A_2506 : i32 to vector<16xi32>
    %add3A_2508 = arith.addi %max3A_605, %add3A_2507 : vector<16xi32>
    %select_n3A_2509 = arith.select %lt3A_2505, %add3A_2508, %max3A_605 : vector<16xi1>, vector<16xi32>
    %broadcast_in_dim3A_2510 = vector.shape_cast %select_n3A_2509 : vector<16xi32> to vector<16x1xi32>
    %gather3A_2511 = vector.shape_cast %broadcast_in_dim3A_2510 : vector<16x1xi32> to vector<16xi32>
    %gather3A_2512 = tpu.dynamic_gather %get3A_2313[%gather3A_2511] in [0] : vector<16xi32>, vector<16xi32> -> vector<16xi32>
    %eq3A_2513 = arith.cmpi eq, %gather3A_2512, %get3A_2313 : vector<16xi32>
    %and3A_2514 = arith.andi %eq3A_2513, %ge3A_609 : vector<16xi1>
    %add3A_2515 = arith.constant 1 : i32
    %add3A_2516 = vector.broadcast %add3A_2515 : i32 to vector<16xi32>
    %add3A_2517 = arith.addi %xor3A, %add3A_2516 : vector<16xi32>
    %select_n3A_2518 = arith.select %and3A_2514, %add3A_2517, %xor3A : vector<16xi1>, vector<16xi32>
    %add3A_2519 = arith.addi %add3A_2502, %select_n3A_2518 : vector<16xi32>
    %lt3A_2520 = arith.constant 0 : i32
    %lt3A_2521 = vector.broadcast %lt3A_2520 : i32 to vector<16xi32>
    %lt3A_2522 = arith.cmpi slt, %max3A_615, %lt3A_2521 : vector<16xi32>
    %add3A_2523 = arith.constant 16 : i32
    %add3A_2524 = vector.broadcast %add3A_2523 : i32 to vector<16xi32>
    %add3A_2525 = arith.addi %max3A_615, %add3A_2524 : vector<16xi32>
    %select_n3A_2526 = arith.select %lt3A_2522, %add3A_2525, %max3A_615 : vector<16xi1>, vector<16xi32>
    %broadcast_in_dim3A_2527 = vector.shape_cast %select_n3A_2526 : vector<16xi32> to vector<16x1xi32>
    %gather3A_2528 = vector.shape_cast %broadcast_in_dim3A_2527 : vector<16x1xi32> to vector<16xi32>
    %gather3A_2529 = tpu.dynamic_gather %get3A_2313[%gather3A_2528] in [0] : vector<16xi32>, vector<16xi32> -> vector<16xi32>
    %eq3A_2530 = arith.cmpi eq, %gather3A_2529, %get3A_2313 : vector<16xi32>
    %and3A_2531 = arith.andi %eq3A_2530, %ge3A_619 : vector<16xi1>
    %add3A_2532 = arith.constant 1 : i32
    %add3A_2533 = vector.broadcast %add3A_2532 : i32 to vector<16xi32>
    %add3A_2534 = arith.addi %xor3A, %add3A_2533 : vector<16xi32>
    %select_n3A_2535 = arith.select %and3A_2531, %add3A_2534, %xor3A : vector<16xi1>, vector<16xi32>
    %add3A_2536 = arith.addi %add3A_2519, %select_n3A_2535 : vector<16xi32>
    %lt3A_2537 = arith.constant 0 : i32
    %lt3A_2538 = vector.broadcast %lt3A_2537 : i32 to vector<16xi32>
    %lt3A_2539 = arith.cmpi slt, %max3A_625, %lt3A_2538 : vector<16xi32>
    %add3A_2540 = arith.constant 16 : i32
    %add3A_2541 = vector.broadcast %add3A_2540 : i32 to vector<16xi32>
    %add3A_2542 = arith.addi %max3A_625, %add3A_2541 : vector<16xi32>
    %select_n3A_2543 = arith.select %lt3A_2539, %add3A_2542, %max3A_625 : vector<16xi1>, vector<16xi32>
    %broadcast_in_dim3A_2544 = vector.shape_cast %select_n3A_2543 : vector<16xi32> to vector<16x1xi32>
    %gather3A_2545 = vector.shape_cast %broadcast_in_dim3A_2544 : vector<16x1xi32> to vector<16xi32>
    %gather3A_2546 = tpu.dynamic_gather %get3A_2313[%gather3A_2545] in [0] : vector<16xi32>, vector<16xi32> -> vector<16xi32>
    %eq3A_2547 = arith.cmpi eq, %gather3A_2546, %get3A_2313 : vector<16xi32>
    %and3A_2548 = arith.andi %eq3A_2547, %ge3A_629 : vector<16xi1>
    %add3A_2549 = arith.constant 1 : i32
    %add3A_2550 = vector.broadcast %add3A_2549 : i32 to vector<16xi32>
    %add3A_2551 = arith.addi %xor3A, %add3A_2550 : vector<16xi32>
    %select_n3A_2552 = arith.select %and3A_2548, %add3A_2551, %xor3A : vector<16xi1>, vector<16xi32>
    %add3A_2553 = arith.addi %add3A_2536, %select_n3A_2552 : vector<16xi32>
    %lt3A_2554 = arith.constant 0 : i32
    %lt3A_2555 = vector.broadcast %lt3A_2554 : i32 to vector<16xi32>
    %lt3A_2556 = arith.cmpi slt, %max3A_635, %lt3A_2555 : vector<16xi32>
    %add3A_2557 = arith.constant 16 : i32
    %add3A_2558 = vector.broadcast %add3A_2557 : i32 to vector<16xi32>
    %add3A_2559 = arith.addi %max3A_635, %add3A_2558 : vector<16xi32>
    %select_n3A_2560 = arith.select %lt3A_2556, %add3A_2559, %max3A_635 : vector<16xi1>, vector<16xi32>
    %broadcast_in_dim3A_2561 = vector.shape_cast %select_n3A_2560 : vector<16xi32> to vector<16x1xi32>
    %gather3A_2562 = vector.shape_cast %broadcast_in_dim3A_2561 : vector<16x1xi32> to vector<16xi32>
    %gather3A_2563 = tpu.dynamic_gather %get3A_2313[%gather3A_2562] in [0] : vector<16xi32>, vector<16xi32> -> vector<16xi32>
    %eq3A_2564 = arith.cmpi eq, %gather3A_2563, %get3A_2313 : vector<16xi32>
    %and3A_2565 = arith.andi %eq3A_2564, %ge3A_639 : vector<16xi1>
    %add3A_2566 = arith.constant 1 : i32
    %add3A_2567 = vector.broadcast %add3A_2566 : i32 to vector<16xi32>
    %add3A_2568 = arith.addi %xor3A, %add3A_2567 : vector<16xi32>
    %select_n3A_2569 = arith.select %and3A_2565, %add3A_2568, %xor3A : vector<16xi1>, vector<16xi32>
    %add3A_2570 = arith.addi %add3A_2553, %select_n3A_2569 : vector<16xi32>
    %lt3A_2571 = arith.constant 0 : i32
    %lt3A_2572 = vector.broadcast %lt3A_2571 : i32 to vector<16xi32>
    %lt3A_2573 = arith.cmpi slt, %get3A_2313, %lt3A_2572 : vector<16xi32>
    %add3A_2574 = arith.constant 16 : i32
    %add3A_2575 = vector.broadcast %add3A_2574 : i32 to vector<16xi32>
    %add3A_2576 = arith.addi %get3A_2313, %add3A_2575 : vector<16xi32>
    %select_n3A_2577 = arith.select %lt3A_2573, %add3A_2576, %get3A_2313 : vector<16xi1>, vector<16xi32>
    %broadcast_in_dim3A_2578 = vector.shape_cast %select_n3A_2577 : vector<16xi32> to vector<16x1xi32>
    %gather3A_2579 = vector.shape_cast %broadcast_in_dim3A_2578 : vector<16x1xi32> to vector<16xi32>
    %gather3A_2580 = tpu.dynamic_gather %add3A_2310[%gather3A_2579] in [0] : vector<16xi32>, vector<16xi32> -> vector<16xi32>
    %add3A_2581 = arith.addi %gather3A_2580, %add3A_2570 : vector<16xi32>
    %swap3A_2582 = arith.constant 96 : index
    %swap3A_2583 = tpu.vector_load %arg10[%swap3A_2582] {strides = array<i32>} : memref<128xi32, #tpu.memory_space<vmem>>, vector<16xi32>,
    %swap3A_2584 = vector.shape_cast %swap3A_2583 : vector<16xi32> to vector<16xi32>
    %swap3A_2585 = vector.shape_cast %add3A_2581 : vector<16xi32> to vector<16xi32>
    tpu.vector_store %arg10[%swap3A_2582], %swap3A_2585 {strides = array<i32>} : memref<128xi32, #tpu.memory_space<vmem>>, vector<16xi32>,
    %get3A_2586 = arith.constant 96 : index
    %get3A_2587 = tpu.vector_load %arg9[%get3A_2586] {strides = array<i32>} : memref<128xi32, #tpu.memory_space<vmem>>, vector<16xi32>,
    %get3A_2588 = vector.shape_cast %get3A_2587 : vector<16xi32> to vector<16xi32>
    %add3A_2589 = arith.addi %add3A_2310, %get3A_2588 : vector<16xi32>
    %get3A_2590 = arith.constant 112 : index
    %get3A_2591 = tpu.vector_load %arg7[%get3A_2590] {strides = array<i32>} : memref<128xi32, #tpu.memory_space<vmem>>, vector<16xi32>,
    %get3A_2592 = vector.shape_cast %get3A_2591 : vector<16xi32> to vector<16xi32>
    %broadcast_in_dim3A_2593 = arith.constant 0 : i32
    %broadcast_in_dim3A_2594 = vector.broadcast %broadcast_in_dim3A_2593 : i32 to vector<16xi32>
    %lt3A_2595 = arith.constant 0 : i32
    %lt3A_2596 = vector.broadcast %lt3A_2595 : i32 to vector<16xi32>
    %lt3A_2597 = arith.cmpi slt, %max3A_495, %lt3A_2596 : vector<16xi32>
    %add3A_2598 = arith.constant 16 : i32
    %add3A_2599 = vector.broadcast %add3A_2598 : i32 to vector<16xi32>
    %add3A_2600 = arith.addi %max3A_495, %add3A_2599 : vector<16xi32>
    %select_n3A_2601 = arith.select %lt3A_2597, %add3A_2600, %max3A_495 : vector<16xi1>, vector<16xi32>
    %broadcast_in_dim3A_2602 = vector.shape_cast %select_n3A_2601 : vector<16xi32> to vector<16x1xi32>
    %gather3A_2603 = vector.shape_cast %broadcast_in_dim3A_2602 : vector<16x1xi32> to vector<16xi32>
    %gather3A_2604 = tpu.dynamic_gather %get3A_2592[%gather3A_2603] in [0] : vector<16xi32>, vector<16xi32> -> vector<16xi32>
    %eq3A_2605 = arith.cmpi eq, %gather3A_2604, %get3A_2592 : vector<16xi32>
    %and3A_2606 = arith.andi %eq3A_2605, %ge3A_499 : vector<16xi1>
    %add3A_2607 = arith.constant 1 : i32
    %add3A_2608 = vector.broadcast %add3A_2607 : i32 to vector<16xi32>
    %add3A_2609 = arith.addi %xor3A, %add3A_2608 : vector<16xi32>
    %select_n3A_2610 = arith.select %and3A_2606, %add3A_2609, %xor3A : vector<16xi1>, vector<16xi32>
    %add3A_2611 = arith.addi %broadcast_in_dim3A_2594, %select_n3A_2610 : vector<16xi32>
    %lt3A_2612 = arith.constant 0 : i32
    %lt3A_2613 = vector.broadcast %lt3A_2612 : i32 to vector<16xi32>
    %lt3A_2614 = arith.cmpi slt, %max3A_505, %lt3A_2613 : vector<16xi32>
    %add3A_2615 = arith.constant 16 : i32
    %add3A_2616 = vector.broadcast %add3A_2615 : i32 to vector<16xi32>
    %add3A_2617 = arith.addi %max3A_505, %add3A_2616 : vector<16xi32>
    %select_n3A_2618 = arith.select %lt3A_2614, %add3A_2617, %max3A_505 : vector<16xi1>, vector<16xi32>
    %broadcast_in_dim3A_2619 = vector.shape_cast %select_n3A_2618 : vector<16xi32> to vector<16x1xi32>
    %gather3A_2620 = vector.shape_cast %broadcast_in_dim3A_2619 : vector<16x1xi32> to vector<16xi32>
    %gather3A_2621 = tpu.dynamic_gather %get3A_2592[%gather3A_2620] in [0] : vector<16xi32>, vector<16xi32> -> vector<16xi32>
    %eq3A_2622 = arith.cmpi eq, %gather3A_2621, %get3A_2592 : vector<16xi32>
    %and3A_2623 = arith.andi %eq3A_2622, %ge3A_509 : vector<16xi1>
    %add3A_2624 = arith.constant 1 : i32
    %add3A_2625 = vector.broadcast %add3A_2624 : i32 to vector<16xi32>
    %add3A_2626 = arith.addi %xor3A, %add3A_2625 : vector<16xi32>
    %select_n3A_2627 = arith.select %and3A_2623, %add3A_2626, %xor3A : vector<16xi1>, vector<16xi32>
    %add3A_2628 = arith.addi %add3A_2611, %select_n3A_2627 : vector<16xi32>
    %lt3A_2629 = arith.constant 0 : i32
    %lt3A_2630 = vector.broadcast %lt3A_2629 : i32 to vector<16xi32>
    %lt3A_2631 = arith.cmpi slt, %max3A_515, %lt3A_2630 : vector<16xi32>
    %add3A_2632 = arith.constant 16 : i32
    %add3A_2633 = vector.broadcast %add3A_2632 : i32 to vector<16xi32>
    %add3A_2634 = arith.addi %max3A_515, %add3A_2633 : vector<16xi32>
    %select_n3A_2635 = arith.select %lt3A_2631, %add3A_2634, %max3A_515 : vector<16xi1>, vector<16xi32>
    %broadcast_in_dim3A_2636 = vector.shape_cast %select_n3A_2635 : vector<16xi32> to vector<16x1xi32>
    %gather3A_2637 = vector.shape_cast %broadcast_in_dim3A_2636 : vector<16x1xi32> to vector<16xi32>
    %gather3A_2638 = tpu.dynamic_gather %get3A_2592[%gather3A_2637] in [0] : vector<16xi32>, vector<16xi32> -> vector<16xi32>
    %eq3A_2639 = arith.cmpi eq, %gather3A_2638, %get3A_2592 : vector<16xi32>
    %and3A_2640 = arith.andi %eq3A_2639, %ge3A_519 : vector<16xi1>
    %add3A_2641 = arith.constant 1 : i32
    %add3A_2642 = vector.broadcast %add3A_2641 : i32 to vector<16xi32>
    %add3A_2643 = arith.addi %xor3A, %add3A_2642 : vector<16xi32>
    %select_n3A_2644 = arith.select %and3A_2640, %add3A_2643, %xor3A : vector<16xi1>, vector<16xi32>
    %add3A_2645 = arith.addi %add3A_2628, %select_n3A_2644 : vector<16xi32>
    %lt3A_2646 = arith.constant 0 : i32
    %lt3A_2647 = vector.broadcast %lt3A_2646 : i32 to vector<16xi32>
    %lt3A_2648 = arith.cmpi slt, %max3A_525, %lt3A_2647 : vector<16xi32>
    %add3A_2649 = arith.constant 16 : i32
    %add3A_2650 = vector.broadcast %add3A_2649 : i32 to vector<16xi32>
    %add3A_2651 = arith.addi %max3A_525, %add3A_2650 : vector<16xi32>
    %select_n3A_2652 = arith.select %lt3A_2648, %add3A_2651, %max3A_525 : vector<16xi1>, vector<16xi32>
    %broadcast_in_dim3A_2653 = vector.shape_cast %select_n3A_2652 : vector<16xi32> to vector<16x1xi32>
    %gather3A_2654 = vector.shape_cast %broadcast_in_dim3A_2653 : vector<16x1xi32> to vector<16xi32>
    %gather3A_2655 = tpu.dynamic_gather %get3A_2592[%gather3A_2654] in [0] : vector<16xi32>, vector<16xi32> -> vector<16xi32>
    %eq3A_2656 = arith.cmpi eq, %gather3A_2655, %get3A_2592 : vector<16xi32>
    %and3A_2657 = arith.andi %eq3A_2656, %ge3A_529 : vector<16xi1>
    %add3A_2658 = arith.constant 1 : i32
    %add3A_2659 = vector.broadcast %add3A_2658 : i32 to vector<16xi32>
    %add3A_2660 = arith.addi %xor3A, %add3A_2659 : vector<16xi32>
    %select_n3A_2661 = arith.select %and3A_2657, %add3A_2660, %xor3A : vector<16xi1>, vector<16xi32>
    %add3A_2662 = arith.addi %add3A_2645, %select_n3A_2661 : vector<16xi32>
    %lt3A_2663 = arith.constant 0 : i32
    %lt3A_2664 = vector.broadcast %lt3A_2663 : i32 to vector<16xi32>
    %lt3A_2665 = arith.cmpi slt, %max3A_535, %lt3A_2664 : vector<16xi32>
    %add3A_2666 = arith.constant 16 : i32
    %add3A_2667 = vector.broadcast %add3A_2666 : i32 to vector<16xi32>
    %add3A_2668 = arith.addi %max3A_535, %add3A_2667 : vector<16xi32>
    %select_n3A_2669 = arith.select %lt3A_2665, %add3A_2668, %max3A_535 : vector<16xi1>, vector<16xi32>
    %broadcast_in_dim3A_2670 = vector.shape_cast %select_n3A_2669 : vector<16xi32> to vector<16x1xi32>
    %gather3A_2671 = vector.shape_cast %broadcast_in_dim3A_2670 : vector<16x1xi32> to vector<16xi32>
    %gather3A_2672 = tpu.dynamic_gather %get3A_2592[%gather3A_2671] in [0] : vector<16xi32>, vector<16xi32> -> vector<16xi32>
    %eq3A_2673 = arith.cmpi eq, %gather3A_2672, %get3A_2592 : vector<16xi32>
    %and3A_2674 = arith.andi %eq3A_2673, %ge3A_539 : vector<16xi1>
    %add3A_2675 = arith.constant 1 : i32
    %add3A_2676 = vector.broadcast %add3A_2675 : i32 to vector<16xi32>
    %add3A_2677 = arith.addi %xor3A, %add3A_2676 : vector<16xi32>
    %select_n3A_2678 = arith.select %and3A_2674, %add3A_2677, %xor3A : vector<16xi1>, vector<16xi32>
    %add3A_2679 = arith.addi %add3A_2662, %select_n3A_2678 : vector<16xi32>
    %lt3A_2680 = arith.constant 0 : i32
    %lt3A_2681 = vector.broadcast %lt3A_2680 : i32 to vector<16xi32>
    %lt3A_2682 = arith.cmpi slt, %max3A_545, %lt3A_2681 : vector<16xi32>
    %add3A_2683 = arith.constant 16 : i32
    %add3A_2684 = vector.broadcast %add3A_2683 : i32 to vector<16xi32>
    %add3A_2685 = arith.addi %max3A_545, %add3A_2684 : vector<16xi32>
    %select_n3A_2686 = arith.select %lt3A_2682, %add3A_2685, %max3A_545 : vector<16xi1>, vector<16xi32>
    %broadcast_in_dim3A_2687 = vector.shape_cast %select_n3A_2686 : vector<16xi32> to vector<16x1xi32>
    %gather3A_2688 = vector.shape_cast %broadcast_in_dim3A_2687 : vector<16x1xi32> to vector<16xi32>
    %gather3A_2689 = tpu.dynamic_gather %get3A_2592[%gather3A_2688] in [0] : vector<16xi32>, vector<16xi32> -> vector<16xi32>
    %eq3A_2690 = arith.cmpi eq, %gather3A_2689, %get3A_2592 : vector<16xi32>
    %and3A_2691 = arith.andi %eq3A_2690, %ge3A_549 : vector<16xi1>
    %add3A_2692 = arith.constant 1 : i32
    %add3A_2693 = vector.broadcast %add3A_2692 : i32 to vector<16xi32>
    %add3A_2694 = arith.addi %xor3A, %add3A_2693 : vector<16xi32>
    %select_n3A_2695 = arith.select %and3A_2691, %add3A_2694, %xor3A : vector<16xi1>, vector<16xi32>
    %add3A_2696 = arith.addi %add3A_2679, %select_n3A_2695 : vector<16xi32>
    %lt3A_2697 = arith.constant 0 : i32
    %lt3A_2698 = vector.broadcast %lt3A_2697 : i32 to vector<16xi32>
    %lt3A_2699 = arith.cmpi slt, %max3A_555, %lt3A_2698 : vector<16xi32>
    %add3A_2700 = arith.constant 16 : i32
    %add3A_2701 = vector.broadcast %add3A_2700 : i32 to vector<16xi32>
    %add3A_2702 = arith.addi %max3A_555, %add3A_2701 : vector<16xi32>
    %select_n3A_2703 = arith.select %lt3A_2699, %add3A_2702, %max3A_555 : vector<16xi1>, vector<16xi32>
    %broadcast_in_dim3A_2704 = vector.shape_cast %select_n3A_2703 : vector<16xi32> to vector<16x1xi32>
    %gather3A_2705 = vector.shape_cast %broadcast_in_dim3A_2704 : vector<16x1xi32> to vector<16xi32>
    %gather3A_2706 = tpu.dynamic_gather %get3A_2592[%gather3A_2705] in [0] : vector<16xi32>, vector<16xi32> -> vector<16xi32>
    %eq3A_2707 = arith.cmpi eq, %gather3A_2706, %get3A_2592 : vector<16xi32>
    %and3A_2708 = arith.andi %eq3A_2707, %ge3A_559 : vector<16xi1>
    %add3A_2709 = arith.constant 1 : i32
    %add3A_2710 = vector.broadcast %add3A_2709 : i32 to vector<16xi32>
    %add3A_2711 = arith.addi %xor3A, %add3A_2710 : vector<16xi32>
    %select_n3A_2712 = arith.select %and3A_2708, %add3A_2711, %xor3A : vector<16xi1>, vector<16xi32>
    %add3A_2713 = arith.addi %add3A_2696, %select_n3A_2712 : vector<16xi32>
    %lt3A_2714 = arith.constant 0 : i32
    %lt3A_2715 = vector.broadcast %lt3A_2714 : i32 to vector<16xi32>
    %lt3A_2716 = arith.cmpi slt, %max3A_565, %lt3A_2715 : vector<16xi32>
    %add3A_2717 = arith.constant 16 : i32
    %add3A_2718 = vector.broadcast %add3A_2717 : i32 to vector<16xi32>
    %add3A_2719 = arith.addi %max3A_565, %add3A_2718 : vector<16xi32>
    %select_n3A_2720 = arith.select %lt3A_2716, %add3A_2719, %max3A_565 : vector<16xi1>, vector<16xi32>
    %broadcast_in_dim3A_2721 = vector.shape_cast %select_n3A_2720 : vector<16xi32> to vector<16x1xi32>
    %gather3A_2722 = vector.shape_cast %broadcast_in_dim3A_2721 : vector<16x1xi32> to vector<16xi32>
    %gather3A_2723 = tpu.dynamic_gather %get3A_2592[%gather3A_2722] in [0] : vector<16xi32>, vector<16xi32> -> vector<16xi32>
    %eq3A_2724 = arith.cmpi eq, %gather3A_2723, %get3A_2592 : vector<16xi32>
    %and3A_2725 = arith.andi %eq3A_2724, %ge3A_569 : vector<16xi1>
    %add3A_2726 = arith.constant 1 : i32
    %add3A_2727 = vector.broadcast %add3A_2726 : i32 to vector<16xi32>
    %add3A_2728 = arith.addi %xor3A, %add3A_2727 : vector<16xi32>
    %select_n3A_2729 = arith.select %and3A_2725, %add3A_2728, %xor3A : vector<16xi1>, vector<16xi32>
    %add3A_2730 = arith.addi %add3A_2713, %select_n3A_2729 : vector<16xi32>
    %lt3A_2731 = arith.constant 0 : i32
    %lt3A_2732 = vector.broadcast %lt3A_2731 : i32 to vector<16xi32>
    %lt3A_2733 = arith.cmpi slt, %max3A_575, %lt3A_2732 : vector<16xi32>
    %add3A_2734 = arith.constant 16 : i32
    %add3A_2735 = vector.broadcast %add3A_2734 : i32 to vector<16xi32>
    %add3A_2736 = arith.addi %max3A_575, %add3A_2735 : vector<16xi32>
    %select_n3A_2737 = arith.select %lt3A_2733, %add3A_2736, %max3A_575 : vector<16xi1>, vector<16xi32>
    %broadcast_in_dim3A_2738 = vector.shape_cast %select_n3A_2737 : vector<16xi32> to vector<16x1xi32>
    %gather3A_2739 = vector.shape_cast %broadcast_in_dim3A_2738 : vector<16x1xi32> to vector<16xi32>
    %gather3A_2740 = tpu.dynamic_gather %get3A_2592[%gather3A_2739] in [0] : vector<16xi32>, vector<16xi32> -> vector<16xi32>
    %eq3A_2741 = arith.cmpi eq, %gather3A_2740, %get3A_2592 : vector<16xi32>
    %and3A_2742 = arith.andi %eq3A_2741, %ge3A_579 : vector<16xi1>
    %add3A_2743 = arith.constant 1 : i32
    %add3A_2744 = vector.broadcast %add3A_2743 : i32 to vector<16xi32>
    %add3A_2745 = arith.addi %xor3A, %add3A_2744 : vector<16xi32>
    %select_n3A_2746 = arith.select %and3A_2742, %add3A_2745, %xor3A : vector<16xi1>, vector<16xi32>
    %add3A_2747 = arith.addi %add3A_2730, %select_n3A_2746 : vector<16xi32>
    %lt3A_2748 = arith.constant 0 : i32
    %lt3A_2749 = vector.broadcast %lt3A_2748 : i32 to vector<16xi32>
    %lt3A_2750 = arith.cmpi slt, %max3A_585, %lt3A_2749 : vector<16xi32>
    %add3A_2751 = arith.constant 16 : i32
    %add3A_2752 = vector.broadcast %add3A_2751 : i32 to vector<16xi32>
    %add3A_2753 = arith.addi %max3A_585, %add3A_2752 : vector<16xi32>
    %select_n3A_2754 = arith.select %lt3A_2750, %add3A_2753, %max3A_585 : vector<16xi1>, vector<16xi32>
    %broadcast_in_dim3A_2755 = vector.shape_cast %select_n3A_2754 : vector<16xi32> to vector<16x1xi32>
    %gather3A_2756 = vector.shape_cast %broadcast_in_dim3A_2755 : vector<16x1xi32> to vector<16xi32>
    %gather3A_2757 = tpu.dynamic_gather %get3A_2592[%gather3A_2756] in [0] : vector<16xi32>, vector<16xi32> -> vector<16xi32>
    %eq3A_2758 = arith.cmpi eq, %gather3A_2757, %get3A_2592 : vector<16xi32>
    %and3A_2759 = arith.andi %eq3A_2758, %ge3A_589 : vector<16xi1>
    %add3A_2760 = arith.constant 1 : i32
    %add3A_2761 = vector.broadcast %add3A_2760 : i32 to vector<16xi32>
    %add3A_2762 = arith.addi %xor3A, %add3A_2761 : vector<16xi32>
    %select_n3A_2763 = arith.select %and3A_2759, %add3A_2762, %xor3A : vector<16xi1>, vector<16xi32>
    %add3A_2764 = arith.addi %add3A_2747, %select_n3A_2763 : vector<16xi32>
    %lt3A_2765 = arith.constant 0 : i32
    %lt3A_2766 = vector.broadcast %lt3A_2765 : i32 to vector<16xi32>
    %lt3A_2767 = arith.cmpi slt, %max3A_595, %lt3A_2766 : vector<16xi32>
    %add3A_2768 = arith.constant 16 : i32
    %add3A_2769 = vector.broadcast %add3A_2768 : i32 to vector<16xi32>
    %add3A_2770 = arith.addi %max3A_595, %add3A_2769 : vector<16xi32>
    %select_n3A_2771 = arith.select %lt3A_2767, %add3A_2770, %max3A_595 : vector<16xi1>, vector<16xi32>
    %broadcast_in_dim3A_2772 = vector.shape_cast %select_n3A_2771 : vector<16xi32> to vector<16x1xi32>
    %gather3A_2773 = vector.shape_cast %broadcast_in_dim3A_2772 : vector<16x1xi32> to vector<16xi32>
    %gather3A_2774 = tpu.dynamic_gather %get3A_2592[%gather3A_2773] in [0] : vector<16xi32>, vector<16xi32> -> vector<16xi32>
    %eq3A_2775 = arith.cmpi eq, %gather3A_2774, %get3A_2592 : vector<16xi32>
    %and3A_2776 = arith.andi %eq3A_2775, %ge3A_599 : vector<16xi1>
    %add3A_2777 = arith.constant 1 : i32
    %add3A_2778 = vector.broadcast %add3A_2777 : i32 to vector<16xi32>
    %add3A_2779 = arith.addi %xor3A, %add3A_2778 : vector<16xi32>
    %select_n3A_2780 = arith.select %and3A_2776, %add3A_2779, %xor3A : vector<16xi1>, vector<16xi32>
    %add3A_2781 = arith.addi %add3A_2764, %select_n3A_2780 : vector<16xi32>
    %lt3A_2782 = arith.constant 0 : i32
    %lt3A_2783 = vector.broadcast %lt3A_2782 : i32 to vector<16xi32>
    %lt3A_2784 = arith.cmpi slt, %max3A_605, %lt3A_2783 : vector<16xi32>
    %add3A_2785 = arith.constant 16 : i32
    %add3A_2786 = vector.broadcast %add3A_2785 : i32 to vector<16xi32>
    %add3A_2787 = arith.addi %max3A_605, %add3A_2786 : vector<16xi32>
    %select_n3A_2788 = arith.select %lt3A_2784, %add3A_2787, %max3A_605 : vector<16xi1>, vector<16xi32>
    %broadcast_in_dim3A_2789 = vector.shape_cast %select_n3A_2788 : vector<16xi32> to vector<16x1xi32>
    %gather3A_2790 = vector.shape_cast %broadcast_in_dim3A_2789 : vector<16x1xi32> to vector<16xi32>
    %gather3A_2791 = tpu.dynamic_gather %get3A_2592[%gather3A_2790] in [0] : vector<16xi32>, vector<16xi32> -> vector<16xi32>
    %eq3A_2792 = arith.cmpi eq, %gather3A_2791, %get3A_2592 : vector<16xi32>
    %and3A_2793 = arith.andi %eq3A_2792, %ge3A_609 : vector<16xi1>
    %add3A_2794 = arith.constant 1 : i32
    %add3A_2795 = vector.broadcast %add3A_2794 : i32 to vector<16xi32>
    %add3A_2796 = arith.addi %xor3A, %add3A_2795 : vector<16xi32>
    %select_n3A_2797 = arith.select %and3A_2793, %add3A_2796, %xor3A : vector<16xi1>, vector<16xi32>
    %add3A_2798 = arith.addi %add3A_2781, %select_n3A_2797 : vector<16xi32>
    %lt3A_2799 = arith.constant 0 : i32
    %lt3A_2800 = vector.broadcast %lt3A_2799 : i32 to vector<16xi32>
    %lt3A_2801 = arith.cmpi slt, %max3A_615, %lt3A_2800 : vector<16xi32>
    %add3A_2802 = arith.constant 16 : i32
    %add3A_2803 = vector.broadcast %add3A_2802 : i32 to vector<16xi32>
    %add3A_2804 = arith.addi %max3A_615, %add3A_2803 : vector<16xi32>
    %select_n3A_2805 = arith.select %lt3A_2801, %add3A_2804, %max3A_615 : vector<16xi1>, vector<16xi32>
    %broadcast_in_dim3A_2806 = vector.shape_cast %select_n3A_2805 : vector<16xi32> to vector<16x1xi32>
    %gather3A_2807 = vector.shape_cast %broadcast_in_dim3A_2806 : vector<16x1xi32> to vector<16xi32>
    %gather3A_2808 = tpu.dynamic_gather %get3A_2592[%gather3A_2807] in [0] : vector<16xi32>, vector<16xi32> -> vector<16xi32>
    %eq3A_2809 = arith.cmpi eq, %gather3A_2808, %get3A_2592 : vector<16xi32>
    %and3A_2810 = arith.andi %eq3A_2809, %ge3A_619 : vector<16xi1>
    %add3A_2811 = arith.constant 1 : i32
    %add3A_2812 = vector.broadcast %add3A_2811 : i32 to vector<16xi32>
    %add3A_2813 = arith.addi %xor3A, %add3A_2812 : vector<16xi32>
    %select_n3A_2814 = arith.select %and3A_2810, %add3A_2813, %xor3A : vector<16xi1>, vector<16xi32>
    %add3A_2815 = arith.addi %add3A_2798, %select_n3A_2814 : vector<16xi32>
    %lt3A_2816 = arith.constant 0 : i32
    %lt3A_2817 = vector.broadcast %lt3A_2816 : i32 to vector<16xi32>
    %lt3A_2818 = arith.cmpi slt, %max3A_625, %lt3A_2817 : vector<16xi32>
    %add3A_2819 = arith.constant 16 : i32
    %add3A_2820 = vector.broadcast %add3A_2819 : i32 to vector<16xi32>
    %add3A_2821 = arith.addi %max3A_625, %add3A_2820 : vector<16xi32>
    %select_n3A_2822 = arith.select %lt3A_2818, %add3A_2821, %max3A_625 : vector<16xi1>, vector<16xi32>
    %broadcast_in_dim3A_2823 = vector.shape_cast %select_n3A_2822 : vector<16xi32> to vector<16x1xi32>
    %gather3A_2824 = vector.shape_cast %broadcast_in_dim3A_2823 : vector<16x1xi32> to vector<16xi32>
    %gather3A_2825 = tpu.dynamic_gather %get3A_2592[%gather3A_2824] in [0] : vector<16xi32>, vector<16xi32> -> vector<16xi32>
    %eq3A_2826 = arith.cmpi eq, %gather3A_2825, %get3A_2592 : vector<16xi32>
    %and3A_2827 = arith.andi %eq3A_2826, %ge3A_629 : vector<16xi1>
    %add3A_2828 = arith.constant 1 : i32
    %add3A_2829 = vector.broadcast %add3A_2828 : i32 to vector<16xi32>
    %add3A_2830 = arith.addi %xor3A, %add3A_2829 : vector<16xi32>
    %select_n3A_2831 = arith.select %and3A_2827, %add3A_2830, %xor3A : vector<16xi1>, vector<16xi32>
    %add3A_2832 = arith.addi %add3A_2815, %select_n3A_2831 : vector<16xi32>
    %lt3A_2833 = arith.constant 0 : i32
    %lt3A_2834 = vector.broadcast %lt3A_2833 : i32 to vector<16xi32>
    %lt3A_2835 = arith.cmpi slt, %max3A_635, %lt3A_2834 : vector<16xi32>
    %add3A_2836 = arith.constant 16 : i32
    %add3A_2837 = vector.broadcast %add3A_2836 : i32 to vector<16xi32>
    %add3A_2838 = arith.addi %max3A_635, %add3A_2837 : vector<16xi32>
    %select_n3A_2839 = arith.select %lt3A_2835, %add3A_2838, %max3A_635 : vector<16xi1>, vector<16xi32>
    %broadcast_in_dim3A_2840 = vector.shape_cast %select_n3A_2839 : vector<16xi32> to vector<16x1xi32>
    %gather3A_2841 = vector.shape_cast %broadcast_in_dim3A_2840 : vector<16x1xi32> to vector<16xi32>
    %gather3A_2842 = tpu.dynamic_gather %get3A_2592[%gather3A_2841] in [0] : vector<16xi32>, vector<16xi32> -> vector<16xi32>
    %eq3A_2843 = arith.cmpi eq, %gather3A_2842, %get3A_2592 : vector<16xi32>
    %and3A_2844 = arith.andi %eq3A_2843, %ge3A_639 : vector<16xi1>
    %add3A_2845 = arith.constant 1 : i32
    %add3A_2846 = vector.broadcast %add3A_2845 : i32 to vector<16xi32>
    %add3A_2847 = arith.addi %xor3A, %add3A_2846 : vector<16xi32>
    %select_n3A_2848 = arith.select %and3A_2844, %add3A_2847, %xor3A : vector<16xi1>, vector<16xi32>
    %add3A_2849 = arith.addi %add3A_2832, %select_n3A_2848 : vector<16xi32>
    %lt3A_2850 = arith.constant 0 : i32
    %lt3A_2851 = vector.broadcast %lt3A_2850 : i32 to vector<16xi32>
    %lt3A_2852 = arith.cmpi slt, %get3A_2592, %lt3A_2851 : vector<16xi32>
    %add3A_2853 = arith.constant 16 : i32
    %add3A_2854 = vector.broadcast %add3A_2853 : i32 to vector<16xi32>
    %add3A_2855 = arith.addi %get3A_2592, %add3A_2854 : vector<16xi32>
    %select_n3A_2856 = arith.select %lt3A_2852, %add3A_2855, %get3A_2592 : vector<16xi1>, vector<16xi32>
    %broadcast_in_dim3A_2857 = vector.shape_cast %select_n3A_2856 : vector<16xi32> to vector<16x1xi32>
    %gather3A_2858 = vector.shape_cast %broadcast_in_dim3A_2857 : vector<16x1xi32> to vector<16xi32>
    %gather3A_2859 = tpu.dynamic_gather %add3A_2589[%gather3A_2858] in [0] : vector<16xi32>, vector<16xi32> -> vector<16xi32>
    %add3A_2860 = arith.addi %gather3A_2859, %add3A_2849 : vector<16xi32>
    %swap3A_2861 = arith.constant 112 : index
    %swap3A_2862 = tpu.vector_load %arg10[%swap3A_2861] {strides = array<i32>} : memref<128xi32, #tpu.memory_space<vmem>>, vector<16xi32>,
    %swap3A_2863 = vector.shape_cast %swap3A_2862 : vector<16xi32> to vector<16xi32>
    %swap3A_2864 = vector.shape_cast %add3A_2860 : vector<16xi32> to vector<16xi32>
    tpu.vector_store %arg10[%swap3A_2861], %swap3A_2864 {strides = array<i32>} : memref<128xi32, #tpu.memory_space<vmem>>, vector<16xi32>,
    %get3A_2865 = arith.constant 112 : index
    %get3A_2866 = tpu.vector_load %arg9[%get3A_2865] {strides = array<i32>} : memref<128xi32, #tpu.memory_space<vmem>>, vector<16xi32>,
    %get3A_2867 = vector.shape_cast %get3A_2866 : vector<16xi32> to vector<16xi32>
    %add3A_2868 = arith.addi %add3A_2589, %get3A_2867 : vector<16xi32>
    "tpu.region"() ({
      %run_scoped3A = tpu.sem_alloc : memref<!tpu.dma_semaphore, #tpu.memory_space<semaphore_mem>>
      %dma_start3A = tpu.memref_slice %arg5[%mul3A_2] : memref<4096xi32, #tpu.memory_space<hbm>> -> memref<128xi32, #tpu.memory_space<hbm>>
      %dma_start3A_2872 = tpu.memref_slice %arg5[%mul3A_2] : memref<4096xi32, #tpu.memory_space<hbm>> -> memref<128xi32, #tpu.memory_space<hbm>>
      tpu.enqueue_dma source(%arg10 : memref<128xi32, #tpu.memory_space<vmem>>) target(%dma_start3A_2872 : memref<128xi32, #tpu.memory_space<hbm>>) target_semaphore(%run_scoped3A : memref<!tpu.dma_semaphore, #tpu.memory_space<semaphore_mem>>)
      %dma_wait3A = tpu.memref_slice %arg5[%mul3A_2] : memref<4096xi32, #tpu.memory_space<hbm>> -> memref<128xi32, #tpu.memory_space<hbm>>
      %dma_wait3A_2873 = tpu.memref_slice %arg5[%mul3A_2] : memref<4096xi32, #tpu.memory_space<hbm>> -> memref<128xi32, #tpu.memory_space<hbm>>
      tpu.wait_dma2 semaphore(%run_scoped3A : memref<!tpu.dma_semaphore, #tpu.memory_space<semaphore_mem>>) src(%arg10 : memref<128xi32, #tpu.memory_space<vmem>>) dst(%dma_wait3A_2873 : memref<128xi32, #tpu.memory_space<hbm>>)
      tpu.yield
    }) : () -> ()
    %eq3A_2869 = arith.constant 0 : i32
    %eq3A_2870 = arith.cmpi eq, %add3A, %eq3A_2869 : i32
    %convert_element_type3A = arith.extui %eq3A_2870 : i1 to i32
    %cond3A = arith.constant 0 : i32
    %cond3A_2871 = arith.cmpi ne, %convert_element_type3A, %cond3A : i32
    scf.if %cond3A_2871 {
      %swap3A_2872 = arith.constant 0 : i32
      %swap3A_2873 = arith.index_cast %swap3A_2872 : i32 to index
      %swap3A_2874 = arith.constant 0 : index
      %swap3A_2875 = tpu.vector_load %arg11[%swap3A_2873, %swap3A_2874] {strides = array<i32>} : memref<2x16xi32, #tpu.memory_space<vmem>>, vector<1x16xi32>,
      %swap3A_2876 = vector.shape_cast %swap3A_2875 : vector<1x16xi32> to vector<16xi32>
      %swap3A_2877 = vector.shape_cast %add3A_394 : vector<16xi32> to vector<1x16xi32>
      tpu.vector_store %arg11[%swap3A_2873, %swap3A_2874], %swap3A_2877 {strides = array<i32>} : memref<2x16xi32, #tpu.memory_space<vmem>>, vector<1x16xi32>,
      %swap3A_2878 = arith.constant 1 : i32
      %swap3A_2879 = arith.index_cast %swap3A_2878 : i32 to index
      %swap3A_2880 = arith.constant 0 : index
      %swap3A_2881 = tpu.vector_load %arg11[%swap3A_2879, %swap3A_2880] {strides = array<i32>} : memref<2x16xi32, #tpu.memory_space<vmem>>, vector<1x16xi32>,
      %swap3A_2882 = vector.shape_cast %swap3A_2881 : vector<1x16xi32> to vector<16xi32>
      %swap3A_2883 = vector.shape_cast %sub3A_488 : vector<16xi32> to vector<1x16xi32>
      tpu.vector_store %arg11[%swap3A_2879, %swap3A_2880], %swap3A_2883 {strides = array<i32>} : memref<2x16xi32, #tpu.memory_space<vmem>>, vector<1x16xi32>,
      "tpu.region"() ({
        %run_scoped3A = tpu.sem_alloc : memref<!tpu.dma_semaphore, #tpu.memory_space<semaphore_mem>>
        tpu.enqueue_dma source(%arg11 : memref<2x16xi32, #tpu.memory_space<vmem>>) target(%arg6 : memref<2x16xi32, #tpu.memory_space<hbm>>) target_semaphore(%run_scoped3A : memref<!tpu.dma_semaphore, #tpu.memory_space<semaphore_mem>>)
        tpu.wait_dma2 semaphore(%run_scoped3A : memref<!tpu.dma_semaphore, #tpu.memory_space<semaphore_mem>>) src(%arg11 : memref<2x16xi32, #tpu.memory_space<vmem>>) dst(%arg6 : memref<2x16xi32, #tpu.memory_space<hbm>>)
        tpu.yield
      }) : () -> ()
    } else {
    }
    return
  }
}

#map = affine_map<(d0, d1) -> (0, 0)>
#map1 = affine_map<(d0, d1) -> (0)>
module attributes {stable_mosaic.version = 14 : i64} {
  func.func @scatter_rows(%arg0: i32, %arg1: i32, %arg2: memref<4096x1024xf32, #tpu.memory_space<hbm>>, %arg3: memref<4096xi32, #tpu.memory_space<hbm>>, %arg4: memref<4096x1024xf32, #tpu.memory_space<hbm>>, %arg5: memref<2x64xi32, #tpu.memory_space<vmem>>, %arg6: memref<64x1024xf32, #tpu.memory_space<vmem>>, %arg7: memref<!tpu.dma_semaphore, #tpu.memory_space<semaphore_mem>>) attributes {dimension_semantics = [#tpu.dimension_semantics<core_parallel>, #tpu.dimension_semantics<subcore_parallel>], iteration_bounds = array<i64: 2, 16>, scalar_prefetch = 0 : i64, scratch_operands = 3 : i64, tpu.core_type = #tpu.core_type<sc_vector_subcore>, window_params = [{transform_indices = #map}, {transform_indices = #map1}, {transform_indices = #map}]} {
    %mul3A = arith.constant 2 : i32
    %mul3A_0 = arith.muli %arg1, %mul3A : i32
    %add3A = arith.addi %mul3A_0, %arg0 : i32
    %mul3A_1 = arith.constant 128 : i32
    %mul3A_2 = arith.muli %add3A, %mul3A_1 : i32
    %add3A_3 = arith.constant 0 : i32
    %add3A_4 = arith.addi %mul3A_2, %add3A_3 : i32
    %run_scoped3A = arith.constant 0 : i32
    "tpu.region"() ({
      %run_scoped3A_38 = tpu.sem_alloc : memref<!tpu.dma_semaphore, #tpu.memory_space<semaphore_mem>>
      %dma_start3A_39 = arith.constant 0 : i32
      %dma_start3A_40 = tpu.memref_slice %arg5[%run_scoped3A, %dma_start3A_39] : memref<2x64xi32, #tpu.memory_space<vmem>> -> memref<1x64xi32, #tpu.memory_space<vmem>>
      %dma_start3A_41 = tpu.memref_squeeze %dma_start3A_40 : memref<1x64xi32, #tpu.memory_space<vmem>> -> memref<64xi32, #tpu.memory_space<vmem>>
      %dma_start3A_42 = tpu.memref_slice %arg3[%add3A_4] : memref<4096xi32, #tpu.memory_space<hbm>> -> memref<64xi32, #tpu.memory_space<hbm>>
      %dma_start3A_43 = arith.constant 0 : i32
      %dma_start3A_44 = tpu.memref_slice %arg5[%run_scoped3A, %dma_start3A_43] : memref<2x64xi32, #tpu.memory_space<vmem>> -> memref<1x64xi32, #tpu.memory_space<vmem>>
      %dma_start3A_45 = tpu.memref_squeeze %dma_start3A_44 : memref<1x64xi32, #tpu.memory_space<vmem>> -> memref<64xi32, #tpu.memory_space<vmem>>
      %dma_start3A_46 = tpu.memref_slice %arg3[%add3A_4] : memref<4096xi32, #tpu.memory_space<hbm>> -> memref<64xi32, #tpu.memory_space<hbm>>
      tpu.enqueue_dma source(%dma_start3A_46 : memref<64xi32, #tpu.memory_space<hbm>>) target(%dma_start3A_45 : memref<64xi32, #tpu.memory_space<vmem>>) target_semaphore(%run_scoped3A_38 : memref<!tpu.dma_semaphore, #tpu.memory_space<semaphore_mem>>)
      %dma_wait3A_47 = arith.constant 0 : i32
      %dma_wait3A_48 = tpu.memref_slice %arg5[%run_scoped3A, %dma_wait3A_47] : memref<2x64xi32, #tpu.memory_space<vmem>> -> memref<1x64xi32, #tpu.memory_space<vmem>>
      %dma_wait3A_49 = tpu.memref_squeeze %dma_wait3A_48 : memref<1x64xi32, #tpu.memory_space<vmem>> -> memref<64xi32, #tpu.memory_space<vmem>>
      %dma_wait3A_50 = tpu.memref_slice %arg3[%add3A_4] : memref<4096xi32, #tpu.memory_space<hbm>> -> memref<64xi32, #tpu.memory_space<hbm>>
      %dma_wait3A_51 = arith.constant 0 : i32
      %dma_wait3A_52 = tpu.memref_slice %arg5[%run_scoped3A, %dma_wait3A_51] : memref<2x64xi32, #tpu.memory_space<vmem>> -> memref<1x64xi32, #tpu.memory_space<vmem>>
      %dma_wait3A_53 = tpu.memref_squeeze %dma_wait3A_52 : memref<1x64xi32, #tpu.memory_space<vmem>> -> memref<64xi32, #tpu.memory_space<vmem>>
      %dma_wait3A_54 = tpu.memref_slice %arg3[%add3A_4] : memref<4096xi32, #tpu.memory_space<hbm>> -> memref<64xi32, #tpu.memory_space<hbm>>
      tpu.wait_dma2 semaphore(%run_scoped3A_38 : memref<!tpu.dma_semaphore, #tpu.memory_space<semaphore_mem>>) src(%dma_wait3A_54 : memref<64xi32, #tpu.memory_space<hbm>>) dst(%dma_wait3A_53 : memref<64xi32, #tpu.memory_space<vmem>>)
      tpu.yield
    }) : () -> ()
    %add3A_5 = arith.constant 0 : i32
    %add3A_6 = arith.addi %mul3A_2, %add3A_5 : i32
    "tpu.region"() ({
      %run_scoped3A_38 = tpu.sem_alloc : memref<!tpu.dma_semaphore, #tpu.memory_space<semaphore_mem>>
      %dma_start3A_39 = arith.constant 0 : i32
      %dma_start3A_40 = tpu.memref_slice %arg2[%add3A_6, %dma_start3A_39] : memref<4096x1024xf32, #tpu.memory_space<hbm>> -> memref<64x1024xf32, #tpu.memory_space<hbm>>
      %dma_start3A_41 = arith.constant 0 : i32
      %dma_start3A_42 = tpu.memref_slice %arg2[%add3A_6, %dma_start3A_41] : memref<4096x1024xf32, #tpu.memory_space<hbm>> -> memref<64x1024xf32, #tpu.memory_space<hbm>>
      tpu.enqueue_dma source(%dma_start3A_42 : memref<64x1024xf32, #tpu.memory_space<hbm>>) target(%arg6 : memref<64x1024xf32, #tpu.memory_space<vmem>>) target_semaphore(%run_scoped3A_38 : memref<!tpu.dma_semaphore, #tpu.memory_space<semaphore_mem>>)
      %dma_wait3A_43 = arith.constant 0 : i32
      %dma_wait3A_44 = tpu.memref_slice %arg2[%add3A_6, %dma_wait3A_43] : memref<4096x1024xf32, #tpu.memory_space<hbm>> -> memref<64x1024xf32, #tpu.memory_space<hbm>>
      %dma_wait3A_45 = arith.constant 0 : i32
      %dma_wait3A_46 = tpu.memref_slice %arg2[%add3A_6, %dma_wait3A_45] : memref<4096x1024xf32, #tpu.memory_space<hbm>> -> memref<64x1024xf32, #tpu.memory_space<hbm>>
      tpu.wait_dma2 semaphore(%run_scoped3A_38 : memref<!tpu.dma_semaphore, #tpu.memory_space<semaphore_mem>>) src(%dma_wait3A_46 : memref<64x1024xf32, #tpu.memory_space<hbm>>) dst(%arg6 : memref<64x1024xf32, #tpu.memory_space<vmem>>)
      tpu.yield
    }) : () -> ()
    %dma_start3A = arith.constant 0 : i32
    %dma_start3A_7 = arith.constant 0 : i32
    %dma_start3A_8 = tpu.memref_slice %arg5[%dma_start3A, %dma_start3A_7] : memref<2x64xi32, #tpu.memory_space<vmem>> -> memref<1x64xi32, #tpu.memory_space<vmem>>
    %dma_start3A_9 = tpu.memref_squeeze %dma_start3A_8 : memref<1x64xi32, #tpu.memory_space<vmem>> -> memref<64xi32, #tpu.memory_space<vmem>>
    %dma_start3A_10 = arith.constant 0 : i32
    %dma_start3A_11 = arith.constant 0 : i32
    %dma_start3A_12 = tpu.memref_slice %arg4[%dma_start3A_10, %dma_start3A_11] : memref<4096x1024xf32, #tpu.memory_space<hbm>> -> memref<4096x1024xf32, #tpu.memory_space<hbm>>
    tpu.enqueue_indirect_dma source(%arg6 : memref<64x1024xf32, #tpu.memory_space<vmem>>) target(%dma_start3A_12 : memref<4096x1024xf32, #tpu.memory_space<hbm>>) offsets(%dma_start3A_9 : memref<64xi32, #tpu.memory_space<vmem>>) semaphore(%arg7 : memref<!tpu.dma_semaphore, #tpu.memory_space<semaphore_mem>>)
    %dma_wait3A = arith.constant 0 : i32
    %dma_wait3A_13 = arith.constant 0 : i32
    %dma_wait3A_14 = tpu.memref_slice %arg5[%dma_wait3A, %dma_wait3A_13] : memref<2x64xi32, #tpu.memory_space<vmem>> -> memref<1x64xi32, #tpu.memory_space<vmem>>
    %dma_wait3A_15 = tpu.memref_squeeze %dma_wait3A_14 : memref<1x64xi32, #tpu.memory_space<vmem>> -> memref<64xi32, #tpu.memory_space<vmem>>
    %dma_wait3A_16 = arith.constant 0 : i32
    %dma_wait3A_17 = arith.constant 0 : i32
    %dma_wait3A_18 = tpu.memref_slice %arg4[%dma_wait3A_16, %dma_wait3A_17] : memref<4096x1024xf32, #tpu.memory_space<hbm>> -> memref<4096x1024xf32, #tpu.memory_space<hbm>>
    tpu.wait_indirect_dma semaphore(%arg7 : memref<!tpu.dma_semaphore, #tpu.memory_space<semaphore_mem>>) src(%arg6 : memref<64x1024xf32, #tpu.memory_space<vmem>>) dst(%dma_wait3A_18 : memref<4096x1024xf32, #tpu.memory_space<hbm>>)
    %add3A_19 = arith.constant 64 : i32
    %add3A_20 = arith.addi %mul3A_2, %add3A_19 : i32
    %run_scoped3A_21 = arith.constant 1 : i32
    "tpu.region"() ({
      %run_scoped3A_38 = tpu.sem_alloc : memref<!tpu.dma_semaphore, #tpu.memory_space<semaphore_mem>>
      %dma_start3A_39 = arith.constant 0 : i32
      %dma_start3A_40 = tpu.memref_slice %arg5[%run_scoped3A_21, %dma_start3A_39] : memref<2x64xi32, #tpu.memory_space<vmem>> -> memref<1x64xi32, #tpu.memory_space<vmem>>
      %dma_start3A_41 = tpu.memref_squeeze %dma_start3A_40 : memref<1x64xi32, #tpu.memory_space<vmem>> -> memref<64xi32, #tpu.memory_space<vmem>>
      %dma_start3A_42 = tpu.memref_slice %arg3[%add3A_20] : memref<4096xi32, #tpu.memory_space<hbm>> -> memref<64xi32, #tpu.memory_space<hbm>>
      %dma_start3A_43 = arith.constant 0 : i32
      %dma_start3A_44 = tpu.memref_slice %arg5[%run_scoped3A_21, %dma_start3A_43] : memref<2x64xi32, #tpu.memory_space<vmem>> -> memref<1x64xi32, #tpu.memory_space<vmem>>
      %dma_start3A_45 = tpu.memref_squeeze %dma_start3A_44 : memref<1x64xi32, #tpu.memory_space<vmem>> -> memref<64xi32, #tpu.memory_space<vmem>>
      %dma_start3A_46 = tpu.memref_slice %arg3[%add3A_20] : memref<4096xi32, #tpu.memory_space<hbm>> -> memref<64xi32, #tpu.memory_space<hbm>>
      tpu.enqueue_dma source(%dma_start3A_46 : memref<64xi32, #tpu.memory_space<hbm>>) target(%dma_start3A_45 : memref<64xi32, #tpu.memory_space<vmem>>) target_semaphore(%run_scoped3A_38 : memref<!tpu.dma_semaphore, #tpu.memory_space<semaphore_mem>>)
      %dma_wait3A_47 = arith.constant 0 : i32
      %dma_wait3A_48 = tpu.memref_slice %arg5[%run_scoped3A_21, %dma_wait3A_47] : memref<2x64xi32, #tpu.memory_space<vmem>> -> memref<1x64xi32, #tpu.memory_space<vmem>>
      %dma_wait3A_49 = tpu.memref_squeeze %dma_wait3A_48 : memref<1x64xi32, #tpu.memory_space<vmem>> -> memref<64xi32, #tpu.memory_space<vmem>>
      %dma_wait3A_50 = tpu.memref_slice %arg3[%add3A_20] : memref<4096xi32, #tpu.memory_space<hbm>> -> memref<64xi32, #tpu.memory_space<hbm>>
      %dma_wait3A_51 = arith.constant 0 : i32
      %dma_wait3A_52 = tpu.memref_slice %arg5[%run_scoped3A_21, %dma_wait3A_51] : memref<2x64xi32, #tpu.memory_space<vmem>> -> memref<1x64xi32, #tpu.memory_space<vmem>>
      %dma_wait3A_53 = tpu.memref_squeeze %dma_wait3A_52 : memref<1x64xi32, #tpu.memory_space<vmem>> -> memref<64xi32, #tpu.memory_space<vmem>>
      %dma_wait3A_54 = tpu.memref_slice %arg3[%add3A_20] : memref<4096xi32, #tpu.memory_space<hbm>> -> memref<64xi32, #tpu.memory_space<hbm>>
      tpu.wait_dma2 semaphore(%run_scoped3A_38 : memref<!tpu.dma_semaphore, #tpu.memory_space<semaphore_mem>>) src(%dma_wait3A_54 : memref<64xi32, #tpu.memory_space<hbm>>) dst(%dma_wait3A_53 : memref<64xi32, #tpu.memory_space<vmem>>)
      tpu.yield
    }) : () -> ()
    %add3A_22 = arith.constant 64 : i32
    %add3A_23 = arith.addi %mul3A_2, %add3A_22 : i32
    "tpu.region"() ({
      %run_scoped3A_38 = tpu.sem_alloc : memref<!tpu.dma_semaphore, #tpu.memory_space<semaphore_mem>>
      %dma_start3A_39 = arith.constant 0 : i32
      %dma_start3A_40 = tpu.memref_slice %arg2[%add3A_23, %dma_start3A_39] : memref<4096x1024xf32, #tpu.memory_space<hbm>> -> memref<64x1024xf32, #tpu.memory_space<hbm>>
      %dma_start3A_41 = arith.constant 0 : i32
      %dma_start3A_42 = tpu.memref_slice %arg2[%add3A_23, %dma_start3A_41] : memref<4096x1024xf32, #tpu.memory_space<hbm>> -> memref<64x1024xf32, #tpu.memory_space<hbm>>
      tpu.enqueue_dma source(%dma_start3A_42 : memref<64x1024xf32, #tpu.memory_space<hbm>>) target(%arg6 : memref<64x1024xf32, #tpu.memory_space<vmem>>) target_semaphore(%run_scoped3A_38 : memref<!tpu.dma_semaphore, #tpu.memory_space<semaphore_mem>>)
      %dma_wait3A_43 = arith.constant 0 : i32
      %dma_wait3A_44 = tpu.memref_slice %arg2[%add3A_23, %dma_wait3A_43] : memref<4096x1024xf32, #tpu.memory_space<hbm>> -> memref<64x1024xf32, #tpu.memory_space<hbm>>
      %dma_wait3A_45 = arith.constant 0 : i32
      %dma_wait3A_46 = tpu.memref_slice %arg2[%add3A_23, %dma_wait3A_45] : memref<4096x1024xf32, #tpu.memory_space<hbm>> -> memref<64x1024xf32, #tpu.memory_space<hbm>>
      tpu.wait_dma2 semaphore(%run_scoped3A_38 : memref<!tpu.dma_semaphore, #tpu.memory_space<semaphore_mem>>) src(%dma_wait3A_46 : memref<64x1024xf32, #tpu.memory_space<hbm>>) dst(%arg6 : memref<64x1024xf32, #tpu.memory_space<vmem>>)
      tpu.yield
    }) : () -> ()
    %dma_start3A_24 = arith.constant 1 : i32
    %dma_start3A_25 = arith.constant 0 : i32
    %dma_start3A_26 = tpu.memref_slice %arg5[%dma_start3A_24, %dma_start3A_25] : memref<2x64xi32, #tpu.memory_space<vmem>> -> memref<1x64xi32, #tpu.memory_space<vmem>>
    %dma_start3A_27 = tpu.memref_squeeze %dma_start3A_26 : memref<1x64xi32, #tpu.memory_space<vmem>> -> memref<64xi32, #tpu.memory_space<vmem>>
    %dma_start3A_28 = arith.constant 0 : i32
    %dma_start3A_29 = arith.constant 0 : i32
    %dma_start3A_30 = tpu.memref_slice %arg4[%dma_start3A_28, %dma_start3A_29] : memref<4096x1024xf32, #tpu.memory_space<hbm>> -> memref<4096x1024xf32, #tpu.memory_space<hbm>>
    tpu.enqueue_indirect_dma source(%arg6 : memref<64x1024xf32, #tpu.memory_space<vmem>>) target(%dma_start3A_30 : memref<4096x1024xf32, #tpu.memory_space<hbm>>) offsets(%dma_start3A_27 : memref<64xi32, #tpu.memory_space<vmem>>) semaphore(%arg7 : memref<!tpu.dma_semaphore, #tpu.memory_space<semaphore_mem>>)
    %dma_wait3A_31 = arith.constant 1 : i32
    %dma_wait3A_32 = arith.constant 0 : i32
    %dma_wait3A_33 = tpu.memref_slice %arg5[%dma_wait3A_31, %dma_wait3A_32] : memref<2x64xi32, #tpu.memory_space<vmem>> -> memref<1x64xi32, #tpu.memory_space<vmem>>
    %dma_wait3A_34 = tpu.memref_squeeze %dma_wait3A_33 : memref<1x64xi32, #tpu.memory_space<vmem>> -> memref<64xi32, #tpu.memory_space<vmem>>
    %dma_wait3A_35 = arith.constant 0 : i32
    %dma_wait3A_36 = arith.constant 0 : i32
    %dma_wait3A_37 = tpu.memref_slice %arg4[%dma_wait3A_35, %dma_wait3A_36] : memref<4096x1024xf32, #tpu.memory_space<hbm>> -> memref<4096x1024xf32, #tpu.memory_space<hbm>>
    tpu.wait_indirect_dma semaphore(%arg7 : memref<!tpu.dma_semaphore, #tpu.memory_space<semaphore_mem>>) src(%arg6 : memref<64x1024xf32, #tpu.memory_space<vmem>>) dst(%dma_wait3A_37 : memref<4096x1024xf32, #tpu.memory_space<hbm>>)
    return
  }
}

#map = affine_map<(d0, d1) -> (0, 0)>
#map1 = affine_map<(d0, d1) -> (0)>
module attributes {stable_mosaic.version = 14 : i64} {
  func.func @gather_rows(%arg0: i32, %arg1: i32, %arg2: memref<4096x1024xf32, #tpu.memory_space<hbm>>, %arg3: memref<4096xi32, #tpu.memory_space<hbm>>, %arg4: memref<4096x1024xf32, #tpu.memory_space<hbm>>, %arg5: memref<128xi32, #tpu.memory_space<vmem>>, %arg6: memref<64x1024xf32, #tpu.memory_space<vmem>>, %arg7: memref<!tpu.dma_semaphore, #tpu.memory_space<semaphore_mem>>) attributes {dimension_semantics = [#tpu.dimension_semantics<core_parallel>, #tpu.dimension_semantics<subcore_parallel>], iteration_bounds = array<i64: 2, 16>, scalar_prefetch = 0 : i64, scratch_operands = 3 : i64, tpu.core_type = #tpu.core_type<sc_vector_subcore>, window_params = [{transform_indices = #map}, {transform_indices = #map1}, {transform_indices = #map}]} {
    %mul3A = arith.constant 2 : i32
    %mul3A_0 = arith.muli %arg1, %mul3A : i32
    %add3A = arith.addi %mul3A_0, %arg0 : i32
    %mul3A_1 = arith.constant 128 : i32
    %mul3A_2 = arith.muli %add3A, %mul3A_1 : i32
    "tpu.region"() ({
      %run_scoped3A = tpu.sem_alloc : memref<!tpu.dma_semaphore, #tpu.memory_space<semaphore_mem>>
      %dma_start3A_25 = tpu.memref_slice %arg3[%mul3A_2] : memref<4096xi32, #tpu.memory_space<hbm>> -> memref<128xi32, #tpu.memory_space<hbm>>
      %dma_start3A_26 = tpu.memref_slice %arg3[%mul3A_2] : memref<4096xi32, #tpu.memory_space<hbm>> -> memref<128xi32, #tpu.memory_space<hbm>>
      tpu.enqueue_dma source(%dma_start3A_26 : memref<128xi32, #tpu.memory_space<hbm>>) target(%arg5 : memref<128xi32, #tpu.memory_space<vmem>>) target_semaphore(%run_scoped3A : memref<!tpu.dma_semaphore, #tpu.memory_space<semaphore_mem>>)
      %dma_wait3A_27 = tpu.memref_slice %arg3[%mul3A_2] : memref<4096xi32, #tpu.memory_space<hbm>> -> memref<128xi32, #tpu.memory_space<hbm>>
      %dma_wait3A_28 = tpu.memref_slice %arg3[%mul3A_2] : memref<4096xi32, #tpu.memory_space<hbm>> -> memref<128xi32, #tpu.memory_space<hbm>>
      tpu.wait_dma2 semaphore(%run_scoped3A : memref<!tpu.dma_semaphore, #tpu.memory_space<semaphore_mem>>) src(%dma_wait3A_28 : memref<128xi32, #tpu.memory_space<hbm>>) dst(%arg5 : memref<128xi32, #tpu.memory_space<vmem>>)
      tpu.yield
    }) : () -> ()
    %dma_start3A = arith.constant 0 : i32
    %dma_start3A_3 = tpu.memref_slice %arg5[%dma_start3A] : memref<128xi32, #tpu.memory_space<vmem>> -> memref<64xi32, #tpu.memory_space<vmem>>
    %dma_start3A_4 = arith.constant 0 : i32
    %dma_start3A_5 = arith.constant 0 : i32
    %dma_start3A_6 = tpu.memref_slice %arg2[%dma_start3A_4, %dma_start3A_5] : memref<4096x1024xf32, #tpu.memory_space<hbm>> -> memref<4096x1024xf32, #tpu.memory_space<hbm>>
    tpu.enqueue_indirect_dma source(%dma_start3A_6 : memref<4096x1024xf32, #tpu.memory_space<hbm>>) target(%arg6 : memref<64x1024xf32, #tpu.memory_space<vmem>>) offsets(%dma_start3A_3 : memref<64xi32, #tpu.memory_space<vmem>>) semaphore(%arg7 : memref<!tpu.dma_semaphore, #tpu.memory_space<semaphore_mem>>)
    %dma_wait3A = arith.constant 0 : i32
    %dma_wait3A_7 = tpu.memref_slice %arg5[%dma_wait3A] : memref<128xi32, #tpu.memory_space<vmem>> -> memref<64xi32, #tpu.memory_space<vmem>>
    %dma_wait3A_8 = arith.constant 0 : i32
    %dma_wait3A_9 = arith.constant 0 : i32
    %dma_wait3A_10 = tpu.memref_slice %arg2[%dma_wait3A_8, %dma_wait3A_9] : memref<4096x1024xf32, #tpu.memory_space<hbm>> -> memref<4096x1024xf32, #tpu.memory_space<hbm>>
    tpu.wait_indirect_dma semaphore(%arg7 : memref<!tpu.dma_semaphore, #tpu.memory_space<semaphore_mem>>) src(%dma_wait3A_10 : memref<4096x1024xf32, #tpu.memory_space<hbm>>) dst(%arg6 : memref<64x1024xf32, #tpu.memory_space<vmem>>)
    %add3A_11 = arith.constant 0 : i32
    %add3A_12 = arith.addi %mul3A_2, %add3A_11 : i32
    "tpu.region"() ({
      %run_scoped3A = tpu.sem_alloc : memref<!tpu.dma_semaphore, #tpu.memory_space<semaphore_mem>>
      %dma_start3A_25 = arith.constant 0 : i32
      %dma_start3A_26 = tpu.memref_slice %arg4[%add3A_12, %dma_start3A_25] : memref<4096x1024xf32, #tpu.memory_space<hbm>> -> memref<64x1024xf32, #tpu.memory_space<hbm>>
      %dma_start3A_27 = arith.constant 0 : i32
      %dma_start3A_28 = tpu.memref_slice %arg4[%add3A_12, %dma_start3A_27] : memref<4096x1024xf32, #tpu.memory_space<hbm>> -> memref<64x1024xf32, #tpu.memory_space<hbm>>
      tpu.enqueue_dma source(%arg6 : memref<64x1024xf32, #tpu.memory_space<vmem>>) target(%dma_start3A_28 : memref<64x1024xf32, #tpu.memory_space<hbm>>) target_semaphore(%run_scoped3A : memref<!tpu.dma_semaphore, #tpu.memory_space<semaphore_mem>>)
      %dma_wait3A_29 = arith.constant 0 : i32
      %dma_wait3A_30 = tpu.memref_slice %arg4[%add3A_12, %dma_wait3A_29] : memref<4096x1024xf32, #tpu.memory_space<hbm>> -> memref<64x1024xf32, #tpu.memory_space<hbm>>
      %dma_wait3A_31 = arith.constant 0 : i32
      %dma_wait3A_32 = tpu.memref_slice %arg4[%add3A_12, %dma_wait3A_31] : memref<4096x1024xf32, #tpu.memory_space<hbm>> -> memref<64x1024xf32, #tpu.memory_space<hbm>>
      tpu.wait_dma2 semaphore(%run_scoped3A : memref<!tpu.dma_semaphore, #tpu.memory_space<semaphore_mem>>) src(%arg6 : memref<64x1024xf32, #tpu.memory_space<vmem>>) dst(%dma_wait3A_32 : memref<64x1024xf32, #tpu.memory_space<hbm>>)
      tpu.yield
    }) : () -> ()
    %dma_start3A_13 = arith.constant 64 : i32
    %dma_start3A_14 = tpu.memref_slice %arg5[%dma_start3A_13] : memref<128xi32, #tpu.memory_space<vmem>> -> memref<64xi32, #tpu.memory_space<vmem>>
    %dma_start3A_15 = arith.constant 0 : i32
    %dma_start3A_16 = arith.constant 0 : i32
    %dma_start3A_17 = tpu.memref_slice %arg2[%dma_start3A_15, %dma_start3A_16] : memref<4096x1024xf32, #tpu.memory_space<hbm>> -> memref<4096x1024xf32, #tpu.memory_space<hbm>>
    tpu.enqueue_indirect_dma source(%dma_start3A_17 : memref<4096x1024xf32, #tpu.memory_space<hbm>>) target(%arg6 : memref<64x1024xf32, #tpu.memory_space<vmem>>) offsets(%dma_start3A_14 : memref<64xi32, #tpu.memory_space<vmem>>) semaphore(%arg7 : memref<!tpu.dma_semaphore, #tpu.memory_space<semaphore_mem>>)
    %dma_wait3A_18 = arith.constant 64 : i32
    %dma_wait3A_19 = tpu.memref_slice %arg5[%dma_wait3A_18] : memref<128xi32, #tpu.memory_space<vmem>> -> memref<64xi32, #tpu.memory_space<vmem>>
    %dma_wait3A_20 = arith.constant 0 : i32
    %dma_wait3A_21 = arith.constant 0 : i32
    %dma_wait3A_22 = tpu.memref_slice %arg2[%dma_wait3A_20, %dma_wait3A_21] : memref<4096x1024xf32, #tpu.memory_space<hbm>> -> memref<4096x1024xf32, #tpu.memory_space<hbm>>
    tpu.wait_indirect_dma semaphore(%arg7 : memref<!tpu.dma_semaphore, #tpu.memory_space<semaphore_mem>>) src(%dma_wait3A_22 : memref<4096x1024xf32, #tpu.memory_space<hbm>>) dst(%arg6 : memref<64x1024xf32, #tpu.memory_space<vmem>>)
    %add3A_23 = arith.constant 64 : i32
    %add3A_24 = arith.addi %mul3A_2, %add3A_23 : i32
    "tpu.region"() ({
      %run_scoped3A = tpu.sem_alloc : memref<!tpu.dma_semaphore, #tpu.memory_space<semaphore_mem>>
      %dma_start3A_25 = arith.constant 0 : i32
      %dma_start3A_26 = tpu.memref_slice %arg4[%add3A_24, %dma_start3A_25] : memref<4096x1024xf32, #tpu.memory_space<hbm>> -> memref<64x1024xf32, #tpu.memory_space<hbm>>
      %dma_start3A_27 = arith.constant 0 : i32
      %dma_start3A_28 = tpu.memref_slice %arg4[%add3A_24, %dma_start3A_27] : memref<4096x1024xf32, #tpu.memory_space<hbm>> -> memref<64x1024xf32, #tpu.memory_space<hbm>>
      tpu.enqueue_dma source(%arg6 : memref<64x1024xf32, #tpu.memory_space<vmem>>) target(%dma_start3A_28 : memref<64x1024xf32, #tpu.memory_space<hbm>>) target_semaphore(%run_scoped3A : memref<!tpu.dma_semaphore, #tpu.memory_space<semaphore_mem>>)
      %dma_wait3A_29 = arith.constant 0 : i32
      %dma_wait3A_30 = tpu.memref_slice %arg4[%add3A_24, %dma_wait3A_29] : memref<4096x1024xf32, #tpu.memory_space<hbm>> -> memref<64x1024xf32, #tpu.memory_space<hbm>>
      %dma_wait3A_31 = arith.constant 0 : i32
      %dma_wait3A_32 = tpu.memref_slice %arg4[%add3A_24, %dma_wait3A_31] : memref<4096x1024xf32, #tpu.memory_space<hbm>> -> memref<64x1024xf32, #tpu.memory_space<hbm>>
      tpu.wait_dma2 semaphore(%run_scoped3A : memref<!tpu.dma_semaphore, #tpu.memory_space<semaphore_mem>>) src(%arg6 : memref<64x1024xf32, #tpu.memory_space<vmem>>) dst(%dma_wait3A_32 : memref<64x1024xf32, #tpu.memory_space<hbm>>)
      tpu.yield
    }) : () -> ()
    return
  }
}

module attributes {stable_mosaic.version = 14 : i64} {
  func.func @_router_body(%arg0: i32, %arg1: memref<512x1024xf32, #tpu.memory_space<vmem>>, %arg2: memref<1024x16xf32, #tpu.memory_space<vmem>>, %arg3: memref<1x16xf32, #tpu.memory_space<vmem>>, %arg4: memref<512x1xi32, #tpu.memory_space<vmem>>, %arg5: memref<1x4x16xi32, #tpu.memory_space<vmem>>, %arg6: memref<1x32x16xi32, #tpu.memory_space<vmem>>) attributes {dimension_semantics = [#tpu.dimension_semantics<arbitrary>], iteration_bounds = array<i64: 8>, scalar_prefetch = 0 : i64, scratch_operands = 0 : i64, tpu.core_type = #tpu.core_type<tc>, window_params = [{transform_indices = @transform_0, window_bounds = array<i64: 512, 1024>}, {pipeline_mode = #tpu.pipeline_mode<synchronous>, transform_indices = @transform_1, window_bounds = array<i64: 1024, 16>}, {pipeline_mode = #tpu.pipeline_mode<synchronous>, transform_indices = @transform_2, window_bounds = array<i64: 1, 16>}, {transform_indices = @transform_3, window_bounds = array<i64: 512, 1>}, {transform_indices = @transform_4, window_bounds = array<i64: 1, 4, 16>}, {transform_indices = @transform_5, window_bounds = array<i64: 1, 32, 16>}]} {
    %get3A = arith.constant 0 : index
    %get3A_0 = arith.constant 0 : index
    %get3A_1 = vector.load %arg1[%get3A, %get3A_0] : memref<512x1024xf32, #tpu.memory_space<vmem>>, vector<512x1024xf32>
    %get3A_2 = arith.constant 0 : index
    %get3A_3 = arith.constant 0 : index
    %get3A_4 = vector.load %arg2[%get3A_2, %get3A_3] : memref<1024x16xf32, #tpu.memory_space<vmem>>, vector<1024x16xf32>
    %dot_general3A = arith.constant dense<0.000000e+00> : vector<512x16xf32>
    %dot_general3A_5 = tpu.matmul %get3A_1, %get3A_4, %dot_general3A {dimension_numbers = #tpu.dot_dimension_numbers<[1], [0], [0], [1], [0, 0, 1, 1], [], []>, transpose_lhs_hint = false} : vector<512x1024xf32>, vector<1024x16xf32>, vector<512x16xf32> -> vector<512x16xf32>
    %get3A_6 = arith.constant 0 : index
    %get3A_7 = arith.constant 0 : index
    %get3A_8 = vector.load %arg3[%get3A_6, %get3A_7] : memref<1x16xf32, #tpu.memory_space<vmem>>, vector<1x16xf32>
    %add3A = vector.broadcast %get3A_8 : vector<1x16xf32> to vector<512x16xf32>
    %add3A_9 = arith.addf %dot_general3A_5, %add3A : vector<512x16xf32>
    %reduce_max3A = arith.constant dense<0xFF800000> : vector<512xf32>
    %reduce_max3A_10 = vector.multi_reduction <maximumf>, %add3A_9, %reduce_max3A [1] : vector<512x16xf32> to vector<512xf32>
    %broadcast_in_dim3A = vector.shape_cast %reduce_max3A_10 : vector<512xf32> to vector<512x1xf32>
    %iota3A = tpu.iota {dimensions = array<i32: 1>} : vector<512x16xi32>
    %ge3A = vector.broadcast %broadcast_in_dim3A : vector<512x1xf32> to vector<512x16xf32>
    %ge3A_11 = arith.cmpf oge, %add3A_9, %ge3A : vector<512x16xf32>
    %jit3A = arith.constant 16 : i32
    %broadcast_in_dim3A_12 = vector.broadcast %jit3A : i32 to vector<512x16xi32>
    %select_n3A = arith.select %ge3A_11, %iota3A, %broadcast_in_dim3A_12 : vector<512x16xi1>, vector<512x16xi32>
    %reduce_min3A = arith.constant dense<2147483647> : vector<512xi32>
    %reduce_min3A_13 = vector.multi_reduction <minsi>, %select_n3A, %reduce_min3A [1] : vector<512x16xi32> to vector<512xi32>
    %broadcast_in_dim3A_14 = vector.shape_cast %reduce_min3A_13 : vector<512xi32> to vector<512x1xi32>
    %swap3A = arith.constant 0 : index
    %swap3A_15 = arith.constant 0 : index
    %swap3A_16 = vector.load %arg4[%swap3A, %swap3A_15] : memref<512x1xi32, #tpu.memory_space<vmem>>, vector<512x1xi32>
    tpu.vector_store %arg4[%swap3A, %swap3A_15], %broadcast_in_dim3A_14 {strides = array<i32>} : memref<512x1xi32, #tpu.memory_space<vmem>>, vector<512x1xi32>,
    %eq3A = vector.broadcast %broadcast_in_dim3A_14 : vector<512x1xi32> to vector<512x16xi32>
    %eq3A_17 = arith.cmpi eq, %eq3A, %iota3A : vector<512x16xi32>
    %convert_element_type3A = arith.extui %eq3A_17 : vector<512x16xi1> to vector<512x16xi32>
    %slice3A = vector.extract_strided_slice %convert_element_type3A {offsets = [0, 0], sizes = [128, 16], strides = [1, 1]} : vector<512x16xi32> to vector<128x16xi32>
    %reduce_sum3A = arith.constant dense<0> : vector<16xi32>
    %reduce_sum3A_18 = vector.multi_reduction <add>, %slice3A, %reduce_sum3A [0] : vector<128x16xi32> to vector<16xi32>
    %broadcast_in_dim3A_19 = vector.shape_cast %reduce_sum3A_18 : vector<16xi32> to vector<1x16xi32>
    %swap3A_20 = arith.constant 0 : index
    %swap3A_21 = arith.constant 0 : index
    %swap3A_22 = arith.constant 0 : index
    %swap3A_23 = vector.load %arg5[%swap3A_20, %swap3A_21, %swap3A_22] : memref<1x4x16xi32, #tpu.memory_space<vmem>>, vector<1x1x16xi32>
    %swap3A_24 = vector.shape_cast %swap3A_23 : vector<1x1x16xi32> to vector<1x16xi32>
    %swap3A_25 = vector.shape_cast %broadcast_in_dim3A_19 : vector<1x16xi32> to vector<1x1x16xi32>
    tpu.vector_store %arg5[%swap3A_20, %swap3A_21, %swap3A_22], %swap3A_25 {strides = array<i32>} : memref<1x4x16xi32, #tpu.memory_space<vmem>>, vector<1x1x16xi32>,
    %slice3A_26 = vector.extract_strided_slice %convert_element_type3A {offsets = [128, 0], sizes = [128, 16], strides = [1, 1]} : vector<512x16xi32> to vector<128x16xi32>
    %reduce_sum3A_27 = arith.constant dense<0> : vector<16xi32>
    %reduce_sum3A_28 = vector.multi_reduction <add>, %slice3A_26, %reduce_sum3A_27 [0] : vector<128x16xi32> to vector<16xi32>
    %broadcast_in_dim3A_29 = vector.shape_cast %reduce_sum3A_28 : vector<16xi32> to vector<1x16xi32>
    %swap3A_30 = arith.constant 0 : index
    %swap3A_31 = arith.constant 1 : index
    %swap3A_32 = arith.constant 0 : index
    %swap3A_33 = vector.load %arg5[%swap3A_30, %swap3A_31, %swap3A_32] : memref<1x4x16xi32, #tpu.memory_space<vmem>>, vector<1x1x16xi32>
    %swap3A_34 = vector.shape_cast %swap3A_33 : vector<1x1x16xi32> to vector<1x16xi32>
    %swap3A_35 = vector.shape_cast %broadcast_in_dim3A_29 : vector<1x16xi32> to vector<1x1x16xi32>
    tpu.vector_store %arg5[%swap3A_30, %swap3A_31, %swap3A_32], %swap3A_35 {strides = array<i32>} : memref<1x4x16xi32, #tpu.memory_space<vmem>>, vector<1x1x16xi32>,
    %slice3A_36 = vector.extract_strided_slice %convert_element_type3A {offsets = [256, 0], sizes = [128, 16], strides = [1, 1]} : vector<512x16xi32> to vector<128x16xi32>
    %reduce_sum3A_37 = arith.constant dense<0> : vector<16xi32>
    %reduce_sum3A_38 = vector.multi_reduction <add>, %slice3A_36, %reduce_sum3A_37 [0] : vector<128x16xi32> to vector<16xi32>
    %broadcast_in_dim3A_39 = vector.shape_cast %reduce_sum3A_38 : vector<16xi32> to vector<1x16xi32>
    %swap3A_40 = arith.constant 0 : index
    %swap3A_41 = arith.constant 2 : index
    %swap3A_42 = arith.constant 0 : index
    %swap3A_43 = vector.load %arg5[%swap3A_40, %swap3A_41, %swap3A_42] : memref<1x4x16xi32, #tpu.memory_space<vmem>>, vector<1x1x16xi32>
    %swap3A_44 = vector.shape_cast %swap3A_43 : vector<1x1x16xi32> to vector<1x16xi32>
    %swap3A_45 = vector.shape_cast %broadcast_in_dim3A_39 : vector<1x16xi32> to vector<1x1x16xi32>
    tpu.vector_store %arg5[%swap3A_40, %swap3A_41, %swap3A_42], %swap3A_45 {strides = array<i32>} : memref<1x4x16xi32, #tpu.memory_space<vmem>>, vector<1x1x16xi32>,
    %slice3A_46 = vector.extract_strided_slice %convert_element_type3A {offsets = [384, 0], sizes = [128, 16], strides = [1, 1]} : vector<512x16xi32> to vector<128x16xi32>
    %reduce_sum3A_47 = arith.constant dense<0> : vector<16xi32>
    %reduce_sum3A_48 = vector.multi_reduction <add>, %slice3A_46, %reduce_sum3A_47 [0] : vector<128x16xi32> to vector<16xi32>
    %broadcast_in_dim3A_49 = vector.shape_cast %reduce_sum3A_48 : vector<16xi32> to vector<1x16xi32>
    %swap3A_50 = arith.constant 0 : index
    %swap3A_51 = arith.constant 3 : index
    %swap3A_52 = arith.constant 0 : index
    %swap3A_53 = vector.load %arg5[%swap3A_50, %swap3A_51, %swap3A_52] : memref<1x4x16xi32, #tpu.memory_space<vmem>>, vector<1x1x16xi32>
    %swap3A_54 = vector.shape_cast %swap3A_53 : vector<1x1x16xi32> to vector<1x16xi32>
    %swap3A_55 = vector.shape_cast %broadcast_in_dim3A_49 : vector<1x16xi32> to vector<1x1x16xi32>
    tpu.vector_store %arg5[%swap3A_50, %swap3A_51, %swap3A_52], %swap3A_55 {strides = array<i32>} : memref<1x4x16xi32, #tpu.memory_space<vmem>>, vector<1x1x16xi32>,
    %slice3A_56 = vector.extract_strided_slice %convert_element_type3A {offsets = [0, 0], sizes = [16, 16], strides = [1, 1]} : vector<512x16xi32> to vector<16x16xi32>
    %reduce_sum3A_57 = arith.constant dense<0> : vector<16xi32>
    %reduce_sum3A_58 = vector.multi_reduction <add>, %slice3A_56, %reduce_sum3A_57 [0] : vector<16x16xi32> to vector<16xi32>
    %broadcast_in_dim3A_59 = vector.shape_cast %reduce_sum3A_58 : vector<16xi32> to vector<1x16xi32>
    %swap3A_60 = arith.constant 0 : index
    %swap3A_61 = arith.constant 0 : index
    %swap3A_62 = arith.constant 0 : index
    %swap3A_63 = vector.load %arg6[%swap3A_60, %swap3A_61, %swap3A_62] : memref<1x32x16xi32, #tpu.memory_space<vmem>>, vector<1x1x16xi32>
    %swap3A_64 = vector.shape_cast %swap3A_63 : vector<1x1x16xi32> to vector<1x16xi32>
    %swap3A_65 = vector.shape_cast %broadcast_in_dim3A_59 : vector<1x16xi32> to vector<1x1x16xi32>
    tpu.vector_store %arg6[%swap3A_60, %swap3A_61, %swap3A_62], %swap3A_65 {strides = array<i32>} : memref<1x32x16xi32, #tpu.memory_space<vmem>>, vector<1x1x16xi32>,
    %slice3A_66 = vector.extract_strided_slice %convert_element_type3A {offsets = [16, 0], sizes = [16, 16], strides = [1, 1]} : vector<512x16xi32> to vector<16x16xi32>
    %reduce_sum3A_67 = arith.constant dense<0> : vector<16xi32>
    %reduce_sum3A_68 = vector.multi_reduction <add>, %slice3A_66, %reduce_sum3A_67 [0] : vector<16x16xi32> to vector<16xi32>
    %broadcast_in_dim3A_69 = vector.shape_cast %reduce_sum3A_68 : vector<16xi32> to vector<1x16xi32>
    %swap3A_70 = arith.constant 0 : index
    %swap3A_71 = arith.constant 1 : index
    %swap3A_72 = arith.constant 0 : index
    %swap3A_73 = vector.load %arg6[%swap3A_70, %swap3A_71, %swap3A_72] : memref<1x32x16xi32, #tpu.memory_space<vmem>>, vector<1x1x16xi32>
    %swap3A_74 = vector.shape_cast %swap3A_73 : vector<1x1x16xi32> to vector<1x16xi32>
    %swap3A_75 = vector.shape_cast %broadcast_in_dim3A_69 : vector<1x16xi32> to vector<1x1x16xi32>
    tpu.vector_store %arg6[%swap3A_70, %swap3A_71, %swap3A_72], %swap3A_75 {strides = array<i32>} : memref<1x32x16xi32, #tpu.memory_space<vmem>>, vector<1x1x16xi32>,
    %slice3A_76 = vector.extract_strided_slice %convert_element_type3A {offsets = [32, 0], sizes = [16, 16], strides = [1, 1]} : vector<512x16xi32> to vector<16x16xi32>
    %reduce_sum3A_77 = arith.constant dense<0> : vector<16xi32>
    %reduce_sum3A_78 = vector.multi_reduction <add>, %slice3A_76, %reduce_sum3A_77 [0] : vector<16x16xi32> to vector<16xi32>
    %broadcast_in_dim3A_79 = vector.shape_cast %reduce_sum3A_78 : vector<16xi32> to vector<1x16xi32>
    %swap3A_80 = arith.constant 0 : index
    %swap3A_81 = arith.constant 2 : index
    %swap3A_82 = arith.constant 0 : index
    %swap3A_83 = vector.load %arg6[%swap3A_80, %swap3A_81, %swap3A_82] : memref<1x32x16xi32, #tpu.memory_space<vmem>>, vector<1x1x16xi32>
    %swap3A_84 = vector.shape_cast %swap3A_83 : vector<1x1x16xi32> to vector<1x16xi32>
    %swap3A_85 = vector.shape_cast %broadcast_in_dim3A_79 : vector<1x16xi32> to vector<1x1x16xi32>
    tpu.vector_store %arg6[%swap3A_80, %swap3A_81, %swap3A_82], %swap3A_85 {strides = array<i32>} : memref<1x32x16xi32, #tpu.memory_space<vmem>>, vector<1x1x16xi32>,
    %slice3A_86 = vector.extract_strided_slice %convert_element_type3A {offsets = [48, 0], sizes = [16, 16], strides = [1, 1]} : vector<512x16xi32> to vector<16x16xi32>
    %reduce_sum3A_87 = arith.constant dense<0> : vector<16xi32>
    %reduce_sum3A_88 = vector.multi_reduction <add>, %slice3A_86, %reduce_sum3A_87 [0] : vector<16x16xi32> to vector<16xi32>
    %broadcast_in_dim3A_89 = vector.shape_cast %reduce_sum3A_88 : vector<16xi32> to vector<1x16xi32>
    %swap3A_90 = arith.constant 0 : index
    %swap3A_91 = arith.constant 3 : index
    %swap3A_92 = arith.constant 0 : index
    %swap3A_93 = vector.load %arg6[%swap3A_90, %swap3A_91, %swap3A_92] : memref<1x32x16xi32, #tpu.memory_space<vmem>>, vector<1x1x16xi32>
    %swap3A_94 = vector.shape_cast %swap3A_93 : vector<1x1x16xi32> to vector<1x16xi32>
    %swap3A_95 = vector.shape_cast %broadcast_in_dim3A_89 : vector<1x16xi32> to vector<1x1x16xi32>
    tpu.vector_store %arg6[%swap3A_90, %swap3A_91, %swap3A_92], %swap3A_95 {strides = array<i32>} : memref<1x32x16xi32, #tpu.memory_space<vmem>>, vector<1x1x16xi32>,
    %slice3A_96 = vector.extract_strided_slice %convert_element_type3A {offsets = [64, 0], sizes = [16, 16], strides = [1, 1]} : vector<512x16xi32> to vector<16x16xi32>
    %reduce_sum3A_97 = arith.constant dense<0> : vector<16xi32>
    %reduce_sum3A_98 = vector.multi_reduction <add>, %slice3A_96, %reduce_sum3A_97 [0] : vector<16x16xi32> to vector<16xi32>
    %broadcast_in_dim3A_99 = vector.shape_cast %reduce_sum3A_98 : vector<16xi32> to vector<1x16xi32>
    %swap3A_100 = arith.constant 0 : index
    %swap3A_101 = arith.constant 4 : index
    %swap3A_102 = arith.constant 0 : index
    %swap3A_103 = vector.load %arg6[%swap3A_100, %swap3A_101, %swap3A_102] : memref<1x32x16xi32, #tpu.memory_space<vmem>>, vector<1x1x16xi32>
    %swap3A_104 = vector.shape_cast %swap3A_103 : vector<1x1x16xi32> to vector<1x16xi32>
    %swap3A_105 = vector.shape_cast %broadcast_in_dim3A_99 : vector<1x16xi32> to vector<1x1x16xi32>
    tpu.vector_store %arg6[%swap3A_100, %swap3A_101, %swap3A_102], %swap3A_105 {strides = array<i32>} : memref<1x32x16xi32, #tpu.memory_space<vmem>>, vector<1x1x16xi32>,
    %slice3A_106 = vector.extract_strided_slice %convert_element_type3A {offsets = [80, 0], sizes = [16, 16], strides = [1, 1]} : vector<512x16xi32> to vector<16x16xi32>
    %reduce_sum3A_107 = arith.constant dense<0> : vector<16xi32>
    %reduce_sum3A_108 = vector.multi_reduction <add>, %slice3A_106, %reduce_sum3A_107 [0] : vector<16x16xi32> to vector<16xi32>
    %broadcast_in_dim3A_109 = vector.shape_cast %reduce_sum3A_108 : vector<16xi32> to vector<1x16xi32>
    %swap3A_110 = arith.constant 0 : index
    %swap3A_111 = arith.constant 5 : index
    %swap3A_112 = arith.constant 0 : index
    %swap3A_113 = vector.load %arg6[%swap3A_110, %swap3A_111, %swap3A_112] : memref<1x32x16xi32, #tpu.memory_space<vmem>>, vector<1x1x16xi32>
    %swap3A_114 = vector.shape_cast %swap3A_113 : vector<1x1x16xi32> to vector<1x16xi32>
    %swap3A_115 = vector.shape_cast %broadcast_in_dim3A_109 : vector<1x16xi32> to vector<1x1x16xi32>
    tpu.vector_store %arg6[%swap3A_110, %swap3A_111, %swap3A_112], %swap3A_115 {strides = array<i32>} : memref<1x32x16xi32, #tpu.memory_space<vmem>>, vector<1x1x16xi32>,
    %slice3A_116 = vector.extract_strided_slice %convert_element_type3A {offsets = [96, 0], sizes = [16, 16], strides = [1, 1]} : vector<512x16xi32> to vector<16x16xi32>
    %reduce_sum3A_117 = arith.constant dense<0> : vector<16xi32>
    %reduce_sum3A_118 = vector.multi_reduction <add>, %slice3A_116, %reduce_sum3A_117 [0] : vector<16x16xi32> to vector<16xi32>
    %broadcast_in_dim3A_119 = vector.shape_cast %reduce_sum3A_118 : vector<16xi32> to vector<1x16xi32>
    %swap3A_120 = arith.constant 0 : index
    %swap3A_121 = arith.constant 6 : index
    %swap3A_122 = arith.constant 0 : index
    %swap3A_123 = vector.load %arg6[%swap3A_120, %swap3A_121, %swap3A_122] : memref<1x32x16xi32, #tpu.memory_space<vmem>>, vector<1x1x16xi32>
    %swap3A_124 = vector.shape_cast %swap3A_123 : vector<1x1x16xi32> to vector<1x16xi32>
    %swap3A_125 = vector.shape_cast %broadcast_in_dim3A_119 : vector<1x16xi32> to vector<1x1x16xi32>
    tpu.vector_store %arg6[%swap3A_120, %swap3A_121, %swap3A_122], %swap3A_125 {strides = array<i32>} : memref<1x32x16xi32, #tpu.memory_space<vmem>>, vector<1x1x16xi32>,
    %slice3A_126 = vector.extract_strided_slice %convert_element_type3A {offsets = [112, 0], sizes = [16, 16], strides = [1, 1]} : vector<512x16xi32> to vector<16x16xi32>
    %reduce_sum3A_127 = arith.constant dense<0> : vector<16xi32>
    %reduce_sum3A_128 = vector.multi_reduction <add>, %slice3A_126, %reduce_sum3A_127 [0] : vector<16x16xi32> to vector<16xi32>
    %broadcast_in_dim3A_129 = vector.shape_cast %reduce_sum3A_128 : vector<16xi32> to vector<1x16xi32>
    %swap3A_130 = arith.constant 0 : index
    %swap3A_131 = arith.constant 7 : index
    %swap3A_132 = arith.constant 0 : index
    %swap3A_133 = vector.load %arg6[%swap3A_130, %swap3A_131, %swap3A_132] : memref<1x32x16xi32, #tpu.memory_space<vmem>>, vector<1x1x16xi32>
    %swap3A_134 = vector.shape_cast %swap3A_133 : vector<1x1x16xi32> to vector<1x16xi32>
    %swap3A_135 = vector.shape_cast %broadcast_in_dim3A_129 : vector<1x16xi32> to vector<1x1x16xi32>
    tpu.vector_store %arg6[%swap3A_130, %swap3A_131, %swap3A_132], %swap3A_135 {strides = array<i32>} : memref<1x32x16xi32, #tpu.memory_space<vmem>>, vector<1x1x16xi32>,
    %slice3A_136 = vector.extract_strided_slice %convert_element_type3A {offsets = [128, 0], sizes = [16, 16], strides = [1, 1]} : vector<512x16xi32> to vector<16x16xi32>
    %reduce_sum3A_137 = arith.constant dense<0> : vector<16xi32>
    %reduce_sum3A_138 = vector.multi_reduction <add>, %slice3A_136, %reduce_sum3A_137 [0] : vector<16x16xi32> to vector<16xi32>
    %broadcast_in_dim3A_139 = vector.shape_cast %reduce_sum3A_138 : vector<16xi32> to vector<1x16xi32>
    %swap3A_140 = arith.constant 0 : index
    %swap3A_141 = arith.constant 8 : index
    %swap3A_142 = arith.constant 0 : index
    %swap3A_143 = vector.load %arg6[%swap3A_140, %swap3A_141, %swap3A_142] : memref<1x32x16xi32, #tpu.memory_space<vmem>>, vector<1x1x16xi32>
    %swap3A_144 = vector.shape_cast %swap3A_143 : vector<1x1x16xi32> to vector<1x16xi32>
    %swap3A_145 = vector.shape_cast %broadcast_in_dim3A_139 : vector<1x16xi32> to vector<1x1x16xi32>
    tpu.vector_store %arg6[%swap3A_140, %swap3A_141, %swap3A_142], %swap3A_145 {strides = array<i32>} : memref<1x32x16xi32, #tpu.memory_space<vmem>>, vector<1x1x16xi32>,
    %slice3A_146 = vector.extract_strided_slice %convert_element_type3A {offsets = [144, 0], sizes = [16, 16], strides = [1, 1]} : vector<512x16xi32> to vector<16x16xi32>
    %reduce_sum3A_147 = arith.constant dense<0> : vector<16xi32>
    %reduce_sum3A_148 = vector.multi_reduction <add>, %slice3A_146, %reduce_sum3A_147 [0] : vector<16x16xi32> to vector<16xi32>
    %broadcast_in_dim3A_149 = vector.shape_cast %reduce_sum3A_148 : vector<16xi32> to vector<1x16xi32>
    %swap3A_150 = arith.constant 0 : index
    %swap3A_151 = arith.constant 9 : index
    %swap3A_152 = arith.constant 0 : index
    %swap3A_153 = vector.load %arg6[%swap3A_150, %swap3A_151, %swap3A_152] : memref<1x32x16xi32, #tpu.memory_space<vmem>>, vector<1x1x16xi32>
    %swap3A_154 = vector.shape_cast %swap3A_153 : vector<1x1x16xi32> to vector<1x16xi32>
    %swap3A_155 = vector.shape_cast %broadcast_in_dim3A_149 : vector<1x16xi32> to vector<1x1x16xi32>
    tpu.vector_store %arg6[%swap3A_150, %swap3A_151, %swap3A_152], %swap3A_155 {strides = array<i32>} : memref<1x32x16xi32, #tpu.memory_space<vmem>>, vector<1x1x16xi32>,
    %slice3A_156 = vector.extract_strided_slice %convert_element_type3A {offsets = [160, 0], sizes = [16, 16], strides = [1, 1]} : vector<512x16xi32> to vector<16x16xi32>
    %reduce_sum3A_157 = arith.constant dense<0> : vector<16xi32>
    %reduce_sum3A_158 = vector.multi_reduction <add>, %slice3A_156, %reduce_sum3A_157 [0] : vector<16x16xi32> to vector<16xi32>
    %broadcast_in_dim3A_159 = vector.shape_cast %reduce_sum3A_158 : vector<16xi32> to vector<1x16xi32>
    %swap3A_160 = arith.constant 0 : index
    %swap3A_161 = arith.constant 10 : index
    %swap3A_162 = arith.constant 0 : index
    %swap3A_163 = vector.load %arg6[%swap3A_160, %swap3A_161, %swap3A_162] : memref<1x32x16xi32, #tpu.memory_space<vmem>>, vector<1x1x16xi32>
    %swap3A_164 = vector.shape_cast %swap3A_163 : vector<1x1x16xi32> to vector<1x16xi32>
    %swap3A_165 = vector.shape_cast %broadcast_in_dim3A_159 : vector<1x16xi32> to vector<1x1x16xi32>
    tpu.vector_store %arg6[%swap3A_160, %swap3A_161, %swap3A_162], %swap3A_165 {strides = array<i32>} : memref<1x32x16xi32, #tpu.memory_space<vmem>>, vector<1x1x16xi32>,
    %slice3A_166 = vector.extract_strided_slice %convert_element_type3A {offsets = [176, 0], sizes = [16, 16], strides = [1, 1]} : vector<512x16xi32> to vector<16x16xi32>
    %reduce_sum3A_167 = arith.constant dense<0> : vector<16xi32>
    %reduce_sum3A_168 = vector.multi_reduction <add>, %slice3A_166, %reduce_sum3A_167 [0] : vector<16x16xi32> to vector<16xi32>
    %broadcast_in_dim3A_169 = vector.shape_cast %reduce_sum3A_168 : vector<16xi32> to vector<1x16xi32>
    %swap3A_170 = arith.constant 0 : index
    %swap3A_171 = arith.constant 11 : index
    %swap3A_172 = arith.constant 0 : index
    %swap3A_173 = vector.load %arg6[%swap3A_170, %swap3A_171, %swap3A_172] : memref<1x32x16xi32, #tpu.memory_space<vmem>>, vector<1x1x16xi32>
    %swap3A_174 = vector.shape_cast %swap3A_173 : vector<1x1x16xi32> to vector<1x16xi32>
    %swap3A_175 = vector.shape_cast %broadcast_in_dim3A_169 : vector<1x16xi32> to vector<1x1x16xi32>
    tpu.vector_store %arg6[%swap3A_170, %swap3A_171, %swap3A_172], %swap3A_175 {strides = array<i32>} : memref<1x32x16xi32, #tpu.memory_space<vmem>>, vector<1x1x16xi32>,
    %slice3A_176 = vector.extract_strided_slice %convert_element_type3A {offsets = [192, 0], sizes = [16, 16], strides = [1, 1]} : vector<512x16xi32> to vector<16x16xi32>
    %reduce_sum3A_177 = arith.constant dense<0> : vector<16xi32>
    %reduce_sum3A_178 = vector.multi_reduction <add>, %slice3A_176, %reduce_sum3A_177 [0] : vector<16x16xi32> to vector<16xi32>
    %broadcast_in_dim3A_179 = vector.shape_cast %reduce_sum3A_178 : vector<16xi32> to vector<1x16xi32>
    %swap3A_180 = arith.constant 0 : index
    %swap3A_181 = arith.constant 12 : index
    %swap3A_182 = arith.constant 0 : index
    %swap3A_183 = vector.load %arg6[%swap3A_180, %swap3A_181, %swap3A_182] : memref<1x32x16xi32, #tpu.memory_space<vmem>>, vector<1x1x16xi32>
    %swap3A_184 = vector.shape_cast %swap3A_183 : vector<1x1x16xi32> to vector<1x16xi32>
    %swap3A_185 = vector.shape_cast %broadcast_in_dim3A_179 : vector<1x16xi32> to vector<1x1x16xi32>
    tpu.vector_store %arg6[%swap3A_180, %swap3A_181, %swap3A_182], %swap3A_185 {strides = array<i32>} : memref<1x32x16xi32, #tpu.memory_space<vmem>>, vector<1x1x16xi32>,
    %slice3A_186 = vector.extract_strided_slice %convert_element_type3A {offsets = [208, 0], sizes = [16, 16], strides = [1, 1]} : vector<512x16xi32> to vector<16x16xi32>
    %reduce_sum3A_187 = arith.constant dense<0> : vector<16xi32>
    %reduce_sum3A_188 = vector.multi_reduction <add>, %slice3A_186, %reduce_sum3A_187 [0] : vector<16x16xi32> to vector<16xi32>
    %broadcast_in_dim3A_189 = vector.shape_cast %reduce_sum3A_188 : vector<16xi32> to vector<1x16xi32>
    %swap3A_190 = arith.constant 0 : index
    %swap3A_191 = arith.constant 13 : index
    %swap3A_192 = arith.constant 0 : index
    %swap3A_193 = vector.load %arg6[%swap3A_190, %swap3A_191, %swap3A_192] : memref<1x32x16xi32, #tpu.memory_space<vmem>>, vector<1x1x16xi32>
    %swap3A_194 = vector.shape_cast %swap3A_193 : vector<1x1x16xi32> to vector<1x16xi32>
    %swap3A_195 = vector.shape_cast %broadcast_in_dim3A_189 : vector<1x16xi32> to vector<1x1x16xi32>
    tpu.vector_store %arg6[%swap3A_190, %swap3A_191, %swap3A_192], %swap3A_195 {strides = array<i32>} : memref<1x32x16xi32, #tpu.memory_space<vmem>>, vector<1x1x16xi32>,
    %slice3A_196 = vector.extract_strided_slice %convert_element_type3A {offsets = [224, 0], sizes = [16, 16], strides = [1, 1]} : vector<512x16xi32> to vector<16x16xi32>
    %reduce_sum3A_197 = arith.constant dense<0> : vector<16xi32>
    %reduce_sum3A_198 = vector.multi_reduction <add>, %slice3A_196, %reduce_sum3A_197 [0] : vector<16x16xi32> to vector<16xi32>
    %broadcast_in_dim3A_199 = vector.shape_cast %reduce_sum3A_198 : vector<16xi32> to vector<1x16xi32>
    %swap3A_200 = arith.constant 0 : index
    %swap3A_201 = arith.constant 14 : index
    %swap3A_202 = arith.constant 0 : index
    %swap3A_203 = vector.load %arg6[%swap3A_200, %swap3A_201, %swap3A_202] : memref<1x32x16xi32, #tpu.memory_space<vmem>>, vector<1x1x16xi32>
    %swap3A_204 = vector.shape_cast %swap3A_203 : vector<1x1x16xi32> to vector<1x16xi32>
    %swap3A_205 = vector.shape_cast %broadcast_in_dim3A_199 : vector<1x16xi32> to vector<1x1x16xi32>
    tpu.vector_store %arg6[%swap3A_200, %swap3A_201, %swap3A_202], %swap3A_205 {strides = array<i32>} : memref<1x32x16xi32, #tpu.memory_space<vmem>>, vector<1x1x16xi32>,
    %slice3A_206 = vector.extract_strided_slice %convert_element_type3A {offsets = [240, 0], sizes = [16, 16], strides = [1, 1]} : vector<512x16xi32> to vector<16x16xi32>
    %reduce_sum3A_207 = arith.constant dense<0> : vector<16xi32>
    %reduce_sum3A_208 = vector.multi_reduction <add>, %slice3A_206, %reduce_sum3A_207 [0] : vector<16x16xi32> to vector<16xi32>
    %broadcast_in_dim3A_209 = vector.shape_cast %reduce_sum3A_208 : vector<16xi32> to vector<1x16xi32>
    %swap3A_210 = arith.constant 0 : index
    %swap3A_211 = arith.constant 15 : index
    %swap3A_212 = arith.constant 0 : index
    %swap3A_213 = vector.load %arg6[%swap3A_210, %swap3A_211, %swap3A_212] : memref<1x32x16xi32, #tpu.memory_space<vmem>>, vector<1x1x16xi32>
    %swap3A_214 = vector.shape_cast %swap3A_213 : vector<1x1x16xi32> to vector<1x16xi32>
    %swap3A_215 = vector.shape_cast %broadcast_in_dim3A_209 : vector<1x16xi32> to vector<1x1x16xi32>
    tpu.vector_store %arg6[%swap3A_210, %swap3A_211, %swap3A_212], %swap3A_215 {strides = array<i32>} : memref<1x32x16xi32, #tpu.memory_space<vmem>>, vector<1x1x16xi32>,
    %slice3A_216 = vector.extract_strided_slice %convert_element_type3A {offsets = [256, 0], sizes = [16, 16], strides = [1, 1]} : vector<512x16xi32> to vector<16x16xi32>
    %reduce_sum3A_217 = arith.constant dense<0> : vector<16xi32>
    %reduce_sum3A_218 = vector.multi_reduction <add>, %slice3A_216, %reduce_sum3A_217 [0] : vector<16x16xi32> to vector<16xi32>
    %broadcast_in_dim3A_219 = vector.shape_cast %reduce_sum3A_218 : vector<16xi32> to vector<1x16xi32>
    %swap3A_220 = arith.constant 0 : index
    %swap3A_221 = arith.constant 16 : index
    %swap3A_222 = arith.constant 0 : index
    %swap3A_223 = vector.load %arg6[%swap3A_220, %swap3A_221, %swap3A_222] : memref<1x32x16xi32, #tpu.memory_space<vmem>>, vector<1x1x16xi32>
    %swap3A_224 = vector.shape_cast %swap3A_223 : vector<1x1x16xi32> to vector<1x16xi32>
    %swap3A_225 = vector.shape_cast %broadcast_in_dim3A_219 : vector<1x16xi32> to vector<1x1x16xi32>
    tpu.vector_store %arg6[%swap3A_220, %swap3A_221, %swap3A_222], %swap3A_225 {strides = array<i32>} : memref<1x32x16xi32, #tpu.memory_space<vmem>>, vector<1x1x16xi32>,
    %slice3A_226 = vector.extract_strided_slice %convert_element_type3A {offsets = [272, 0], sizes = [16, 16], strides = [1, 1]} : vector<512x16xi32> to vector<16x16xi32>
    %reduce_sum3A_227 = arith.constant dense<0> : vector<16xi32>
    %reduce_sum3A_228 = vector.multi_reduction <add>, %slice3A_226, %reduce_sum3A_227 [0] : vector<16x16xi32> to vector<16xi32>
    %broadcast_in_dim3A_229 = vector.shape_cast %reduce_sum3A_228 : vector<16xi32> to vector<1x16xi32>
    %swap3A_230 = arith.constant 0 : index
    %swap3A_231 = arith.constant 17 : index
    %swap3A_232 = arith.constant 0 : index
    %swap3A_233 = vector.load %arg6[%swap3A_230, %swap3A_231, %swap3A_232] : memref<1x32x16xi32, #tpu.memory_space<vmem>>, vector<1x1x16xi32>
    %swap3A_234 = vector.shape_cast %swap3A_233 : vector<1x1x16xi32> to vector<1x16xi32>
    %swap3A_235 = vector.shape_cast %broadcast_in_dim3A_229 : vector<1x16xi32> to vector<1x1x16xi32>
    tpu.vector_store %arg6[%swap3A_230, %swap3A_231, %swap3A_232], %swap3A_235 {strides = array<i32>} : memref<1x32x16xi32, #tpu.memory_space<vmem>>, vector<1x1x16xi32>,
    %slice3A_236 = vector.extract_strided_slice %convert_element_type3A {offsets = [288, 0], sizes = [16, 16], strides = [1, 1]} : vector<512x16xi32> to vector<16x16xi32>
    %reduce_sum3A_237 = arith.constant dense<0> : vector<16xi32>
    %reduce_sum3A_238 = vector.multi_reduction <add>, %slice3A_236, %reduce_sum3A_237 [0] : vector<16x16xi32> to vector<16xi32>
    %broadcast_in_dim3A_239 = vector.shape_cast %reduce_sum3A_238 : vector<16xi32> to vector<1x16xi32>
    %swap3A_240 = arith.constant 0 : index
    %swap3A_241 = arith.constant 18 : index
    %swap3A_242 = arith.constant 0 : index
    %swap3A_243 = vector.load %arg6[%swap3A_240, %swap3A_241, %swap3A_242] : memref<1x32x16xi32, #tpu.memory_space<vmem>>, vector<1x1x16xi32>
    %swap3A_244 = vector.shape_cast %swap3A_243 : vector<1x1x16xi32> to vector<1x16xi32>
    %swap3A_245 = vector.shape_cast %broadcast_in_dim3A_239 : vector<1x16xi32> to vector<1x1x16xi32>
    tpu.vector_store %arg6[%swap3A_240, %swap3A_241, %swap3A_242], %swap3A_245 {strides = array<i32>} : memref<1x32x16xi32, #tpu.memory_space<vmem>>, vector<1x1x16xi32>,
    %slice3A_246 = vector.extract_strided_slice %convert_element_type3A {offsets = [304, 0], sizes = [16, 16], strides = [1, 1]} : vector<512x16xi32> to vector<16x16xi32>
    %reduce_sum3A_247 = arith.constant dense<0> : vector<16xi32>
    %reduce_sum3A_248 = vector.multi_reduction <add>, %slice3A_246, %reduce_sum3A_247 [0] : vector<16x16xi32> to vector<16xi32>
    %broadcast_in_dim3A_249 = vector.shape_cast %reduce_sum3A_248 : vector<16xi32> to vector<1x16xi32>
    %swap3A_250 = arith.constant 0 : index
    %swap3A_251 = arith.constant 19 : index
    %swap3A_252 = arith.constant 0 : index
    %swap3A_253 = vector.load %arg6[%swap3A_250, %swap3A_251, %swap3A_252] : memref<1x32x16xi32, #tpu.memory_space<vmem>>, vector<1x1x16xi32>
    %swap3A_254 = vector.shape_cast %swap3A_253 : vector<1x1x16xi32> to vector<1x16xi32>
    %swap3A_255 = vector.shape_cast %broadcast_in_dim3A_249 : vector<1x16xi32> to vector<1x1x16xi32>
    tpu.vector_store %arg6[%swap3A_250, %swap3A_251, %swap3A_252], %swap3A_255 {strides = array<i32>} : memref<1x32x16xi32, #tpu.memory_space<vmem>>, vector<1x1x16xi32>,
    %slice3A_256 = vector.extract_strided_slice %convert_element_type3A {offsets = [320, 0], sizes = [16, 16], strides = [1, 1]} : vector<512x16xi32> to vector<16x16xi32>
    %reduce_sum3A_257 = arith.constant dense<0> : vector<16xi32>
    %reduce_sum3A_258 = vector.multi_reduction <add>, %slice3A_256, %reduce_sum3A_257 [0] : vector<16x16xi32> to vector<16xi32>
    %broadcast_in_dim3A_259 = vector.shape_cast %reduce_sum3A_258 : vector<16xi32> to vector<1x16xi32>
    %swap3A_260 = arith.constant 0 : index
    %swap3A_261 = arith.constant 20 : index
    %swap3A_262 = arith.constant 0 : index
    %swap3A_263 = vector.load %arg6[%swap3A_260, %swap3A_261, %swap3A_262] : memref<1x32x16xi32, #tpu.memory_space<vmem>>, vector<1x1x16xi32>
    %swap3A_264 = vector.shape_cast %swap3A_263 : vector<1x1x16xi32> to vector<1x16xi32>
    %swap3A_265 = vector.shape_cast %broadcast_in_dim3A_259 : vector<1x16xi32> to vector<1x1x16xi32>
    tpu.vector_store %arg6[%swap3A_260, %swap3A_261, %swap3A_262], %swap3A_265 {strides = array<i32>} : memref<1x32x16xi32, #tpu.memory_space<vmem>>, vector<1x1x16xi32>,
    %slice3A_266 = vector.extract_strided_slice %convert_element_type3A {offsets = [336, 0], sizes = [16, 16], strides = [1, 1]} : vector<512x16xi32> to vector<16x16xi32>
    %reduce_sum3A_267 = arith.constant dense<0> : vector<16xi32>
    %reduce_sum3A_268 = vector.multi_reduction <add>, %slice3A_266, %reduce_sum3A_267 [0] : vector<16x16xi32> to vector<16xi32>
    %broadcast_in_dim3A_269 = vector.shape_cast %reduce_sum3A_268 : vector<16xi32> to vector<1x16xi32>
    %swap3A_270 = arith.constant 0 : index
    %swap3A_271 = arith.constant 21 : index
    %swap3A_272 = arith.constant 0 : index
    %swap3A_273 = vector.load %arg6[%swap3A_270, %swap3A_271, %swap3A_272] : memref<1x32x16xi32, #tpu.memory_space<vmem>>, vector<1x1x16xi32>
    %swap3A_274 = vector.shape_cast %swap3A_273 : vector<1x1x16xi32> to vector<1x16xi32>
    %swap3A_275 = vector.shape_cast %broadcast_in_dim3A_269 : vector<1x16xi32> to vector<1x1x16xi32>
    tpu.vector_store %arg6[%swap3A_270, %swap3A_271, %swap3A_272], %swap3A_275 {strides = array<i32>} : memref<1x32x16xi32, #tpu.memory_space<vmem>>, vector<1x1x16xi32>,
    %slice3A_276 = vector.extract_strided_slice %convert_element_type3A {offsets = [352, 0], sizes = [16, 16], strides = [1, 1]} : vector<512x16xi32> to vector<16x16xi32>
    %reduce_sum3A_277 = arith.constant dense<0> : vector<16xi32>
    %reduce_sum3A_278 = vector.multi_reduction <add>, %slice3A_276, %reduce_sum3A_277 [0] : vector<16x16xi32> to vector<16xi32>
    %broadcast_in_dim3A_279 = vector.shape_cast %reduce_sum3A_278 : vector<16xi32> to vector<1x16xi32>
    %swap3A_280 = arith.constant 0 : index
    %swap3A_281 = arith.constant 22 : index
    %swap3A_282 = arith.constant 0 : index
    %swap3A_283 = vector.load %arg6[%swap3A_280, %swap3A_281, %swap3A_282] : memref<1x32x16xi32, #tpu.memory_space<vmem>>, vector<1x1x16xi32>
    %swap3A_284 = vector.shape_cast %swap3A_283 : vector<1x1x16xi32> to vector<1x16xi32>
    %swap3A_285 = vector.shape_cast %broadcast_in_dim3A_279 : vector<1x16xi32> to vector<1x1x16xi32>
    tpu.vector_store %arg6[%swap3A_280, %swap3A_281, %swap3A_282], %swap3A_285 {strides = array<i32>} : memref<1x32x16xi32, #tpu.memory_space<vmem>>, vector<1x1x16xi32>,
    %slice3A_286 = vector.extract_strided_slice %convert_element_type3A {offsets = [368, 0], sizes = [16, 16], strides = [1, 1]} : vector<512x16xi32> to vector<16x16xi32>
    %reduce_sum3A_287 = arith.constant dense<0> : vector<16xi32>
    %reduce_sum3A_288 = vector.multi_reduction <add>, %slice3A_286, %reduce_sum3A_287 [0] : vector<16x16xi32> to vector<16xi32>
    %broadcast_in_dim3A_289 = vector.shape_cast %reduce_sum3A_288 : vector<16xi32> to vector<1x16xi32>
    %swap3A_290 = arith.constant 0 : index
    %swap3A_291 = arith.constant 23 : index
    %swap3A_292 = arith.constant 0 : index
    %swap3A_293 = vector.load %arg6[%swap3A_290, %swap3A_291, %swap3A_292] : memref<1x32x16xi32, #tpu.memory_space<vmem>>, vector<1x1x16xi32>
    %swap3A_294 = vector.shape_cast %swap3A_293 : vector<1x1x16xi32> to vector<1x16xi32>
    %swap3A_295 = vector.shape_cast %broadcast_in_dim3A_289 : vector<1x16xi32> to vector<1x1x16xi32>
    tpu.vector_store %arg6[%swap3A_290, %swap3A_291, %swap3A_292], %swap3A_295 {strides = array<i32>} : memref<1x32x16xi32, #tpu.memory_space<vmem>>, vector<1x1x16xi32>,
    %slice3A_296 = vector.extract_strided_slice %convert_element_type3A {offsets = [384, 0], sizes = [16, 16], strides = [1, 1]} : vector<512x16xi32> to vector<16x16xi32>
    %reduce_sum3A_297 = arith.constant dense<0> : vector<16xi32>
    %reduce_sum3A_298 = vector.multi_reduction <add>, %slice3A_296, %reduce_sum3A_297 [0] : vector<16x16xi32> to vector<16xi32>
    %broadcast_in_dim3A_299 = vector.shape_cast %reduce_sum3A_298 : vector<16xi32> to vector<1x16xi32>
    %swap3A_300 = arith.constant 0 : index
    %swap3A_301 = arith.constant 24 : index
    %swap3A_302 = arith.constant 0 : index
    %swap3A_303 = vector.load %arg6[%swap3A_300, %swap3A_301, %swap3A_302] : memref<1x32x16xi32, #tpu.memory_space<vmem>>, vector<1x1x16xi32>
    %swap3A_304 = vector.shape_cast %swap3A_303 : vector<1x1x16xi32> to vector<1x16xi32>
    %swap3A_305 = vector.shape_cast %broadcast_in_dim3A_299 : vector<1x16xi32> to vector<1x1x16xi32>
    tpu.vector_store %arg6[%swap3A_300, %swap3A_301, %swap3A_302], %swap3A_305 {strides = array<i32>} : memref<1x32x16xi32, #tpu.memory_space<vmem>>, vector<1x1x16xi32>,
    %slice3A_306 = vector.extract_strided_slice %convert_element_type3A {offsets = [400, 0], sizes = [16, 16], strides = [1, 1]} : vector<512x16xi32> to vector<16x16xi32>
    %reduce_sum3A_307 = arith.constant dense<0> : vector<16xi32>
    %reduce_sum3A_308 = vector.multi_reduction <add>, %slice3A_306, %reduce_sum3A_307 [0] : vector<16x16xi32> to vector<16xi32>
    %broadcast_in_dim3A_309 = vector.shape_cast %reduce_sum3A_308 : vector<16xi32> to vector<1x16xi32>
    %swap3A_310 = arith.constant 0 : index
    %swap3A_311 = arith.constant 25 : index
    %swap3A_312 = arith.constant 0 : index
    %swap3A_313 = vector.load %arg6[%swap3A_310, %swap3A_311, %swap3A_312] : memref<1x32x16xi32, #tpu.memory_space<vmem>>, vector<1x1x16xi32>
    %swap3A_314 = vector.shape_cast %swap3A_313 : vector<1x1x16xi32> to vector<1x16xi32>
    %swap3A_315 = vector.shape_cast %broadcast_in_dim3A_309 : vector<1x16xi32> to vector<1x1x16xi32>
    tpu.vector_store %arg6[%swap3A_310, %swap3A_311, %swap3A_312], %swap3A_315 {strides = array<i32>} : memref<1x32x16xi32, #tpu.memory_space<vmem>>, vector<1x1x16xi32>,
    %slice3A_316 = vector.extract_strided_slice %convert_element_type3A {offsets = [416, 0], sizes = [16, 16], strides = [1, 1]} : vector<512x16xi32> to vector<16x16xi32>
    %reduce_sum3A_317 = arith.constant dense<0> : vector<16xi32>
    %reduce_sum3A_318 = vector.multi_reduction <add>, %slice3A_316, %reduce_sum3A_317 [0] : vector<16x16xi32> to vector<16xi32>
    %broadcast_in_dim3A_319 = vector.shape_cast %reduce_sum3A_318 : vector<16xi32> to vector<1x16xi32>
    %swap3A_320 = arith.constant 0 : index
    %swap3A_321 = arith.constant 26 : index
    %swap3A_322 = arith.constant 0 : index
    %swap3A_323 = vector.load %arg6[%swap3A_320, %swap3A_321, %swap3A_322] : memref<1x32x16xi32, #tpu.memory_space<vmem>>, vector<1x1x16xi32>
    %swap3A_324 = vector.shape_cast %swap3A_323 : vector<1x1x16xi32> to vector<1x16xi32>
    %swap3A_325 = vector.shape_cast %broadcast_in_dim3A_319 : vector<1x16xi32> to vector<1x1x16xi32>
    tpu.vector_store %arg6[%swap3A_320, %swap3A_321, %swap3A_322], %swap3A_325 {strides = array<i32>} : memref<1x32x16xi32, #tpu.memory_space<vmem>>, vector<1x1x16xi32>,
    %slice3A_326 = vector.extract_strided_slice %convert_element_type3A {offsets = [432, 0], sizes = [16, 16], strides = [1, 1]} : vector<512x16xi32> to vector<16x16xi32>
    %reduce_sum3A_327 = arith.constant dense<0> : vector<16xi32>
    %reduce_sum3A_328 = vector.multi_reduction <add>, %slice3A_326, %reduce_sum3A_327 [0] : vector<16x16xi32> to vector<16xi32>
    %broadcast_in_dim3A_329 = vector.shape_cast %reduce_sum3A_328 : vector<16xi32> to vector<1x16xi32>
    %swap3A_330 = arith.constant 0 : index
    %swap3A_331 = arith.constant 27 : index
    %swap3A_332 = arith.constant 0 : index
    %swap3A_333 = vector.load %arg6[%swap3A_330, %swap3A_331, %swap3A_332] : memref<1x32x16xi32, #tpu.memory_space<vmem>>, vector<1x1x16xi32>
    %swap3A_334 = vector.shape_cast %swap3A_333 : vector<1x1x16xi32> to vector<1x16xi32>
    %swap3A_335 = vector.shape_cast %broadcast_in_dim3A_329 : vector<1x16xi32> to vector<1x1x16xi32>
    tpu.vector_store %arg6[%swap3A_330, %swap3A_331, %swap3A_332], %swap3A_335 {strides = array<i32>} : memref<1x32x16xi32, #tpu.memory_space<vmem>>, vector<1x1x16xi32>,
    %slice3A_336 = vector.extract_strided_slice %convert_element_type3A {offsets = [448, 0], sizes = [16, 16], strides = [1, 1]} : vector<512x16xi32> to vector<16x16xi32>
    %reduce_sum3A_337 = arith.constant dense<0> : vector<16xi32>
    %reduce_sum3A_338 = vector.multi_reduction <add>, %slice3A_336, %reduce_sum3A_337 [0] : vector<16x16xi32> to vector<16xi32>
    %broadcast_in_dim3A_339 = vector.shape_cast %reduce_sum3A_338 : vector<16xi32> to vector<1x16xi32>
    %swap3A_340 = arith.constant 0 : index
    %swap3A_341 = arith.constant 28 : index
    %swap3A_342 = arith.constant 0 : index
    %swap3A_343 = vector.load %arg6[%swap3A_340, %swap3A_341, %swap3A_342] : memref<1x32x16xi32, #tpu.memory_space<vmem>>, vector<1x1x16xi32>
    %swap3A_344 = vector.shape_cast %swap3A_343 : vector<1x1x16xi32> to vector<1x16xi32>
    %swap3A_345 = vector.shape_cast %broadcast_in_dim3A_339 : vector<1x16xi32> to vector<1x1x16xi32>
    tpu.vector_store %arg6[%swap3A_340, %swap3A_341, %swap3A_342], %swap3A_345 {strides = array<i32>} : memref<1x32x16xi32, #tpu.memory_space<vmem>>, vector<1x1x16xi32>,
    %slice3A_346 = vector.extract_strided_slice %convert_element_type3A {offsets = [464, 0], sizes = [16, 16], strides = [1, 1]} : vector<512x16xi32> to vector<16x16xi32>
    %reduce_sum3A_347 = arith.constant dense<0> : vector<16xi32>
    %reduce_sum3A_348 = vector.multi_reduction <add>, %slice3A_346, %reduce_sum3A_347 [0] : vector<16x16xi32> to vector<16xi32>
    %broadcast_in_dim3A_349 = vector.shape_cast %reduce_sum3A_348 : vector<16xi32> to vector<1x16xi32>
    %swap3A_350 = arith.constant 0 : index
    %swap3A_351 = arith.constant 29 : index
    %swap3A_352 = arith.constant 0 : index
    %swap3A_353 = vector.load %arg6[%swap3A_350, %swap3A_351, %swap3A_352] : memref<1x32x16xi32, #tpu.memory_space<vmem>>, vector<1x1x16xi32>
    %swap3A_354 = vector.shape_cast %swap3A_353 : vector<1x1x16xi32> to vector<1x16xi32>
    %swap3A_355 = vector.shape_cast %broadcast_in_dim3A_349 : vector<1x16xi32> to vector<1x1x16xi32>
    tpu.vector_store %arg6[%swap3A_350, %swap3A_351, %swap3A_352], %swap3A_355 {strides = array<i32>} : memref<1x32x16xi32, #tpu.memory_space<vmem>>, vector<1x1x16xi32>,
    %slice3A_356 = vector.extract_strided_slice %convert_element_type3A {offsets = [480, 0], sizes = [16, 16], strides = [1, 1]} : vector<512x16xi32> to vector<16x16xi32>
    %reduce_sum3A_357 = arith.constant dense<0> : vector<16xi32>
    %reduce_sum3A_358 = vector.multi_reduction <add>, %slice3A_356, %reduce_sum3A_357 [0] : vector<16x16xi32> to vector<16xi32>
    %broadcast_in_dim3A_359 = vector.shape_cast %reduce_sum3A_358 : vector<16xi32> to vector<1x16xi32>
    %swap3A_360 = arith.constant 0 : index
    %swap3A_361 = arith.constant 30 : index
    %swap3A_362 = arith.constant 0 : index
    %swap3A_363 = vector.load %arg6[%swap3A_360, %swap3A_361, %swap3A_362] : memref<1x32x16xi32, #tpu.memory_space<vmem>>, vector<1x1x16xi32>
    %swap3A_364 = vector.shape_cast %swap3A_363 : vector<1x1x16xi32> to vector<1x16xi32>
    %swap3A_365 = vector.shape_cast %broadcast_in_dim3A_359 : vector<1x16xi32> to vector<1x1x16xi32>
    tpu.vector_store %arg6[%swap3A_360, %swap3A_361, %swap3A_362], %swap3A_365 {strides = array<i32>} : memref<1x32x16xi32, #tpu.memory_space<vmem>>, vector<1x1x16xi32>,
    %slice3A_366 = vector.extract_strided_slice %convert_element_type3A {offsets = [496, 0], sizes = [16, 16], strides = [1, 1]} : vector<512x16xi32> to vector<16x16xi32>
    %reduce_sum3A_367 = arith.constant dense<0> : vector<16xi32>
    %reduce_sum3A_368 = vector.multi_reduction <add>, %slice3A_366, %reduce_sum3A_367 [0] : vector<16x16xi32> to vector<16xi32>
    %broadcast_in_dim3A_369 = vector.shape_cast %reduce_sum3A_368 : vector<16xi32> to vector<1x16xi32>
    %swap3A_370 = arith.constant 0 : index
    %swap3A_371 = arith.constant 31 : index
    %swap3A_372 = arith.constant 0 : index
    %swap3A_373 = vector.load %arg6[%swap3A_370, %swap3A_371, %swap3A_372] : memref<1x32x16xi32, #tpu.memory_space<vmem>>, vector<1x1x16xi32>
    %swap3A_374 = vector.shape_cast %swap3A_373 : vector<1x1x16xi32> to vector<1x16xi32>
    %swap3A_375 = vector.shape_cast %broadcast_in_dim3A_369 : vector<1x16xi32> to vector<1x1x16xi32>
    tpu.vector_store %arg6[%swap3A_370, %swap3A_371, %swap3A_372], %swap3A_375 {strides = array<i32>} : memref<1x32x16xi32, #tpu.memory_space<vmem>>, vector<1x1x16xi32>,
    return
  }
  func.func @transform_0(%arg0: i32) -> (i32, i32) {
    %c0_i32 = arith.constant 0 : i32
    %c0_i32_0 = arith.constant 0 : i32
    return %arg0, %c0_i32 : i32, i32
  }
  func.func @transform_1(%arg0: i32) -> (i32, i32) {
    %c0_i32 = arith.constant 0 : i32
    %c0_i32_0 = arith.constant 0 : i32
    %c0_i32_1 = arith.constant 0 : i32
    return %c0_i32, %c0_i32_0 : i32, i32
  }
  func.func @transform_2(%arg0: i32) -> (i32, i32) {
    %c0_i32 = arith.constant 0 : i32
    %c0_i32_0 = arith.constant 0 : i32
    %c0_i32_1 = arith.constant 0 : i32
    return %c0_i32, %c0_i32_0 : i32, i32
  }
  func.func @transform_3(%arg0: i32) -> (i32, i32) {
    %c0_i32 = arith.constant 0 : i32
    %c0_i32_0 = arith.constant 0 : i32
    return %arg0, %c0_i32 : i32, i32
  }
  func.func @transform_4(%arg0: i32) -> (i32, i32, i32) {
    %c0_i32 = arith.constant 0 : i32
    %c0_i32_0 = arith.constant 0 : i32
    %c0_i32_1 = arith.constant 0 : i32
    return %arg0, %c0_i32, %c0_i32_0 : i32, i32, i32
  }
  func.func @transform_5(%arg0: i32) -> (i32, i32, i32) {
    %c0_i32 = arith.constant 0 : i32
    %c0_i32_0 = arith.constant 0 : i32
    %c0_i32_1 = arith.constant 0 : i32
    return %arg0, %c0_i32, %c0_i32_0 : i32, i32, i32
  }
}

module attributes {stable_mosaic.version = 14 : i64} {
  func.func @_mlp_body(%arg0: i32, %arg1: memref<6x31xi32, #tpu.memory_space<smem>>, %arg2: memref<256x1024xf32, #tpu.memory_space<vmem>>, %arg3: memref<1x1024x256xf32, #tpu.memory_space<vmem>>, %arg4: memref<16x256xf32, #tpu.memory_space<vmem>>, %arg5: memref<1x256x1024xf32, #tpu.memory_space<vmem>>, %arg6: memref<16x1024xf32, #tpu.memory_space<vmem>>, %arg7: memref<256x1024xf32, #tpu.memory_space<vmem>>) attributes {dimension_semantics = [#tpu.dimension_semantics<arbitrary>], iteration_bounds = array<i64: 31>, scalar_prefetch = 1 : i64, scratch_operands = 0 : i64, tpu.core_type = #tpu.core_type<tc>, window_params = [{transform_indices = @transform_0, window_bounds = array<i64: 256, 1024>}, {transform_indices = @transform_1, window_bounds = array<i64: 1, 1024, 256>}, {pipeline_mode = #tpu.pipeline_mode<synchronous>, transform_indices = @transform_2, window_bounds = array<i64: 16, 256>}, {transform_indices = @transform_3, window_bounds = array<i64: 1, 256, 1024>}, {pipeline_mode = #tpu.pipeline_mode<synchronous>, transform_indices = @transform_4, window_bounds = array<i64: 16, 1024>}, {transform_indices = @transform_5, window_bounds = array<i64: 256, 1024>}]} {
    %get3A = arith.constant 0 : index
    %get3A_0 = arith.index_cast %arg0 : i32 to index
    %get3A_1 = memref.load %arg1[%get3A, %get3A_0] : memref<6x31xi32, #tpu.memory_space<smem>>
    %get3A_2 = arith.constant 1 : index
    %get3A_3 = arith.index_cast %arg0 : i32 to index
    %get3A_4 = memref.load %arg1[%get3A_2, %get3A_3] : memref<6x31xi32, #tpu.memory_space<smem>>
    %get3A_5 = arith.constant 2 : index
    %get3A_6 = arith.index_cast %arg0 : i32 to index
    %get3A_7 = memref.load %arg1[%get3A_5, %get3A_6] : memref<6x31xi32, #tpu.memory_space<smem>>
    %get3A_8 = arith.constant 3 : index
    %get3A_9 = arith.index_cast %arg0 : i32 to index
    %get3A_10 = memref.load %arg1[%get3A_8, %get3A_9] : memref<6x31xi32, #tpu.memory_space<smem>>
    %get3A_11 = arith.constant 4 : index
    %get3A_12 = arith.index_cast %arg0 : i32 to index
    %get3A_13 = memref.load %arg1[%get3A_11, %get3A_12] : memref<6x31xi32, #tpu.memory_space<smem>>
    %get3A_14 = arith.constant 5 : index
    %get3A_15 = arith.index_cast %arg0 : i32 to index
    %get3A_16 = memref.load %arg1[%get3A_14, %get3A_15] : memref<6x31xi32, #tpu.memory_space<smem>>
    %get3A_17 = arith.constant 0 : index
    %get3A_18 = arith.constant 0 : index
    %get3A_19 = vector.load %arg2[%get3A_17, %get3A_18] : memref<256x1024xf32, #tpu.memory_space<vmem>>, vector<256x1024xf32>
    %convert_element_type3A = arith.truncf %get3A_19 : vector<256x1024xf32> to vector<256x1024xbf16>
    %get3A_20 = arith.constant 0 : index
    %get3A_21 = arith.constant 0 : index
    %get3A_22 = arith.constant 0 : index
    %get3A_23 = vector.load %arg3[%get3A_20, %get3A_21, %get3A_22] : memref<1x1024x256xf32, #tpu.memory_space<vmem>>, vector<1x1024x256xf32>
    %get3A_24 = vector.shape_cast %get3A_23 : vector<1x1024x256xf32> to vector<1024x256xf32>
    %convert_element_type3A_25 = arith.truncf %get3A_24 : vector<1024x256xf32> to vector<1024x256xbf16>
    %dot_general3A = arith.constant dense<0.000000e+00> : vector<256x256xf32>
    %dot_general3A_26 = tpu.matmul %convert_element_type3A, %convert_element_type3A_25, %dot_general3A {dimension_numbers = #tpu.dot_dimension_numbers<[1], [0], [0], [1], [0, 0, 1, 1], [], []>, transpose_lhs_hint = false} : vector<256x1024xbf16>, vector<1024x256xbf16>, vector<256x256xf32> -> vector<256x256xf32>
    %get3A_27 = arith.index_cast %get3A_4 : i32 to index
    %get3A_28 = arith.constant 0 : index
    %get3A_29 = vector.load %arg4[%get3A_27, %get3A_28] : memref<16x256xf32, #tpu.memory_space<vmem>>, vector<1x256xf32>
    %add3A = vector.broadcast %get3A_29 : vector<1x256xf32> to vector<256x256xf32>
    %add3A_30 = arith.addf %dot_general3A_26, %add3A : vector<256x256xf32>
    %mul3A = arith.constant 5.000000e-01 : f32
    %mul3A_31 = vector.broadcast %mul3A : f32 to vector<256x256xf32>
    %mul3A_32 = arith.mulf %mul3A_31, %add3A_30 : vector<256x256xf32>
    %mul3A_33 = arith.constant 0.707106769 : f32
    %mul3A_34 = vector.broadcast %mul3A_33 : f32 to vector<256x256xf32>
    %mul3A_35 = arith.mulf %add3A_30, %mul3A_34 : vector<256x256xf32>
    %erf3A = math.erf %mul3A_35 : vector<256x256xf32>
    %add3A_36 = arith.constant 1.000000e+00 : f32
    %add3A_37 = vector.broadcast %add3A_36 : f32 to vector<256x256xf32>
    %add3A_38 = arith.addf %add3A_37, %erf3A : vector<256x256xf32>
    %mul3A_39 = arith.mulf %mul3A_32, %add3A_38 : vector<256x256xf32>
    %convert_element_type3A_40 = arith.truncf %mul3A_39 : vector<256x256xf32> to vector<256x256xbf16>
    %get3A_41 = arith.constant 0 : index
    %get3A_42 = arith.constant 0 : index
    %get3A_43 = arith.constant 0 : index
    %get3A_44 = vector.load %arg5[%get3A_41, %get3A_42, %get3A_43] : memref<1x256x1024xf32, #tpu.memory_space<vmem>>, vector<1x256x1024xf32>
    %get3A_45 = vector.shape_cast %get3A_44 : vector<1x256x1024xf32> to vector<256x1024xf32>
    %convert_element_type3A_46 = arith.truncf %get3A_45 : vector<256x1024xf32> to vector<256x1024xbf16>
    %dot_general3A_47 = arith.constant dense<0.000000e+00> : vector<256x1024xf32>
    %dot_general3A_48 = tpu.matmul %convert_element_type3A_40, %convert_element_type3A_46, %dot_general3A_47 {dimension_numbers = #tpu.dot_dimension_numbers<[1], [0], [0], [1], [0, 0, 1, 1], [], []>, transpose_lhs_hint = false} : vector<256x256xbf16>, vector<256x1024xbf16>, vector<256x1024xf32> -> vector<256x1024xf32>
    %get3A_49 = arith.index_cast %get3A_4 : i32 to index
    %get3A_50 = arith.constant 0 : index
    %get3A_51 = vector.load %arg6[%get3A_49, %get3A_50] : memref<16x1024xf32, #tpu.memory_space<vmem>>, vector<1x1024xf32>
    %add3A_52 = vector.broadcast %get3A_51 : vector<1x1024xf32> to vector<256x1024xf32>
    %add3A_53 = arith.addf %dot_general3A_48, %add3A_52 : vector<256x1024xf32>
    %iota3A = tpu.iota {dimensions = array<i32: 0>} : vector<256x1xi32>
    %mul3A_54 = arith.constant 256 : i32
    %mul3A_55 = arith.muli %get3A_1, %mul3A_54 : i32
    %add3A_56 = vector.broadcast %mul3A_55 : i32 to vector<256x1xi32>
    %add3A_57 = arith.addi %iota3A, %add3A_56 : vector<256x1xi32>
    %ge3A = vector.broadcast %get3A_13 : i32 to vector<256x1xi32>
    %ge3A_58 = arith.cmpi sge, %add3A_57, %ge3A : vector<256x1xi32>
    %lt3A = vector.broadcast %get3A_16 : i32 to vector<256x1xi32>
    %lt3A_59 = arith.cmpi slt, %add3A_57, %lt3A : vector<256x1xi32>
    %and3A = arith.andi %ge3A_58, %lt3A_59 : vector<256x1xi1>
    %ne3A = arith.constant 0 : i32
    %ne3A_60 = arith.cmpi ne, %get3A_7, %ne3A : i32
    %and3A_61 = vector.broadcast %ne3A_60 : i1 to vector<256x1xi1>
    %and3A_62 = arith.andi %and3A, %and3A_61 : vector<256x1xi1>
    %jit3A = arith.constant 0.000000e+00 : f32
    %broadcast_in_dim3A = vector.shape_cast %and3A_62 : vector<256x1xi1> to vector<256x1xi1>
    %broadcast_in_dim3A_63 = vector.broadcast %broadcast_in_dim3A : vector<256x1xi1> to vector<256x1024xi1>
    %broadcast_in_dim3A_64 = vector.broadcast %jit3A : f32 to vector<256x1024xf32>
    %select_n3A = arith.select %broadcast_in_dim3A_63, %add3A_53, %broadcast_in_dim3A_64 : vector<256x1024xi1>, vector<256x1024xf32>
    %ne3A_65 = arith.constant 0 : i32
    %ne3A_66 = arith.cmpi ne, %get3A_10, %ne3A_65 : i32
    %convert_element_type3A_67 = arith.extui %ne3A_66 : i1 to i32
    %cond3A = arith.constant 0 : i32
    %cond3A_68 = arith.cmpi ne, %convert_element_type3A_67, %cond3A : i32
    scf.if %cond3A_68 {
      %get3A_73 = arith.constant 0 : index
      %get3A_74 = arith.constant 0 : index
      %get3A_75 = vector.load %arg2[%get3A_73, %get3A_74] : memref<256x1024xf32, #tpu.memory_space<vmem>>, vector<256x1024xf32>
      %add3A_76 = arith.addf %get3A_75, %select_n3A : vector<256x1024xf32>
      %swap3A = arith.constant 0 : index
      %swap3A_77 = arith.constant 0 : index
      %swap3A_78 = vector.load %arg7[%swap3A, %swap3A_77] : memref<256x1024xf32, #tpu.memory_space<vmem>>, vector<256x1024xf32>
      tpu.vector_store %arg7[%swap3A, %swap3A_77], %add3A_76 {strides = array<i32>} : memref<256x1024xf32, #tpu.memory_space<vmem>>, vector<256x1024xf32>,
    } else {
    }
    %eq3A = arith.constant 0 : i32
    %eq3A_69 = arith.cmpi eq, %get3A_10, %eq3A : i32
    %convert_element_type3A_70 = arith.extui %eq3A_69 : i1 to i32
    %cond3A_71 = arith.constant 0 : i32
    %cond3A_72 = arith.cmpi ne, %convert_element_type3A_70, %cond3A_71 : i32
    scf.if %cond3A_72 {
      %get3A_73 = arith.constant 0 : index
      %get3A_74 = arith.constant 0 : index
      %get3A_75 = vector.load %arg7[%get3A_73, %get3A_74] : memref<256x1024xf32, #tpu.memory_space<vmem>>, vector<256x1024xf32>
      %add3A_76 = arith.addf %get3A_75, %select_n3A : vector<256x1024xf32>
      %swap3A = arith.constant 0 : index
      %swap3A_77 = arith.constant 0 : index
      %swap3A_78 = vector.load %arg7[%swap3A, %swap3A_77] : memref<256x1024xf32, #tpu.memory_space<vmem>>, vector<256x1024xf32>
      tpu.vector_store %arg7[%swap3A, %swap3A_77], %add3A_76 {strides = array<i32>} : memref<256x1024xf32, #tpu.memory_space<vmem>>, vector<256x1024xf32>,
    } else {
    }
    return
  }
  func.func @transform_0(%arg0: i32, %arg1: memref<6x31xi32, #tpu.memory_space<smem>>) -> (i32, i32) {
    %get3A = arith.constant 0 : index
    %get3A_0 = arith.index_cast %arg0 : i32 to index
    %get3A_1 = memref.load %arg1[%get3A, %get3A_0] : memref<6x31xi32, #tpu.memory_space<smem>>
    %c0_i32 = arith.constant 0 : i32
    %c0_i32_2 = arith.constant 0 : i32
    return %get3A_1, %c0_i32 : i32, i32
  }
  func.func @transform_1(%arg0: i32, %arg1: memref<6x31xi32, #tpu.memory_space<smem>>) -> (i32, i32, i32) {
    %get3A = arith.constant 1 : index
    %get3A_0 = arith.index_cast %arg0 : i32 to index
    %get3A_1 = memref.load %arg1[%get3A, %get3A_0] : memref<6x31xi32, #tpu.memory_space<smem>>
    %c0_i32 = arith.constant 0 : i32
    %c0_i32_2 = arith.constant 0 : i32
    %c0_i32_3 = arith.constant 0 : i32
    return %get3A_1, %c0_i32, %c0_i32_2 : i32, i32, i32
  }
  func.func @transform_2(%arg0: i32, %arg1: memref<6x31xi32, #tpu.memory_space<smem>>) -> (i32, i32) {
    %c0_i32 = arith.constant 0 : i32
    %c0_i32_0 = arith.constant 0 : i32
    %c0_i32_1 = arith.constant 0 : i32
    return %c0_i32, %c0_i32_0 : i32, i32
  }
  func.func @transform_3(%arg0: i32, %arg1: memref<6x31xi32, #tpu.memory_space<smem>>) -> (i32, i32, i32) {
    %get3A = arith.constant 1 : index
    %get3A_0 = arith.index_cast %arg0 : i32 to index
    %get3A_1 = memref.load %arg1[%get3A, %get3A_0] : memref<6x31xi32, #tpu.memory_space<smem>>
    %c0_i32 = arith.constant 0 : i32
    %c0_i32_2 = arith.constant 0 : i32
    %c0_i32_3 = arith.constant 0 : i32
    return %get3A_1, %c0_i32, %c0_i32_2 : i32, i32, i32
  }
  func.func @transform_4(%arg0: i32, %arg1: memref<6x31xi32, #tpu.memory_space<smem>>) -> (i32, i32) {
    %c0_i32 = arith.constant 0 : i32
    %c0_i32_0 = arith.constant 0 : i32
    %c0_i32_1 = arith.constant 0 : i32
    return %c0_i32, %c0_i32_0 : i32, i32
  }
  func.func @transform_5(%arg0: i32, %arg1: memref<6x31xi32, #tpu.memory_space<smem>>) -> (i32, i32) {
    %get3A = arith.constant 0 : index
    %get3A_0 = arith.index_cast %arg0 : i32 to index
    %get3A_1 = memref.load %arg1[%get3A, %get3A_0] : memref<6x31xi32, #tpu.memory_space<smem>>
    %c0_i32 = arith.constant 0 : i32
    %c0_i32_2 = arith.constant 0 : i32
    return %get3A_1, %c0_i32 : i32, i32
  }
}

</mosaic_0001>

<sc_bundles>
// kernel: kernel.10.cloned.1.call-start
scs
__scs_entry_jumppad:
0x0: {  	(pc) =	sbr.rel $0x88, $3  }
0x1: {  	(tag) =	ssettag $0x0;
	lr =	simm.s32 $0x1  }
0x2: {  	[smem:$0x3F9A] =	sst lr;
	_ =	strace $0xD0000000  }
0x3: {  	_ = 	snop  }
0x4: {  	_ = 	snop  }
0x5: {  	_ = 	snop  }
0x6: {  	_ = 	snop  }
0x7: {  	_ = 	snop  }
__scs_overlays_trampoline_lowered:
0x8: {  	[smem:$0x3FA9] =	sst s0  }
0x9: {  	[smem:$0x3FAA] =	sst s1  }
0xa: {  	[smem:$0x3FAB] =	sst s2  }
0xb: {  	[smem:$0x3FAC] =	sst s3  }
0xc: {  	[smem:$0x3FAD] =	sst s4  }
0xd: {  	[smem:$0x3FAE] =	sst s5  }
0xe: {  	[smem:$0x3FAF] =	sst s6  }
0xf: {  	[smem:$0x3FB0] =	sst s7  }
0x10: {  	[smem:$0x3FB1] =	sst s8  }
0x11: {  	[smem:$0x3FB2] =	sst s9;
	s0 =	simm.s32 @!p0 $0x0  }
0x12: {  	s1 =	sld [smem:$0x3F98];
	s0 =	simm.s32 @p0 $0x1  }
0x13: {  	[smem:$0x3FB3] =	sst s0;
	s0 =	simm.s32 @!p1 $0x0  }
0x14: {  	s2 =	sld [smem:$0x3F97];
	s0 =	simm.s32 @p1 $0x1  }
0x15: {  	[smem:$0x3FB4] =	sst s0;
	s0 =	simm.s32 @!p2 $0x0  }
0x16: {  	s3 =	sld [smem:$0x3FDB];
	s0 =	simm.s32 @p2 $0x1  }
0x17: {  	s4 =	simm.s32 $0x1BF5;
	[smem:$0x3FB6] =	sst s0  }
0x18: {  	s0 =	sld [smem:$0x3F99];
	_ =	swait.ge [sflag:s4], $0x0  }
0x19: {  	s7 =	sld [smem:$0x3F9A]  }
0x1a: {  	s8 =	sadd.s32 $0xFFFFE003, lr  }
0x1b: {  	s9 =	sadd.s32 $0xFFFFFEF7, lr;
	s5 =	simm.s32 $0xFFFFFFFF;
	p2 =	slt.u32 s8, $0xFFFFF086  }
0x1c: {  	p1 =	slt.u32 s9, $0xF7A;
	s5 =	simm.s32 @!p2 $0x0  }
0x1d: {  	s5 =	simm.s32 @p1 $0x1;
	p0 =	seq.s32 s7, s2  }
0x1e: {  	s7 =	smul.u32 @!p0 $0xF7A, s2;
	p2 =	seq.s32 @!p0 s5, $0x0  }
0x1f: {  	s9 =	smul.u32 $0xF7A, s1;
	s8 =	simm.s32 @!p0 $0x1BF5;
	p2 =	por !p2, p0  }
0x20: {  	[sflag:s8] =	ssyncset.s32 @!p0 $0xFFFFF086;
	s6 =	sadd.s32 @!p0 s3, s7;
	s7 =	simm.s32 @!p0 $0x108  }
0x21: {  	s3 =	sadd.s32 s3, s9;
	s6 =	sadd.s32 @!p0 $0x88, s6;
	s7 =	simm.s32 @p2 $0x1082  }
0x22: {  	[simem:s7], [sflag:s8] =	dma.local @!p0 [hbm:s6], $0xF7A  }
0x23: {  	s9 =	sor.u32 $0xD0000000, s2;
	s6 =	simm.s32 $0x108;
	_ =	swait.ge @!p0 [sflag:s8], $0x0  }
0x24: {  	s3 =	sadd.s32 $0x88, s3;
	s6 =	simm.s32 @!p1 $0x1082;
	[sflag:s4] =	ssyncset.s32 $0xFFFFF086  }
0x25: {  	[simem:s6], [sflag:s4] =	dma.local [hbm:s3], $0xF7A  }
0x26: {  	[smem:$0x3F9A] =	sst s1;
	(tag) =	ssettag s2;
	_ =	strace s9  }
0x27: {  	s1 =	sld [smem:$0x3FAA]  }
0x28: {  	s2 =	sld [smem:$0x3FAB]  }
0x29: {  	s4 =	sld [smem:$0x3FAD]  }
0x2a: {  	p0 =	seq.s32 s5, $0x0;
	s5 =	sld [smem:$0x3FAE]  }
0x2b: {  	s6 =	sld [smem:$0x3FAF]  }
0x2c: {  	s7 =	sld [smem:$0x3FB0]  }
0x2d: {  	s3 =	simm.s32 $0x108;
	s8 =	sld [smem:$0x3FB1]  }
0x2e: {  	s3 =	simm.s32 @!p0 $0x1082;
	s9 =	sld [smem:$0x3FB2]  }
0x2f: {  	lr =	sadd.s32 s0, s3;
	s0 =	sld [smem:$0x3FA9]  }
0x30: {  	s3 =	sld [smem:$0x3FAC]  }
0x31: {  	[smem:$0x3FB5] =	sst s10  }
0x32: {  	s10 =	sld [smem:$0x3FB3];
	_ =	sdelay $0x3  }
0x33: {  	p0 =	seq.s32 s10, $0x1;
	s10 =	sld [smem:$0x3FB5];
	_ =	sdelay $0x3  }
0x34: {  	[smem:$0x3FB5] =	sst s10  }
0x35: {  	s10 =	sld [smem:$0x3FB4];
	_ =	sdelay $0x3  }
0x36: {  	p1 =	seq.s32 s10, $0x1;
	s10 =	sld [smem:$0x3FB5];
	_ =	sdelay $0x3  }
0x37: {  	[smem:$0x3FB5] =	sst s10  }
0x38: {  	s10 =	sld [smem:$0x3FB6]  }
0x39: {  	_ = 	snop;
	(pc) =	sbr.ind lr, $3  }
0x3a: {  	_ = 	snop  }
0x3b: {  	_ = 	snop  }
0x3c: {  	p2 =	seq.s32 s10, $0x1;
	s10 =	sld [smem:$0x3FB5]  }
0x3d: {  	_ =	shalt  }
0x3e: {  	_ =	shalt  }
0x3f: {  	_ =	shalt  }
0x40: {  	_ =	shalt  }
0x41: {  	_ =	shalt  }
0x42: {  	_ =	shalt  }
0x43: {  	_ =	shalt  }
0x44: {  	_ =	shalt  }
0x45: {  	_ =	shalt  }
0x46: {  	_ =	shalt  }
0x47: {  	_ =	shalt  }
0x48: {  	_ =	shalt  }
0x49: {  	_ =	shalt  }
0x4a: {  	_ =	shalt  }
0x4b: {  	_ =	shalt  }
0x4c: {  	_ =	shalt  }
0x4d: {  	_ =	shalt  }
0x4e: {  	_ =	shalt  }
0x4f: {  	_ =	shalt  }
0x50: {  	_ =	shalt  }
0x51: {  	_ =	shalt  }
0x52: {  	_ =	shalt  }
0x53: {  	_ =	shalt  }
0x54: {  	_ =	shalt  }
0x55: {  	_ =	shalt  }
0x56: {  	_ =	shalt  }
0x57: {  	_ =	shalt  }
0x58: {  	_ =	shalt  }
0x59: {  	_ =	shalt  }
0x5a: {  	_ =	shalt  }
0x5b: {  	_ =	shalt  }
0x5c: {  	_ =	shalt  }
0x5d: {  	_ =	shalt  }
0x5e: {  	_ =	shalt  }
0x5f: {  	_ =	shalt  }
0x60: {  	_ =	shalt  }
0x61: {  	_ =	shalt  }
0x62: {  	_ =	shalt  }
0x63: {  	_ =	shalt  }
0x64: {  	_ =	shalt  }
0x65: {  	_ =	shalt  }
0x66: {  	_ =	shalt  }
0x67: {  	_ =	shalt  }
0x68: {  	_ =	shalt  }
0x69: {  	_ =	shalt  }
0x6a: {  	_ =	shalt  }
0x6b: {  	_ =	shalt  }
0x6c: {  	_ =	shalt  }
0x6d: {  	_ =	shalt  }
0x6e: {  	_ =	shalt  }
0x6f: {  	_ =	shalt  }
0x70: {  	_ =	shalt  }
0x71: {  	_ =	shalt  }
0x72: {  	_ =	shalt  }
0x73: {  	_ =	shalt  }
0x74: {  	_ =	shalt  }
0x75: {  	_ =	shalt  }
0x76: {  	_ =	shalt  }
0x77: {  	_ =	shalt  }
0x78: {  	_ =	shalt  }
0x79: {  	_ =	shalt  }
0x7a: {  	_ =	shalt  }
0x7b: {  	_ =	shalt  }
0x7c: {  	_ =	shalt  }
0x7d: {  	_ =	shalt  }
0x7e: {  	_ =	shalt  }
0x7f: {  	_ =	shalt  }
0x80: {  	_ =	shalt  }
0x81: {  	_ =	shalt  }
0x82: {  	_ =	shalt  }
0x83: {  	_ =	shalt  }
0x84: {  	_ =	shalt  }
0x85: {  	_ =	shalt  }
0x86: {  	_ =	shalt  }
0x87: {  	_ =	shalt  }
.Lfunc_end0:
.L_simem_size_0:
called_computation.2_lowered:
.L_overlay_start_0:
0x88: {  	s2 =	sld [smem:$0x3FD9]  }
0x89: {  	s3 =	sld [smem:$0x3FFE];
	_ =	sdelay $0x1  }
0x8a: {  	s1 =	srdreg.scid  }
0x8b: {  	s0 =	sand.u32 $0x1, s1  }
0x8c: {  	s17 =	sshll.u32 s0, $0xA;
	s2 =	sadd.s32 s3, s2  }
0x8d: {  	s2 =	sadd.s32 s2, s17  }
0x8e: {  	[smem:$0x3FC1] =	sst s2  }
0x8f: {  	_ = 	snop  }
0x90: {  	s4 =	sld [smem:$0x3FC9]  }
0x91: {  	s18 =	sld [smem:$0x3FD0];
	(tm) =	ssettm $0x1  }
0x92: {  	s19 =	sld [smem:$0x3FFB];
	_ =	sdelay $0x3  }
0x93: {  	_ =	strace s19  }
0x94: {  	s2 =	sld [smem:$0x3FFC];
	_ =	sdelay $0x3  }
0x95: {  	_ =	strace s2  }
0x96: {  	s2 =	sld [smem:$0x3FFD];
	_ =	sdelay $0x3  }
0x97: {  	_ =	strace s2  }
0x98: {  	_ =	strace $0x8FFFFFFF  }
0x99: {  	s20 =	sld [smem:$0x3FDB];
	_ =	sdelay $0x1  }
0x9a: {  	s5 =	simm.s32 $_scs_section_size  }
0x9b: {  	s6 =	simm.s32 $_size__tile_overlayer_lowered;
	s7 =	simm.s32 $_tile_overlayer_lowered  }
0x9c: {  	s8 =	simm.s32 $0x1BFF;
	s21 =	sshll.u32 s7, $0x1;
	s5 =	sadd.s32 s5, s20  }
0x9d: {  	s22 =	simm.s32 $0x0;
	s6 =	sshll.u32 s6, $0x1;
	s7 =	sadd.s32 s21, s5  }
0x9e: {  	[timem:s22], [sflag:s8] =	dma.local [hbm:s7], s6  }
0x9f: {  	_ =	swait.ge [sflag:s8], s6  }
0xa0: {  	s6 =	ssub.s32 $0x0, s6;
	[sflag:s8] =	ssyncset.done $0x0  }
0xa1: {  	[sflag:s8] =	ssyncadd.s32 s6;
	_ =	sdelay $0x1  }
0xa2: {  	s23 =	simm.s32 $0x1B8B  }
0xa3: {  	_ =	swait.ge [sflag:s23], $0x1  }
0xa4: {  	[sflag:s23] =	ssyncset.done $0x0  }
0xa5: {  	[sflag:s23] =	ssyncadd.s32 $0xFFFFFFFF  }
0xa6: {  	s6 =	sld [smem:$0x0]  }
0xa7: {  	s7 =	sand.u32 $0xFFFFFFFE, s1  }
0xa8: {  	p0 =	sne.s32 s1, s7  }
0xa9: {  	s7 =	sshll.u32 @p0 s7, $0xE  }
0xaa: {  	s7 =	sadd.s32 @p0 $0x11B8D, s7;
	s8 =	sshll.u32 @p0 s6, $0x11  }
0xab: {  	s7 =	sor.u32 @p0 s8, s7  }
0xac: {  	[sflag:s7] =	ssyncadd.remote.s32 @p0 $0x1;
	_ =	sdelay $0x1  }
0xad: {  	s7 =	simm.s32 @p0 $0x1B8D  }
0xae: {  	_ =	swait.eq @p0 [sflag:s7], $0x1  }
0xaf: {  	[sflag:s7] =	ssyncadd.s32 @p0 $0xFFFFFFFF  }
0xb0: {  	s8 =	sshll.u32 @!p0 s1, $0xE  }
0xb1: {  	s8 =	sor.u32 @!p0 $0x4000, s8;
	s7 =	simm.s32 @!p0 $0x1B8D  }
0xb2: {  	s6 =	sshll.u32 @!p0 s6, $0x11;
	s8 =	sadd.s32 @!p0 $0x11B8D, s8;
	_ =	swait.eq @!p0 [sflag:s7], $0x1  }
0xb3: {  	s6 =	sor.u32 @!p0 s6, s8;
	[sflag:s7] =	ssyncadd.s32 @!p0 $0xFFFFFFFF  }
0xb4: {  	s25 =	simm.s32 $0x1B8E;
	s24 =	sld [smem:$0x3FFE];
	[sflag:s6] =	ssyncadd.remote.s32 @!p0 $0x1  }
0xb5: {  	s26 =	simm.s32 $execute0_lowered;
	[smem:$0x3FD2] =	sst s25  }
0xb6: {  	s7 =	sshll.u32 s26, $0x1;
	_ =	strace $0x8000004C;
	[dreg:$0x1] =	wrdreg $0xFFFFFFFF  }
0xb7: {  	s28 =	simm.s32 $_size_execute0_lowered;
	s5 =	sadd.s32 s5, s7;
	[dreg:$0x0] =	wrdreg $0x0  }
0xb8: {  	s7 =	sshll.u32 s28, $0x1;
	[dreg:$0x2] =	wrdreg s5  }
0xb9: {  	[dreg:$0x3] =	wrdreg s7  }
0xba: {  	[dreg:$0x4] =	wrdreg $0xC0  }
0xbb: {  	_ =	task [dreg:s22], $0x5FFFF  }
0xbc: {  	[dreg:$0x1] =	wrdreg $0xFFFFFFFF  }
0xbd: {  	[dreg:$0x0] =	wrdreg $0x60  }
0xbe: {  	[dreg:$0x2] =	wrdreg s4  }
0xbf: {  	[dreg:$0x3] =	wrdreg s24  }
0xc0: {  	[dreg:$0x4] =	wrdreg s18  }
0xc1: {  	[dreg:$0x5] =	wrdreg $0xA  }
0xc2: {  	_ =	task.clear_ibuf [dreg:s22], $0x6FFFF;
	_ =	strace $0x9000004C  }
0xc3: {  	s29 =	simm.s32 $0xA;
	_ =	strace $0x8000004E  }
0xc4: {  	_ =	swait.ge [sflag:s29], $0x1  }
0xc5: {  	[sflag:s29] =	ssyncadd.s32 $0xFFFFFFFF  }
0xc6: {  	_ =	strace $0x9000004E  }
0xc7: {  	_ =	sfence  }
0xc8: {  	s30 =	sld [smem:$0x0];
	_ =	sdelay $0x2  }
0xc9: {  	s31 =	sshll.u32 s1, $0xD;
	s1 =	sshrl.u32 s1, $0x2  }
0xca: {  	s4 =	sand.u32 $0x4000, s31;
	s1 =	sadd.s32 s1, s30  }
0xcb: {  	s0 =	sor.u32 s4, s0;
	s1 =	sshll.u32 s1, $0x11  }
0xcc: {  	s0 =	sor.u32 s1, s0  }
0xcd: {  	s0 =	sadd.s32 $0x8F2B, s0  }
0xce: {  	[sflag:s0] =	ssyncadd.remote.s32 $0x1  }
0xcf: {  	_ =	sfence.sel $0xFFFF  }
0xd0: {  	[dreg:$0x0] =	wrdreg $0xFFFFFFFF;
	(pc) =	sbr.abs _section_cstart, $3  }
0xd1: {  	[dreg:$0x1] =	wrdreg $0xFFFFFFFF  }
0xd2: {  	_ =	task.clear_ibuf [dreg:s22], $0x2FFFF;
	_ =	strace $0x9FFFFFFF  }
0xd3: {  	(tm) =	ssettm $0x7FFFFFFF  }
tec
execute0_lowered:
.L_overlay_start_1:
0x0: {  	(tag) =	ssettag $0x1  }
0x1: {  	s0 =	rddreg [dreg:$0x0]  }
0x2: {  	s1 =	rddreg [dreg:$0x1]  }
0x3: {  	s2 =	rddreg [dreg:$0x2];
	s4 =	srdreg.scid;
	s3 =	simm.s32 $0x0  }
0x4: {  	s5 =	stileid.u32;
	s26 =	simm.s32 $0x80;
	s18 =	simm.s32 $0x1  }
0x5: {  	s21 =	simm.s32 $0x900;
	s22 =	simm.s32 $0x1100;
	s28 =	simm.s32 $0x3900  }
0x6: {  	s29 =	simm.s32 $0x4100;
	s30 =	simm.s32 $0x4900;
	s31 =	simm.s32 $0x5100  }
0x7: {  	s10 =	simm.s32 $0x6900;
	s11 =	simm.s32 $0x7100;
	s12 =	simm.s32 $0x7900  }
0x8: {  	s13 =	simm.s32 $0x8100;
	s14 =	simm.s32 $0x8900;
	s15 =	simm.s32 $0x9100  }
0x9: {  	s16 =	simm.s32 $0x9900;
	s17 =	simm.s32 $0xA100;
	s9 =	simm.s32 $0xA900  }
0xa: {  	s4 =	sand.u32 $0x1, s4;
	[smem:$0x7FF] =	sst s3;
	s5 =	sshll.u32 s5, $0x8  }
0xb: {  	s1 =	sadd.s32 $0x600, s1;
	s6 =	sshll.u32 s4, $0x7;
	_ =	strace $0x8000004D  }
0xc: {  	s4 =	ssub.s32 $0x2, s4;
	[dreg:$0x8] =	wrdreg s26;
	s5 =	sor.u32 s6, s5  }
0xd: {  	s26 =	simm.s32 $0x3100;
	s7 =	sshrl.u32 s4, $0x1;
	s6 =	sshrl.u32 s5, $0x3  }
0xe: {  	s8 =	sshll.u32 s5, $0x7;
	s5 =	sor.u32 $0x40, s5;
	s7 =	ssub.s32 s4, s7  }
0xf: {  	s4 =	sadd.s32 $0x100, s2;
	s6 =	sadd.s32 s1, s6;
	s23 =	sadd.s32 s0, s8  }
0x10: {  	s24 =	sshrl.u32 s5, $0x3;
	s25 =	sshll.u32 s5, $0x7;
	s5 =	sadd.s32 $0x200, s2  }
0x11: {  	s7 =	smax.u32 s7, $0x1;
	s8 =	simm.s32 $0x2;
	[dreg:$0x4] =	wrdreg s6  }
0x12: {  	v2 =	vlaneseq.u32;
	[dreg:$0x5] =	wrdreg s23;
	s1 =	sadd.s32 s1, s24;
	s0 =	sadd.s32 s0, s25  }
0x13: {  	vm0 =	vmmov $0xffff;
	v1 =	vshrl.u32 v2, $0x3;
	s6 =	sadd.s32 $0x300, s2;
	s23 =	simm.s32 $0x1900;
	[dreg:$0x6] =	wrdreg s1  }
0x14: {  	v0 =	vand.u32 $0x7, v2;
	v2 =	vor.u32 $0x8, v2;
	v1 =	vmul.u32 $0x8, v1;
	s24 =	simm.s32 $0x2100;
	s25 =	simm.s32 $0x2900;
	[dreg:$0x7] =	wrdreg s0  }
.LBB2_1:
0x15: {  	s19 =	rddreg [dreg:$0x4]  }
0x16: {  	[tilespmem:s3], [sflag:$0x2] =	stream.linear.gather [hbm4b:s19+s3], $0x40, $0x38;
	[tilespmem:$0x10100] =	vst v63  }
0x17: {  	_ =	swait.ge [sflag:s8], $0x40  }
0x18: {  	[sflag:s8] =	ssyncset.done $0x0  }
0x19: {  	s0 =	simm.s32 $0x100;
	s1 =	rddreg [dreg:$0x5];
	[sflag:s8] =	ssyncadd.s32 $0xFFFFFFC0  }
0x1a: {  	[tilespmem:s0], [sflag:$0x2] =	stream.linear.gather [hbm4b:s1+s3], $0x10000, $0x38;
	[tilespmem:$0x10100] =	vst v63  }
0x1b: {  	_ =	swait.ge [sflag:s8], $0x10000  }
0x1c: {  	[sflag:s8] =	ssyncset.done $0x0  }
0x1d: {  	[sflag:s8] =	ssyncadd.s32 $0xFFFF0000  }
0x1e: {  	v3 =	vld [tilespmem:$0x0];
	_ =	sdelay $0x4  }
0x1f: {  	v4 =	vshll.u32 v3, $0x3  }
0x20: {  	v3 =	vand.u32 $0x7, v3;
	v4 =	vand.u32 $0xFFFFFFC0, v4  }
0x21: {  	v3 =	vor.u32 v3, v4  }
0x22: {  	v4 =	vperm.xlane v3, v0;
	_ =	sdelay $0x1  }
0x23: {  	v4 =	vadd.s32 v1, v4;
	_ =	sdelay $0x4  }
0x24: {  	[hbm4b:s2+s3] =	stream.indirect_vreg.scatter [tilespmem:s0], [sflag:$0x1], $0x80, v4, vm0, $0xb8;
	[tilespmem:$0x10100] =	vst v63  }
0x25: {  	v3 =	vperm.xlane v3, v2  }
0x26: {  	[hbm4b:s4+s3] =	stream.indirect_vreg.scatter [tilespmem:s21], [sflag:$0x1], $0x80, v4, vm0, $0xb8;
	[tilespmem:$0x10100] =	vst v63  }
0x27: {  	v3 =	vadd.s32 v1, v3  }
0x28: {  	[hbm4b:s5+s3] =	stream.indirect_vreg.scatter [tilespmem:s22], [sflag:$0x1], $0x80, v4, vm0, $0xb8;
	[tilespmem:$0x10100] =	vst v63  }
0x29: {  	_ = 	snop  }
0x2a: {  	[hbm4b:s6+s3] =	stream.indirect_vreg.scatter [tilespmem:s23], [sflag:$0x1], $0x80, v4, vm0, $0xb8;
	[tilespmem:$0x10100] =	vst v63  }
0x2b: {  	_ = 	snop  }
0x2c: {  	[hbm4b:s2+s3] =	stream.indirect_vreg.scatter [tilespmem:s24], [sflag:$0x1], $0x80, v3, vm0, $0xb8;
	[tilespmem:$0x10100] =	vst v63  }
0x2d: {  	_ = 	snop  }
0x2e: {  	[hbm4b:s4+s3] =	stream.indirect_vreg.scatter [tilespmem:s25], [sflag:$0x1], $0x80, v3, vm0, $0xb8;
	[tilespmem:$0x10100] =	vst v63  }
0x2f: {  	_ = 	snop  }
0x30: {  	[hbm4b:s5+s3] =	stream.indirect_vreg.scatter [tilespmem:s26], [sflag:$0x1], $0x80, v3, vm0, $0xb8;
	[tilespmem:$0x10100] =	vst v63  }
0x31: {  	_ = 	snop  }
0x32: {  	[hbm4b:s6+s3] =	stream.indirect_vreg.scatter [tilespmem:s28], [sflag:$0x1], $0x80, v3, vm0, $0xb8;
	[tilespmem:$0x10100] =	vst v63  }
0x33: {  	v3 =	vld [tilespmem:$0x10];
	_ =	sdelay $0x4  }
0x34: {  	v57 =	vshll.u32 v3, $0x3  }
0x35: {  	v3 =	vand.u32 $0x7, v3;
	v4 =	vand.u32 $0xFFFFFFC0, v57  }
0x36: {  	v3 =	vor.u32 v3, v4  }
0x37: {  	v4 =	vperm.xlane v3, v0;
	_ =	sdelay $0x1  }
0x38: {  	v4 =	vadd.s32 v1, v4;
	_ =	sdelay $0x4  }
0x39: {  	[hbm4b:s2+s3] =	stream.indirect_vreg.scatter [tilespmem:s29], [sflag:$0x1], $0x80, v4, vm0, $0xb8;
	[tilespmem:$0x10100] =	vst v63  }
0x3a: {  	v3 =	vperm.xlane v3, v2  }
0x3b: {  	[hbm4b:s4+s3] =	stream.indirect_vreg.scatter [tilespmem:s30], [sflag:$0x1], $0x80, v4, vm0, $0xb8;
	[tilespmem:$0x10100] =	vst v63  }
0x3c: {  	v3 =	vadd.s32 v1, v3  }
0x3d: {  	[hbm4b:s5+s3] =	stream.indirect_vreg.scatter [tilespmem:s31], [sflag:$0x1], $0x80, v4, vm0, $0xb8;
	[tilespmem:$0x10100] =	vst v63  }
0x3e: {  	s1 =	simm.s32 $0x5900  }
0x3f: {  	[hbm4b:s6+s3] =	stream.indirect_vreg.scatter [tilespmem:s1], [sflag:$0x1], $0x80, v4, vm0, $0xb8;
	[tilespmem:$0x10100] =	vst v63  }
0x40: {  	s1 =	simm.s32 $0x6100  }
0x41: {  	[hbm4b:s2+s3] =	stream.indirect_vreg.scatter [tilespmem:s1], [sflag:$0x1], $0x80, v3, vm0, $0xb8;
	[tilespmem:$0x10100] =	vst v63  }
0x42: {  	_ = 	snop  }
0x43: {  	[hbm4b:s4+s3] =	stream.indirect_vreg.scatter [tilespmem:s10], [sflag:$0x1], $0x80, v3, vm0, $0xb8;
	[tilespmem:$0x10100] =	vst v63  }
0x44: {  	_ = 	snop  }
0x45: {  	[hbm4b:s5+s3] =	stream.indirect_vreg.scatter [tilespmem:s11], [sflag:$0x1], $0x80, v3, vm0, $0xb8;
	[tilespmem:$0x10100] =	vst v63  }
0x46: {  	_ = 	snop  }
0x47: {  	[hbm4b:s6+s3] =	stream.indirect_vreg.scatter [tilespmem:s12], [sflag:$0x1], $0x80, v3, vm0, $0xb8;
	[tilespmem:$0x10100] =	vst v63  }
0x48: {  	v3 =	vld [tilespmem:$0x20];
	_ =	sdelay $0x4  }
0x49: {  	v58 =	vshll.u32 v3, $0x3  }
0x4a: {  	v3 =	vand.u32 $0x7, v3;
	v4 =	vand.u32 $0xFFFFFFC0, v58  }
0x4b: {  	v3 =	vor.u32 v3, v4  }
0x4c: {  	v4 =	vperm.xlane v3, v0;
	_ =	sdelay $0x1  }
0x4d: {  	v4 =	vadd.s32 v1, v4;
	_ =	sdelay $0x4  }
0x4e: {  	[hbm4b:s2+s3] =	stream.indirect_vreg.scatter [tilespmem:s13], [sflag:$0x1], $0x80, v4, vm0, $0xb8;
	[tilespmem:$0x10100] =	vst v63  }
0x4f: {  	v3 =	vperm.xlane v3, v2  }
0x50: {  	[hbm4b:s4+s3] =	stream.indirect_vreg.scatter [tilespmem:s14], [sflag:$0x1], $0x80, v4, vm0, $0xb8;
	[tilespmem:$0x10100] =	vst v63  }
0x51: {  	v3 =	vadd.s32 v1, v3  }
0x52: {  	[hbm4b:s5+s3] =	stream.indirect_vreg.scatter [tilespmem:s15], [sflag:$0x1], $0x80, v4, vm0, $0xb8;
	[tilespmem:$0x10100] =	vst v63  }
0x53: {  	_ = 	snop  }
0x54: {  	[hbm4b:s6+s3] =	stream.indirect_vreg.scatter [tilespmem:s16], [sflag:$0x1], $0x80, v4, vm0, $0xb8;
	[tilespmem:$0x10100] =	vst v63  }
0x55: {  	_ = 	snop  }
0x56: {  	[hbm4b:s2+s3] =	stream.indirect_vreg.scatter [tilespmem:s17], [sflag:$0x1], $0x80, v3, vm0, $0xb8;
	[tilespmem:$0x10100] =	vst v63  }
0x57: {  	_ = 	snop  }
0x58: {  	[hbm4b:s4+s3] =	stream.indirect_vreg.scatter [tilespmem:s9], [sflag:$0x1], $0x80, v3, vm0, $0xb8;
	[tilespmem:$0x10100] =	vst v63  }
0x59: {  	s20 =	simm.s32 $0xB100  }
0x5a: {  	[hbm4b:s5+s3] =	stream.indirect_vreg.scatter [tilespmem:s20], [sflag:$0x1], $0x80, v3, vm0, $0xb8;
	[tilespmem:$0x10100] =	vst v63  }
0x5b: {  	s20 =	simm.s32 $0xB900  }
0x5c: {  	[hbm4b:s6+s3] =	stream.indirect_vreg.scatter [tilespmem:s20], [sflag:$0x1], $0x80, v3, vm0, $0xb8;
	[tilespmem:$0x10100] =	vst v63  }
0x5d: {  	v3 =	vld [tilespmem:$0x30];
	_ =	sdelay $0x4  }
0x5e: {  	v59 =	vshll.u32 v3, $0x3  }
0x5f: {  	v3 =	vand.u32 $0x7, v3;
	v4 =	vand.u32 $0xFFFFFFC0, v59  }
0x60: {  	v3 =	vor.u32 v3, v4  }
0x61: {  	v4 =	vperm.xlane v3, v0;
	_ =	sdelay $0x1  }
0x62: {  	v4 =	vadd.s32 v1, v4;
	_ =	sdelay $0x3  }
0x63: {  	s20 =	simm.s32 $0xC100  }
0x64: {  	[hbm4b:s2+s3] =	stream.indirect_vreg.scatter [tilespmem:s20], [sflag:$0x1], $0x80, v4, vm0, $0xb8;
	[tilespmem:$0x10100] =	vst v63  }
0x65: {  	v3 =	vperm.xlane v3, v2;
	s20 =	simm.s32 $0xC900  }
0x66: {  	[hbm4b:s4+s3] =	stream.indirect_vreg.scatter [tilespmem:s20], [sflag:$0x1], $0x80, v4, vm0, $0xb8;
	[tilespmem:$0x10100] =	vst v63  }
0x67: {  	v3 =	vadd.s32 v1, v3;
	s20 =	simm.s32 $0xD100  }
0x68: {  	[hbm4b:s5+s3] =	stream.indirect_vreg.scatter [tilespmem:s20], [sflag:$0x1], $0x80, v4, vm0, $0xb8;
	[tilespmem:$0x10100] =	vst v63  }
0x69: {  	s20 =	simm.s32 $0xD900  }
0x6a: {  	[hbm4b:s6+s3] =	stream.indirect_vreg.scatter [tilespmem:s20], [sflag:$0x1], $0x80, v4, vm0, $0xb8;
	[tilespmem:$0x10100] =	vst v63  }
0x6b: {  	s20 =	simm.s32 $0xE100  }
0x6c: {  	[hbm4b:s2+s3] =	stream.indirect_vreg.scatter [tilespmem:s20], [sflag:$0x1], $0x80, v3, vm0, $0xb8;
	[tilespmem:$0x10100] =	vst v63  }
0x6d: {  	s20 =	simm.s32 $0xE900  }
0x6e: {  	[hbm4b:s4+s3] =	stream.indirect_vreg.scatter [tilespmem:s20], [sflag:$0x1], $0x80, v3, vm0, $0xb8;
	[tilespmem:$0x10100] =	vst v63  }
0x6f: {  	s20 =	simm.s32 $0xF100  }
0x70: {  	[hbm4b:s5+s3] =	stream.indirect_vreg.scatter [tilespmem:s20], [sflag:$0x1], $0x80, v3, vm0, $0xb8;
	[tilespmem:$0x10100] =	vst v63  }
0x71: {  	s20 =	simm.s32 $0xF900  }
0x72: {  	[hbm4b:s6+s3] =	stream.indirect_vreg.scatter [tilespmem:s20], [sflag:$0x1], $0x80, v3, vm0, $0xb8;
	[tilespmem:$0x10100] =	vst v63  }
0x73: {  	_ =	swait.ge [sflag:s18], $0x10000  }
0x74: {  	s19 =	rddreg [dreg:$0x6];
	[sflag:s18] =	ssyncset.done $0x0  }
0x75: {  	s20 =	rddreg [dreg:$0x8];
	[sflag:s18] =	ssyncadd.s32 $0xFFFF0000  }
0x76: {  	[tilespmem:s20], [sflag:$0x2] =	stream.linear.gather [hbm4b:s19+s3], $0x40, $0x38;
	[tilespmem:$0x10100] =	vst v63  }
0x77: {  	_ =	swait.ge [sflag:s8], $0x40  }
0x78: {  	[sflag:s8] =	ssyncset.done $0x0  }
0x79: {  	s20 =	rddreg [dreg:$0x7];
	[sflag:s8] =	ssyncadd.s32 $0xFFFFFFC0  }
0x7a: {  	[tilespmem:s0], [sflag:$0x2] =	stream.linear.gather [hbm4b:s20+s3], $0x10000, $0x38;
	[tilespmem:$0x10100] =	vst v63  }
0x7b: {  	_ =	swait.ge [sflag:s8], $0x10000  }
0x7c: {  	[sflag:s8] =	ssyncset.done $0x0  }
0x7d: {  	[sflag:s8] =	ssyncadd.s32 $0xFFFF0000  }
0x7e: {  	v3 =	vld [tilespmem:$0x80];
	_ =	sdelay $0x4  }
0x7f: {  	v60 =	vshll.u32 v3, $0x3  }
0x80: {  	v3 =	vand.u32 $0x7, v3;
	v4 =	vand.u32 $0xFFFFFFC0, v60  }
0x81: {  	v3 =	vor.u32 v3, v4  }
0x82: {  	v4 =	vperm.xlane v3, v0;
	_ =	sdelay $0x1  }
0x83: {  	v4 =	vadd.s32 v1, v4;
	_ =	sdelay $0x4  }
0x84: {  	[hbm4b:s2+s3] =	stream.indirect_vreg.scatter [tilespmem:s0], [sflag:$0x1], $0x80, v4, vm0, $0xb8;
	[tilespmem:$0x10100] =	vst v63  }
0x85: {  	v3 =	vperm.xlane v3, v2  }
0x86: {  	[hbm4b:s4+s3] =	stream.indirect_vreg.scatter [tilespmem:s21], [sflag:$0x1], $0x80, v4, vm0, $0xb8;
	[tilespmem:$0x10100] =	vst v63  }
0x87: {  	v3 =	vadd.s32 v1, v3  }
0x88: {  	[hbm4b:s5+s3] =	stream.indirect_vreg.scatter [tilespmem:s22], [sflag:$0x1], $0x80, v4, vm0, $0xb8;
	[tilespmem:$0x10100] =	vst v63  }
0x89: {  	_ = 	snop  }
0x8a: {  	[hbm4b:s6+s3] =	stream.indirect_vreg.scatter [tilespmem:s23], [sflag:$0x1], $0x80, v4, vm0, $0xb8;
	[tilespmem:$0x10100] =	vst v63  }
0x8b: {  	_ = 	snop  }
0x8c: {  	[hbm4b:s2+s3] =	stream.indirect_vreg.scatter [tilespmem:s24], [sflag:$0x1], $0x80, v3, vm0, $0xb8;
	[tilespmem:$0x10100] =	vst v63  }
0x8d: {  	_ = 	snop  }
0x8e: {  	[hbm4b:s4+s3] =	stream.indirect_vreg.scatter [tilespmem:s25], [sflag:$0x1], $0x80, v3, vm0, $0xb8;
	[tilespmem:$0x10100] =	vst v63  }
0x8f: {  	_ = 	snop  }
0x90: {  	[hbm4b:s5+s3] =	stream.indirect_vreg.scatter [tilespmem:s26], [sflag:$0x1], $0x80, v3, vm0, $0xb8;
	[tilespmem:$0x10100] =	vst v63  }
0x91: {  	_ = 	snop  }
0x92: {  	[hbm4b:s6+s3] =	stream.indirect_vreg.scatter [tilespmem:s28], [sflag:$0x1], $0x80, v3, vm0, $0xb8;
	[tilespmem:$0x10100] =	vst v63  }
0x93: {  	v3 =	vld [tilespmem:$0x90];
	_ =	sdelay $0x4  }
0x94: {  	v61 =	vshll.u32 v3, $0x3  }
0x95: {  	v3 =	vand.u32 $0x7, v3;
	v4 =	vand.u32 $0xFFFFFFC0, v61  }
0x96: {  	v3 =	vor.u32 v3, v4  }
0x97: {  	v4 =	vperm.xlane v3, v0;
	_ =	sdelay $0x1  }
0x98: {  	v4 =	vadd.s32 v1, v4;
	_ =	sdelay $0x4  }
0x99: {  	[hbm4b:s2+s3] =	stream.indirect_vreg.scatter [tilespmem:s29], [sflag:$0x1], $0x80, v4, vm0, $0xb8;
	[tilespmem:$0x10100] =	vst v63  }
0x9a: {  	v3 =	vperm.xlane v3, v2  }
0x9b: {  	[hbm4b:s4+s3] =	stream.indirect_vreg.scatter [tilespmem:s30], [sflag:$0x1], $0x80, v4, vm0, $0xb8;
	[tilespmem:$0x10100] =	vst v63  }
0x9c: {  	v3 =	vadd.s32 v1, v3  }
0x9d: {  	[hbm4b:s5+s3] =	stream.indirect_vreg.scatter [tilespmem:s31], [sflag:$0x1], $0x80, v4, vm0, $0xb8;
	[tilespmem:$0x10100] =	vst v63  }
0x9e: {  	s19 =	simm.s32 $0x5900  }
0x9f: {  	[hbm4b:s6+s3] =	stream.indirect_vreg.scatter [tilespmem:s19], [sflag:$0x1], $0x80, v4, vm0, $0xb8;
	[tilespmem:$0x10100] =	vst v63  }
0xa0: {  	_ = 	snop  }
0xa1: {  	[hbm4b:s2+s3] =	stream.indirect_vreg.scatter [tilespmem:s1], [sflag:$0x1], $0x80, v3, vm0, $0xb8;
	[tilespmem:$0x10100] =	vst v63  }
0xa2: {  	_ = 	snop  }
0xa3: {  	[hbm4b:s4+s3] =	stream.indirect_vreg.scatter [tilespmem:s10], [sflag:$0x1], $0x80, v3, vm0, $0xb8;
	[tilespmem:$0x10100] =	vst v63  }
0xa4: {  	_ = 	snop  }
0xa5: {  	[hbm4b:s5+s3] =	stream.indirect_vreg.scatter [tilespmem:s11], [sflag:$0x1], $0x80, v3, vm0, $0xb8;
	[tilespmem:$0x10100] =	vst v63  }
0xa6: {  	_ = 	snop  }
0xa7: {  	[hbm4b:s6+s3] =	stream.indirect_vreg.scatter [tilespmem:s12], [sflag:$0x1], $0x80, v3, vm0, $0xb8;
	[tilespmem:$0x10100] =	vst v63  }
0xa8: {  	v3 =	vld [tilespmem:$0xA0];
	_ =	sdelay $0x4  }
0xa9: {  	v62 =	vshll.u32 v3, $0x3  }
0xaa: {  	v3 =	vand.u32 $0x7, v3;
	v4 =	vand.u32 $0xFFFFFFC0, v62  }
0xab: {  	v3 =	vor.u32 v3, v4  }
0xac: {  	v4 =	vperm.xlane v3, v0;
	_ =	sdelay $0x1  }
0xad: {  	v4 =	vadd.s32 v1, v4;
	_ =	sdelay $0x4  }
0xae: {  	[hbm4b:s2+s3] =	stream.indirect_vreg.scatter [tilespmem:s13], [sflag:$0x1], $0x80, v4, vm0, $0xb8;
	[tilespmem:$0x10100] =	vst v63  }
0xaf: {  	v3 =	vperm.xlane v3, v2  }
0xb0: {  	[hbm4b:s4+s3] =	stream.indirect_vreg.scatter [tilespmem:s14], [sflag:$0x1], $0x80, v4, vm0, $0xb8;
	[tilespmem:$0x10100] =	vst v63  }
0xb1: {  	v3 =	vadd.s32 v1, v3  }
0xb2: {  	[hbm4b:s5+s3] =	stream.indirect_vreg.scatter [tilespmem:s15], [sflag:$0x1], $0x80, v4, vm0, $0xb8;
	[tilespmem:$0x10100] =	vst v63  }
0xb3: {  	_ = 	snop  }
0xb4: {  	[hbm4b:s6+s3] =	stream.indirect_vreg.scatter [tilespmem:s16], [sflag:$0x1], $0x80, v4, vm0, $0xb8;
	[tilespmem:$0x10100] =	vst v63  }
0xb5: {  	_ = 	snop  }
0xb6: {  	[hbm4b:s2+s3] =	stream.indirect_vreg.scatter [tilespmem:s17], [sflag:$0x1], $0x80, v3, vm0, $0xb8;
	[tilespmem:$0x10100] =	vst v63  }
0xb7: {  	_ = 	snop  }
0xb8: {  	[hbm4b:s4+s3] =	stream.indirect_vreg.scatter [tilespmem:s9], [sflag:$0x1], $0x80, v3, vm0, $0xb8;
	[tilespmem:$0x10100] =	vst v63  }
0xb9: {  	s20 =	simm.s32 $0xB100  }
0xba: {  	[hbm4b:s5+s3] =	stream.indirect_vreg.scatter [tilespmem:s20], [sflag:$0x1], $0x80, v3, vm0, $0xb8;
	[tilespmem:$0x10100] =	vst v63  }
0xbb: {  	s1 =	simm.s32 $0xB900  }
0xbc: {  	[hbm4b:s6+s3] =	stream.indirect_vreg.scatter [tilespmem:s1], [sflag:$0x1], $0x80, v3, vm0, $0xb8;
	[tilespmem:$0x10100] =	vst v63  }
0xbd: {  	v3 =	vld [tilespmem:$0xB0];
	_ =	sdelay $0x4  }
0xbe: {  	v63 =	vshll.u32 v3, $0x3  }
0xbf: {  	v3 =	vand.u32 $0x7, v3;
	v4 =	vand.u32 $0xFFFFFFC0, v63  }
0xc0: {  	v3 =	vor.u32 v3, v4  }
0xc1: {  	v4 =	vperm.xlane v3, v0;
	_ =	sdelay $0x1  }
0xc2: {  	v4 =	vadd.s32 v1, v4;
	_ =	sdelay $0x3  }
0xc3: {  	s19 =	simm.s32 $0xC100  }
0xc4: {  	[hbm4b:s2+s3] =	stream.indirect_vreg.scatter [tilespmem:s19], [sflag:$0x1], $0x80, v4, vm0, $0xb8;
	[tilespmem:$0x10100] =	vst v63  }
0xc5: {  	s20 =	simm.s32 $0xC900;
	v3 =	vperm.xlane v3, v2  }
0xc6: {  	[hbm4b:s4+s3] =	stream.indirect_vreg.scatter [tilespmem:s20], [sflag:$0x1], $0x80, v4, vm0, $0xb8;
	[tilespmem:$0x10100] =	vst v63  }
0xc7: {  	s1 =	simm.s32 $0xD100;
	v3 =	vadd.s32 v1, v3  }
0xc8: {  	[hbm4b:s5+s3] =	stream.indirect_vreg.scatter [tilespmem:s1], [sflag:$0x1], $0x80, v4, vm0, $0xb8;
	[tilespmem:$0x10100] =	vst v63  }
0xc9: {  	s19 =	simm.s32 $0xD900  }
0xca: {  	[hbm4b:s6+s3] =	stream.indirect_vreg.scatter [tilespmem:s19], [sflag:$0x1], $0x80, v4, vm0, $0xb8;
	[tilespmem:$0x10100] =	vst v63  }
0xcb: {  	s20 =	simm.s32 $0xE100  }
0xcc: {  	[hbm4b:s2+s3] =	stream.indirect_vreg.scatter [tilespmem:s20], [sflag:$0x1], $0x80, v3, vm0, $0xb8;
	[tilespmem:$0x10100] =	vst v63  }
0xcd: {  	s1 =	simm.s32 $0xE900  }
0xce: {  	[hbm4b:s4+s3] =	stream.indirect_vreg.scatter [tilespmem:s1], [sflag:$0x1], $0x80, v3, vm0, $0xb8;
	[tilespmem:$0x10100] =	vst v63  }
0xcf: {  	p0 =	sne.s32 s7, $0x1;
	s19 =	simm.s32 $0xF100  }
0xd0: {  	[hbm4b:s5+s3] =	stream.indirect_vreg.scatter [tilespmem:s19], [sflag:$0x1], $0x80, v3, vm0, $0xb8;
	[tilespmem:$0x10100] =	vst v63  }
.Ltmp0:
0xd1: {  	s20 =	simm.s32 $0xF900;
	(pc) =	sbr.rel @p0 .LBB2_1-.Ltmp0, $4  }
0xd2: {  	[hbm4b:s6+s3] =	stream.indirect_vreg.scatter [tilespmem:s20], [sflag:$0x1], $0x80, v3, vm0, $0xb8;
	[tilespmem:$0x10100] =	vst v63  }
0xd3: {  	_ =	swait.ge [sflag:s18], $0x10000  }
0xd4: {  	[sflag:s18] =	ssyncset.done $0x0  }
0xd5: {  	s7 =	sadd.s32 $0xFFFFFFFF, s7;
	[sflag:s18] =	ssyncadd.s32 $0xFFFF0000  }
0xd6: {  	_ =	sfence.sel $0x180000  }
0xd7: {  	[bflag:$0x0] =	sbarrier.arrive $0xFFFF  }
0xd8: {  	_ =	strace $0x9000004D  }
0xd9: {  	s0 =	stileid.u32;
	[bflag:$0x2] =	sbarrier.arrive $0xFFFF  }
0xda: {  	p0 =	sne.s32 s0, $0x0;
	s0 =	rddreg [dreg:$0x3]  }
0xdb: {  	s0 =	sadd.s32 @!p0 $0x100000, s0  }
0xdc: {  	[sflag:s0] =	ssyncadd.tile.s32 @!p0 $0x1;
	_ =	shalt  }
.Lfunc_end2:
_tile_overlayer_lowered:
.L_overlay_start_2:
0xdd: {  	(tag) =	ssettag $0x2  }
0xde: {  	s0 =	rddreg [dreg:$0x0];
	s2 =	stileid.u32  }
0xdf: {  	s1 =	rddreg [dreg:$0x1];
	p0 =	sne.s32 s2, $0x0  }
0xe0: {  	s3 =	rddreg [dreg:$0x2];
	[bflag:$0x3] =	sbarrier.arrive $0xFFFF;
	s2 =	simm.s32 @!p0 $0x1C02  }
0xe1: {  	[timem:s3], [sflag:s2] =	dma.local @!p0 [hbm:s0], s1  }
0xe2: {  	s0 =	simm.s32 @!p0 $0x2  }
0xe3: {  	_ =	swait.ge @!p0 [sflag:s0], s1  }
0xe4: {  	s1 =	ssub.s32 @!p0 $0x0, s1;
	[sflag:s0] =	ssyncset.done @!p0 $0x0  }
0xe5: {  	[sflag:s0] =	ssyncadd.s32 @!p0 s1  }
0xe6: {  	[bflag:$0x3] =	sbarrier.arrive $0xFFFF  }
0xe7: {  	_ =	shalt  }

// kernel: kernel.13.cloned.1.call-start
scs
__scs_entry_jumppad:
0x0: {  	(pc) =	sbr.rel $0x88, $3  }
0x1: {  	(tag) =	ssettag $0x0;
	lr =	simm.s32 $0x1  }
0x2: {  	[smem:$0x3F9A] =	sst lr;
	_ =	strace $0xD0000000  }
0x3: {  	_ = 	snop  }
0x4: {  	_ = 	snop  }
0x5: {  	_ = 	snop  }
0x6: {  	_ = 	snop  }
0x7: {  	_ = 	snop  }
__scs_overlays_trampoline_lowered:
0x8: {  	[smem:$0x3FA9] =	sst s0  }
0x9: {  	[smem:$0x3FAA] =	sst s1  }
0xa: {  	[smem:$0x3FAB] =	sst s2  }
0xb: {  	[smem:$0x3FAC] =	sst s3  }
0xc: {  	[smem:$0x3FAD] =	sst s4  }
0xd: {  	[smem:$0x3FAE] =	sst s5  }
0xe: {  	[smem:$0x3FAF] =	sst s6  }
0xf: {  	[smem:$0x3FB0] =	sst s7  }
0x10: {  	[smem:$0x3FB1] =	sst s8  }
0x11: {  	[smem:$0x3FB2] =	sst s9;
	s0 =	simm.s32 @!p0 $0x0  }
0x12: {  	s1 =	sld [smem:$0x3F98];
	s0 =	simm.s32 @p0 $0x1  }
0x13: {  	[smem:$0x3FB3] =	sst s0;
	s0 =	simm.s32 @!p1 $0x0  }
0x14: {  	s2 =	sld [smem:$0x3F97];
	s0 =	simm.s32 @p1 $0x1  }
0x15: {  	[smem:$0x3FB4] =	sst s0;
	s0 =	simm.s32 @!p2 $0x0  }
0x16: {  	s3 =	sld [smem:$0x3FDB];
	s0 =	simm.s32 @p2 $0x1  }
0x17: {  	s4 =	simm.s32 $0x1BF5;
	[smem:$0x3FB6] =	sst s0  }
0x18: {  	s0 =	sld [smem:$0x3F99];
	_ =	swait.ge [sflag:s4], $0x0  }
0x19: {  	s7 =	sld [smem:$0x3F9A]  }
0x1a: {  	s8 =	sadd.s32 $0xFFFFE003, lr  }
0x1b: {  	s9 =	sadd.s32 $0xFFFFFEF7, lr;
	s5 =	simm.s32 $0xFFFFFFFF;
	p2 =	slt.u32 s8, $0xFFFFF086  }
0x1c: {  	p1 =	slt.u32 s9, $0xF7A;
	s5 =	simm.s32 @!p2 $0x0  }
0x1d: {  	s5 =	simm.s32 @p1 $0x1;
	p0 =	seq.s32 s7, s2  }
0x1e: {  	s7 =	smul.u32 @!p0 $0xF7A, s2;
	p2 =	seq.s32 @!p0 s5, $0x0  }
0x1f: {  	s9 =	smul.u32 $0xF7A, s1;
	s8 =	simm.s32 @!p0 $0x1BF5;
	p2 =	por !p2, p0  }
0x20: {  	[sflag:s8] =	ssyncset.s32 @!p0 $0xFFFFF086;
	s6 =	sadd.s32 @!p0 s3, s7;
	s7 =	simm.s32 @!p0 $0x108  }
0x21: {  	s3 =	sadd.s32 s3, s9;
	s6 =	sadd.s32 @!p0 $0x88, s6;
	s7 =	simm.s32 @p2 $0x1082  }
0x22: {  	[simem:s7], [sflag:s8] =	dma.local @!p0 [hbm:s6], $0xF7A  }
0x23: {  	s9 =	sor.u32 $0xD0000000, s2;
	s6 =	simm.s32 $0x108;
	_ =	swait.ge @!p0 [sflag:s8], $0x0  }
0x24: {  	s3 =	sadd.s32 $0x88, s3;
	s6 =	simm.s32 @!p1 $0x1082;
	[sflag:s4] =	ssyncset.s32 $0xFFFFF086  }
0x25: {  	[simem:s6], [sflag:s4] =	dma.local [hbm:s3], $0xF7A  }
0x26: {  	[smem:$0x3F9A] =	sst s1;
	(tag) =	ssettag s2;
	_ =	strace s9  }
0x27: {  	s1 =	sld [smem:$0x3FAA]  }
0x28: {  	s2 =	sld [smem:$0x3FAB]  }
0x29: {  	s4 =	sld [smem:$0x3FAD]  }
0x2a: {  	p0 =	seq.s32 s5, $0x0;
	s5 =	sld [smem:$0x3FAE]  }
0x2b: {  	s6 =	sld [smem:$0x3FAF]  }
0x2c: {  	s7 =	sld [smem:$0x3FB0]  }
0x2d: {  	s3 =	simm.s32 $0x108;
	s8 =	sld [smem:$0x3FB1]  }
0x2e: {  	s3 =	simm.s32 @!p0 $0x1082;
	s9 =	sld [smem:$0x3FB2]  }
0x2f: {  	lr =	sadd.s32 s0, s3;
	s0 =	sld [smem:$0x3FA9]  }
0x30: {  	s3 =	sld [smem:$0x3FAC]  }
0x31: {  	[smem:$0x3FB5] =	sst s10  }
0x32: {  	s10 =	sld [smem:$0x3FB3];
	_ =	sdelay $0x3  }
0x33: {  	p0 =	seq.s32 s10, $0x1;
	s10 =	sld [smem:$0x3FB5];
	_ =	sdelay $0x3  }
0x34: {  	[smem:$0x3FB5] =	sst s10  }
0x35: {  	s10 =	sld [smem:$0x3FB4];
	_ =	sdelay $0x3  }
0x36: {  	p1 =	seq.s32 s10, $0x1;
	s10 =	sld [smem:$0x3FB5];
	_ =	sdelay $0x3  }
0x37: {  	[smem:$0x3FB5] =	sst s10  }
0x38: {  	s10 =	sld [smem:$0x3FB6]  }
0x39: {  	_ = 	snop;
	(pc) =	sbr.ind lr, $3  }
0x3a: {  	_ = 	snop  }
0x3b: {  	_ = 	snop  }
0x3c: {  	p2 =	seq.s32 s10, $0x1;
	s10 =	sld [smem:$0x3FB5]  }
0x3d: {  	_ =	shalt  }
0x3e: {  	_ =	shalt  }
0x3f: {  	_ =	shalt  }
0x40: {  	_ =	shalt  }
0x41: {  	_ =	shalt  }
0x42: {  	_ =	shalt  }
0x43: {  	_ =	shalt  }
0x44: {  	_ =	shalt  }
0x45: {  	_ =	shalt  }
0x46: {  	_ =	shalt  }
0x47: {  	_ =	shalt  }
0x48: {  	_ =	shalt  }
0x49: {  	_ =	shalt  }
0x4a: {  	_ =	shalt  }
0x4b: {  	_ =	shalt  }
0x4c: {  	_ =	shalt  }
0x4d: {  	_ =	shalt  }
0x4e: {  	_ =	shalt  }
0x4f: {  	_ =	shalt  }
0x50: {  	_ =	shalt  }
0x51: {  	_ =	shalt  }
0x52: {  	_ =	shalt  }
0x53: {  	_ =	shalt  }
0x54: {  	_ =	shalt  }
0x55: {  	_ =	shalt  }
0x56: {  	_ =	shalt  }
0x57: {  	_ =	shalt  }
0x58: {  	_ =	shalt  }
0x59: {  	_ =	shalt  }
0x5a: {  	_ =	shalt  }
0x5b: {  	_ =	shalt  }
0x5c: {  	_ =	shalt  }
0x5d: {  	_ =	shalt  }
0x5e: {  	_ =	shalt  }
0x5f: {  	_ =	shalt  }
0x60: {  	_ =	shalt  }
0x61: {  	_ =	shalt  }
0x62: {  	_ =	shalt  }
0x63: {  	_ =	shalt  }
0x64: {  	_ =	shalt  }
0x65: {  	_ =	shalt  }
0x66: {  	_ =	shalt  }
0x67: {  	_ =	shalt  }
0x68: {  	_ =	shalt  }
0x69: {  	_ =	shalt  }
0x6a: {  	_ =	shalt  }
0x6b: {  	_ =	shalt  }
0x6c: {  	_ =	shalt  }
0x6d: {  	_ =	shalt  }
0x6e: {  	_ =	shalt  }
0x6f: {  	_ =	shalt  }
0x70: {  	_ =	shalt  }
0x71: {  	_ =	shalt  }
0x72: {  	_ =	shalt  }
0x73: {  	_ =	shalt  }
0x74: {  	_ =	shalt  }
0x75: {  	_ =	shalt  }
0x76: {  	_ =	shalt  }
0x77: {  	_ =	shalt  }
0x78: {  	_ =	shalt  }
0x79: {  	_ =	shalt  }
0x7a: {  	_ =	shalt  }
0x7b: {  	_ =	shalt  }
0x7c: {  	_ =	shalt  }
0x7d: {  	_ =	shalt  }
0x7e: {  	_ =	shalt  }
0x7f: {  	_ =	shalt  }
0x80: {  	_ =	shalt  }
0x81: {  	_ =	shalt  }
0x82: {  	_ =	shalt  }
0x83: {  	_ =	shalt  }
0x84: {  	_ =	shalt  }
0x85: {  	_ =	shalt  }
0x86: {  	_ =	shalt  }
0x87: {  	_ =	shalt  }
.Lfunc_end0:
.L_simem_size_0:
called_computation.3_lowered:
.L_overlay_start_0:
0x88: {  	s2 =	sld [smem:$0x3FD9]  }
0x89: {  	s3 =	sld [smem:$0x3FFE];
	_ =	sdelay $0x1  }
0x8a: {  	s1 =	srdreg.scid  }
0x8b: {  	s0 =	sand.u32 $0x1, s1  }
0x8c: {  	s17 =	sshll.u32 s0, $0xA;
	s2 =	sadd.s32 s3, s2  }
0x8d: {  	s2 =	sadd.s32 s2, s17  }
0x8e: {  	[smem:$0x3FC1] =	sst s2  }
0x8f: {  	_ = 	snop  }
0x90: {  	s2 =	sld [smem:$0x3FD0];
	(tm) =	ssettm $0x1  }
0x91: {  	s18 =	sld [smem:$0x3FFB];
	_ =	sdelay $0x3  }
0x92: {  	_ =	strace s18  }
0x93: {  	s3 =	sld [smem:$0x3FFC];
	_ =	sdelay $0x3  }
0x94: {  	_ =	strace s3  }
0x95: {  	s3 =	sld [smem:$0x3FFD];
	_ =	sdelay $0x3  }
0x96: {  	_ =	strace s3  }
0x97: {  	_ =	strace $0x8FFFFFFF  }
0x98: {  	s19 =	sld [smem:$0x3FDB];
	_ =	sdelay $0x1  }
0x99: {  	s4 =	simm.s32 $_scs_section_size  }
0x9a: {  	s5 =	simm.s32 $_size__tile_overlayer_lowered;
	s6 =	simm.s32 $_tile_overlayer_lowered  }
0x9b: {  	s22 =	simm.s32 $0x1BFF;
	s21 =	sshll.u32 s6, $0x1;
	s3 =	sadd.s32 s4, s19  }
0x9c: {  	s7 =	simm.s32 $0x0;
	s20 =	sshll.u32 s5, $0x1;
	s5 =	sadd.s32 s21, s3  }
0x9d: {  	[timem:s7], [sflag:s22] =	dma.local [hbm:s5], s20  }
0x9e: {  	_ =	swait.ge [sflag:s22], s20  }
0x9f: {  	s4 =	ssub.s32 $0x0, s20;
	[sflag:s22] =	ssyncset.done $0x0  }
0xa0: {  	[sflag:s22] =	ssyncadd.s32 s4;
	_ =	sdelay $0x1  }
0xa1: {  	s23 =	simm.s32 $0x1B8B  }
0xa2: {  	_ =	swait.ge [sflag:s23], $0x1  }
0xa3: {  	[sflag:s23] =	ssyncset.done $0x0  }
0xa4: {  	s25 =	simm.s32 $0x1B8E;
	s24 =	sld [smem:$0x3FFE];
	[sflag:s23] =	ssyncadd.s32 $0xFFFFFFFF  }
0xa5: {  	s26 =	simm.s32 $execute0_lowered;
	[smem:$0x3FD2] =	sst s25  }
0xa6: {  	s5 =	sshll.u32 s26, $0x1;
	_ =	strace $0x8000004F;
	[dreg:$0x1] =	wrdreg $0xFFFFFFFF  }
0xa7: {  	s28 =	simm.s32 $_size_execute0_lowered;
	s3 =	sadd.s32 s3, s5;
	[dreg:$0x0] =	wrdreg $0x0  }
0xa8: {  	s5 =	sshll.u32 s28, $0x1;
	[dreg:$0x2] =	wrdreg s3  }
0xa9: {  	[dreg:$0x3] =	wrdreg s5  }
0xaa: {  	[dreg:$0x4] =	wrdreg $0xC0  }
0xab: {  	_ =	task [dreg:s7], $0x5FFFF  }
0xac: {  	[dreg:$0x1] =	wrdreg $0xFFFFFFFF  }
0xad: {  	[dreg:$0x0] =	wrdreg $0x60  }
0xae: {  	[dreg:$0x2] =	wrdreg s24  }
0xaf: {  	[dreg:$0x3] =	wrdreg s2  }
0xb0: {  	[dreg:$0x4] =	wrdreg $0x9  }
0xb1: {  	_ =	task.clear_ibuf [dreg:s7], $0x5FFFF;
	_ =	strace $0x9000004F  }
0xb2: {  	s29 =	simm.s32 $0x9;
	_ =	strace $0x80000051  }
0xb3: {  	_ =	swait.ge [sflag:s29], $0x1  }
0xb4: {  	[sflag:s29] =	ssyncadd.s32 $0xFFFFFFFF  }
0xb5: {  	_ =	strace $0x90000051  }
0xb6: {  	_ =	sfence  }
0xb7: {  	s30 =	sld [smem:$0x0];
	_ =	sdelay $0x2  }
0xb8: {  	s31 =	sshll.u32 s1, $0xD;
	s1 =	sshrl.u32 s1, $0x2  }
0xb9: {  	s3 =	sand.u32 $0x4000, s31;
	s1 =	sadd.s32 s1, s30  }
0xba: {  	s0 =	sor.u32 s3, s0;
	s1 =	sshll.u32 s1, $0x11  }
0xbb: {  	s0 =	sor.u32 s1, s0  }
0xbc: {  	s0 =	sadd.s32 $0x8F2B, s0  }
0xbd: {  	[sflag:s0] =	ssyncadd.remote.s32 $0x1  }
0xbe: {  	_ =	sfence.sel $0xFFFF  }
0xbf: {  	[dreg:$0x0] =	wrdreg $0xFFFFFFFF;
	(pc) =	sbr.abs _section_cstart, $3  }
0xc0: {  	[dreg:$0x1] =	wrdreg $0xFFFFFFFF  }
0xc1: {  	_ =	task.clear_ibuf [dreg:s7], $0x2FFFF;
	_ =	strace $0x9FFFFFFF  }
0xc2: {  	(tm) =	ssettm $0x7FFFFFFF  }
0xc3: {  	_ =	shalt  }
tec
execute0_lowered:
.L_overlay_start_1:
0x0: {  	(tag) =	ssettag $0x1  }
0x1: {  	s0 =	rddreg [dreg:$0x0]  }
0x2: {  	s1 =	rddreg [dreg:$0x1];
	s2 =	srdreg.scid  }
0x3: {  	s4 =	stileid.u32;
	s9 =	simm.s32 $0x2;
	s19 =	simm.s32 $0x1  }
0x4: {  	s21 =	simm.s32 $0x880;
	s22 =	simm.s32 $0x1080;
	s23 =	simm.s32 $0x1880  }
0x5: {  	s24 =	simm.s32 $0x2080;
	s28 =	simm.s32 $0x3880;
	s29 =	simm.s32 $0x4080  }
0x6: {  	s30 =	simm.s32 $0x4880;
	s31 =	simm.s32 $0x5080;
	s11 =	simm.s32 $0x6880  }
0x7: {  	s12 =	simm.s32 $0x7080;
	s13 =	simm.s32 $0x7880;
	s14 =	simm.s32 $0x8880  }
0x8: {  	s15 =	simm.s32 $0x9080;
	s16 =	simm.s32 $0x9880;
	s17 =	simm.s32 $0xA080  }
0x9: {  	s18 =	simm.s32 $0xA880;
	s10 =	simm.s32 $0xB080;
	s3 =	sand.u32 $0x1, s2  }
0xa: {  	s2 =	simm.s32 $0x0;
	s4 =	sshll.u32 s4, $0x8;
	s5 =	sshll.u32 s3, $0x7  }
0xb: {  	[smem:$0x7FF] =	sst s2;
	s6 =	ssub.s32 $0x2, s3;
	s3 =	sadd.s32 $0x800, s0  }
0xc: {  	s4 =	sor.u32 s5, s4;
	_ =	strace $0x80000050;
	s7 =	sshrl.u32 s6, $0x1  }
0xd: {  	s5 =	sshrl.u32 s4, $0x3;
	s8 =	ssub.s32 s6, s7;
	s25 =	sshll.u32 s4, $0x7  }
0xe: {  	s4 =	sadd.s32 $0x900, s0;
	s6 =	sadd.s32 $0xA00, s0;
	s7 =	sadd.s32 $0xB00, s0  }
0xf: {  	s5 =	sadd.s32 s5, s0;
	s1 =	sadd.s32 s1, s25;
	s8 =	smax.u32 s8, $0x1  }
0x10: {  	v2 =	vlaneseq.u32;
	s0 =	simm.s32 $0x80;
	s5 =	sadd.s32 $0x600, s5;
	[dreg:$0x5] =	wrdreg s1  }
0x11: {  	vm0 =	vmmov $0xffff;
	v1 =	vshrl.u32 v2, $0x3;
	s25 =	simm.s32 $0x2880;
	s26 =	sadd.s32 $0x2000, s1;
	[dreg:$0x3] =	wrdreg s5  }
0x12: {  	v0 =	vand.u32 $0x7, v2;
	v2 =	vor.u32 $0x8, v2;
	v1 =	vmul.u32 $0x8, v1;
	[dreg:$0x4] =	wrdreg s26;
	s26 =	simm.s32 $0x3080;
	s5 =	simm.s32 $0x8080  }
.LBB2_1:
0x13: {  	s20 =	rddreg [dreg:$0x3]  }
0x14: {  	[tilespmem:s2], [sflag:$0x2] =	stream.linear.gather [hbm4b:s20+s2], $0x80, $0x38;
	[tilespmem:$0x10080] =	vst v63  }
0x15: {  	_ =	swait.ge [sflag:s9], $0x80  }
0x16: {  	[sflag:s9] =	ssyncset.done $0x0  }
0x17: {  	[sflag:s9] =	ssyncadd.s32 $0xFFFFFF80  }
0x18: {  	v3 =	vld [tilespmem:$0x0];
	_ =	sdelay $0x4  }
0x19: {  	v4 =	vshll.u32 v3, $0x3  }
0x1a: {  	v3 =	vand.u32 $0x7, v3;
	v4 =	vand.u32 $0xFFFFFFC0, v4  }
0x1b: {  	v3 =	vor.u32 v3, v4  }
0x1c: {  	v4 =	vperm.xlane v3, v0;
	_ =	sdelay $0x1  }
0x1d: {  	v4 =	vadd.s32 v1, v4;
	_ =	sdelay $0x4  }
0x1e: {  	[tilespmem:s0], [sflag:$0x1] =	stream.indirect_vreg.gather [hbm4b:s3+s2], $0x80, v4, vm0, $0xb8;
	[tilespmem:$0x10080] =	vst v63  }
0x1f: {  	v3 =	vperm.xlane v3, v2  }
0x20: {  	[tilespmem:s21], [sflag:$0x1] =	stream.indirect_vreg.gather [hbm4b:s4+s2], $0x80, v4, vm0, $0xb8;
	[tilespmem:$0x10080] =	vst v63  }
0x21: {  	v3 =	vadd.s32 v1, v3  }
0x22: {  	[tilespmem:s22], [sflag:$0x1] =	stream.indirect_vreg.gather [hbm4b:s6+s2], $0x80, v4, vm0, $0xb8;
	[tilespmem:$0x10080] =	vst v63  }
0x23: {  	_ = 	snop  }
0x24: {  	[tilespmem:s23], [sflag:$0x1] =	stream.indirect_vreg.gather [hbm4b:s7+s2], $0x80, v4, vm0, $0xb8;
	[tilespmem:$0x10080] =	vst v63  }
0x25: {  	_ = 	snop  }
0x26: {  	[tilespmem:s24], [sflag:$0x1] =	stream.indirect_vreg.gather [hbm4b:s3+s2], $0x80, v3, vm0, $0xb8;
	[tilespmem:$0x10080] =	vst v63  }
0x27: {  	_ = 	snop  }
0x28: {  	[tilespmem:s25], [sflag:$0x1] =	stream.indirect_vreg.gather [hbm4b:s4+s2], $0x80, v3, vm0, $0xb8;
	[tilespmem:$0x10080] =	vst v63  }
0x29: {  	_ = 	snop  }
0x2a: {  	[tilespmem:s26], [sflag:$0x1] =	stream.indirect_vreg.gather [hbm4b:s6+s2], $0x80, v3, vm0, $0xb8;
	[tilespmem:$0x10080] =	vst v63  }
0x2b: {  	_ = 	snop  }
0x2c: {  	[tilespmem:s28], [sflag:$0x1] =	stream.indirect_vreg.gather [hbm4b:s7+s2], $0x80, v3, vm0, $0xb8;
	[tilespmem:$0x10080] =	vst v63  }
0x2d: {  	v3 =	vld [tilespmem:$0x10];
	_ =	sdelay $0x4  }
0x2e: {  	v57 =	vshll.u32 v3, $0x3  }
0x2f: {  	v3 =	vand.u32 $0x7, v3;
	v4 =	vand.u32 $0xFFFFFFC0, v57  }
0x30: {  	v3 =	vor.u32 v3, v4  }
0x31: {  	v4 =	vperm.xlane v3, v0;
	_ =	sdelay $0x1  }
0x32: {  	v4 =	vadd.s32 v1, v4;
	_ =	sdelay $0x4  }
0x33: {  	[tilespmem:s29], [sflag:$0x1] =	stream.indirect_vreg.gather [hbm4b:s3+s2], $0x80, v4, vm0, $0xb8;
	[tilespmem:$0x10080] =	vst v63  }
0x34: {  	v3 =	vperm.xlane v3, v2  }
0x35: {  	[tilespmem:s30], [sflag:$0x1] =	stream.indirect_vreg.gather [hbm4b:s4+s2], $0x80, v4, vm0, $0xb8;
	[tilespmem:$0x10080] =	vst v63  }
0x36: {  	v3 =	vadd.s32 v1, v3  }
0x37: {  	[tilespmem:s31], [sflag:$0x1] =	stream.indirect_vreg.gather [hbm4b:s6+s2], $0x80, v4, vm0, $0xb8;
	[tilespmem:$0x10080] =	vst v63  }
0x38: {  	s1 =	simm.s32 $0x5880  }
0x39: {  	[tilespmem:s1], [sflag:$0x1] =	stream.indirect_vreg.gather [hbm4b:s7+s2], $0x80, v4, vm0, $0xb8;
	[tilespmem:$0x10080] =	vst v63  }
0x3a: {  	s1 =	simm.s32 $0x6080  }
0x3b: {  	[tilespmem:s1], [sflag:$0x1] =	stream.indirect_vreg.gather [hbm4b:s3+s2], $0x80, v3, vm0, $0xb8;
	[tilespmem:$0x10080] =	vst v63  }
0x3c: {  	_ = 	snop  }
0x3d: {  	[tilespmem:s11], [sflag:$0x1] =	stream.indirect_vreg.gather [hbm4b:s4+s2], $0x80, v3, vm0, $0xb8;
	[tilespmem:$0x10080] =	vst v63  }
0x3e: {  	_ = 	snop  }
0x3f: {  	[tilespmem:s12], [sflag:$0x1] =	stream.indirect_vreg.gather [hbm4b:s6+s2], $0x80, v3, vm0, $0xb8;
	[tilespmem:$0x10080] =	vst v63  }
0x40: {  	_ = 	snop  }
0x41: {  	[tilespmem:s13], [sflag:$0x1] =	stream.indirect_vreg.gather [hbm4b:s7+s2], $0x80, v3, vm0, $0xb8;
	[tilespmem:$0x10080] =	vst v63  }
0x42: {  	v3 =	vld [tilespmem:$0x20];
	_ =	sdelay $0x4  }
0x43: {  	v58 =	vshll.u32 v3, $0x3  }
0x44: {  	v3 =	vand.u32 $0x7, v3;
	v4 =	vand.u32 $0xFFFFFFC0, v58  }
0x45: {  	v3 =	vor.u32 v3, v4  }
0x46: {  	v4 =	vperm.xlane v3, v0;
	_ =	sdelay $0x1  }
0x47: {  	v4 =	vadd.s32 v1, v4;
	_ =	sdelay $0x4  }
0x48: {  	[tilespmem:s5], [sflag:$0x1] =	stream.indirect_vreg.gather [hbm4b:s3+s2], $0x80, v4, vm0, $0xb8;
	[tilespmem:$0x10080] =	vst v63  }
0x49: {  	v3 =	vperm.xlane v3, v2  }
0x4a: {  	[tilespmem:s14], [sflag:$0x1] =	stream.indirect_vreg.gather [hbm4b:s4+s2], $0x80, v4, vm0, $0xb8;
	[tilespmem:$0x10080] =	vst v63  }
0x4b: {  	v3 =	vadd.s32 v1, v3  }
0x4c: {  	[tilespmem:s15], [sflag:$0x1] =	stream.indirect_vreg.gather [hbm4b:s6+s2], $0x80, v4, vm0, $0xb8;
	[tilespmem:$0x10080] =	vst v63  }
0x4d: {  	_ = 	snop  }
0x4e: {  	[tilespmem:s16], [sflag:$0x1] =	stream.indirect_vreg.gather [hbm4b:s7+s2], $0x80, v4, vm0, $0xb8;
	[tilespmem:$0x10080] =	vst v63  }
0x4f: {  	_ = 	snop  }
0x50: {  	[tilespmem:s17], [sflag:$0x1] =	stream.indirect_vreg.gather [hbm4b:s3+s2], $0x80, v3, vm0, $0xb8;
	[tilespmem:$0x10080] =	vst v63  }
0x51: {  	_ = 	snop  }
0x52: {  	[tilespmem:s18], [sflag:$0x1] =	stream.indirect_vreg.gather [hbm4b:s4+s2], $0x80, v3, vm0, $0xb8;
	[tilespmem:$0x10080] =	vst v63  }
0x53: {  	_ = 	snop  }
0x54: {  	[tilespmem:s10], [sflag:$0x1] =	stream.indirect_vreg.gather [hbm4b:s6+s2], $0x80, v3, vm0, $0xb8;
	[tilespmem:$0x10080] =	vst v63  }
0x55: {  	s20 =	simm.s32 $0xB880  }
0x56: {  	[tilespmem:s20], [sflag:$0x1] =	stream.indirect_vreg.gather [hbm4b:s7+s2], $0x80, v3, vm0, $0xb8;
	[tilespmem:$0x10080] =	vst v63  }
0x57: {  	v3 =	vld [tilespmem:$0x30];
	_ =	sdelay $0x4  }
0x58: {  	v59 =	vshll.u32 v3, $0x3  }
0x59: {  	v3 =	vand.u32 $0x7, v3;
	v4 =	vand.u32 $0xFFFFFFC0, v59  }
0x5a: {  	v3 =	vor.u32 v3, v4  }
0x5b: {  	v4 =	vperm.xlane v3, v0;
	_ =	sdelay $0x1  }
0x5c: {  	v4 =	vadd.s32 v1, v4;
	_ =	sdelay $0x3  }
0x5d: {  	s20 =	simm.s32 $0xC080  }
0x5e: {  	[tilespmem:s20], [sflag:$0x1] =	stream.indirect_vreg.gather [hbm4b:s3+s2], $0x80, v4, vm0, $0xb8;
	[tilespmem:$0x10080] =	vst v63  }
0x5f: {  	v3 =	vperm.xlane v3, v2;
	s20 =	simm.s32 $0xC880  }
0x60: {  	[tilespmem:s20], [sflag:$0x1] =	stream.indirect_vreg.gather [hbm4b:s4+s2], $0x80, v4, vm0, $0xb8;
	[tilespmem:$0x10080] =	vst v63  }
0x61: {  	v3 =	vadd.s32 v1, v3;
	s20 =	simm.s32 $0xD080  }
0x62: {  	[tilespmem:s20], [sflag:$0x1] =	stream.indirect_vreg.gather [hbm4b:s6+s2], $0x80, v4, vm0, $0xb8;
	[tilespmem:$0x10080] =	vst v63  }
0x63: {  	s20 =	simm.s32 $0xD880  }
0x64: {  	[tilespmem:s20], [sflag:$0x1] =	stream.indirect_vreg.gather [hbm4b:s7+s2], $0x80, v4, vm0, $0xb8;
	[tilespmem:$0x10080] =	vst v63  }
0x65: {  	s20 =	simm.s32 $0xE080  }
0x66: {  	[tilespmem:s20], [sflag:$0x1] =	stream.indirect_vreg.gather [hbm4b:s3+s2], $0x80, v3, vm0, $0xb8;
	[tilespmem:$0x10080] =	vst v63  }
0x67: {  	s20 =	simm.s32 $0xE880  }
0x68: {  	[tilespmem:s20], [sflag:$0x1] =	stream.indirect_vreg.gather [hbm4b:s4+s2], $0x80, v3, vm0, $0xb8;
	[tilespmem:$0x10080] =	vst v63  }
0x69: {  	s20 =	simm.s32 $0xF080  }
0x6a: {  	[tilespmem:s20], [sflag:$0x1] =	stream.indirect_vreg.gather [hbm4b:s6+s2], $0x80, v3, vm0, $0xb8;
	[tilespmem:$0x10080] =	vst v63  }
0x6b: {  	s20 =	simm.s32 $0xF880  }
0x6c: {  	[tilespmem:s20], [sflag:$0x1] =	stream.indirect_vreg.gather [hbm4b:s7+s2], $0x80, v3, vm0, $0xb8;
	[tilespmem:$0x10080] =	vst v63  }
0x6d: {  	_ =	swait.ge [sflag:s19], $0x10000  }
0x6e: {  	[sflag:s19] =	ssyncset.done $0x0  }
0x6f: {  	s20 =	rddreg [dreg:$0x5];
	[sflag:s19] =	ssyncadd.s32 $0xFFFF0000  }
0x70: {  	[hbm4b:s20+s2] =	stream.linear.scatter [tilespmem:s0], [sflag:$0x2], $0x10000, $0x38;
	[tilespmem:$0x10080] =	vst v63  }
0x71: {  	_ =	swait.ge [sflag:s9], $0x10000  }
0x72: {  	[sflag:s9] =	ssyncset.done $0x0  }
0x73: {  	[sflag:s9] =	ssyncadd.s32 $0xFFFF0000  }
0x74: {  	v3 =	vld [tilespmem:$0x40];
	_ =	sdelay $0x4  }
0x75: {  	v60 =	vshll.u32 v3, $0x3  }
0x76: {  	v3 =	vand.u32 $0x7, v3;
	v4 =	vand.u32 $0xFFFFFFC0, v60  }
0x77: {  	v3 =	vor.u32 v3, v4  }
0x78: {  	v4 =	vperm.xlane v3, v0;
	_ =	sdelay $0x1  }
0x79: {  	v4 =	vadd.s32 v1, v4;
	_ =	sdelay $0x4  }
0x7a: {  	[tilespmem:s0], [sflag:$0x1] =	stream.indirect_vreg.gather [hbm4b:s3+s2], $0x80, v4, vm0, $0xb8;
	[tilespmem:$0x10080] =	vst v63  }
0x7b: {  	v3 =	vperm.xlane v3, v2  }
0x7c: {  	[tilespmem:s21], [sflag:$0x1] =	stream.indirect_vreg.gather [hbm4b:s4+s2], $0x80, v4, vm0, $0xb8;
	[tilespmem:$0x10080] =	vst v63  }
0x7d: {  	v3 =	vadd.s32 v1, v3  }
0x7e: {  	[tilespmem:s22], [sflag:$0x1] =	stream.indirect_vreg.gather [hbm4b:s6+s2], $0x80, v4, vm0, $0xb8;
	[tilespmem:$0x10080] =	vst v63  }
0x7f: {  	_ = 	snop  }
0x80: {  	[tilespmem:s23], [sflag:$0x1] =	stream.indirect_vreg.gather [hbm4b:s7+s2], $0x80, v4, vm0, $0xb8;
	[tilespmem:$0x10080] =	vst v63  }
0x81: {  	_ = 	snop  }
0x82: {  	[tilespmem:s24], [sflag:$0x1] =	stream.indirect_vreg.gather [hbm4b:s3+s2], $0x80, v3, vm0, $0xb8;
	[tilespmem:$0x10080] =	vst v63  }
0x83: {  	_ = 	snop  }
0x84: {  	[tilespmem:s25], [sflag:$0x1] =	stream.indirect_vreg.gather [hbm4b:s4+s2], $0x80, v3, vm0, $0xb8;
	[tilespmem:$0x10080] =	vst v63  }
0x85: {  	_ = 	snop  }
0x86: {  	[tilespmem:s26], [sflag:$0x1] =	stream.indirect_vreg.gather [hbm4b:s6+s2], $0x80, v3, vm0, $0xb8;
	[tilespmem:$0x10080] =	vst v63  }
0x87: {  	_ = 	snop  }
0x88: {  	[tilespmem:s28], [sflag:$0x1] =	stream.indirect_vreg.gather [hbm4b:s7+s2], $0x80, v3, vm0, $0xb8;
	[tilespmem:$0x10080] =	vst v63  }
0x89: {  	v3 =	vld [tilespmem:$0x50];
	_ =	sdelay $0x4  }
0x8a: {  	v61 =	vshll.u32 v3, $0x3  }
0x8b: {  	v3 =	vand.u32 $0x7, v3;
	v4 =	vand.u32 $0xFFFFFFC0, v61  }
0x8c: {  	v3 =	vor.u32 v3, v4  }
0x8d: {  	v4 =	vperm.xlane v3, v0;
	_ =	sdelay $0x1  }
0x8e: {  	v4 =	vadd.s32 v1, v4;
	_ =	sdelay $0x4  }
0x8f: {  	[tilespmem:s29], [sflag:$0x1] =	stream.indirect_vreg.gather [hbm4b:s3+s2], $0x80, v4, vm0, $0xb8;
	[tilespmem:$0x10080] =	vst v63  }
0x90: {  	v3 =	vperm.xlane v3, v2  }
0x91: {  	[tilespmem:s30], [sflag:$0x1] =	stream.indirect_vreg.gather [hbm4b:s4+s2], $0x80, v4, vm0, $0xb8;
	[tilespmem:$0x10080] =	vst v63  }
0x92: {  	v3 =	vadd.s32 v1, v3  }
0x93: {  	[tilespmem:s31], [sflag:$0x1] =	stream.indirect_vreg.gather [hbm4b:s6+s2], $0x80, v4, vm0, $0xb8;
	[tilespmem:$0x10080] =	vst v63  }
0x94: {  	s20 =	simm.s32 $0x5880  }
0x95: {  	[tilespmem:s20], [sflag:$0x1] =	stream.indirect_vreg.gather [hbm4b:s7+s2], $0x80, v4, vm0, $0xb8;
	[tilespmem:$0x10080] =	vst v63  }
0x96: {  	_ = 	snop  }
0x97: {  	[tilespmem:s1], [sflag:$0x1] =	stream.indirect_vreg.gather [hbm4b:s3+s2], $0x80, v3, vm0, $0xb8;
	[tilespmem:$0x10080] =	vst v63  }
0x98: {  	_ = 	snop  }
0x99: {  	[tilespmem:s11], [sflag:$0x1] =	stream.indirect_vreg.gather [hbm4b:s4+s2], $0x80, v3, vm0, $0xb8;
	[tilespmem:$0x10080] =	vst v63  }
0x9a: {  	_ = 	snop  }
0x9b: {  	[tilespmem:s12], [sflag:$0x1] =	stream.indirect_vreg.gather [hbm4b:s6+s2], $0x80, v3, vm0, $0xb8;
	[tilespmem:$0x10080] =	vst v63  }
0x9c: {  	_ = 	snop  }
0x9d: {  	[tilespmem:s13], [sflag:$0x1] =	stream.indirect_vreg.gather [hbm4b:s7+s2], $0x80, v3, vm0, $0xb8;
	[tilespmem:$0x10080] =	vst v63  }
0x9e: {  	v3 =	vld [tilespmem:$0x60];
	_ =	sdelay $0x4  }
0x9f: {  	v62 =	vshll.u32 v3, $0x3  }
0xa0: {  	v3 =	vand.u32 $0x7, v3;
	v4 =	vand.u32 $0xFFFFFFC0, v62  }
0xa1: {  	v3 =	vor.u32 v3, v4  }
0xa2: {  	v4 =	vperm.xlane v3, v0;
	_ =	sdelay $0x1  }
0xa3: {  	v4 =	vadd.s32 v1, v4;
	_ =	sdelay $0x4  }
0xa4: {  	[tilespmem:s5], [sflag:$0x1] =	stream.indirect_vreg.gather [hbm4b:s3+s2], $0x80, v4, vm0, $0xb8;
	[tilespmem:$0x10080] =	vst v63  }
0xa5: {  	v3 =	vperm.xlane v3, v2  }
0xa6: {  	[tilespmem:s14], [sflag:$0x1] =	stream.indirect_vreg.gather [hbm4b:s4+s2], $0x80, v4, vm0, $0xb8;
	[tilespmem:$0x10080] =	vst v63  }
0xa7: {  	v3 =	vadd.s32 v1, v3  }
0xa8: {  	[tilespmem:s15], [sflag:$0x1] =	stream.indirect_vreg.gather [hbm4b:s6+s2], $0x80, v4, vm0, $0xb8;
	[tilespmem:$0x10080] =	vst v63  }
0xa9: {  	_ = 	snop  }
0xaa: {  	[tilespmem:s16], [sflag:$0x1] =	stream.indirect_vreg.gather [hbm4b:s7+s2], $0x80, v4, vm0, $0xb8;
	[tilespmem:$0x10080] =	vst v63  }
0xab: {  	_ = 	snop  }
0xac: {  	[tilespmem:s17], [sflag:$0x1] =	stream.indirect_vreg.gather [hbm4b:s3+s2], $0x80, v3, vm0, $0xb8;
	[tilespmem:$0x10080] =	vst v63  }
0xad: {  	_ = 	snop  }
0xae: {  	[tilespmem:s18], [sflag:$0x1] =	stream.indirect_vreg.gather [hbm4b:s4+s2], $0x80, v3, vm0, $0xb8;
	[tilespmem:$0x10080] =	vst v63  }
0xaf: {  	_ = 	snop  }
0xb0: {  	[tilespmem:s10], [sflag:$0x1] =	stream.indirect_vreg.gather [hbm4b:s6+s2], $0x80, v3, vm0, $0xb8;
	[tilespmem:$0x10080] =	vst v63  }
0xb1: {  	s20 =	simm.s32 $0xB880  }
0xb2: {  	[tilespmem:s20], [sflag:$0x1] =	stream.indirect_vreg.gather [hbm4b:s7+s2], $0x80, v3, vm0, $0xb8;
	[tilespmem:$0x10080] =	vst v63  }
0xb3: {  	v3 =	vld [tilespmem:$0x70];
	_ =	sdelay $0x4  }
0xb4: {  	v63 =	vshll.u32 v3, $0x3  }
0xb5: {  	v3 =	vand.u32 $0x7, v3;
	v4 =	vand.u32 $0xFFFFFFC0, v63  }
0xb6: {  	v3 =	vor.u32 v3, v4  }
0xb7: {  	v4 =	vperm.xlane v3, v0;
	_ =	sdelay $0x1  }
0xb8: {  	v4 =	vadd.s32 v1, v4;
	_ =	sdelay $0x3  }
0xb9: {  	s20 =	simm.s32 $0xC080  }
0xba: {  	[tilespmem:s20], [sflag:$0x1] =	stream.indirect_vreg.gather [hbm4b:s3+s2], $0x80, v4, vm0, $0xb8;
	[tilespmem:$0x10080] =	vst v63  }
0xbb: {  	v3 =	vperm.xlane v3, v2;
	s20 =	simm.s32 $0xC880  }
0xbc: {  	[tilespmem:s20], [sflag:$0x1] =	stream.indirect_vreg.gather [hbm4b:s4+s2], $0x80, v4, vm0, $0xb8;
	[tilespmem:$0x10080] =	vst v63  }
0xbd: {  	v3 =	vadd.s32 v1, v3;
	s20 =	simm.s32 $0xD080  }
0xbe: {  	[tilespmem:s20], [sflag:$0x1] =	stream.indirect_vreg.gather [hbm4b:s6+s2], $0x80, v4, vm0, $0xb8;
	[tilespmem:$0x10080] =	vst v63  }
0xbf: {  	s20 =	simm.s32 $0xD880  }
0xc0: {  	[tilespmem:s20], [sflag:$0x1] =	stream.indirect_vreg.gather [hbm4b:s7+s2], $0x80, v4, vm0, $0xb8;
	[tilespmem:$0x10080] =	vst v63  }
0xc1: {  	s20 =	simm.s32 $0xE080  }
0xc2: {  	[tilespmem:s20], [sflag:$0x1] =	stream.indirect_vreg.gather [hbm4b:s3+s2], $0x80, v3, vm0, $0xb8;
	[tilespmem:$0x10080] =	vst v63  }
0xc3: {  	s20 =	simm.s32 $0xE880  }
0xc4: {  	[tilespmem:s20], [sflag:$0x1] =	stream.indirect_vreg.gather [hbm4b:s4+s2], $0x80, v3, vm0, $0xb8;
	[tilespmem:$0x10080] =	vst v63  }
0xc5: {  	s20 =	simm.s32 $0xF080  }
0xc6: {  	[tilespmem:s20], [sflag:$0x1] =	stream.indirect_vreg.gather [hbm4b:s6+s2], $0x80, v3, vm0, $0xb8;
	[tilespmem:$0x10080] =	vst v63  }
0xc7: {  	s20 =	simm.s32 $0xF880  }
0xc8: {  	[tilespmem:s20], [sflag:$0x1] =	stream.indirect_vreg.gather [hbm4b:s7+s2], $0x80, v3, vm0, $0xb8;
	[tilespmem:$0x10080] =	vst v63  }
0xc9: {  	_ =	swait.ge [sflag:s19], $0x10000  }
0xca: {  	p0 =	sne.s32 s8, $0x1;
	[sflag:s19] =	ssyncset.done $0x0  }
.Ltmp0:
0xcb: {  	s1 =	rddreg [dreg:$0x4];
	[sflag:s19] =	ssyncadd.s32 $0xFFFF0000;
	(pc) =	sbr.rel @p0 .LBB2_1-.Ltmp0, $4  }
0xcc: {  	[hbm4b:s1+s2] =	stream.linear.scatter [tilespmem:s0], [sflag:$0x2], $0x10000, $0x38;
	[tilespmem:$0x10080] =	vst v63  }
0xcd: {  	_ =	swait.ge [sflag:s9], $0x10000  }
0xce: {  	[sflag:s9] =	ssyncset.done $0x0  }
0xcf: {  	s8 =	sadd.s32 $0xFFFFFFFF, s8;
	[sflag:s9] =	ssyncadd.s32 $0xFFFF0000  }
0xd0: {  	_ =	sfence.sel $0x180000  }
0xd1: {  	[bflag:$0x0] =	sbarrier.arrive $0xFFFF  }
0xd2: {  	_ =	strace $0x90000050  }
0xd3: {  	s0 =	stileid.u32;
	[bflag:$0x2] =	sbarrier.arrive $0xFFFF  }
0xd4: {  	p0 =	sne.s32 s0, $0x0;
	s0 =	rddreg [dreg:$0x2]  }
0xd5: {  	s0 =	sadd.s32 @!p0 $0x100000, s0  }
0xd6: {  	[sflag:s0] =	ssyncadd.tile.s32 @!p0 $0x1;
	_ =	shalt  }
.Lfunc_end2:
_tile_overlayer_lowered:
.L_overlay_start_2:
0xd7: {  	(tag) =	ssettag $0x2  }
0xd8: {  	s0 =	rddreg [dreg:$0x0];
	s2 =	stileid.u32  }
0xd9: {  	s1 =	rddreg [dreg:$0x1];
	p0 =	sne.s32 s2, $0x0  }
0xda: {  	s3 =	rddreg [dreg:$0x2];
	[bflag:$0x3] =	sbarrier.arrive $0xFFFF;
	s2 =	simm.s32 @!p0 $0x1C02  }
0xdb: {  	[timem:s3], [sflag:s2] =	dma.local @!p0 [hbm:s0], s1  }
0xdc: {  	s0 =	simm.s32 @!p0 $0x2  }
0xdd: {  	_ =	swait.ge @!p0 [sflag:s0], s1  }
0xde: {  	s1 =	ssub.s32 @!p0 $0x0, s1;
	[sflag:s0] =	ssyncset.done @!p0 $0x0  }
0xdf: {  	[sflag:s0] =	ssyncadd.s32 @!p0 s1  }
0xe0: {  	[bflag:$0x3] =	sbarrier.arrive $0xFFFF  }
0xe1: {  	_ =	shalt  }

// kernel: kernel.7.cloned.1.call-start
scs
__scs_entry_jumppad:
0x0: {  	(pc) =	sbr.rel $0x88, $3  }
0x1: {  	(tag) =	ssettag $0x0;
	lr =	simm.s32 $0x1  }
0x2: {  	[smem:$0x3F9A] =	sst lr;
	_ =	strace $0xD0000000  }
0x3: {  	_ = 	snop  }
0x4: {  	_ = 	snop  }
0x5: {  	_ = 	snop  }
0x6: {  	_ = 	snop  }
0x7: {  	_ = 	snop  }
__scs_overlays_trampoline_lowered:
0x8: {  	[smem:$0x3FA9] =	sst s0  }
0x9: {  	[smem:$0x3FAA] =	sst s1  }
0xa: {  	[smem:$0x3FAB] =	sst s2  }
0xb: {  	[smem:$0x3FAC] =	sst s3  }
0xc: {  	[smem:$0x3FAD] =	sst s4  }
0xd: {  	[smem:$0x3FAE] =	sst s5  }
0xe: {  	[smem:$0x3FAF] =	sst s6  }
0xf: {  	[smem:$0x3FB0] =	sst s7  }
0x10: {  	[smem:$0x3FB1] =	sst s8  }
0x11: {  	[smem:$0x3FB2] =	sst s9;
	s0 =	simm.s32 @!p0 $0x0  }
0x12: {  	s1 =	sld [smem:$0x3F98];
	s0 =	simm.s32 @p0 $0x1  }
0x13: {  	[smem:$0x3FB3] =	sst s0;
	s0 =	simm.s32 @!p1 $0x0  }
0x14: {  	s2 =	sld [smem:$0x3F97];
	s0 =	simm.s32 @p1 $0x1  }
0x15: {  	[smem:$0x3FB4] =	sst s0;
	s0 =	simm.s32 @!p2 $0x0  }
0x16: {  	s3 =	sld [smem:$0x3FDB];
	s0 =	simm.s32 @p2 $0x1  }
0x17: {  	s4 =	simm.s32 $0x1BF5;
	[smem:$0x3FB6] =	sst s0  }
0x18: {  	s0 =	sld [smem:$0x3F99];
	_ =	swait.ge [sflag:s4], $0x0  }
0x19: {  	s7 =	sld [smem:$0x3F9A]  }
0x1a: {  	s8 =	sadd.s32 $0xFFFFE003, lr  }
0x1b: {  	s9 =	sadd.s32 $0xFFFFFEF7, lr;
	s5 =	simm.s32 $0xFFFFFFFF;
	p2 =	slt.u32 s8, $0xFFFFF086  }
0x1c: {  	p1 =	slt.u32 s9, $0xF7A;
	s5 =	simm.s32 @!p2 $0x0  }
0x1d: {  	s5 =	simm.s32 @p1 $0x1;
	p0 =	seq.s32 s7, s2  }
0x1e: {  	s7 =	smul.u32 @!p0 $0xF7A, s2;
	p2 =	seq.s32 @!p0 s5, $0x0  }
0x1f: {  	s9 =	smul.u32 $0xF7A, s1;
	s8 =	simm.s32 @!p0 $0x1BF5;
	p2 =	por !p2, p0  }
0x20: {  	[sflag:s8] =	ssyncset.s32 @!p0 $0xFFFFF086;
	s6 =	sadd.s32 @!p0 s3, s7;
	s7 =	simm.s32 @!p0 $0x108  }
0x21: {  	s3 =	sadd.s32 s3, s9;
	s6 =	sadd.s32 @!p0 $0x88, s6;
	s7 =	simm.s32 @p2 $0x1082  }
0x22: {  	[simem:s7], [sflag:s8] =	dma.local @!p0 [hbm:s6], $0xF7A  }
0x23: {  	s9 =	sor.u32 $0xD0000000, s2;
	s6 =	simm.s32 $0x108;
	_ =	swait.ge @!p0 [sflag:s8], $0x0  }
0x24: {  	s3 =	sadd.s32 $0x88, s3;
	s6 =	simm.s32 @!p1 $0x1082;
	[sflag:s4] =	ssyncset.s32 $0xFFFFF086  }
0x25: {  	[simem:s6], [sflag:s4] =	dma.local [hbm:s3], $0xF7A  }
0x26: {  	[smem:$0x3F9A] =	sst s1;
	(tag) =	ssettag s2;
	_ =	strace s9  }
0x27: {  	s1 =	sld [smem:$0x3FAA]  }
0x28: {  	s2 =	sld [smem:$0x3FAB]  }
0x29: {  	s4 =	sld [smem:$0x3FAD]  }
0x2a: {  	p0 =	seq.s32 s5, $0x0;
	s5 =	sld [smem:$0x3FAE]  }
0x2b: {  	s6 =	sld [smem:$0x3FAF]  }
0x2c: {  	s7 =	sld [smem:$0x3FB0]  }
0x2d: {  	s3 =	simm.s32 $0x108;
	s8 =	sld [smem:$0x3FB1]  }
0x2e: {  	s3 =	simm.s32 @!p0 $0x1082;
	s9 =	sld [smem:$0x3FB2]  }
0x2f: {  	lr =	sadd.s32 s0, s3;
	s0 =	sld [smem:$0x3FA9]  }
0x30: {  	s3 =	sld [smem:$0x3FAC]  }
0x31: {  	[smem:$0x3FB5] =	sst s10  }
0x32: {  	s10 =	sld [smem:$0x3FB3];
	_ =	sdelay $0x3  }
0x33: {  	p0 =	seq.s32 s10, $0x1;
	s10 =	sld [smem:$0x3FB5];
	_ =	sdelay $0x3  }
0x34: {  	[smem:$0x3FB5] =	sst s10  }
0x35: {  	s10 =	sld [smem:$0x3FB4];
	_ =	sdelay $0x3  }
0x36: {  	p1 =	seq.s32 s10, $0x1;
	s10 =	sld [smem:$0x3FB5];
	_ =	sdelay $0x3  }
0x37: {  	[smem:$0x3FB5] =	sst s10  }
0x38: {  	s10 =	sld [smem:$0x3FB6]  }
0x39: {  	_ = 	snop;
	(pc) =	sbr.ind lr, $3  }
0x3a: {  	_ = 	snop  }
0x3b: {  	_ = 	snop  }
0x3c: {  	p2 =	seq.s32 s10, $0x1;
	s10 =	sld [smem:$0x3FB5]  }
0x3d: {  	_ =	shalt  }
0x3e: {  	_ =	shalt  }
0x3f: {  	_ =	shalt  }
0x40: {  	_ =	shalt  }
0x41: {  	_ =	shalt  }
0x42: {  	_ =	shalt  }
0x43: {  	_ =	shalt  }
0x44: {  	_ =	shalt  }
0x45: {  	_ =	shalt  }
0x46: {  	_ =	shalt  }
0x47: {  	_ =	shalt  }
0x48: {  	_ =	shalt  }
0x49: {  	_ =	shalt  }
0x4a: {  	_ =	shalt  }
0x4b: {  	_ =	shalt  }
0x4c: {  	_ =	shalt  }
0x4d: {  	_ =	shalt  }
0x4e: {  	_ =	shalt  }
0x4f: {  	_ =	shalt  }
0x50: {  	_ =	shalt  }
0x51: {  	_ =	shalt  }
0x52: {  	_ =	shalt  }
0x53: {  	_ =	shalt  }
0x54: {  	_ =	shalt  }
0x55: {  	_ =	shalt  }
0x56: {  	_ =	shalt  }
0x57: {  	_ =	shalt  }
0x58: {  	_ =	shalt  }
0x59: {  	_ =	shalt  }
0x5a: {  	_ =	shalt  }
0x5b: {  	_ =	shalt  }
0x5c: {  	_ =	shalt  }
0x5d: {  	_ =	shalt  }
0x5e: {  	_ =	shalt  }
0x5f: {  	_ =	shalt  }
0x60: {  	_ =	shalt  }
0x61: {  	_ =	shalt  }
0x62: {  	_ =	shalt  }
0x63: {  	_ =	shalt  }
0x64: {  	_ =	shalt  }
0x65: {  	_ =	shalt  }
0x66: {  	_ =	shalt  }
0x67: {  	_ =	shalt  }
0x68: {  	_ =	shalt  }
0x69: {  	_ =	shalt  }
0x6a: {  	_ =	shalt  }
0x6b: {  	_ =	shalt  }
0x6c: {  	_ =	shalt  }
0x6d: {  	_ =	shalt  }
0x6e: {  	_ =	shalt  }
0x6f: {  	_ =	shalt  }
0x70: {  	_ =	shalt  }
0x71: {  	_ =	shalt  }
0x72: {  	_ =	shalt  }
0x73: {  	_ =	shalt  }
0x74: {  	_ =	shalt  }
0x75: {  	_ =	shalt  }
0x76: {  	_ =	shalt  }
0x77: {  	_ =	shalt  }
0x78: {  	_ =	shalt  }
0x79: {  	_ =	shalt  }
0x7a: {  	_ =	shalt  }
0x7b: {  	_ =	shalt  }
0x7c: {  	_ =	shalt  }
0x7d: {  	_ =	shalt  }
0x7e: {  	_ =	shalt  }
0x7f: {  	_ =	shalt  }
0x80: {  	_ =	shalt  }
0x81: {  	_ =	shalt  }
0x82: {  	_ =	shalt  }
0x83: {  	_ =	shalt  }
0x84: {  	_ =	shalt  }
0x85: {  	_ =	shalt  }
0x86: {  	_ =	shalt  }
0x87: {  	_ =	shalt  }
.Lfunc_end0:
.L_simem_size_0:
called_computation.1_lowered:
.L_overlay_start_0:
0x88: {  	s2 =	sld [smem:$0x3FD9]  }
0x89: {  	s3 =	sld [smem:$0x3FFE];
	_ =	sdelay $0x1  }
0x8a: {  	s1 =	srdreg.scid  }
0x8b: {  	s0 =	sand.u32 $0x1, s1  }
0x8c: {  	s17 =	sshll.u32 s0, $0xA;
	s2 =	sadd.s32 s3, s2  }
0x8d: {  	s2 =	sadd.s32 s2, s17  }
0x8e: {  	[smem:$0x3FC1] =	sst s2  }
0x8f: {  	_ = 	snop  }
0x90: {  	s2 =	sld [smem:$0x3FD0];
	(tm) =	ssettm $0x1  }
0x91: {  	s18 =	sld [smem:$0x3FFB];
	_ =	sdelay $0x3  }
0x92: {  	_ =	strace s18  }
0x93: {  	s3 =	sld [smem:$0x3FFC];
	_ =	sdelay $0x3  }
0x94: {  	_ =	strace s3  }
0x95: {  	s3 =	sld [smem:$0x3FFD];
	_ =	sdelay $0x3  }
0x96: {  	_ =	strace s3  }
0x97: {  	_ =	strace $0x8FFFFFFF  }
0x98: {  	s19 =	sld [smem:$0x3FDB];
	_ =	sdelay $0x1  }
0x99: {  	s4 =	simm.s32 $_scs_section_size  }
0x9a: {  	s5 =	simm.s32 $_size__tile_overlayer_lowered;
	s6 =	simm.s32 $_tile_overlayer_lowered  }
0x9b: {  	s22 =	simm.s32 $0x1BFF;
	s21 =	sshll.u32 s6, $0x1;
	s3 =	sadd.s32 s4, s19  }
0x9c: {  	s7 =	simm.s32 $0x0;
	s20 =	sshll.u32 s5, $0x1;
	s5 =	sadd.s32 s21, s3  }
0x9d: {  	[timem:s7], [sflag:s22] =	dma.local [hbm:s5], s20  }
0x9e: {  	_ =	swait.ge [sflag:s22], s20  }
0x9f: {  	s4 =	ssub.s32 $0x0, s20;
	[sflag:s22] =	ssyncset.done $0x0  }
0xa0: {  	[sflag:s22] =	ssyncadd.s32 s4;
	_ =	sdelay $0x1  }
0xa1: {  	s23 =	simm.s32 $0x1B8B  }
0xa2: {  	_ =	swait.ge [sflag:s23], $0x1  }
0xa3: {  	[sflag:s23] =	ssyncset.done $0x0  }
0xa4: {  	s25 =	simm.s32 $0x1B8E;
	s24 =	sld [smem:$0x3FFE];
	[sflag:s23] =	ssyncadd.s32 $0xFFFFFFFF  }
0xa5: {  	s26 =	simm.s32 $execute0_lowered;
	[smem:$0x3FD2] =	sst s25  }
0xa6: {  	s5 =	sshll.u32 s26, $0x1;
	_ =	strace $0x80000046;
	[dreg:$0x1] =	wrdreg $0xFFFFFFFF  }
0xa7: {  	s28 =	simm.s32 $_size_execute0_lowered;
	s3 =	sadd.s32 s3, s5;
	[dreg:$0x0] =	wrdreg $0x0  }
0xa8: {  	s5 =	sshll.u32 s28, $0x1;
	[dreg:$0x2] =	wrdreg s3  }
0xa9: {  	[dreg:$0x3] =	wrdreg s5  }
0xaa: {  	[dreg:$0x4] =	wrdreg $0xC0  }
0xab: {  	_ =	task [dreg:s7], $0x5FFFF  }
0xac: {  	[dreg:$0x1] =	wrdreg $0xFFFFFFFF  }
0xad: {  	[dreg:$0x0] =	wrdreg $0x60  }
0xae: {  	[dreg:$0x2] =	wrdreg s2  }
0xaf: {  	[dreg:$0x3] =	wrdreg s24  }
0xb0: {  	[dreg:$0x4] =	wrdreg $0x9  }
0xb1: {  	_ =	task.clear_ibuf [dreg:s7], $0x5FFFF;
	_ =	strace $0x90000046  }
0xb2: {  	s29 =	simm.s32 $0x9;
	_ =	strace $0x80000048  }
0xb3: {  	_ =	swait.ge [sflag:s29], $0x1  }
0xb4: {  	[sflag:s29] =	ssyncadd.s32 $0xFFFFFFFF  }
0xb5: {  	_ =	strace $0x90000048  }
0xb6: {  	_ =	sfence  }
0xb7: {  	s30 =	sld [smem:$0x0];
	_ =	sdelay $0x2  }
0xb8: {  	s31 =	sshll.u32 s1, $0xD;
	s1 =	sshrl.u32 s1, $0x2  }
0xb9: {  	s3 =	sand.u32 $0x4000, s31;
	s1 =	sadd.s32 s1, s30  }
0xba: {  	s0 =	sor.u32 s3, s0;
	s1 =	sshll.u32 s1, $0x11  }
0xbb: {  	s0 =	sor.u32 s1, s0  }
0xbc: {  	s0 =	sadd.s32 $0x8F2B, s0  }
0xbd: {  	[sflag:s0] =	ssyncadd.remote.s32 $0x1  }
0xbe: {  	_ =	sfence.sel $0xFFFF  }
0xbf: {  	[dreg:$0x0] =	wrdreg $0xFFFFFFFF;
	(pc) =	sbr.abs _section_cstart, $3  }
0xc0: {  	[dreg:$0x1] =	wrdreg $0xFFFFFFFF  }
0xc1: {  	_ =	task.clear_ibuf [dreg:s7], $0x2FFFF;
	_ =	strace $0x9FFFFFFF  }
0xc2: {  	(tm) =	ssettm $0x7FFFFFFF  }
0xc3: {  	_ =	shalt  }
tec
execute0_lowered:
.L_overlay_start_1:
0x0: {  	(tag) =	ssettag $0x1  }
0x1: {  	v0 =	vimm.s32 $0x0;
	v43 =	vimm.s32 $0x0;
	v44 =	vimm.s32 $0x0  }
0x2: {  	v45 =	vimm.s32 $0x0;
	v46 =	vimm.s32 $0x0;
	v47 =	vimm.s32 $0x0  }
0x3: {  	v48 =	vimm.s32 $0x0;
	v49 =	vimm.s32 $0x0;
	v50 =	vimm.s32 $0x0  }
0x4: {  	v51 =	vimm.s32 $0x0;
	v52 =	vimm.s32 $0x0;
	v53 =	vimm.s32 $0x65432100  }
0x5: {  	v1 =	vimm.s32 $0xEDCBA987;
	v2 =	vimm.s32 $0xDCBA9876;
	v3 =	vimm.s32 $0x0  }
0x6: {  	v54 =	vimm.s32 $0x54321000;
	v5 =	vimm.s32 $0xBA987654;
	v6 =	vimm.s32 $0xE40000  }
0x7: {  	v7 =	vimm.s32 $0x32100000;
	v58 =	vimm.s32 $0x7060504;
	v61 =	vimm.s32 $0xCBA98765  }
0x8: {  	v62 =	vimm.s32 $0x43210000;
	v8 =	vimm.s32 $0x39000;
	v9 =	vimm.s32 $0xA9876540  }
0x9: {  	v16 =	vimm.s32 $0xE4000;
	v10 =	vimm.s32 $0x390000;
	v11 =	vimm.s32 $0x98765400  }
0xa: {  	v23 =	vimm.s32 $0xE400000;
	vm1 =	vcmask $0x3F28;
	v26 =	vimm.s32 $0x4070605  }
0xb: {  	v27 =	vimm.s32 $0x39000000;
	v28 =	vimm.s32 $0x3900000;
	v30 =	vimm.s32 $0x6050400  }
0xc: {  	s1 =	srdreg.scid;
	s0 =	stileid.u32;
	v35 =	vimm.s32 $0xE4000000;
	v14 =	vimm.s32 $0x2;
	v39 =	vimm.s32 $0x1  }
0xd: {  	s4 =	sand.u32 $0x1, s1;
	s31 =	sshll.u32 s0, $0x1;
	v1 =	vunpack.c.l.s4.s8 v1;
	v2 =	vunpack.c.l.s4.s8 v2;
	v5 =	vunpack.c.l.s4.s8 v5  }
0xe: {  	v6 =	vunpack.c.l.s2.s4 v6;
	v7 =	vunpack.c.l.s4.s8 v7;
	v60 =	vunpack.c.0.s8.s32 v58;
	s9 =	sor.u32 s4, s31  }
0xf: {  	v8 =	vunpack.c.l.s2.s4 v8;
	v10 =	vunpack.c.l.s2.s4 v10;
	v4 =	vmov s9  }
0x10: {  	v17 =	vunpack.c.l.s4.s8 v11;
	v25 =	vunpack.c.l.s2.s4 v23;
	vm0 =	veq.s32 v4, $0x1F  }
0x11: {  	v31 =	vunpack.c.l.s2.s4 v28;
	v0 =	vsel vm0, $0xFFFFFFFF, v0;
	vm0 =	vgt.u32 v4, $0x1D  }
0x12: {  	v1 =	vunpack.c.0.s8.s32 v1;
	[tilespmem:$0x1FD20] =	vst v0;
	v0 =	vsel vm0, $0xFFFFFFFF, v43;
	vm0 =	vgt.u32 v4, $0x1C  }
0x13: {  	v2 =	vunpack.c.0.s8.s32 v2;
	[tilespmem:$0x1FD30] =	vst v0;
	v0 =	vsel vm0, $0xFFFFFFFF, v44;
	vm0 =	vgt.u32 v4, $0x1B  }
0x14: {  	v5 =	vunpack.c.0.s8.s32 v5;
	[tilespmem:$0x1FD40] =	vst v0;
	v0 =	vsel vm0, $0xFFFFFFFF, v45;
	vm0 =	vgt.u32 v4, $0x1A  }
0x15: {  	v6 =	vunpack.c.l.s4.s8 v6;
	[tilespmem:$0x1FD50] =	vst v0;
	v0 =	vsel vm0, $0xFFFFFFFF, v46;
	vm0 =	vgt.u32 v4, $0x19  }
0x16: {  	v56 =	vunpack.c.0.s8.s32 v7;
	[tilespmem:$0x1FD60] =	vst v0;
	v0 =	vsel vm0, $0xFFFFFFFF, v47;
	vm0 =	vgt.u32 v4, $0x18  }
0x17: {  	v7 =	vunpack.c.l.s4.s8 v62;
	[tilespmem:$0x1FD70] =	vst v0;
	v0 =	vsel vm0, $0xFFFFFFFF, v48;
	vm0 =	vgt.u32 v4, $0x17  }
0x18: {  	v8 =	vunpack.c.l.s4.s8 v8;
	[tilespmem:$0x1FD80] =	vst v0;
	v0 =	vsel vm0, $0xFFFFFFFF, v49;
	vm0 =	vgt.u32 v4, $0x16  }
0x19: {  	v19 =	vunpack.c.l.s4.s8 v10;
	[tilespmem:$0x1FD90] =	vst v0;
	v0 =	vsel vm0, $0xFFFFFFFF, v50;
	vm0 =	vgt.u32 v4, $0x15  }
0x1a: {  	v20 =	vunpack.c.0.s8.s32 v17;
	[tilespmem:$0x1FDA0] =	vst v0;
	v0 =	vsel vm0, $0xFFFFFFFF, v51;
	vm0 =	vgt.u32 v4, $0x14  }
0x1b: {  	v33 =	vunpack.c.l.s4.s8 v31;
	[tilespmem:$0x1FDB0] =	vst v0;
	v0 =	vsel vm0, $0xFFFFFFFF, v52;
	vm0 =	vgt.u32 v4, $0x13  }
0x1c: {  	v1 =	vand.u32 $0xF, v1;
	v2 =	vand.u32 $0xF, v2;
	v3 =	vsel vm0, $0xFFFFFFFF, v3  }
0x1d: {  	v57 =	vand.u32 $0xF, v5;
	v6 =	vunpack.c.0.s8.s32 v6;
	[tilespmem:$0x1FDD0] =	vst v3;
	v3 =	vunpack.c.l.s4.s8 v54  }
0x1e: {  	v5 =	vunpack.c.l.s4.s8 v61;
	v8 =	vunpack.c.0.s8.s32 v8;
	[tilespmem:$0x1FDC0] =	vst v0;
	v0 =	vunpack.c.l.s4.s8 v53  }
0x1f: {  	v22 =	vunpack.c.0.s8.s32 v19;
	v24 =	vand.u32 $0xF, v20;
	v3 =	vunpack.c.0.s8.s32 v3  }
0x20: {  	v59 =	vcombine.low v56, v57;
	v5 =	vunpack.c.0.s8.s32 v5;
	v0 =	vunpack.c.0.s8.s32 v0  }
0x21: {  	v55 =	vcombine.low v3, v2;
	v2 =	vunpack.c.l.s4.s8 v9;
	v9 =	vunpack.c.l.s2.s4 v16  }
0x22: {  	v6 =	vand.u32 $0x3, v6;
	v8 =	vand.u32 $0x3, v8;
	v5 =	vand.u32 $0xF, v5  }
0x23: {  	vm0 =	vcmask $0x3F30;
	v0 =	vcombine.low v0, v1;
	v18 =	vunpack.c.l.s4.s8 v9  }
0x24: {  	v1 =	vunpack.c.0.s8.s32 v7;
	v7 =	vunpack.c.0.s8.s32 v2;
	v9 =	vunpack.c.l.s2.s4 v27  }
0x25: {  	v63 =	vsel vm0, v60, v6;
	vm0 =	vcmask $0x3F24;
	v6 =	vunpack.c.0.s8.s32 v18  }
0x26: {  	[tilespmem:$0x1FE00] =	vst v59;
	v5 =	vcombine.low v1, v5;
	v7 =	vand.u32 $0xF, v7;
	v9 =	vunpack.c.l.s4.s8 v9  }
0x27: {  	[tilespmem:$0x1FE10] =	vst v63;
	v21 =	vsel vm0, v7, v8;
	v12 =	vand.u32 $0x3, v6;
	v6 =	vunpack.c.l.s4.s8 v25  }
0x28: {  	[tilespmem:$0x1FDE0] =	vst v0;
	v7 =	vand.u32 $0x3, v22;
	vm0 =	vcmask $0x2B00;
	v8 =	vunpack.c.0.s8.s32 v26  }
0x29: {  	[tilespmem:$0x1FDF0] =	vst v55;
	v7 =	vnsel vm0, $0x8, v7;
	vm0 =	vcmask $0x3B2C;
	v13 =	vunpack.c.0.s8.s32 v6  }
0x2a: {  	v15 =	vunpack.c.0.s8.s32 v33;
	[tilespmem:$0x1FE20] =	vst v5;
	v9 =	vunpack.c.0.s8.s32 v9;
	v29 =	vsel vm0, v8, v7  }
0x2b: {  	[tilespmem:$0x1FE30] =	vst v21;
	vm0 =	vcmask $0x3700;
	v41 =	vsel vm1, v24, v12;
	v32 =	vand.u32 $0x3, v13  }
0x2c: {  	[tilespmem:$0x1FE40] =	vst v29;
	v14 =	vsel vm0, $0x0, v14;
	v34 =	vnsel vm0, $0x5, v32;
	vm0 =	vcmask $0x3B38  }
0x2d: {  	v10 =	vunpack.c.l.s2.s4 v35;
	v15 =	vand.u32 $0x3, v15;
	[tilespmem:$0x1FE90] =	vst v41;
	v36 =	vsel vm0, $0x4, v34  }
0x2e: {  	v9 =	vand.u32 $0x3, v9;
	v37 =	vsel vm0, $0x1, v14;
	vm0 =	vcmask $0x3B00;
	[tilespmem:$0x1FE50] =	vst v36  }
0x2f: {  	v13 =	vunpack.c.0.s8.s32 v30;
	v14 =	vunpack.c.l.s4.s8 v10;
	[tilespmem:$0x1FE60] =	vst v37;
	v38 =	vnsel vm0, $0x4, v9  }
0x30: {  	v44 =	vimm.s32 $0x0;
	v40 =	vsel vm0, $0x0, v39;
	vm0 =	vcmask $0x3F34;
	[tilespmem:$0x1FE70] =	vst v38  }
0x31: {  	[tilespmem:$0x1FE80] =	vst v40;
	v16 =	vunpack.c.0.s8.s32 v14;
	v42 =	vsel vm0, v13, v15;
	vm0 =	vgt.u32 v4, $0x12  }
0x32: {  	vm5 =	vcmask $0x3F20;
	[tilespmem:$0x1FEA0] =	vst v42;
	v0 =	vsel vm0, $0xFFFFFFFF, v44  }
0x33: {  	v45 =	vimm.s32 $0x0;
	vm0 =	vgt.u32 v4, $0x11;
	v43 =	vand.u32 $0x3, v16;
	[tilespmem:$0x1FEC0] =	vst v0  }
0x34: {  	v46 =	vimm.s32 $0x0;
	v0 =	vsel vm0, $0xFFFFFFFF, v45;
	vm0 =	vgt.u32 v4, $0x10;
	[tilespmem:$0x1FEB0] =	vst v43  }
0x35: {  	v47 =	vimm.s32 $0x0;
	[tilespmem:$0x1FED0] =	vst v0;
	v0 =	vsel vm0, $0xFFFFFFFF, v46;
	vm0 =	vgt.u32 v4, $0xF  }
0x36: {  	v48 =	vimm.s32 $0x0;
	[tilespmem:$0x1FEE0] =	vst v0;
	v0 =	vsel vm0, $0xFFFFFFFF, v47;
	vm0 =	vgt.u32 v4, $0xE  }
0x37: {  	v49 =	vimm.s32 $0x0;
	[tilespmem:$0x1FEF0] =	vst v0;
	v0 =	vsel vm0, $0xFFFFFFFF, v48;
	vm0 =	vgt.u32 v4, $0xD  }
0x38: {  	v50 =	vimm.s32 $0x0;
	[tilespmem:$0x1FF00] =	vst v0;
	v0 =	vsel vm0, $0xFFFFFFFF, v49;
	vm0 =	vgt.u32 v4, $0xC  }
0x39: {  	v51 =	vimm.s32 $0x0;
	[tilespmem:$0x1FF10] =	vst v0;
	v0 =	vsel vm0, $0xFFFFFFFF, v50;
	vm0 =	vgt.u32 v4, $0xB  }
0x3a: {  	v52 =	vimm.s32 $0x0;
	[tilespmem:$0x1FF20] =	vst v0;
	v0 =	vsel vm0, $0xFFFFFFFF, v51;
	vm0 =	vgt.u32 v4, $0xA  }
0x3b: {  	v53 =	vimm.s32 $0x0;
	[tilespmem:$0x1FF30] =	vst v0;
	v0 =	vsel vm0, $0xFFFFFFFF, v52;
	vm0 =	vgt.u32 v4, $0x9  }
0x3c: {  	v54 =	vimm.s32 $0x0;
	[tilespmem:$0x1FF40] =	vst v0;
	v0 =	vsel vm0, $0xFFFFFFFF, v53;
	vm0 =	vgt.u32 v4, $0x8  }
0x3d: {  	v55 =	vimm.s32 $0x0;
	[tilespmem:$0x1FF50] =	vst v0;
	v0 =	vsel vm0, $0xFFFFFFFF, v54;
	vm0 =	vgt.u32 v4, $0x7  }
0x3e: {  	v56 =	vimm.s32 $0x0;
	[tilespmem:$0x1FF60] =	vst v0;
	v0 =	vsel vm0, $0xFFFFFFFF, v55;
	vm0 =	vgt.u32 v4, $0x6  }
0x3f: {  	v57 =	vimm.s32 $0x0;
	[tilespmem:$0x1FF70] =	vst v0;
	v0 =	vsel vm0, $0xFFFFFFFF, v56;
	vm0 =	vgt.u32 v4, $0x5  }
0x40: {  	s5 =	rddreg [dreg:$0x0];
	v58 =	vimm.s32 $0x0;
	[tilespmem:$0x1FF80] =	vst v0;
	v0 =	vsel vm0, $0xFFFFFFFF, v57;
	vm0 =	vgt.u32 v4, $0x4  }
0x41: {  	s2 =	rddreg [dreg:$0x1];
	s3 =	simm.s32 $0x0;
	v59 =	vimm.s32 $0x0;
	[tilespmem:$0x1FF90] =	vst v0;
	v0 =	vsel vm0, $0xFFFFFFFF, v58;
	vm0 =	vgt.u32 v4, $0x3  }
0x42: {  	s11 =	simm.s32 $0x1080;
	s12 =	simm.s32 $0x1100;
	s1 =	rddreg [dreg:$0x2];
	v60 =	vimm.s32 $0x0;
	[tilespmem:$0x1FFA0] =	vst v0;
	v0 =	vsel vm0, $0xFFFFFFFF, v59;
	vm0 =	vgt.u32 v4, $0x2  }
0x43: {  	[smem:$0x7FF] =	sst s3;
	s6 =	ssub.s32 $0x2, s4;
	s4 =	sadd.s32 $0x400, s2;
	v61 =	vimm.s32 $0x0;
	[tilespmem:$0x1FFB0] =	vst v0;
	v0 =	vsel vm0, $0xFFFFFFFF, v60;
	vm0 =	vgt.u32 v4, $0x1  }
0x44: {  	s7 =	sshll.u32 s9, $0x4;
	s8 =	sshrl.u32 s6, $0x1;
	v62 =	vimm.s32 $0x0;
	_ =	strace $0x80000047;
	[tilespmem:$0x1FFC0] =	vst v0;
	v0 =	vsel vm0, $0xFFFFFFFF, v61;
	vm0 =	veq.s32 v4, $0x0  }
0x45: {  	p0 =	sne.s32 s9, $0x0;
	s9 =	simm.s32 $0x1;
	s10 =	sadd.s32 s7, s2;
	v63 =	vimm.s32 $0x0;
	[tilespmem:$0x1FFD0] =	vst v0;
	v0 =	vsel vm0, $0xFFFFFFFF, v62;
	vm0 =	vmmov $0x3  }
0x46: {  	vm8 =	vcmask $0x3F28;
	vm6 =	vcmask $0x3F2C;
	s8 =	ssub.s32 s6, s8;
	s5 =	sadd.s32 s5, s7;
	s6 =	sadd.s32 $0x200, s10;
	[tilespmem:$0x1FFE0] =	vst v0;
	v0 =	vsel vm0, $0xFFFFFFFF, v63  }
0x47: {  	vm14 =	vcmask $0x3F30;
	vm9 =	vcmask $0x3F34;
	s7 =	sadd.s32 $0x600, s10;
	s8 =	smax.u32 s8, $0x1;
	s10 =	simm.s32 $0x80;
	v14 =	vimm.s32 $0x0;
	[tilespmem:$0x1FFF0] =	vst v0  }
.LBB2_1:
0x48: {  	[tilespmem:s3], [sflag:$0x1] =	stream.linear.gather [hbm4b:s5+s3], $0x80, $0x38;
	[tilespmem:$0x1280] =	vst v63  }
0x49: {  	_ =	swait.ge [sflag:s9], $0x80  }
0x4a: {  	[sflag:s9] =	ssyncset.done $0x0  }
0x4b: {  	[sflag:s9] =	ssyncadd.s32 $0xFFFFFF80  }
0x4c: {  	[tilespmem:s10], [sflag:$0x1] =	stream.linear.gather [hbm4b:s2+s3], $0x1000, $0x38;
	[tilespmem:$0x1280] =	vst v63  }
0x4d: {  	_ =	swait.ge [sflag:s9], $0x1000  }
0x4e: {  	[sflag:s9] =	ssyncset.done $0x0  }
0x4f: {  	[sflag:s9] =	ssyncadd.s32 $0xFFFFF000  }
0x50: {  	[tilespmem:s11], [sflag:$0x1] =	stream.linear.gather [hbm4b:s6+s3], $0x80, $0x38;
	[tilespmem:$0x1280] =	vst v63  }
0x51: {  	_ =	swait.ge [sflag:s9], $0x80  }
0x52: {  	[sflag:s9] =	ssyncset.done $0x0  }
0x53: {  	[sflag:s9] =	ssyncadd.s32 $0xFFFFFF80  }
0x54: {  	v30 =	vld [tilespmem:$0x80]  }
0x55: {  	v42 =	vld [tilespmem:$0x100]  }
0x56: {  	v51 =	vld [tilespmem:$0x180]  }
0x57: {  	v20 =	vld [tilespmem:$0x200]  }
0x58: {  	v54 =	vld [tilespmem:$0x280]  }
0x59: {  	v41 =	vld [tilespmem:$0x300]  }
0x5a: {  	v39 =	vld [tilespmem:$0x380];
	v4 =	vadd.s32 v30, v42  }
0x5b: {  	v36 =	vld [tilespmem:$0x400];
	v4 =	vadd.s32 v51, v4  }
0x5c: {  	v12 =	vld [tilespmem:$0x480];
	v4 =	vadd.s32 v20, v4  }
0x5d: {  	v24 =	vld [tilespmem:$0x500];
	v4 =	vadd.s32 v54, v4  }
0x5e: {  	v25 =	vld [tilespmem:$0x580];
	v4 =	vadd.s32 v41, v4  }
0x5f: {  	v35 =	vld [tilespmem:$0x600];
	v4 =	vadd.s32 v39, v4  }
0x60: {  	v33 =	vld [tilespmem:$0x680];
	v4 =	vadd.s32 v36, v4  }
0x61: {  	v32 =	vld [tilespmem:$0x700];
	v4 =	vadd.s32 v12, v4  }
0x62: {  	v16 =	vld [tilespmem:$0x780];
	v4 =	vadd.s32 v24, v4  }
0x63: {  	v22 =	vld [tilespmem:$0x800];
	v4 =	vadd.s32 v25, v4  }
0x64: {  	v17 =	vadd.s32 v35, v4;
	v4 =	vld [tilespmem:$0x880]  }
0x65: {  	v62 =	vld [tilespmem:$0x900];
	v17 =	vadd.s32 v33, v17  }
0x66: {  	v28 =	vld [tilespmem:$0x980];
	v17 =	vadd.s32 v32, v17  }
0x67: {  	v55 =	vld [tilespmem:$0xA00];
	v17 =	vadd.s32 v16, v17  }
0x68: {  	v50 =	vld [tilespmem:$0xA80];
	v17 =	vadd.s32 v22, v17  }
0x69: {  	v7 =	vld [tilespmem:$0xB00];
	v17 =	vadd.s32 v4, v17  }
0x6a: {  	v43 =	vld [tilespmem:$0xB80];
	v17 =	vadd.s32 v62, v17  }
0x6b: {  	v38 =	vld [tilespmem:$0xC00];
	v17 =	vadd.s32 v28, v17  }
0x6c: {  	v34 =	vld [tilespmem:$0xC80];
	v17 =	vadd.s32 v55, v17  }
0x6d: {  	v31 =	vld [tilespmem:$0xD00];
	v17 =	vadd.s32 v50, v17  }
0x6e: {  	v29 =	vld [tilespmem:$0xD80];
	v17 =	vadd.s32 v7, v17  }
0x6f: {  	v27 =	vld [tilespmem:$0xE00];
	v17 =	vadd.s32 v43, v17  }
0x70: {  	v26 =	vld [tilespmem:$0xE80];
	v17 =	vadd.s32 v38, v17  }
0x71: {  	v23 =	vld [tilespmem:$0xF00];
	v17 =	vadd.s32 v34, v17  }
0x72: {  	v18 =	vadd.s32 v31, v17;
	v17 =	vld [tilespmem:$0xF80]  }
0x73: {  	v19 =	vld [tilespmem:$0x1000];
	v18 =	vadd.s32 v29, v18  }
0x74: {  	v1 =	vld [tilespmem:$0x1FDE0];
	v18 =	vadd.s32 v27, v18  }
0x75: {  	v18 =	vadd.s32 v26, v18  }
0x76: {  	v18 =	vadd.s32 v23, v18  }
0x77: {  	v18 =	vadd.s32 v17, v18  }
0x78: {  	v2 =	vld [tilespmem:$0x1FDF0];
	v6 =	vadd.s32 v19, v18  }
0x79: {  	v0 =	vlaneseq.u32;
	v40 =	vld [tilespmem:$0x1FFF0];
	v18 =	vperm.xlane v6, v1  }
0x7a: {  	vm7 =	veq.s32 v0, $0x0  }
0x7b: {  	v18 =	vsel vm7, $0x0, v18  }
0x7c: {  	v3 =	vld [tilespmem:$0x1FE00];
	v19 =	vadd.s32 v6, v18  }
0x7d: {  	v0 =	vld [tilespmem:$0x1FE10];
	v18 =	vperm.xlane v19, v2  }
0x7e: {  	v8 =	vld [tilespmem:$0x1FE20];
	vm7 =	vnez.u8 v40  }
0x7f: {  	v21 =	vsel vm7, $0x0, v18;
	v18 =	vld [tilespmem:$0x0]  }
0x80: {  	v9 =	vld [tilespmem:$0x1FE30]  }
0x81: {  	v11 =	vld [tilespmem:$0x1FE90];
	v19 =	vadd.s32 v21, v19  }
0x82: {  	vm10 =	vcmask $0x3F04;
	vm11 =	vcmask $0x3F08;
	v10 =	vld [tilespmem:$0x1FE40];
	v21 =	vperm.xlane v19, v3  }
0x83: {  	vm0 =	vcmask $0x3F0C;
	vm2 =	vcmask $0x3F14;
	vm7 =	vmmov $0xf  }
0x84: {  	vm3 =	vcmask $0x3F18;
	v21 =	vsel vm7, $0x0, v21;
	v44 =	vperm.xlane v18, v1  }
0x85: {  	v52 =	vadd.s32 v21, v19;
	v45 =	vperm.xlane v18, v2;
	v40 =	vperm.xlane v18, v8  }
0x86: {  	vm7 =	vmmov $0xff;
	v48 =	vperm.xlane v18, v9;
	v37 =	vperm.xlane v52, v0  }
0x87: {  	v49 =	vperm.xlane v18, v11;
	v57 =	vperm.xlane v18, v10;
	vm12 =	veq.s32 v44, v18  }
0x88: {  	v5 =	vsel vm7, $0x0, v37;
	vm7 =	vmand vm12, vm10;
	vm12 =	veq.s32 v40, v18  }
0x89: {  	v47 =	vsel vm7, $0x1, v14;
	vm7 =	veq.s32 v45, v18;
	vm12 =	vmand vm12, vm0  }
0x8a: {  	vm7 =	vmand vm7, vm11;
	v21 =	vsel vm12, $0x1, v14;
	vm12 =	veq.s32 v49, v18  }
0x8b: {  	v56 =	vsel vm7, $0x1, v14;
	vm7 =	veq.s32 v48, v18;
	vm12 =	vmand vm12, vm3;
	v48 =	vld [tilespmem:$0x1FEB0]  }
0x8c: {  	v46 =	vperm.xlane v18, v3;
	[tilespmem:$0x1FC00] =	vst v5;
	vm7 =	vmand vm7, vm2;
	v13 =	vsel vm12, $0x1, v14  }
0x8d: {  	vm2 =	vcmask $0x3F1C;
	v5 =	vsel vm7, $0x1, v14;
	[tilespmem:$0x1FBF0] =	vst v13;
	vm7 =	veq.s32 v57, v18;
	v13 =	vld [tilespmem:$0x1FEA0]  }
0x8e: {  	vm7 =	vmand vm7, vm2  }
0x8f: {  	vm1 =	vcmask $0x3F10;
	vm13 =	veq.s32 v46, v18;
	v46 =	vld [tilespmem:$0x1FE70];
	v15 =	vsel vm7, $0x1, v14  }
0x90: {  	v58 =	vperm.xlane v18, v0;
	vm13 =	vmand vm13, vm1;
	[tilespmem:$0x1FC10] =	vst v15;
	v15 =	vld [tilespmem:$0x1FE50];
	v49 =	vperm.xlane v18, v48  }
0x91: {  	v53 =	vsel vm13, $0x1, v14;
	[tilespmem:$0x1FBD0] =	vst v47;
	v47 =	vld [tilespmem:$0x1FE60]  }
0x92: {  	vm12 =	veq.s32 v58, v18;
	v59 =	vperm.xlane v18, v13;
	vm13 =	veq.s32 v49, v18;
	v49 =	vld [tilespmem:$0x1FE80]  }
0x93: {  	v19 =	vld [tilespmem:$0x10];
	vm7 =	vmand vm12, vm5  }
0x94: {  	vm4 =	vcmask $0x3F24;
	v61 =	vsel vm7, $0x1, v14;
	vm7 =	veq.s32 v59, v18  }
0x95: {  	vm15 =	vcmask $0x3F38;
	v60 =	vperm.xlane v18, v15;
	vm7 =	vmand vm7, vm4  }
0x96: {  	[tilespmem:$0x1FBE0] =	vst v53;
	v63 =	vperm.xlane v18, v46;
	v53 =	vperm.xlane v18, v47;
	v44 =	vsel vm7, $0x1, v14  }
0x97: {  	vm12 =	veq.s32 v60, v18;
	v59 =	vperm.xlane v18, v49;
	v60 =	vperm.xlane v18, v14  }
0x98: {  	vm7 =	vmand vm12, vm8;
	vm12 =	veq.s32 v63, v18;
	v63 =	vperm.xlane v19, v1  }
0x99: {  	vm12 =	vmand vm12, vm6;
	v57 =	vsel vm7, $0x1, v14;
	vm7 =	vmand vm13, vm14  }
0x9a: {  	[tilespmem:$0x1FC20] =	vst v61;
	vm13 =	vcmask $0x3F3C;
	v58 =	vsel vm12, $0x1, v14;
	vm12 =	veq.s32 v53, v18  }
0x9b: {  	[tilespmem:$0x1FC40] =	vst v57;
	v61 =	vsel vm7, $0x1, v14;
	v53 =	vperm.xlane v19, v2;
	v57 =	vperm.xlane v19, v8  }
0x9c: {  	vm7 =	vmand vm12, vm9;
	vm12 =	veq.s32 v60, v18;
	v60 =	vperm.xlane v19, v3  }
0x9d: {  	v45 =	vsel vm7, $0x1, v14;
	vm7 =	veq.s32 v59, v18;
	vm12 =	vmand vm12, vm13  }
0x9e: {  	vm13 =	veq.s32 v63, v19;
	v63 =	vperm.xlane v19, v9;
	vm7 =	vmand vm7, vm15  }
0x9f: {  	vm13 =	vmand vm13, vm10;
	v59 =	vsel vm12, $0x1, v14;
	vm12 =	veq.s32 v57, v19  }
0xa0: {  	[tilespmem:$0x1FC50] =	vst v58;
	vm10 =	vcmask $0x3F14;
	v58 =	vsel vm7, $0x1, v14;
	vm7 =	veq.s32 v53, v19  }
0xa1: {  	vm12 =	vmand vm12, vm0;
	v53 =	vperm.xlane v19, v11;
	vm7 =	vmand vm7, vm11  }
0xa2: {  	v37 =	vsel vm7, $0x1, v14;
	vm7 =	veq.s32 v60, v19;
	v60 =	vperm.xlane v19, v10  }
0xa3: {  	v40 =	vsel vm12, $0x1, v14;
	vm12 =	veq.s32 v63, v19;
	vm7 =	vmand vm7, vm1  }
0xa4: {  	v63 =	vsel vm7, $0x1, v14;
	vm7 =	vmand vm12, vm10;
	vm12 =	veq.s32 v60, v19  }
0xa5: {  	[tilespmem:$0x1FC90] =	vst v58;
	v60 =	vperm.xlane v19, v13;
	v58 =	vsel vm7, $0x1, v14;
	vm7 =	veq.s32 v53, v19  }
0xa6: {  	[tilespmem:$0x1FC60] =	vst v61;
	v61 =	vsel vm13, $0x1, v14;
	v53 =	vperm.xlane v19, v0;
	vm7 =	vmand vm7, vm3  }
0xa7: {  	[tilespmem:$0x1FCB0] =	vst v59;
	vm13 =	veq.s32 v60, v19;
	v59 =	vsel vm7, $0x1, v14;
	vm7 =	vmand vm12, vm2  }
0xa8: {  	v60 =	vsel vm7, $0x1, v14;
	vm7 =	vmand vm13, vm4  }
0xa9: {  	vm12 =	veq.s32 v53, v19;
	v53 =	vsel vm7, $0x1, v14  }
0xaa: {  	[tilespmem:$0x1FC80] =	vst v53;
	v53 =	vld [tilespmem:$0x1FFE0];
	_ =	sdelay $0x3  }
0xab: {  	vm12 =	vmand vm12, vm5  }
0xac: {  	v57 =	vsel vm12, $0x1, v14;
	vm12 =	vnez.u8 v53;
	v53 =	vld [tilespmem:$0x1FFD0]  }
0xad: {  	[tilespmem:$0x1FC30] =	vst v44;
	v44 =	vperm.xlane v19, v15  }
0xae: {  	[tilespmem:$0x1FC70] =	vst v45;
	v45 =	vld [tilespmem:$0x1FFC0]  }
0xaf: {  	vm7 =	veq.s32 v44, v19  }
0xb0: {  	vm7 =	vmand vm7, vm8  }
0xb1: {  	v30 =	vsel vm12, $0x0, v30;
	vm12 =	vnez.u8 v53;
	v53 =	vsel vm7, $0x1, v14  }
0xb2: {  	v44 =	vperm.xlane v19, v46;
	[tilespmem:$0x1FCA0] =	vst v53;
	v53 =	vld [tilespmem:$0x1FFB0]  }
0xb3: {  	v42 =	vnsel vm12, $0x0, v42;
	vm12 =	vnez.u8 v45;
	v45 =	vld [tilespmem:$0x1FFA0]  }
0xb4: {  	vm7 =	veq.s32 v44, v19;
	v44 =	vperm.xlane v19, v48  }
0xb5: {  	vm7 =	vmand vm7, vm6;
	v30 =	vadd.s32 v30, v42  }
0xb6: {  	v42 =	vnsel vm12, $0x0, v51;
	v51 =	vsel vm7, $0x1, v14;
	vm7 =	veq.s32 v44, v19  }
0xb7: {  	v44 =	vperm.xlane v19, v47;
	v30 =	vadd.s32 v42, v30;
	vm12 =	vnez.u8 v53  }
0xb8: {  	vm7 =	vmand vm7, vm14;
	v42 =	vnsel vm12, $0x0, v20;
	vm12 =	vnez.u8 v45;
	v45 =	vld [tilespmem:$0x1FF90]  }
0xb9: {  	v53 =	vsel vm7, $0x1, v14;
	vm7 =	veq.s32 v44, v19;
	v44 =	vperm.xlane v19, v49  }
0xba: {  	vm7 =	vmand vm7, vm9;
	v30 =	vadd.s32 v42, v30;
	v42 =	vnsel vm12, $0x0, v54  }
0xbb: {  	v54 =	vsel vm7, $0x1, v14;
	vm7 =	veq.s32 v44, v19;
	v44 =	vperm.xlane v19, v14  }
0xbc: {  	vm13 =	vcmask $0x3F3C;
	vm7 =	vmand vm7, vm15  }
0xbd: {  	vm12 =	vnez.u8 v45;
	v45 =	vsel vm7, $0x1, v14;
	vm7 =	veq.s32 v44, v19  }
0xbe: {  	vm7 =	vmand vm7, vm13  }
0xbf: {  	[tilespmem:$0x1FCC0] =	vst v45;
	v45 =	vld [tilespmem:$0x1FF80];
	v44 =	vsel vm7, $0x1, v14  }
0xc0: {  	[tilespmem:$0x1FCD0] =	vst v44;
	v44 =	vld [tilespmem:$0x1FF70];
	_ =	sdelay $0x3  }
0xc1: {  	v41 =	vnsel vm12, $0x0, v41;
	vm12 =	vnez.u8 v45  }
0xc2: {  	v39 =	vnsel vm12, $0x0, v39;
	vm12 =	vnez.u8 v44;
	v44 =	vld [tilespmem:$0x1FF60];
	_ =	sdelay $0x1  }
0xc3: {  	v20 =	vld [tilespmem:$0x20];
	_ =	sdelay $0x2  }
0xc4: {  	v36 =	vnsel vm12, $0x0, v36;
	vm12 =	vnez.u8 v44;
	v44 =	vld [tilespmem:$0x1FF50];
	_ =	sdelay $0x1  }
0xc5: {  	v30 =	vadd.s32 v42, v30;
	v42 =	vperm.xlane v20, v1  }
0xc6: {  	vm2 =	vcmask $0x3F04;
	v30 =	vadd.s32 v41, v30  }
0xc7: {  	vm7 =	veq.s32 v42, v20;
	v45 =	vperm.xlane v20, v2;
	v30 =	vadd.s32 v39, v30  }
0xc8: {  	v30 =	vadd.s32 v36, v30;
	v36 =	vnsel vm12, $0x0, v12;
	vm12 =	vnez.u8 v44;
	v44 =	vld [tilespmem:$0x1FF40]  }
0xc9: {  	vm7 =	vmand vm7, vm2  }
0xca: {  	v39 =	vsel vm7, $0x1, v14;
	vm7 =	veq.s32 v45, v20;
	v45 =	vperm.xlane v20, v8  }
0xcb: {  	vm7 =	vmand vm7, vm11  }
0xcc: {  	v12 =	vsel vm7, $0x1, v14;
	vm7 =	veq.s32 v45, v20;
	v45 =	vperm.xlane v20, v3  }
0xcd: {  	v30 =	vadd.s32 v36, v30;
	v36 =	vnsel vm12, $0x0, v24;
	vm12 =	vnez.u8 v44;
	v44 =	vld [tilespmem:$0x1FF30]  }
0xce: {  	vm7 =	vmand vm7, vm0  }
0xcf: {  	v24 =	vsel vm7, $0x1, v14;
	vm7 =	veq.s32 v45, v20;
	v45 =	vperm.xlane v20, v9  }
0xd0: {  	v30 =	vadd.s32 v36, v30;
	vm7 =	vmand vm7, vm1;
	v36 =	vnsel vm12, $0x0, v25  }
0xd1: {  	v25 =	vsel vm7, $0x1, v14;
	vm7 =	veq.s32 v45, v20;
	v45 =	vperm.xlane v20, v11  }
0xd2: {  	v30 =	vadd.s32 v36, v30;
	vm7 =	vmand vm7, vm10;
	vm12 =	vnez.u8 v44  }
0xd3: {  	v36 =	vnsel vm12, $0x0, v35;
	v35 =	vsel vm7, $0x1, v14;
	vm7 =	veq.s32 v45, v20;
	v45 =	vld [tilespmem:$0x1FF20];
	_ =	sdelay $0x4  }
0xd4: {  	vm12 =	vnez.u8 v45;
	v45 =	vld [tilespmem:$0x1FF10];
	_ =	sdelay $0x4  }
0xd5: {  	v33 =	vnsel vm12, $0x0, v33;
	vm12 =	vnez.u8 v45;
	v45 =	vld [tilespmem:$0x1FF00];
	_ =	sdelay $0x4  }
0xd6: {  	v32 =	vnsel vm12, $0x0, v32;
	vm12 =	vnez.u8 v45;
	v45 =	vld [tilespmem:$0x1FEF0];
	_ =	sdelay $0x2  }
0xd7: {  	v42 =	vperm.xlane v20, v10;
	v30 =	vadd.s32 v36, v30  }
0xd8: {  	vm10 =	vcmask $0x3F1C;
	vm7 =	vmand vm7, vm3;
	v30 =	vadd.s32 v33, v30  }
0xd9: {  	v30 =	vadd.s32 v32, v30;
	v32 =	vnsel vm12, $0x0, v16;
	vm12 =	vnez.u8 v45;
	v45 =	vld [tilespmem:$0x1FEE0]  }
0xda: {  	v36 =	vperm.xlane v20, v0;
	v41 =	vsel vm7, $0x1, v14;
	vm7 =	veq.s32 v42, v20  }
0xdb: {  	vm7 =	vmand vm7, vm10  }
0xdc: {  	v33 =	vsel vm7, $0x1, v14;
	vm7 =	veq.s32 v36, v20  }
0xdd: {  	vm15 =	vcmask $0x3F24;
	v44 =	vld [tilespmem:$0x1FED0];
	v36 =	vperm.xlane v20, v13;
	vm7 =	vmand vm7, vm5  }
0xde: {  	v30 =	vadd.s32 v32, v30;
	v32 =	vnsel vm12, $0x0, v22;
	vm12 =	vnez.u8 v45;
	v45 =	vld [tilespmem:$0x1FEC0]  }
0xdf: {  	v16 =	vsel vm7, $0x1, v14;
	vm7 =	veq.s32 v36, v20;
	v36 =	vperm.xlane v20, v15  }
0xe0: {  	vm7 =	vmand vm7, vm15  }
0xe1: {  	v22 =	vsel vm7, $0x1, v14;
	vm7 =	veq.s32 v36, v20;
	v36 =	vperm.xlane v20, v46  }
0xe2: {  	v30 =	vadd.s32 v32, v30;
	v4 =	vnsel vm12, $0x0, v4;
	vm12 =	vnez.u8 v44  }
0xe3: {  	v4 =	vadd.s32 v4, v30;
	v30 =	vnsel vm12, $0x0, v62;
	vm12 =	vnez.u8 v45;
	v45 =	vld [tilespmem:$0x1FDD0]  }
0xe4: {  	vm7 =	vmand vm7, vm8  }
0xe5: {  	v32 =	vsel vm7, $0x1, v14;
	vm7 =	veq.s32 v36, v20  }
0xe6: {  	v36 =	vperm.xlane v20, v48;
	vm7 =	vmand vm7, vm6  }
0xe7: {  	v62 =	vsel vm7, $0x1, v14  }
0xe8: {  	vm7 =	veq.s32 v36, v20;
	v36 =	vnsel vm12, $0x0, v28;
	vm12 =	vnez.u8 v45;
	v45 =	vld [tilespmem:$0x1FDC0];
	_ =	sdelay $0x3  }
0xe9: {  	v30 =	vadd.s32 v30, v4  }
0xea: {  	v30 =	vadd.s32 v36, v30;
	v36 =	vnsel vm12, $0x0, v55;
	vm12 =	vnez.u8 v45  }
0xeb: {  	v30 =	vadd.s32 v36, v30;
	v50 =	vnsel vm12, $0x0, v50  }
0xec: {  	v30 =	vadd.s32 v50, v30;
	v50 =	vld [tilespmem:$0x1FDB0];
	_ =	sdelay $0x4  }
0xed: {  	vm12 =	vnez.u8 v50;
	v50 =	vld [tilespmem:$0x1FDA0];
	_ =	sdelay $0x4  }
0xee: {  	v36 =	vnsel vm12, $0x0, v7;
	vm12 =	vnez.u8 v50;
	v50 =	vld [tilespmem:$0x1FD90];
	_ =	sdelay $0x1  }
0xef: {  	v42 =	vperm.xlane v20, v47  }
0xf0: {  	vm7 =	vmand vm7, vm14  }
0xf1: {  	v4 =	vsel vm7, $0x1, v14;
	vm7 =	veq.s32 v42, v20;
	v42 =	vperm.xlane v20, v49;
	v28 =	vld [tilespmem:$0x30]  }
0xf2: {  	v30 =	vadd.s32 v36, v30;
	v36 =	vnsel vm12, $0x0, v43;
	vm12 =	vnez.u8 v50;
	v50 =	vld [tilespmem:$0x1FD80]  }
0xf3: {  	vm4 =	vmmov vm3;
	vm3 =	vcmask $0x3F38;
	vm7 =	vmand vm7, vm9  }
0xf4: {  	v55 =	vsel vm7, $0x1, v14;
	vm7 =	veq.s32 v42, v20;
	v42 =	vperm.xlane v20, v14  }
0xf5: {  	vm7 =	vmand vm7, vm3  }
0xf6: {  	v45 =	vsel vm7, $0x1, v14;
	vm7 =	veq.s32 v42, v20;
	v42 =	vperm.xlane v28, v1  }
0xf7: {  	vm7 =	vmand vm7, vm13;
	v7 =	vnsel vm12, $0x0, v38;
	vm12 =	vnez.u8 v50;
	v50 =	vld [tilespmem:$0x1FD70]  }
0xf8: {  	[tilespmem:$0x1FCE0] =	vst v45;
	v45 =	vsel vm7, $0x1, v14;
	vm7 =	veq.s32 v42, v28;
	v42 =	vperm.xlane v28, v2  }
0xf9: {  	vm7 =	vmand vm7, vm2  }
0xfa: {  	v43 =	vsel vm7, $0x1, v14;
	vm7 =	veq.s32 v42, v28  }
0xfb: {  	v42 =	vperm.xlane v28, v8;
	v30 =	vadd.s32 v36, v30;
	vm7 =	vmand vm7, vm11  }
0xfc: {  	v30 =	vadd.s32 v7, v30;
	v36 =	vnsel vm12, $0x0, v34;
	vm12 =	vnez.u8 v50  }
0xfd: {  	v38 =	vsel vm7, $0x1, v14;
	v30 =	vadd.s32 v36, v30;
	v36 =	vnsel vm12, $0x0, v31  }
0xfe: {  	vm7 =	veq.s32 v42, v28;
	v42 =	vperm.xlane v28, v3;
	v44 =	vadd.s32 v36, v30;
	v30 =	vld [tilespmem:$0x1FD60]  }
0xff: {  	vm7 =	vmand vm7, vm0  }
0x100: {  	v34 =	vsel vm7, $0x1, v14;
	vm7 =	veq.s32 v42, v28;
	v42 =	vperm.xlane v28, v9  }
0x101: {  	vm0 =	vcmask $0x3F14;
	vm7 =	vmand vm7, vm1  }
0x102: {  	v50 =	vperm.xlane v28, v11;
	v31 =	vsel vm7, $0x1, v14;
	vm7 =	veq.s32 v42, v28  }
0x103: {  	vm7 =	vmand vm7, vm0;
	vm12 =	vnez.u8 v30  }
0x104: {  	v30 =	vsel vm7, $0x1, v14;
	vm7 =	veq.s32 v50, v28;
	v50 =	vld [tilespmem:$0x1FD50];
	v29 =	vnsel vm12, $0x0, v29  }
0x105: {  	v29 =	vadd.s32 v29, v44;
	v44 =	vld [tilespmem:$0x1FD40];
	_ =	sdelay $0x3  }
0x106: {  	vm12 =	vnez.u8 v50  }
0x107: {  	v27 =	vnsel vm12, $0x0, v27;
	vm12 =	vnez.u8 v44  }
0x108: {  	[tilespmem:$0x1FCF0] =	vst v45;
	v45 =	vld [tilespmem:$0x1FD30];
	v27 =	vadd.s32 v27, v29;
	v26 =	vnsel vm12, $0x0, v26  }
0x109: {  	v36 =	vperm.xlane v28, v10;
	v26 =	vadd.s32 v26, v27;
	v27 =	vld [tilespmem:$0x1FBD0]  }
0x10a: {  	vm7 =	vmand vm7, vm4  }
0x10b: {  	v42 =	vsel vm7, $0x1, v14;
	vm7 =	veq.s32 v36, v28;
	v36 =	vperm.xlane v28, v0  }
0x10c: {  	vm7 =	vmand vm7, vm10;
	v50 =	vperm.xlane v28, v13  }
0x10d: {  	v44 =	vsel vm7, $0x1, v14;
	vm7 =	veq.s32 v36, v28;
	vm12 =	vnez.u8 v45;
	v45 =	vld [tilespmem:$0x1FBE0]  }
0x10e: {  	vm7 =	vmand vm7, vm5;
	v36 =	vadd.s32 v27, v56  }
0x10f: {  	v56 =	vsel vm7, $0x1, v14;
	vm7 =	veq.s32 v50, v28;
	v50 =	vperm.xlane v28, v15  }
0x110: {  	v23 =	vnsel vm12, $0x0, v23;
	v27 =	vadd.s32 v21, v36;
	vm7 =	vmand vm7, vm15  }
0x111: {  	v36 =	vsel vm7, $0x1, v14;
	vm7 =	veq.s32 v50, v28;
	v50 =	vperm.xlane v28, v46  }
0x112: {  	v23 =	vadd.s32 v23, v26;
	v21 =	vld [tilespmem:$0x1FD20];
	v26 =	vadd.s32 v45, v27;
	vm7 =	vmand vm7, vm8  }
0x113: {  	v27 =	vsel vm7, $0x1, v14;
	vm7 =	veq.s32 v50, v28;
	v50 =	vperm.xlane v28, v48  }
0x114: {  	vm7 =	vmand vm7, vm6  }
0x115: {  	v45 =	vperm.xlane v28, v47;
	v29 =	vsel vm7, $0x1, v14;
	vm7 =	veq.s32 v50, v28  }
0x116: {  	vm7 =	vmand vm7, vm14  }
0x117: {  	vm12 =	vnez.u8 v21;
	v21 =	vsel vm7, $0x1, v14;
	vm7 =	veq.s32 v45, v28;
	v45 =	vld [tilespmem:$0x1FC00];
	_ =	sdelay $0x2  }
0x118: {  	v17 =	vnsel vm12, $0x0, v17  }
0x119: {  	v50 =	vadd.s32 v17, v23;
	v23 =	vld [tilespmem:$0x1FBF0]  }
0x11a: {  	v26 =	vadd.s32 v5, v26;
	v5 =	vsub.s32 v45, v6;
	v45 =	vld [tilespmem:$0x1FC10]  }
0x11b: {  	v7 =	vadd.s32 v52, v5;
	v52 =	vld [tilespmem:$0x1FC20];
	_ =	sdelay $0x2  }
0x11c: {  	v17 =	vadd.s32 v23, v26  }
0x11d: {  	v23 =	vld [tilespmem:$0x40];
	v17 =	vadd.s32 v45, v17  }
0x11e: {  	v37 =	vadd.s32 v61, v37;
	v17 =	vadd.s32 v52, v17;
	v52 =	vld [tilespmem:$0x1FC30]  }
0x11f: {  	v61 =	vld [tilespmem:$0x1FC40];
	v40 =	vadd.s32 v40, v37  }
0x120: {  	v40 =	vadd.s32 v63, v40;
	v26 =	vperm.xlane v28, v49  }
0x121: {  	v40 =	vadd.s32 v58, v40;
	vm0 =	vcmask $0x3F38;
	vm7 =	vmand vm7, vm9  }
0x122: {  	v45 =	vsel vm7, $0x1, v14;
	vm7 =	veq.s32 v26, v28;
	v26 =	vperm.xlane v28, v14  }
0x123: {  	[tilespmem:$0x1FD00] =	vst v6;
	v6 =	vperm.xlane v23, v1;
	vm7 =	vmand vm7, vm0;
	v17 =	vadd.s32 v52, v17  }
0x124: {  	v5 =	vsel vm7, $0x1, v14;
	vm7 =	veq.s32 v26, v28;
	v17 =	vadd.s32 v61, v17;
	v61 =	vld [tilespmem:$0x1FC50]  }
0x125: {  	v40 =	vadd.s32 v59, v40;
	vm7 =	vmand vm7, vm13  }
0x126: {  	v26 =	vsel vm7, $0x1, v14;
	vm7 =	veq.s32 v6, v23;
	v6 =	vperm.xlane v23, v2  }
0x127: {  	v60 =	vadd.s32 v60, v40;
	vm3 =	vmmov vm1;
	vm7 =	vmand vm7, vm2  }
0x128: {  	v37 =	vsel vm7, $0x1, v14;
	vm7 =	veq.s32 v6, v23;
	v6 =	vperm.xlane v23, v8  }
0x129: {  	vm4 =	vcmask $0x3F0C;
	vm7 =	vmand vm7, vm11;
	v17 =	vadd.s32 v61, v17  }
0x12a: {  	v61 =	vsel vm7, $0x1, v14;
	vm7 =	veq.s32 v6, v23;
	v6 =	vperm.xlane v23, v3  }
0x12b: {  	vm1 =	vmmov vm13;
	vm10 =	vmmov vm2;
	vm7 =	vmand vm7, vm4  }
0x12c: {  	v63 =	vld [tilespmem:$0x1FC60];
	v58 =	vsel vm7, $0x1, v14;
	vm7 =	veq.s32 v6, v23;
	v6 =	vperm.xlane v23, v9  }
0x12d: {  	vm13 =	vmmov vm11;
	vm2 =	vcmask $0x3F14;
	vm7 =	vmand vm7, vm3  }
0x12e: {  	v52 =	vperm.xlane v23, v11;
	v59 =	vsel vm7, $0x1, v14;
	vm7 =	veq.s32 v6, v23  }
0x12f: {  	vm11 =	vmmov vm3;
	vm3 =	vcmask $0x3F18;
	vm7 =	vmand vm7, vm2  }
0x130: {  	v40 =	vsel vm7, $0x1, v14;
	vm7 =	veq.s32 v52, v23;
	v52 =	vperm.xlane v23, v10  }
0x131: {  	v17 =	vadd.s32 v63, v17;
	v63 =	vld [tilespmem:$0x1FC70];
	vm7 =	vmand vm7, vm3  }
0x132: {  	v60 =	vadd.s32 v57, v60;
	v57 =	vsel vm7, $0x1, v14;
	vm7 =	veq.s32 v52, v23;
	v52 =	vld [tilespmem:$0x1FC80];
	_ =	sdelay $0x1  }
0x133: {  	v50 =	vadd.s32 v7, v50  }
0x134: {  	v18 =	vperm.xlane v50, v18  }
0x135: {  	v17 =	vadd.s32 v63, v17  }
0x136: {  	v17 =	vadd.s32 v18, v17;
	v18 =	vadd.s32 v52, v60;
	v60 =	vld [tilespmem:$0x1FC90];
	_ =	sdelay $0x3  }
0x137: {  	v63 =	vld [tilespmem:$0x1080]  }
0x138: {  	v17 =	vadd.s32 v60, v17;
	v60 =	vld [tilespmem:$0x1FCA0];
	_ =	sdelay $0x1  }
0x139: {  	vm12 =	vcmask $0x3F1C;
	v6 =	vperm.xlane v23, v0  }
0x13a: {  	v12 =	vadd.s32 v39, v12;
	vm7 =	vmand vm7, vm12  }
0x13b: {  	v52 =	vsel vm7, $0x1, v14;
	vm7 =	veq.s32 v6, v23;
	v6 =	vperm.xlane v23, v13  }
0x13c: {  	v50 =	vadd.s32 v50, v63;
	vm7 =	vmand vm7, vm5;
	v18 =	vadd.s32 v60, v18  }
0x13d: {  	v60 =	vsel vm7, $0x1, v14;
	vm7 =	veq.s32 v6, v23;
	v6 =	vperm.xlane v23, v15  }
0x13e: {  	v24 =	vadd.s32 v24, v12;
	v19 =	vperm.xlane v50, v19;
	vm7 =	vmand vm7, vm15  }
0x13f: {  	v18 =	vadd.s32 v51, v18;
	v51 =	vsel vm7, $0x1, v14;
	vm7 =	veq.s32 v6, v23  }
0x140: {  	v6 =	vperm.xlane v23, v46;
	v18 =	vadd.s32 v53, v18;
	vm7 =	vmand vm7, vm8  }
0x141: {  	v63 =	vperm.xlane v23, v48;
	v18 =	vadd.s32 v54, v18;
	v53 =	vsel vm7, $0x1, v14  }
0x142: {  	vm7 =	veq.s32 v6, v23;
	v18 =	vadd.s32 v19, v18;
	v19 =	vadd.s32 v25, v24;
	v24 =	vld [tilespmem:$0x1FCC0]  }
0x143: {  	v12 =	vld [tilespmem:$0x50];
	vm7 =	vmand vm7, vm6  }
0x144: {  	v39 =	vsel vm7, $0x1, v14;
	vm7 =	veq.s32 v63, v23  }
0x145: {  	[tilespmem:$0x1FD10] =	vst v7;
	v7 =	vld [tilespmem:$0x1FCB0];
	v63 =	vperm.xlane v23, v47;
	vm7 =	vmand vm7, vm14  }
0x146: {  	v43 =	vadd.s32 v43, v38;
	v6 =	vperm.xlane v23, v49;
	v54 =	vsel vm7, $0x1, v14  }
0x147: {  	vm7 =	veq.s32 v63, v23;
	v18 =	vadd.s32 v24, v18;
	v24 =	vadd.s32 v35, v19;
	v35 =	vld [tilespmem:$0x1FCD0]  }
0x148: {  	v38 =	vperm.xlane v12, v11;
	v37 =	vadd.s32 v37, v61;
	vm7 =	vmand vm7, vm9  }
0x149: {  	v63 =	vsel vm7, $0x1, v14;
	vm7 =	veq.s32 v6, v23;
	v6 =	vperm.xlane v23, v14  }
0x14a: {  	v37 =	vadd.s32 v58, v37;
	v17 =	vadd.s32 v7, v17;
	vm7 =	vmand vm7, vm0  }
0x14b: {  	v7 =	vld [tilespmem:$0x1090];
	v25 =	vsel vm7, $0x1, v14;
	vm7 =	veq.s32 v6, v23;
	v6 =	vperm.xlane v12, v1  }
0x14c: {  	vm7 =	vmand vm7, vm1;
	v19 =	vadd.s32 v35, v18;
	v35 =	vadd.s32 v41, v24  }
0x14d: {  	v24 =	vsel vm7, $0x1, v14;
	vm7 =	veq.s32 v6, v12;
	v41 =	vperm.xlane v12, v2  }
0x14e: {  	v37 =	vadd.s32 v59, v37;
	v18 =	vadd.s32 v33, v35;
	vm7 =	vmand vm7, vm10  }
0x14f: {  	v33 =	vsel vm7, $0x1, v14;
	vm7 =	veq.s32 v41, v12;
	v41 =	vperm.xlane v12, v8  }
0x150: {  	v7 =	vadd.s32 v50, v7;
	v50 =	vperm.xlane v12, v3;
	vm7 =	vmand vm7, vm13  }
0x151: {  	v16 =	vadd.s32 v16, v18;
	v35 =	vsel vm7, $0x1, v14;
	vm7 =	veq.s32 v41, v12  }
0x152: {  	v18 =	vadd.s32 v34, v43;
	v34 =	vperm.xlane v12, v9;
	vm7 =	vmand vm7, vm4  }
0x153: {  	v16 =	vadd.s32 v22, v16;
	v22 =	vsel vm7, $0x1, v14;
	vm7 =	veq.s32 v50, v12  }
0x154: {  	v20 =	vperm.xlane v7, v20;
	v43 =	vperm.xlane v12, v0;
	vm7 =	vmand vm7, vm11  }
0x155: {  	v18 =	vadd.s32 v31, v18;
	v31 =	vsel vm7, $0x1, v14;
	vm7 =	veq.s32 v34, v12  }
0x156: {  	v16 =	vadd.s32 v32, v16;
	v18 =	vadd.s32 v30, v18;
	vm7 =	vmand vm7, vm2  }
0x157: {  	v41 =	vperm.xlane v12, v10;
	v30 =	vsel vm7, $0x1, v14;
	vm7 =	veq.s32 v38, v12  }
0x158: {  	v16 =	vadd.s32 v62, v16;
	v42 =	vadd.s32 v42, v18;
	vm7 =	vmand vm7, vm3  }
0x159: {  	v62 =	vperm.xlane v12, v46;
	v18 =	vsel vm7, $0x1, v14;
	vm7 =	veq.s32 v41, v12  }
0x15a: {  	v33 =	vadd.s32 v33, v35;
	v4 =	vadd.s32 v4, v16;
	vm7 =	vmand vm7, vm12  }
0x15b: {  	v50 =	vperm.xlane v12, v13;
	v32 =	vsel vm7, $0x1, v14;
	vm7 =	veq.s32 v43, v12  }
0x15c: {  	v16 =	vadd.s32 v44, v42;
	v4 =	vadd.s32 v55, v4;
	vm7 =	vmand vm7, vm5  }
0x15d: {  	v55 =	vperm.xlane v12, v15;
	v34 =	vsel vm7, $0x1, v14;
	vm7 =	veq.s32 v50, v12  }
0x15e: {  	v42 =	vperm.xlane v12, v48;
	v16 =	vadd.s32 v56, v16;
	vm7 =	vmand vm7, vm15  }
0x15f: {  	v16 =	vadd.s32 v36, v16;
	v36 =	vsel vm7, $0x1, v14;
	vm7 =	veq.s32 v55, v12  }
0x160: {  	v44 =	vperm.xlane v12, v47;
	v22 =	vadd.s32 v22, v33;
	vm7 =	vmand vm7, vm8  }
0x161: {  	v56 =	vld [tilespmem:$0x10A0];
	v16 =	vadd.s32 v27, v16;
	v27 =	vsel vm7, $0x1, v14;
	vm7 =	veq.s32 v62, v12  }
0x162: {  	v4 =	vadd.s32 v20, v4;
	v22 =	vadd.s32 v31, v22;
	v41 =	vld [tilespmem:$0x1FCE0];
	vm7 =	vmand vm7, vm6  }
0x163: {  	v16 =	vadd.s32 v29, v16;
	v29 =	vsel vm7, $0x1, v14;
	vm7 =	veq.s32 v42, v12  }
0x164: {  	v22 =	vadd.s32 v30, v22;
	v50 =	vadd.s32 v21, v16;
	v16 =	vld [tilespmem:$0x60];
	vm7 =	vmand vm7, vm14  }
0x165: {  	v55 =	vperm.xlane v12, v49;
	v38 =	vsel vm7, $0x1, v14;
	vm7 =	veq.s32 v44, v12  }
0x166: {  	v7 =	vadd.s32 v7, v56;
	v56 =	vperm.xlane v12, v14;
	vm7 =	vmand vm7, vm9  }
0x167: {  	v4 =	vadd.s32 v41, v4;
	v41 =	vsel vm7, $0x1, v14;
	vm7 =	veq.s32 v55, v12  }
0x168: {  	v28 =	vperm.xlane v7, v28;
	v20 =	vadd.s32 v45, v50;
	vm7 =	vmand vm7, vm0  }
0x169: {  	v61 =	vperm.xlane v16, v1;
	v42 =	vsel vm7, $0x1, v14;
	vm7 =	veq.s32 v56, v12  }
0x16a: {  	v18 =	vadd.s32 v18, v22;
	v28 =	vadd.s32 v28, v20;
	vm7 =	vmand vm7, vm1  }
0x16b: {  	v44 =	vperm.xlane v16, v2;
	v20 =	vsel vm7, $0x1, v14;
	vm7 =	veq.s32 v61, v16  }
0x16c: {  	v18 =	vadd.s32 v32, v18;
	v50 =	vadd.s32 v40, v37;
	vm7 =	vmand vm7, vm10  }
0x16d: {  	v55 =	vperm.xlane v16, v8;
	v37 =	vsel vm7, $0x1, v14;
	vm7 =	veq.s32 v44, v16  }
0x16e: {  	v45 =	vadd.s32 v5, v28;
	v56 =	vadd.s32 v57, v50;
	vm7 =	vmand vm7, vm13  }
0x16f: {  	v43 =	vld [tilespmem:$0x1FCF0];
	v57 =	vperm.xlane v16, v3;
	v28 =	vsel vm7, $0x1, v14;
	vm7 =	veq.s32 v55, v16  }
0x170: {  	v18 =	vadd.s32 v34, v18;
	vm7 =	vmand vm7, vm4  }
0x171: {  	v62 =	vld [tilespmem:$0x10B0];
	v58 =	vperm.xlane v16, v9;
	v40 =	vsel vm7, $0x1, v14;
	vm7 =	veq.s32 v57, v16  }
0x172: {  	v21 =	vadd.s32 v26, v45;
	v59 =	vperm.xlane v16, v11;
	vm7 =	vmand vm7, vm11  }
0x173: {  	v26 =	vadd.s32 v52, v56;
	v35 =	vsel vm7, $0x1, v14;
	vm7 =	veq.s32 v58, v16  }
0x174: {  	v4 =	vadd.s32 v43, v4;
	v26 =	vadd.s32 v60, v26;
	vm7 =	vmand vm7, vm2  }
0x175: {  	v60 =	vperm.xlane v16, v10;
	v33 =	vsel vm7, $0x1, v14;
	vm7 =	veq.s32 v59, v16  }
0x176: {  	v18 =	vadd.s32 v36, v18;
	v7 =	vadd.s32 v7, v62;
	vm7 =	vmand vm7, vm3  }
0x177: {  	v61 =	vperm.xlane v16, v0;
	v31 =	vsel vm7, $0x1, v14;
	vm7 =	veq.s32 v60, v16  }
0x178: {  	v62 =	vperm.xlane v16, v13;
	v26 =	vadd.s32 v51, v26;
	vm7 =	vmand vm7, vm12  }
0x179: {  	v26 =	vadd.s32 v53, v26;
	v30 =	vsel vm7, $0x1, v14;
	vm7 =	veq.s32 v61, v16  }
0x17a: {  	v18 =	vadd.s32 v27, v18;
	v26 =	vadd.s32 v39, v26;
	vm7 =	vmand vm7, vm5  }
0x17b: {  	v39 =	vperm.xlane v16, v15;
	v22 =	vsel vm7, $0x1, v14;
	vm7 =	veq.s32 v62, v16  }
0x17c: {  	v43 =	vperm.xlane v16, v46;
	v18 =	vadd.s32 v29, v18;
	vm7 =	vmand vm7, vm15  }
0x17d: {  	v45 =	vld [tilespmem:$0x10C0];
	v18 =	vadd.s32 v38, v18;
	v32 =	vsel vm7, $0x1, v14;
	vm7 =	veq.s32 v39, v16  }
0x17e: {  	v23 =	vperm.xlane v7, v23;
	v44 =	vperm.xlane v16, v48;
	vm7 =	vmand vm7, vm8  }
0x17f: {  	v26 =	vadd.s32 v54, v26;
	v34 =	vsel vm7, $0x1, v14;
	vm7 =	veq.s32 v43, v16  }
0x180: {  	v50 =	vperm.xlane v16, v47;
	v26 =	vadd.s32 v63, v26;
	vm7 =	vmand vm7, vm6  }
0x181: {  	v23 =	vadd.s32 v23, v26;
	v36 =	vsel vm7, $0x1, v14;
	vm7 =	veq.s32 v44, v16  }
0x182: {  	v7 =	vadd.s32 v7, v45;
	v23 =	vadd.s32 v25, v23;
	v25 =	vld [tilespmem:$0x70];
	vm7 =	vmand vm7, vm14  }
0x183: {  	v52 =	vperm.xlane v16, v49;
	v51 =	vsel vm7, $0x1, v14;
	vm7 =	veq.s32 v50, v16  }
0x184: {  	v18 =	vadd.s32 v41, v18;
	v12 =	vperm.xlane v7, v12;
	vm7 =	vmand vm7, vm9  }
0x185: {  	v56 =	vld [tilespmem:$0x10D0];
	v54 =	vperm.xlane v16, v14;
	v53 =	vsel vm7, $0x1, v14;
	vm7 =	veq.s32 v52, v16  }
0x186: {  	v12 =	vadd.s32 v12, v18;
	v58 =	vadd.s32 v37, v28;
	vm7 =	vmand vm7, vm0  }
0x187: {  	v55 =	vperm.xlane v25, v1;
	v26 =	vsel vm7, $0x1, v14;
	vm7 =	veq.s32 v54, v16  }
0x188: {  	v12 =	vadd.s32 v42, v12;
	v18 =	vadd.s32 v40, v58;
	vm7 =	vmand vm7, vm1  }
0x189: {  	v57 =	vperm.xlane v25, v2;
	v38 =	vsel vm7, $0x1, v14;
	vm7 =	veq.s32 v55, v25  }
0x18a: {  	v7 =	vadd.s32 v7, v56;
	v18 =	vadd.s32 v35, v18;
	vm7 =	vmand vm7, vm10  }
0x18b: {  	v60 =	vperm.xlane v25, v8;
	v59 =	vsel vm7, $0x1, v14;
	vm7 =	veq.s32 v57, v25  }
0x18c: {  	v23 =	vadd.s32 v24, v23;
	v18 =	vadd.s32 v33, v18;
	vm7 =	vmand vm7, vm13  }
0x18d: {  	v62 =	vperm.xlane v25, v3;
	v61 =	vsel vm7, $0x1, v14;
	vm7 =	veq.s32 v60, v25  }
0x18e: {  	v1 =	vperm.xlane v25, v9;
	v37 =	vperm.xlane v25, v0;
	vm7 =	vmand vm7, vm4  }
0x18f: {  	v41 =	vperm.xlane v25, v13;
	v63 =	vsel vm7, $0x1, v14;
	vm7 =	veq.s32 v62, v25  }
0x190: {  	v45 =	vperm.xlane v25, v46;
	v18 =	vadd.s32 v31, v18;
	vm7 =	vmand vm7, vm11  }
0x191: {  	v3 =	vperm.xlane v25, v11;
	v2 =	vsel vm7, $0x1, v14;
	vm7 =	veq.s32 v1, v25  }
0x192: {  	v48 =	vperm.xlane v25, v48;
	v18 =	vadd.s32 v30, v18;
	vm7 =	vmand vm7, vm2  }
0x193: {  	v11 =	vperm.xlane v25, v10;
	v9 =	vsel vm7, $0x1, v14;
	vm7 =	veq.s32 v3, v25  }
0x194: {  	v56 =	vperm.xlane v25, v14;
	v18 =	vadd.s32 v22, v18;
	vm7 =	vmand vm7, vm3  }
0x195: {  	v18 =	vadd.s32 v32, v18;
	v35 =	vsel vm7, $0x1, v14;
	vm7 =	veq.s32 v11, v25  }
0x196: {  	v43 =	vperm.xlane v25, v15;
	v18 =	vadd.s32 v34, v18;
	vm7 =	vmand vm7, vm12  }
0x197: {  	v18 =	vadd.s32 v36, v18;
	v40 =	vsel vm7, $0x1, v14;
	vm7 =	veq.s32 v37, v25  }
0x198: {  	v18 =	vadd.s32 v51, v18;
	v52 =	vperm.xlane v25, v47;
	vm7 =	vmand vm7, vm5  }
0x199: {  	v50 =	vld [tilespmem:$0x10E0];
	v18 =	vadd.s32 v53, v18;
	v42 =	vsel vm7, $0x1, v14;
	vm7 =	veq.s32 v41, v25  }
0x19a: {  	v54 =	vperm.xlane v25, v49;
	v28 =	vadd.s32 v59, v61;
	vm7 =	vmand vm7, vm15  }
0x19b: {  	v28 =	vadd.s32 v63, v28;
	v44 =	vsel vm7, $0x1, v14;
	vm7 =	veq.s32 v43, v25  }
0x19c: {  	v16 =	vperm.xlane v7, v16;
	v28 =	vadd.s32 v2, v28;
	vm7 =	vmand vm7, vm8  }
0x19d: {  	v39 =	vadd.s32 v9, v28;
	v46 =	vsel vm7, $0x1, v14;
	vm7 =	veq.s32 v45, v25  }
0x19e: {  	v7 =	vadd.s32 v7, v50;
	v22 =	vadd.s32 v35, v39;
	vm7 =	vmand vm7, vm6  }
0x19f: {  	v22 =	vadd.s32 v40, v22;
	v51 =	vsel vm7, $0x1, v14;
	vm7 =	veq.s32 v48, v25  }
0x1a0: {  	v60 =	vadd.s32 v20, v12;
	v22 =	vadd.s32 v42, v22;
	vm7 =	vmand vm7, vm14  }
0x1a1: {  	v22 =	vadd.s32 v44, v22;
	v53 =	vsel vm7, $0x1, v14;
	vm7 =	veq.s32 v52, v25  }
0x1a2: {  	[tilespmem:$0x1100] =	vst v17;
	v12 =	vadd.s32 v16, v18;
	v22 =	vadd.s32 v46, v22;
	vm7 =	vmand vm7, vm9  }
0x1a3: {  	[tilespmem:$0x1110] =	vst v19;
	v22 =	vadd.s32 v51, v22;
	v55 =	vsel vm7, $0x1, v14;
	vm7 =	veq.s32 v54, v25  }
0x1a4: {  	[tilespmem:$0x1120] =	vst v4;
	v59 =	vperm.xlane v7, v25;
	v57 =	vadd.s32 v53, v22;
	vm7 =	vmand vm7, vm0  }
0x1a5: {  	[tilespmem:$0x1130] =	vst v21;
	v61 =	vadd.s32 v55, v57;
	v58 =	vsel vm7, $0x1, v14;
	vm7 =	veq.s32 v56, v25  }
0x1a6: {  	[tilespmem:$0x1140] =	vst v23;
	v12 =	vadd.s32 v26, v12;
	v6 =	vadd.s32 v59, v61;
	vm7 =	vmand vm7, vm1  }
0x1a7: {  	[tilespmem:$0x1150] =	vst v60;
	v63 =	vadd.s32 v38, v12;
	v4 =	vadd.s32 v58, v6;
	v62 =	vsel vm7, $0x1, v14  }
0x1a8: {  	[tilespmem:$0x1160] =	vst v63;
	v4 =	vadd.s32 v62, v4  }
0x1a9: {  	[tilespmem:$0x1170] =	vst v4  }
0x1aa: {  	[hbm4b:s7+s3] =	stream.linear.scatter [tilespmem:s12], [sflag:$0x1], $0x80, $0x38;
	[tilespmem:$0x1280] =	vst v63  }
0x1ab: {  	_ =	swait.ge [sflag:s9], $0x80  }
0x1ac: {  	v0 =	vld [tilespmem:$0x1FD00];
	_ =	sdelay $0x2  }
0x1ad: {  	[sflag:s9] =	ssyncset.done $0x0  }
0x1ae: {  	[sflag:s9] =	ssyncadd.s32 $0xFFFFFF80  }
0x1af: {  	[tilespmem:$0x1180] =	vst @!p0 v0;
	v0 =	vld [tilespmem:$0x1FD10];
	_ =	sdelay $0x3  }
0x1b0: {  	s8 =	sadd.s32 $0xFFFFFFFF, s8  }
0x1b1: {  	s13 =	simm.s32 @!p0 $0x0;
	s14 =	simm.s32 @!p0 $0x1180;
	p1 =	sne.s32 s8, $0x0;
	[tilespmem:$0x1200] =	vst @!p0 v0  }
0x1b2: {  	[hbm4b:s4+s13] =	stream.linear.scatter @!p0 [tilespmem:s14], [sflag:$0x1], $0x100, $0x38;
	[tilespmem:$0x1280] =	vst v63  }
.Ltmp0:
0x1b3: {  	_ = 	snop;
	(pc) =	sbr.rel @p1 .LBB2_1-.Ltmp0, $4  }
0x1b4: {  	s13 =	simm.s32 @!p0 $0x1  }
0x1b5: {  	_ =	swait.ge @!p0 [sflag:s13], $0x100  }
0x1b6: {  	[sflag:s13] =	ssyncset.done @!p0 $0x0  }
0x1b7: {  	[sflag:s13] =	ssyncadd.s32 @!p0 $0xFFFFFF00  }
0x1b8: {  	_ =	sfence.sel $0x180000  }
0x1b9: {  	[bflag:$0x0] =	sbarrier.arrive $0xFFFF  }
0x1ba: {  	p0 =	sne.s32 s0, $0x0;
	_ =	strace $0x90000047  }
0x1bb: {  	s0 =	sadd.s32 @!p0 $0x100000, s1;
	[bflag:$0x2] =	sbarrier.arrive $0xFFFF  }
0x1bc: {  	[sflag:s0] =	ssyncadd.tile.s32 @!p0 $0x1;
	_ =	shalt  }
.Lfunc_end2:
_tile_overlayer_lowered:
.L_overlay_start_2:
0x1bd: {  	(tag) =	ssettag $0x2  }
0x1be: {  	s0 =	rddreg [dreg:$0x0];
	s2 =	stileid.u32  }
0x1bf: {  	s1 =	rddreg [dreg:$0x1];
	p0 =	sne.s32 s2, $0x0  }
0x1c0: {  	s3 =	rddreg [dreg:$0x2];
	[bflag:$0x3] =	sbarrier.arrive $0xFFFF;
	s2 =	simm.s32 @!p0 $0x1C01  }
0x1c1: {  	[timem:s3], [sflag:s2] =	dma.local @!p0 [hbm:s0], s1  }
0x1c2: {  	s0 =	simm.s32 @!p0 $0x1  }
0x1c3: {  	_ =	swait.ge @!p0 [sflag:s0], s1  }
0x1c4: {  	s1 =	ssub.s32 @!p0 $0x0, s1;
	[sflag:s0] =	ssyncset.done @!p0 $0x0  }
0x1c5: {  	[sflag:s0] =	ssyncadd.s32 @!p0 s1  }
0x1c6: {  	[bflag:$0x3] =	sbarrier.arrive $0xFFFF  }
0x1c7: {  	_ =	shalt  }

// kernel: scatter_offload_async_start
scs
__scs_entry_jumppad:
0x0: {  	(pc) =	sbr.rel $0x88, $3  }
0x1: {  	(tag) =	ssettag $0x0;
	lr =	simm.s32 $0x1  }
0x2: {  	[smem:$0x3F9A] =	sst lr;
	_ =	strace $0xD0000000  }
0x3: {  	_ = 	snop  }
0x4: {  	_ = 	snop  }
0x5: {  	_ = 	snop  }
0x6: {  	_ = 	snop  }
0x7: {  	_ = 	snop  }
__scs_overlays_trampoline_lowered:
0x8: {  	[smem:$0x3FA9] =	sst s0  }
0x9: {  	[smem:$0x3FAA] =	sst s1  }
0xa: {  	[smem:$0x3FAB] =	sst s2  }
0xb: {  	[smem:$0x3FAC] =	sst s3  }
0xc: {  	[smem:$0x3FAD] =	sst s4  }
0xd: {  	[smem:$0x3FAE] =	sst s5  }
0xe: {  	[smem:$0x3FAF] =	sst s6  }
0xf: {  	[smem:$0x3FB0] =	sst s7  }
0x10: {  	[smem:$0x3FB1] =	sst s8  }
0x11: {  	[smem:$0x3FB2] =	sst s9;
	s0 =	simm.s32 @!p0 $0x0  }
0x12: {  	s1 =	sld [smem:$0x3F98];
	s0 =	simm.s32 @p0 $0x1  }
0x13: {  	[smem:$0x3FB3] =	sst s0;
	s0 =	simm.s32 @!p1 $0x0  }
0x14: {  	s2 =	sld [smem:$0x3F97];
	s0 =	simm.s32 @p1 $0x1  }
0x15: {  	[smem:$0x3FB4] =	sst s0;
	s0 =	simm.s32 @!p2 $0x0  }
0x16: {  	s3 =	sld [smem:$0x3FDB];
	s0 =	simm.s32 @p2 $0x1  }
0x17: {  	s4 =	simm.s32 $0x1BF5;
	[smem:$0x3FB6] =	sst s0  }
0x18: {  	s0 =	sld [smem:$0x3F99];
	_ =	swait.ge [sflag:s4], $0x0  }
0x19: {  	s7 =	sld [smem:$0x3F9A]  }
0x1a: {  	s8 =	sadd.s32 $0xFFFFE003, lr  }
0x1b: {  	s9 =	sadd.s32 $0xFFFFFEF7, lr;
	s5 =	simm.s32 $0xFFFFFFFF;
	p2 =	slt.u32 s8, $0xFFFFF086  }
0x1c: {  	p1 =	slt.u32 s9, $0xF7A;
	s5 =	simm.s32 @!p2 $0x0  }
0x1d: {  	s5 =	simm.s32 @p1 $0x1;
	p0 =	seq.s32 s7, s2  }
0x1e: {  	s7 =	smul.u32 @!p0 $0xF7A, s2;
	p2 =	seq.s32 @!p0 s5, $0x0  }
0x1f: {  	s9 =	smul.u32 $0xF7A, s1;
	s8 =	simm.s32 @!p0 $0x1BF5;
	p2 =	por !p2, p0  }
0x20: {  	[sflag:s8] =	ssyncset.s32 @!p0 $0xFFFFF086;
	s6 =	sadd.s32 @!p0 s3, s7;
	s7 =	simm.s32 @!p0 $0x108  }
0x21: {  	s3 =	sadd.s32 s3, s9;
	s6 =	sadd.s32 @!p0 $0x88, s6;
	s7 =	simm.s32 @p2 $0x1082  }
0x22: {  	[simem:s7], [sflag:s8] =	dma.local @!p0 [hbm:s6], $0xF7A  }
0x23: {  	s9 =	sor.u32 $0xD0000000, s2;
	s6 =	simm.s32 $0x108;
	_ =	swait.ge @!p0 [sflag:s8], $0x0  }
0x24: {  	s3 =	sadd.s32 $0x88, s3;
	s6 =	simm.s32 @!p1 $0x1082;
	[sflag:s4] =	ssyncset.s32 $0xFFFFF086  }
0x25: {  	[simem:s6], [sflag:s4] =	dma.local [hbm:s3], $0xF7A  }
0x26: {  	[smem:$0x3F9A] =	sst s1;
	(tag) =	ssettag s2;
	_ =	strace s9  }
0x27: {  	s1 =	sld [smem:$0x3FAA]  }
0x28: {  	s2 =	sld [smem:$0x3FAB]  }
0x29: {  	s4 =	sld [smem:$0x3FAD]  }
0x2a: {  	p0 =	seq.s32 s5, $0x0;
	s5 =	sld [smem:$0x3FAE]  }
0x2b: {  	s6 =	sld [smem:$0x3FAF]  }
0x2c: {  	s7 =	sld [smem:$0x3FB0]  }
0x2d: {  	s3 =	simm.s32 $0x108;
	s8 =	sld [smem:$0x3FB1]  }
0x2e: {  	s3 =	simm.s32 @!p0 $0x1082;
	s9 =	sld [smem:$0x3FB2]  }
0x2f: {  	lr =	sadd.s32 s0, s3;
	s0 =	sld [smem:$0x3FA9]  }
0x30: {  	s3 =	sld [smem:$0x3FAC]  }
0x31: {  	[smem:$0x3FB5] =	sst s10  }
0x32: {  	s10 =	sld [smem:$0x3FB3];
	_ =	sdelay $0x3  }
0x33: {  	p0 =	seq.s32 s10, $0x1;
	s10 =	sld [smem:$0x3FB5];
	_ =	sdelay $0x3  }
0x34: {  	[smem:$0x3FB5] =	sst s10  }
0x35: {  	s10 =	sld [smem:$0x3FB4];
	_ =	sdelay $0x3  }
0x36: {  	p1 =	seq.s32 s10, $0x1;
	s10 =	sld [smem:$0x3FB5];
	_ =	sdelay $0x3  }
0x37: {  	[smem:$0x3FB5] =	sst s10  }
0x38: {  	s10 =	sld [smem:$0x3FB6]  }
0x39: {  	_ = 	snop;
	(pc) =	sbr.ind lr, $3  }
0x3a: {  	_ = 	snop  }
0x3b: {  	_ = 	snop  }
0x3c: {  	p2 =	seq.s32 s10, $0x1;
	s10 =	sld [smem:$0x3FB5]  }
0x3d: {  	_ =	shalt  }
0x3e: {  	_ =	shalt  }
0x3f: {  	_ =	shalt  }
0x40: {  	_ =	shalt  }
0x41: {  	_ =	shalt  }
0x42: {  	_ =	shalt  }
0x43: {  	_ =	shalt  }
0x44: {  	_ =	shalt  }
0x45: {  	_ =	shalt  }
0x46: {  	_ =	shalt  }
0x47: {  	_ =	shalt  }
0x48: {  	_ =	shalt  }
0x49: {  	_ =	shalt  }
0x4a: {  	_ =	shalt  }
0x4b: {  	_ =	shalt  }
0x4c: {  	_ =	shalt  }
0x4d: {  	_ =	shalt  }
0x4e: {  	_ =	shalt  }
0x4f: {  	_ =	shalt  }
0x50: {  	_ =	shalt  }
0x51: {  	_ =	shalt  }
0x52: {  	_ =	shalt  }
0x53: {  	_ =	shalt  }
0x54: {  	_ =	shalt  }
0x55: {  	_ =	shalt  }
0x56: {  	_ =	shalt  }
0x57: {  	_ =	shalt  }
0x58: {  	_ =	shalt  }
0x59: {  	_ =	shalt  }
0x5a: {  	_ =	shalt  }
0x5b: {  	_ =	shalt  }
0x5c: {  	_ =	shalt  }
0x5d: {  	_ =	shalt  }
0x5e: {  	_ =	shalt  }
0x5f: {  	_ =	shalt  }
0x60: {  	_ =	shalt  }
0x61: {  	_ =	shalt  }
0x62: {  	_ =	shalt  }
0x63: {  	_ =	shalt  }
0x64: {  	_ =	shalt  }
0x65: {  	_ =	shalt  }
0x66: {  	_ =	shalt  }
0x67: {  	_ =	shalt  }
0x68: {  	_ =	shalt  }
0x69: {  	_ =	shalt  }
0x6a: {  	_ =	shalt  }
0x6b: {  	_ =	shalt  }
0x6c: {  	_ =	shalt  }
0x6d: {  	_ =	shalt  }
0x6e: {  	_ =	shalt  }
0x6f: {  	_ =	shalt  }
0x70: {  	_ =	shalt  }
0x71: {  	_ =	shalt  }
0x72: {  	_ =	shalt  }
0x73: {  	_ =	shalt  }
0x74: {  	_ =	shalt  }
0x75: {  	_ =	shalt  }
0x76: {  	_ =	shalt  }
0x77: {  	_ =	shalt  }
0x78: {  	_ =	shalt  }
0x79: {  	_ =	shalt  }
0x7a: {  	_ =	shalt  }
0x7b: {  	_ =	shalt  }
0x7c: {  	_ =	shalt  }
0x7d: {  	_ =	shalt  }
0x7e: {  	_ =	shalt  }
0x7f: {  	_ =	shalt  }
0x80: {  	_ =	shalt  }
0x81: {  	_ =	shalt  }
0x82: {  	_ =	shalt  }
0x83: {  	_ =	shalt  }
0x84: {  	_ =	shalt  }
0x85: {  	_ =	shalt  }
0x86: {  	_ =	shalt  }
0x87: {  	_ =	shalt  }
.Lfunc_end0:
.L_simem_size_0:
called_computation_lowered:
.L_overlay_start_0:
0x88: {  	s0 =	sld [smem:$0x3FD9]  }
0x89: {  	s1 =	sld [smem:$0x3FFE];
	_ =	sdelay $0x3  }
0x8a: {  	s0 =	sadd.s32 s1, s0  }
0x8b: {  	[smem:$0x3FC1] =	sst s0  }
0x8c: {  	_ = 	snop  }
0x8d: {  	(tm) =	ssettm $0x1  }
0x8e: {  	s15 =	sld [smem:$0x3FFB];
	_ =	sdelay $0x3  }
0x8f: {  	_ =	strace s15  }
0x90: {  	s0 =	sld [smem:$0x3FFC];
	_ =	sdelay $0x3  }
0x91: {  	_ =	strace s0  }
0x92: {  	s0 =	sld [smem:$0x3FFD];
	_ =	sdelay $0x3  }
0x93: {  	_ =	strace s0  }
0x94: {  	_ =	strace $0x8FFFFFFF  }
0x95: {  	s16 =	sld [smem:$0x3FDB];
	_ =	sdelay $0x1  }
0x96: {  	s17 =	simm.s32 $_scs_section_size  }
0x97: {  	s2 =	simm.s32 $_size__tile_overlayer_lowered;
	s3 =	simm.s32 $_tile_overlayer_lowered  }
0x98: {  	s20 =	simm.s32 $0x1BFF;
	s19 =	sshll.u32 s3, $0x1;
	s0 =	sadd.s32 s17, s16  }
0x99: {  	s4 =	simm.s32 $0x0;
	s18 =	sshll.u32 s2, $0x1;
	s2 =	sadd.s32 s19, s0  }
0x9a: {  	[timem:s4], [sflag:s20] =	dma.local [hbm:s2], s18  }
0x9b: {  	_ =	swait.ge [sflag:s20], s18  }
0x9c: {  	s1 =	ssub.s32 $0x0, s18;
	[sflag:s20] =	ssyncset.done $0x0  }
0x9d: {  	[sflag:s20] =	ssyncadd.s32 s1;
	_ =	sdelay $0x1  }
0x9e: {  	s21 =	simm.s32 $0x1B8B  }
0x9f: {  	_ =	swait.ge [sflag:s21], $0x1  }
0xa0: {  	[sflag:s21] =	ssyncset.done $0x0  }
0xa1: {  	s23 =	simm.s32 $0x1B8E;
	s22 =	sld [smem:$0x3FFE];
	[sflag:s21] =	ssyncadd.s32 $0xFFFFFFFF  }
0xa2: {  	s24 =	simm.s32 $execute0_lowered;
	[smem:$0x3FD2] =	sst s23  }
0xa3: {  	s2 =	sshll.u32 s24, $0x1;
	_ =	strace $0x80000049;
	[dreg:$0x1] =	wrdreg $0xFFFFFFFF  }
0xa4: {  	s25 =	simm.s32 $_size_execute0_lowered;
	s0 =	sadd.s32 s0, s2;
	[dreg:$0x0] =	wrdreg $0x0  }
0xa5: {  	s2 =	sshll.u32 s25, $0x1;
	[dreg:$0x2] =	wrdreg s0  }
0xa6: {  	[dreg:$0x3] =	wrdreg s2  }
0xa7: {  	[dreg:$0x4] =	wrdreg $0xC0  }
0xa8: {  	_ =	task [dreg:s4], $0x5FFFF  }
0xa9: {  	[dreg:$0x1] =	wrdreg $0xFFFFFFFF  }
0xaa: {  	[dreg:$0x0] =	wrdreg $0x60  }
0xab: {  	[dreg:$0x2] =	wrdreg s22  }
0xac: {  	[dreg:$0x3] =	wrdreg $0x9  }
0xad: {  	_ =	task.clear_ibuf [dreg:s4], $0x4FFFF;
	_ =	strace $0x90000049  }
0xae: {  	s26 =	simm.s32 $0x9;
	_ =	strace $0x8000004B  }
0xaf: {  	_ =	swait.ge [sflag:s26], $0x1  }
0xb0: {  	[sflag:s26] =	ssyncadd.s32 $0xFFFFFFFF  }
0xb1: {  	_ =	strace $0x9000004B  }
0xb2: {  	_ =	sfence  }
0xb3: {  	s28 =	sld [smem:$0x0];
	_ =	sdelay $0x1  }
0xb4: {  	s29 =	srdreg.scid  }
0xb5: {  	s30 =	sshll.u32 s29, $0xD;
	s31 =	sshrl.u32 s29, $0x2  }
0xb6: {  	s1 =	sand.u32 $0x1, s29;
	s2 =	sand.u32 $0x4000, s30;
	s0 =	sadd.s32 s31, s28  }
0xb7: {  	s1 =	sor.u32 s2, s1;
	s0 =	sshll.u32 s0, $0x11  }
0xb8: {  	s0 =	sor.u32 s0, s1  }
0xb9: {  	s0 =	sadd.s32 $0x8F2B, s0  }
0xba: {  	[sflag:s0] =	ssyncadd.remote.s32 $0x1  }
0xbb: {  	_ =	sfence.sel $0xFFFF  }
0xbc: {  	[dreg:$0x0] =	wrdreg $0xFFFFFFFF;
	(pc) =	sbr.abs _section_cstart, $3  }
0xbd: {  	[dreg:$0x1] =	wrdreg $0xFFFFFFFF  }
0xbe: {  	_ =	task.clear_ibuf [dreg:s4], $0x2FFFF;
	_ =	strace $0x9FFFFFFF  }
0xbf: {  	(tm) =	ssettm $0x7FFFFFFF  }
tec
execute0_lowered:
.L_overlay_start_1:
0x0: {  	(tag) =	ssettag $0x1  }
0x1: {  	s1 =	rddreg [dreg:$0x0]  }
0x2: {  	s0 =	rddreg [dreg:$0x1];
	_ =	strace $0x8000004A;
	s2 =	stileid.u32  }
0x3: {  	s4 =	simm.s32 $0x3E;
	s3 =	sadd.s32 $0x200, s1;
	p0 =	sne.s32 s2, $0x0  }
0x4: {  	[sflag:s4] =	ssyncpa.u1 $0x0;
	s5 =	simm.s32 @!p0 $0x1C3E;
	s6 =	simm.s32 @!p0 $0x0  }
0x5: {  	[spmem:s6], [sflag:s5] =	dma.local @!p0 [hbm:s3], $0x10  }
0x6: {  	s5 =	simm.s32 @!p0 $0x3E  }
0x7: {  	_ =	swait.ge @!p0 [sflag:s5], $0x10  }
0x8: {  	[sflag:s5] =	ssyncset.done @!p0 $0x0  }
0x9: {  	[sflag:s5] =	ssyncadd.s32 @!p0 $0xFFFFFFF0  }
0xa: {  	s26 =	simm.s32 $0x1;
	s28 =	simm.s32 $0x2;
	[bflag:$0x0] =	sbarrier.arrive $0xFFFF  }
0xb: {  	s8 =	simm.s32 $0x0;
	s9 =	simm.s32 $0x18;
	[sflag:s4] =	ssyncpa.u1 $0x1  }
0xc: {  	s7 =	sadd.s32 $0x800, s1;
	s2 =	sshll.u32 s2, $0x1;
	[sflag:s26] =	ssyncpa.u1 $0x0  }
0xd: {  	s1 =	sadd.s32 s1, s2;
	(ifvalue) =	ssetifvalue $0x80;
	[sflag:s28] =	ssyncpa.u1 $0x0  }
0xe: {  	[tilespmem:s9], [sflag:$0x2] =	stream.linear.gather [hbm4b:s1+s8], $0x10, $0x38;
	[tilespmem:$0x48] =	vst v63  }
0xf: {  	s30 =	simm.s32 $0x38;
	s29 =	sadd.s32 s7, s2  }
0x10: {  	[tilespmem:s30], [sflag:$0x2] =	stream.linear.gather [hbm4b:s29+s8], $0x10, $0x38;
	[tilespmem:$0x48] =	vst v63  }
0x11: {  	_ =	swait.ge [sflag:s28], $0x20  }
0x12: {  	[sflag:s28] =	ssyncset.done $0x0  }
0x13: {  	[sflag:s28] =	ssyncadd.s32 $0xFFFFFFE0  }
0x14: {  	v0 =	vld.msk [tilespmem:s9+$0x0 ss:$0x1], $0xffff;
	_ =	sdelay $0x4  }
0x15: {  	v0 =	vmin.u32 v0, $0x80;
	_ =	sdelay $0x3  }
0x16: {  	vm0 =	vmmov $0xffff  }
0x17: {  	[spmem:s8] =	stream.indirect_vreg.scatter.add.s32 [tilespmem:s30], [sflag:$0x1], $0x1, v0, vm0, $0x4038;
	[tilespmem:$0x48] =	vst v63  }
0x18: {  	_ =	swait.ge [sflag:s26], $0x10  }
0x19: {  	[sflag:s26] =	ssyncset.done $0x0  }
0x1a: {  	[sflag:s26] =	ssyncadd.s32 $0xFFFFFFF0  }
0x1b: {  	_ =	sfence.sel $0x180000  }
0x1c: {  	[bflag:$0x0] =	sbarrier.arrive $0xFFFF  }
0x1d: {  	[sflag:s28] =	ssyncpa.u1 $0x1  }
0x1e: {  	[sflag:s26] =	ssyncpa.u1 $0x1  }
0x1f: {  	_ =	sfence.stream.spmem  }
0x20: {  	s31 =	simm.s32 $0x3D;
	[bflag:$0x0] =	sbarrier.arrive $0xFFFF  }
0x21: {  	s1 =	simm.s32 @p0 $0x3D;
	[sflag:s31] =	ssyncpa.u1 $0x0  }
0x22: {  	[sflag:s1] =	ssyncpa.u1 @p0 $0x1  }
0x23: {  	[bflag:$0x0] =	sbarrier.arrive @p0 $0xFFFF  }
0x24: {  	_ =	strace @p0 $0x9000004A  }
0x25: {  	s1 =	simm.s32 @!p0 $0x1C3D;
	[bflag:$0x2] =	sbarrier.arrive @p0 $0xFFFF  }
0x26: {  	[hbm:s3], [sflag:s1] =	dma.local @!p0 [spmem:s6], $0x10  }
0x27: {  	s1 =	simm.s32 @!p0 $0x3D  }
0x28: {  	_ =	swait.ge @!p0 [sflag:s1], $0x10  }
0x29: {  	[sflag:s1] =	ssyncset.done @!p0 $0x0  }
0x2a: {  	[sflag:s1] =	ssyncadd.s32 @!p0 $0xFFFFFFF0  }
0x2b: {  	[sflag:s1] =	ssyncpa.u1 @!p0 $0x1  }
0x2c: {  	[bflag:$0x0] =	sbarrier.arrive @!p0 $0xFFFF  }
0x2d: {  	_ =	strace @!p0 $0x9000004A  }
0x2e: {  	s0 =	sadd.s32 @!p0 $0x100000, s0;
	[bflag:$0x2] =	sbarrier.arrive @!p0 $0xFFFF  }
0x2f: {  	[sflag:s0] =	ssyncadd.tile.s32 @!p0 $0x1;
	_ =	shalt  }
.Lfunc_end2:
_tile_overlayer_lowered:
.L_overlay_start_2:
0x30: {  	(tag) =	ssettag $0x2  }
0x31: {  	s0 =	rddreg [dreg:$0x0];
	s2 =	stileid.u32  }
0x32: {  	s1 =	rddreg [dreg:$0x1];
	p0 =	sne.s32 s2, $0x0  }
0x33: {  	s3 =	rddreg [dreg:$0x2];
	[bflag:$0x3] =	sbarrier.arrive $0xFFFF;
	s2 =	simm.s32 @!p0 $0x1C01  }
0x34: {  	[timem:s3], [sflag:s2] =	dma.local @!p0 [hbm:s0], s1  }
0x35: {  	s0 =	simm.s32 @!p0 $0x1  }
0x36: {  	_ =	swait.ge @!p0 [sflag:s0], s1  }
0x37: {  	s1 =	ssub.s32 @!p0 $0x0, s1;
	[sflag:s0] =	ssyncset.done @!p0 $0x0  }
0x38: {  	[sflag:s0] =	ssyncadd.s32 @!p0 s1  }
0x39: {  	[bflag:$0x3] =	sbarrier.arrive $0xFFFF  }
0x3a: {  	_ =	shalt  }

</sc_bundles>
